<compile_context>
chip_gen: v7x
topology: tpu7x:2x2x1
jax: 0.10.2.dev20260603
libtpu: 0.0.44.dev20260713+nightly
codegen_flags: <defaults>
</compile_context>

<pallas_src>
import functools

import jax
import jax.numpy as jnp
from jax import lax
from jax.experimental import pallas as pl
from jax.experimental.pallas import tpu as pltpu
from jax.experimental.pallas import tpu_sc as plsc

_L = 128
_NB = 5


@functools.cache
def _build(seq: int, dim: int):
    info = plsc.get_sparse_core_info()
    nc, ns = info.num_cores, info.num_subcores
    nw = nc * ns
    nd8 = dim // 8
    assert seq % _NB == 0 and seq > _NB
    mesh = plsc.VectorSubcoreMesh(core_axis_name="c", subcore_axis_name="s")

    @functools.partial(
        pl.kernel,
        mesh=mesh,
        compiler_params=pltpu.CompilerParams(
            use_tc_tiling_on_sc=False, needs_layout_passes=False
        ),
        out_type=jax.ShapeDtypeStruct((seq, nd8, nw, 8 * _L), jnp.float32),
        scratch_types=[
            pltpu.VMEM((seq, _L), jnp.int32),
            pltpu.VMEM((_NB, _L, dim), jnp.float32),
            pltpu.VMEM((_NB, dim * _L), jnp.float32),
            [pltpu.SemaphoreType.DMA] * _NB,
            [pltpu.SemaphoreType.DMA] * _NB,
        ],
    )
    def k(tid_hbm, table_hbm, out_hbm, idx_v, raw, trn, gsems, wsems):
        w = lax.axis_index("s") * nc + lax.axis_index("c")
        pltpu.sync_copy(tid_hbm.at[:, pl.ds(w * _L, _L)], idx_v)

        iota16 = lax.iota(jnp.int32, 16)

        def gather(s, p):
            pltpu.async_copy(table_hbm.at[idx_v.at[s]], raw.at[p], gsems[p])

        for j in range(_NB):
            gather(j, j)

        def body(g, _):
            for b in range(_NB):
                s = g * _NB + b

                pltpu.make_async_copy(
                    table_hbm.at[idx_v.at[s]], raw.at[b], gsems[b]
                ).wait()

                @pl.when(s >= _NB)
                def _():
                    for _i in range(nd8):
                        pltpu.make_async_copy(
                            trn.at[b, pl.ds(0, 8 * _L)],
                            out_hbm.at[0, 0, 0],
                            wsems[b],
                        ).wait()

                raw_b = raw.at[b]
                trn_b = trn.at[b]

                @plsc.parallel_loop(0, dim, unroll=8)
                def dloop(d0):
                    dcols = (d0 + iota16) & (dim - 1)
                    dbase = dcols * _L
                    for m in range(_L // 16):
                        rows = iota16 + 16 * m
                        v = plsc.load_gather(raw_b, [rows, dcols])
                        plsc.store_scatter(trn_b, [dbase + rows], v)

                @pl.when(s + _NB < seq)
                def _():
                    gather(s + _NB, b)

                for i in range(nd8):
                    pltpu.async_copy(
                        trn.at[b, pl.ds(8 * _L * i, 8 * _L)],
                        out_hbm.at[s, i, w],
                        wsems[b],
                    )
            return 0

        lax.fori_loop(0, seq // _NB, body, 0, unroll=False)
        for b in range(_NB):
            for _i in range(nd8):
                pltpu.make_async_copy(
                    trn.at[b, pl.ds(0, 8 * _L)], out_hbm.at[0, 0, 0], wsems[b]
                ).wait()

    return k, nw


def kernel(token_ids, weights):
    bsz, seq = token_ids.shape
    dim = weights.shape[1]
    k, nw = _build(seq, dim)
    wpad = jnp.pad(weights, ((0, 0), (0, 128 - dim))).reshape(-1, dim)
    tid_t = token_ids.T.astype(jnp.int32) * (128 // dim)
    out4 = k(tid_t, wpad)
    out5 = out4.reshape(seq, dim // 8, nw, 8, _L)
    return out5.transpose(2, 4, 0, 1, 3).reshape(bsz, seq, dim)

# --- scband reference (transcript-rebuilt; emitter-appended) ---
"""Pipeline reference for scband-embedding-83665962926317 (READ-ONLY COPY).

The authoritative reference and input builder live on the scoring server;
editing this copy changes nothing except your own understanding.
"""

import jax, jax.numpy as jnp
import numpy as np

NUM_EMBEDDINGS = 100000
EMBEDDING_DIM = 64

def setup_inputs(seed: int = 0) -> dict:
    key = jax.random.key(seed)
    k_ids, k_w = jax.random.split(key)
    token_ids = jax.random.randint(k_ids, (4096, 50), 0, NUM_EMBEDDINGS, dtype=jnp.int64 if jax.config.jax_enable_x64 else jnp.int32)
    # trunc_normal_(mean=0, std=1, a=-3, b=3) approximated by clipped standard normal
    weights = jnp.clip(jax.random.normal(k_w, (NUM_EMBEDDINGS, EMBEDDING_DIM), dtype=jnp.float32), -3.0, 3.0)
    return {"token_ids": token_ids, "weights": weights}

def reference(token_ids, weights):
    # Embedding.forward: self.weights[token_ids]
    return jnp.take(weights, token_ids, axis=0)

if __name__ == "__main__":
    import jax
    _d = setup_inputs()
    print(jax.jit(kernel)(*tuple(_d.values())))

</pallas_src>

<mosaic_0001>
#map = affine_map<(d0, d1) -> (0, 0)>
#map1 = affine_map<(d0, d1) -> (0, 0, 0, 0)>
module attributes {stable_mosaic.version = 14 : i64} {
  func.func @k(%arg0: i32, %arg1: i32, %arg2: memref<50x4096xi32, #tpu.memory_space<hbm>>, %arg3: memref<200000x64xf32, #tpu.memory_space<hbm>>, %arg4: memref<50x8x32x1024xf32, #tpu.memory_space<hbm>>, %arg5: memref<50x128xi32, #tpu.memory_space<vmem>>, %arg6: memref<5x128x64xf32, #tpu.memory_space<vmem>>, %arg7: memref<5x8192xf32, #tpu.memory_space<vmem>>, %arg8: memref<!tpu.dma_semaphore, #tpu.memory_space<semaphore_mem>>, %arg9: memref<!tpu.dma_semaphore, #tpu.memory_space<semaphore_mem>>, %arg10: memref<!tpu.dma_semaphore, #tpu.memory_space<semaphore_mem>>, %arg11: memref<!tpu.dma_semaphore, #tpu.memory_space<semaphore_mem>>, %arg12: memref<!tpu.dma_semaphore, #tpu.memory_space<semaphore_mem>>, %arg13: memref<!tpu.dma_semaphore, #tpu.memory_space<semaphore_mem>>, %arg14: memref<!tpu.dma_semaphore, #tpu.memory_space<semaphore_mem>>, %arg15: memref<!tpu.dma_semaphore, #tpu.memory_space<semaphore_mem>>, %arg16: memref<!tpu.dma_semaphore, #tpu.memory_space<semaphore_mem>>, %arg17: memref<!tpu.dma_semaphore, #tpu.memory_space<semaphore_mem>>) attributes {dimension_semantics = [#tpu.dimension_semantics<core_parallel>, #tpu.dimension_semantics<subcore_parallel>], iteration_bounds = array<i64: 2, 16>, scalar_prefetch = 0 : i64, scratch_operands = 13 : i64, tpu.core_type = #tpu.core_type<sc_vector_subcore>, window_params = [{transform_indices = #map}, {transform_indices = #map}, {transform_indices = #map1}]} {
    %mul3A = arith.constant 2 : i32
    %mul3A_0 = arith.muli %arg1, %mul3A : i32
    %add3A = arith.addi %mul3A_0, %arg0 : i32
    %mul3A_1 = arith.constant 128 : i32
    %mul3A_2 = arith.muli %add3A, %mul3A_1 : i32
    "tpu.region"() ({
      %run_scoped3A = tpu.sem_alloc : memref<!tpu.dma_semaphore, #tpu.memory_space<semaphore_mem>>
      %dma_start3A_707 = arith.constant 0 : i32
      %dma_start3A_708 = tpu.memref_slice %arg2[%dma_start3A_707, %mul3A_2] : memref<50x4096xi32, #tpu.memory_space<hbm>> -> memref<50x128xi32, #tpu.memory_space<hbm>>
      %dma_start3A_709 = arith.constant 0 : i32
      %dma_start3A_710 = tpu.memref_slice %arg2[%dma_start3A_709, %mul3A_2] : memref<50x4096xi32, #tpu.memory_space<hbm>> -> memref<50x128xi32, #tpu.memory_space<hbm>>
      tpu.enqueue_dma source(%dma_start3A_710 : memref<50x128xi32, #tpu.memory_space<hbm>>) target(%arg5 : memref<50x128xi32, #tpu.memory_space<vmem>>) target_semaphore(%run_scoped3A : memref<!tpu.dma_semaphore, #tpu.memory_space<semaphore_mem>>)
      %dma_wait3A_711 = arith.constant 0 : i32
      %dma_wait3A_712 = tpu.memref_slice %arg2[%dma_wait3A_711, %mul3A_2] : memref<50x4096xi32, #tpu.memory_space<hbm>> -> memref<50x128xi32, #tpu.memory_space<hbm>>
      %dma_wait3A_713 = arith.constant 0 : i32
      %dma_wait3A_714 = tpu.memref_slice %arg2[%dma_wait3A_713, %mul3A_2] : memref<50x4096xi32, #tpu.memory_space<hbm>> -> memref<50x128xi32, #tpu.memory_space<hbm>>
      tpu.wait_dma2 semaphore(%run_scoped3A : memref<!tpu.dma_semaphore, #tpu.memory_space<semaphore_mem>>) src(%dma_wait3A_714 : memref<50x128xi32, #tpu.memory_space<hbm>>) dst(%arg5 : memref<50x128xi32, #tpu.memory_space<vmem>>)
      tpu.yield
    }) : () -> ()
    %iota3A = tpu.iota {dimensions = array<i32: 0>} : vector<16xi32>
    %dma_start3A = arith.constant 0 : i32
    %dma_start3A_3 = arith.constant 0 : i32
    %dma_start3A_4 = arith.constant 0 : i32
    %dma_start3A_5 = arith.constant 0 : i32
    %dma_start3A_6 = tpu.memref_slice %arg6[%dma_start3A_3, %dma_start3A_4, %dma_start3A_5] : memref<5x128x64xf32, #tpu.memory_space<vmem>> -> memref<1x128x64xf32, #tpu.memory_space<vmem>>
    %dma_start3A_7 = tpu.memref_squeeze %dma_start3A_6 : memref<1x128x64xf32, #tpu.memory_space<vmem>> -> memref<128x64xf32, #tpu.memory_space<vmem>>
    %dma_start3A_8 = arith.constant 0 : i32
    %dma_start3A_9 = tpu.memref_slice %arg5[%dma_start3A, %dma_start3A_8] : memref<50x128xi32, #tpu.memory_space<vmem>> -> memref<1x128xi32, #tpu.memory_space<vmem>>
    %dma_start3A_10 = tpu.memref_squeeze %dma_start3A_9 : memref<1x128xi32, #tpu.memory_space<vmem>> -> memref<128xi32, #tpu.memory_space<vmem>>
    %dma_start3A_11 = arith.constant 0 : i32
    %dma_start3A_12 = arith.constant 0 : i32
    %dma_start3A_13 = tpu.memref_slice %arg3[%dma_start3A_11, %dma_start3A_12] : memref<200000x64xf32, #tpu.memory_space<hbm>> -> memref<200000x64xf32, #tpu.memory_space<hbm>>
    tpu.enqueue_indirect_dma source(%dma_start3A_13 : memref<200000x64xf32, #tpu.memory_space<hbm>>) target(%dma_start3A_7 : memref<128x64xf32, #tpu.memory_space<vmem>>) offsets(%dma_start3A_10 : memref<128xi32, #tpu.memory_space<vmem>>) semaphore(%arg8 : memref<!tpu.dma_semaphore, #tpu.memory_space<semaphore_mem>>)
    %dma_start3A_14 = arith.constant 1 : i32
    %dma_start3A_15 = arith.constant 1 : i32
    %dma_start3A_16 = arith.constant 0 : i32
    %dma_start3A_17 = arith.constant 0 : i32
    %dma_start3A_18 = tpu.memref_slice %arg6[%dma_start3A_15, %dma_start3A_16, %dma_start3A_17] : memref<5x128x64xf32, #tpu.memory_space<vmem>> -> memref<1x128x64xf32, #tpu.memory_space<vmem>>
    %dma_start3A_19 = tpu.memref_squeeze %dma_start3A_18 : memref<1x128x64xf32, #tpu.memory_space<vmem>> -> memref<128x64xf32, #tpu.memory_space<vmem>>
    %dma_start3A_20 = arith.constant 0 : i32
    %dma_start3A_21 = tpu.memref_slice %arg5[%dma_start3A_14, %dma_start3A_20] : memref<50x128xi32, #tpu.memory_space<vmem>> -> memref<1x128xi32, #tpu.memory_space<vmem>>
    %dma_start3A_22 = tpu.memref_squeeze %dma_start3A_21 : memref<1x128xi32, #tpu.memory_space<vmem>> -> memref<128xi32, #tpu.memory_space<vmem>>
    %dma_start3A_23 = arith.constant 0 : i32
    %dma_start3A_24 = arith.constant 0 : i32
    %dma_start3A_25 = tpu.memref_slice %arg3[%dma_start3A_23, %dma_start3A_24] : memref<200000x64xf32, #tpu.memory_space<hbm>> -> memref<200000x64xf32, #tpu.memory_space<hbm>>
    tpu.enqueue_indirect_dma source(%dma_start3A_25 : memref<200000x64xf32, #tpu.memory_space<hbm>>) target(%dma_start3A_19 : memref<128x64xf32, #tpu.memory_space<vmem>>) offsets(%dma_start3A_22 : memref<128xi32, #tpu.memory_space<vmem>>) semaphore(%arg9 : memref<!tpu.dma_semaphore, #tpu.memory_space<semaphore_mem>>)
    %dma_start3A_26 = arith.constant 2 : i32
    %dma_start3A_27 = arith.constant 2 : i32
    %dma_start3A_28 = arith.constant 0 : i32
    %dma_start3A_29 = arith.constant 0 : i32
    %dma_start3A_30 = tpu.memref_slice %arg6[%dma_start3A_27, %dma_start3A_28, %dma_start3A_29] : memref<5x128x64xf32, #tpu.memory_space<vmem>> -> memref<1x128x64xf32, #tpu.memory_space<vmem>>
    %dma_start3A_31 = tpu.memref_squeeze %dma_start3A_30 : memref<1x128x64xf32, #tpu.memory_space<vmem>> -> memref<128x64xf32, #tpu.memory_space<vmem>>
    %dma_start3A_32 = arith.constant 0 : i32
    %dma_start3A_33 = tpu.memref_slice %arg5[%dma_start3A_26, %dma_start3A_32] : memref<50x128xi32, #tpu.memory_space<vmem>> -> memref<1x128xi32, #tpu.memory_space<vmem>>
    %dma_start3A_34 = tpu.memref_squeeze %dma_start3A_33 : memref<1x128xi32, #tpu.memory_space<vmem>> -> memref<128xi32, #tpu.memory_space<vmem>>
    %dma_start3A_35 = arith.constant 0 : i32
    %dma_start3A_36 = arith.constant 0 : i32
    %dma_start3A_37 = tpu.memref_slice %arg3[%dma_start3A_35, %dma_start3A_36] : memref<200000x64xf32, #tpu.memory_space<hbm>> -> memref<200000x64xf32, #tpu.memory_space<hbm>>
    tpu.enqueue_indirect_dma source(%dma_start3A_37 : memref<200000x64xf32, #tpu.memory_space<hbm>>) target(%dma_start3A_31 : memref<128x64xf32, #tpu.memory_space<vmem>>) offsets(%dma_start3A_34 : memref<128xi32, #tpu.memory_space<vmem>>) semaphore(%arg10 : memref<!tpu.dma_semaphore, #tpu.memory_space<semaphore_mem>>)
    %dma_start3A_38 = arith.constant 3 : i32
    %dma_start3A_39 = arith.constant 3 : i32
    %dma_start3A_40 = arith.constant 0 : i32
    %dma_start3A_41 = arith.constant 0 : i32
    %dma_start3A_42 = tpu.memref_slice %arg6[%dma_start3A_39, %dma_start3A_40, %dma_start3A_41] : memref<5x128x64xf32, #tpu.memory_space<vmem>> -> memref<1x128x64xf32, #tpu.memory_space<vmem>>
    %dma_start3A_43 = tpu.memref_squeeze %dma_start3A_42 : memref<1x128x64xf32, #tpu.memory_space<vmem>> -> memref<128x64xf32, #tpu.memory_space<vmem>>
    %dma_start3A_44 = arith.constant 0 : i32
    %dma_start3A_45 = tpu.memref_slice %arg5[%dma_start3A_38, %dma_start3A_44] : memref<50x128xi32, #tpu.memory_space<vmem>> -> memref<1x128xi32, #tpu.memory_space<vmem>>
    %dma_start3A_46 = tpu.memref_squeeze %dma_start3A_45 : memref<1x128xi32, #tpu.memory_space<vmem>> -> memref<128xi32, #tpu.memory_space<vmem>>
    %dma_start3A_47 = arith.constant 0 : i32
    %dma_start3A_48 = arith.constant 0 : i32
    %dma_start3A_49 = tpu.memref_slice %arg3[%dma_start3A_47, %dma_start3A_48] : memref<200000x64xf32, #tpu.memory_space<hbm>> -> memref<200000x64xf32, #tpu.memory_space<hbm>>
    tpu.enqueue_indirect_dma source(%dma_start3A_49 : memref<200000x64xf32, #tpu.memory_space<hbm>>) target(%dma_start3A_43 : memref<128x64xf32, #tpu.memory_space<vmem>>) offsets(%dma_start3A_46 : memref<128xi32, #tpu.memory_space<vmem>>) semaphore(%arg11 : memref<!tpu.dma_semaphore, #tpu.memory_space<semaphore_mem>>)
    %dma_start3A_50 = arith.constant 4 : i32
    %dma_start3A_51 = arith.constant 4 : i32
    %dma_start3A_52 = arith.constant 0 : i32
    %dma_start3A_53 = arith.constant 0 : i32
    %dma_start3A_54 = tpu.memref_slice %arg6[%dma_start3A_51, %dma_start3A_52, %dma_start3A_53] : memref<5x128x64xf32, #tpu.memory_space<vmem>> -> memref<1x128x64xf32, #tpu.memory_space<vmem>>
    %dma_start3A_55 = tpu.memref_squeeze %dma_start3A_54 : memref<1x128x64xf32, #tpu.memory_space<vmem>> -> memref<128x64xf32, #tpu.memory_space<vmem>>
    %dma_start3A_56 = arith.constant 0 : i32
    %dma_start3A_57 = tpu.memref_slice %arg5[%dma_start3A_50, %dma_start3A_56] : memref<50x128xi32, #tpu.memory_space<vmem>> -> memref<1x128xi32, #tpu.memory_space<vmem>>
    %dma_start3A_58 = tpu.memref_squeeze %dma_start3A_57 : memref<1x128xi32, #tpu.memory_space<vmem>> -> memref<128xi32, #tpu.memory_space<vmem>>
    %dma_start3A_59 = arith.constant 0 : i32
    %dma_start3A_60 = arith.constant 0 : i32
    %dma_start3A_61 = tpu.memref_slice %arg3[%dma_start3A_59, %dma_start3A_60] : memref<200000x64xf32, #tpu.memory_space<hbm>> -> memref<200000x64xf32, #tpu.memory_space<hbm>>
    tpu.enqueue_indirect_dma source(%dma_start3A_61 : memref<200000x64xf32, #tpu.memory_space<hbm>>) target(%dma_start3A_55 : memref<128x64xf32, #tpu.memory_space<vmem>>) offsets(%dma_start3A_58 : memref<128xi32, #tpu.memory_space<vmem>>) semaphore(%arg12 : memref<!tpu.dma_semaphore, #tpu.memory_space<semaphore_mem>>)
    %scan3A = arith.constant 0 : i32
    %scan3A_62 = arith.constant 0 : i32
    %scan3A_63 = arith.constant 10 : i32
    %scan3A_64 = arith.addi %scan3A_62, %scan3A_63 : i32
    %scan3A_65 = arith.constant 1 : i32
    %scan3A_66 = scf.for %scan3A_707 = %scan3A_62 to %scan3A_64 step %scan3A_65 iter_args(%scan3A_708 = %scan3A) -> (i32)  : i32 {
      %mul3A_709 = arith.constant 5 : i32
      %mul3A_710 = arith.muli %scan3A_707, %mul3A_709 : i32
      %add3A_711 = arith.constant 0 : i32
      %add3A_712 = arith.addi %mul3A_710, %add3A_711 : i32
      %dma_wait3A_713 = arith.constant 0 : i32
      %dma_wait3A_714 = arith.constant 0 : i32
      %dma_wait3A_715 = arith.constant 0 : i32
      %dma_wait3A_716 = tpu.memref_slice %arg6[%dma_wait3A_713, %dma_wait3A_714, %dma_wait3A_715] : memref<5x128x64xf32, #tpu.memory_space<vmem>> -> memref<1x128x64xf32, #tpu.memory_space<vmem>>
      %dma_wait3A_717 = tpu.memref_squeeze %dma_wait3A_716 : memref<1x128x64xf32, #tpu.memory_space<vmem>> -> memref<128x64xf32, #tpu.memory_space<vmem>>
      %dma_wait3A_718 = arith.constant 0 : i32
      %dma_wait3A_719 = tpu.memref_slice %arg5[%add3A_712, %dma_wait3A_718] : memref<50x128xi32, #tpu.memory_space<vmem>> -> memref<1x128xi32, #tpu.memory_space<vmem>>
      %dma_wait3A_720 = tpu.memref_squeeze %dma_wait3A_719 : memref<1x128xi32, #tpu.memory_space<vmem>> -> memref<128xi32, #tpu.memory_space<vmem>>
      %dma_wait3A_721 = arith.constant 0 : i32
      %dma_wait3A_722 = arith.constant 0 : i32
      %dma_wait3A_723 = tpu.memref_slice %arg3[%dma_wait3A_721, %dma_wait3A_722] : memref<200000x64xf32, #tpu.memory_space<hbm>> -> memref<200000x64xf32, #tpu.memory_space<hbm>>
      tpu.wait_indirect_dma semaphore(%arg8 : memref<!tpu.dma_semaphore, #tpu.memory_space<semaphore_mem>>) src(%dma_wait3A_723 : memref<200000x64xf32, #tpu.memory_space<hbm>>) dst(%dma_wait3A_717 : memref<128x64xf32, #tpu.memory_space<vmem>>)
      %ge3A = arith.constant 5 : i32
      %ge3A_724 = arith.cmpi sge, %add3A_712, %ge3A : i32
      %convert_element_type3A = arith.extui %ge3A_724 : i1 to i32
      %cond3A = arith.constant 0 : i32
      %cond3A_725 = arith.cmpi ne, %convert_element_type3A, %cond3A : i32
      scf.if %cond3A_725 {
        %dma_wait3A_1425 = arith.constant 0 : i32
        %dma_wait3A_1426 = arith.constant 0 : i32
        %dma_wait3A_1427 = arith.constant 0 : i32
        %dma_wait3A_1428 = arith.constant 0 : i32
        %dma_wait3A_1429 = arith.constant 0 : i32
        %dma_wait3A_1430 = tpu.memref_slice %arg7[%dma_wait3A_1425, %dma_wait3A_1429] : memref<5x8192xf32, #tpu.memory_space<vmem>> -> memref<1x1024xf32, #tpu.memory_space<vmem>>
        %dma_wait3A_1431 = tpu.memref_squeeze %dma_wait3A_1430 : memref<1x1024xf32, #tpu.memory_space<vmem>> -> memref<1024xf32, #tpu.memory_space<vmem>>
        %dma_wait3A_1432 = arith.constant 0 : i32
        %dma_wait3A_1433 = tpu.memref_slice %arg4[%dma_wait3A_1426, %dma_wait3A_1427, %dma_wait3A_1428, %dma_wait3A_1432] : memref<50x8x32x1024xf32, #tpu.memory_space<hbm>> -> memref<1x1x1x1024xf32, #tpu.memory_space<hbm>>
        %dma_wait3A_1434 = tpu.memref_squeeze %dma_wait3A_1433 : memref<1x1x1x1024xf32, #tpu.memory_space<hbm>> -> memref<1024xf32, #tpu.memory_space<hbm>>
        %dma_wait3A_1435 = arith.constant 0 : i32
        %dma_wait3A_1436 = tpu.memref_slice %arg4[%dma_wait3A_1426, %dma_wait3A_1427, %dma_wait3A_1428, %dma_wait3A_1435] : memref<50x8x32x1024xf32, #tpu.memory_space<hbm>> -> memref<1x1x1x1024xf32, #tpu.memory_space<hbm>>
        %dma_wait3A_1437 = tpu.memref_squeeze %dma_wait3A_1436 : memref<1x1x1x1024xf32, #tpu.memory_space<hbm>> -> memref<1024xf32, #tpu.memory_space<hbm>>
        %dma_wait3A_1438 = arith.constant 0 : i32
        %dma_wait3A_1439 = tpu.memref_slice %arg7[%dma_wait3A_1425, %dma_wait3A_1438] : memref<5x8192xf32, #tpu.memory_space<vmem>> -> memref<1x1024xf32, #tpu.memory_space<vmem>>
        %dma_wait3A_1440 = tpu.memref_squeeze %dma_wait3A_1439 : memref<1x1024xf32, #tpu.memory_space<vmem>> -> memref<1024xf32, #tpu.memory_space<vmem>>
        tpu.wait_dma2 semaphore(%arg13 : memref<!tpu.dma_semaphore, #tpu.memory_space<semaphore_mem>>) src(%dma_wait3A_1440 : memref<1024xf32, #tpu.memory_space<vmem>>) dst(%dma_wait3A_1437 : memref<1024xf32, #tpu.memory_space<hbm>>)
        %dma_wait3A_1441 = arith.constant 0 : i32
        %dma_wait3A_1442 = arith.constant 0 : i32
        %dma_wait3A_1443 = arith.constant 0 : i32
        %dma_wait3A_1444 = arith.constant 0 : i32
        %dma_wait3A_1445 = arith.constant 0 : i32
        %dma_wait3A_1446 = tpu.memref_slice %arg7[%dma_wait3A_1441, %dma_wait3A_1445] : memref<5x8192xf32, #tpu.memory_space<vmem>> -> memref<1x1024xf32, #tpu.memory_space<vmem>>
        %dma_wait3A_1447 = tpu.memref_squeeze %dma_wait3A_1446 : memref<1x1024xf32, #tpu.memory_space<vmem>> -> memref<1024xf32, #tpu.memory_space<vmem>>
        %dma_wait3A_1448 = arith.constant 0 : i32
        %dma_wait3A_1449 = tpu.memref_slice %arg4[%dma_wait3A_1442, %dma_wait3A_1443, %dma_wait3A_1444, %dma_wait3A_1448] : memref<50x8x32x1024xf32, #tpu.memory_space<hbm>> -> memref<1x1x1x1024xf32, #tpu.memory_space<hbm>>
        %dma_wait3A_1450 = tpu.memref_squeeze %dma_wait3A_1449 : memref<1x1x1x1024xf32, #tpu.memory_space<hbm>> -> memref<1024xf32, #tpu.memory_space<hbm>>
        %dma_wait3A_1451 = arith.constant 0 : i32
        %dma_wait3A_1452 = tpu.memref_slice %arg4[%dma_wait3A_1442, %dma_wait3A_1443, %dma_wait3A_1444, %dma_wait3A_1451] : memref<50x8x32x1024xf32, #tpu.memory_space<hbm>> -> memref<1x1x1x1024xf32, #tpu.memory_space<hbm>>
        %dma_wait3A_1453 = tpu.memref_squeeze %dma_wait3A_1452 : memref<1x1x1x1024xf32, #tpu.memory_space<hbm>> -> memref<1024xf32, #tpu.memory_space<hbm>>
        %dma_wait3A_1454 = arith.constant 0 : i32
        %dma_wait3A_1455 = tpu.memref_slice %arg7[%dma_wait3A_1441, %dma_wait3A_1454] : memref<5x8192xf32, #tpu.memory_space<vmem>> -> memref<1x1024xf32, #tpu.memory_space<vmem>>
        %dma_wait3A_1456 = tpu.memref_squeeze %dma_wait3A_1455 : memref<1x1024xf32, #tpu.memory_space<vmem>> -> memref<1024xf32, #tpu.memory_space<vmem>>
        tpu.wait_dma2 semaphore(%arg13 : memref<!tpu.dma_semaphore, #tpu.memory_space<semaphore_mem>>) src(%dma_wait3A_1456 : memref<1024xf32, #tpu.memory_space<vmem>>) dst(%dma_wait3A_1453 : memref<1024xf32, #tpu.memory_space<hbm>>)
        %dma_wait3A_1457 = arith.constant 0 : i32
        %dma_wait3A_1458 = arith.constant 0 : i32
        %dma_wait3A_1459 = arith.constant 0 : i32
        %dma_wait3A_1460 = arith.constant 0 : i32
        %dma_wait3A_1461 = arith.constant 0 : i32
        %dma_wait3A_1462 = tpu.memref_slice %arg7[%dma_wait3A_1457, %dma_wait3A_1461] : memref<5x8192xf32, #tpu.memory_space<vmem>> -> memref<1x1024xf32, #tpu.memory_space<vmem>>
        %dma_wait3A_1463 = tpu.memref_squeeze %dma_wait3A_1462 : memref<1x1024xf32, #tpu.memory_space<vmem>> -> memref<1024xf32, #tpu.memory_space<vmem>>
        %dma_wait3A_1464 = arith.constant 0 : i32
        %dma_wait3A_1465 = tpu.memref_slice %arg4[%dma_wait3A_1458, %dma_wait3A_1459, %dma_wait3A_1460, %dma_wait3A_1464] : memref<50x8x32x1024xf32, #tpu.memory_space<hbm>> -> memref<1x1x1x1024xf32, #tpu.memory_space<hbm>>
        %dma_wait3A_1466 = tpu.memref_squeeze %dma_wait3A_1465 : memref<1x1x1x1024xf32, #tpu.memory_space<hbm>> -> memref<1024xf32, #tpu.memory_space<hbm>>
        %dma_wait3A_1467 = arith.constant 0 : i32
        %dma_wait3A_1468 = tpu.memref_slice %arg4[%dma_wait3A_1458, %dma_wait3A_1459, %dma_wait3A_1460, %dma_wait3A_1467] : memref<50x8x32x1024xf32, #tpu.memory_space<hbm>> -> memref<1x1x1x1024xf32, #tpu.memory_space<hbm>>
        %dma_wait3A_1469 = tpu.memref_squeeze %dma_wait3A_1468 : memref<1x1x1x1024xf32, #tpu.memory_space<hbm>> -> memref<1024xf32, #tpu.memory_space<hbm>>
        %dma_wait3A_1470 = arith.constant 0 : i32
        %dma_wait3A_1471 = tpu.memref_slice %arg7[%dma_wait3A_1457, %dma_wait3A_1470] : memref<5x8192xf32, #tpu.memory_space<vmem>> -> memref<1x1024xf32, #tpu.memory_space<vmem>>
        %dma_wait3A_1472 = tpu.memref_squeeze %dma_wait3A_1471 : memref<1x1024xf32, #tpu.memory_space<vmem>> -> memref<1024xf32, #tpu.memory_space<vmem>>
        tpu.wait_dma2 semaphore(%arg13 : memref<!tpu.dma_semaphore, #tpu.memory_space<semaphore_mem>>) src(%dma_wait3A_1472 : memref<1024xf32, #tpu.memory_space<vmem>>) dst(%dma_wait3A_1469 : memref<1024xf32, #tpu.memory_space<hbm>>)
        %dma_wait3A_1473 = arith.constant 0 : i32
        %dma_wait3A_1474 = arith.constant 0 : i32
        %dma_wait3A_1475 = arith.constant 0 : i32
        %dma_wait3A_1476 = arith.constant 0 : i32
        %dma_wait3A_1477 = arith.constant 0 : i32
        %dma_wait3A_1478 = tpu.memref_slice %arg7[%dma_wait3A_1473, %dma_wait3A_1477] : memref<5x8192xf32, #tpu.memory_space<vmem>> -> memref<1x1024xf32, #tpu.memory_space<vmem>>
        %dma_wait3A_1479 = tpu.memref_squeeze %dma_wait3A_1478 : memref<1x1024xf32, #tpu.memory_space<vmem>> -> memref<1024xf32, #tpu.memory_space<vmem>>
        %dma_wait3A_1480 = arith.constant 0 : i32
        %dma_wait3A_1481 = tpu.memref_slice %arg4[%dma_wait3A_1474, %dma_wait3A_1475, %dma_wait3A_1476, %dma_wait3A_1480] : memref<50x8x32x1024xf32, #tpu.memory_space<hbm>> -> memref<1x1x1x1024xf32, #tpu.memory_space<hbm>>
        %dma_wait3A_1482 = tpu.memref_squeeze %dma_wait3A_1481 : memref<1x1x1x1024xf32, #tpu.memory_space<hbm>> -> memref<1024xf32, #tpu.memory_space<hbm>>
        %dma_wait3A_1483 = arith.constant 0 : i32
        %dma_wait3A_1484 = tpu.memref_slice %arg4[%dma_wait3A_1474, %dma_wait3A_1475, %dma_wait3A_1476, %dma_wait3A_1483] : memref<50x8x32x1024xf32, #tpu.memory_space<hbm>> -> memref<1x1x1x1024xf32, #tpu.memory_space<hbm>>
        %dma_wait3A_1485 = tpu.memref_squeeze %dma_wait3A_1484 : memref<1x1x1x1024xf32, #tpu.memory_space<hbm>> -> memref<1024xf32, #tpu.memory_space<hbm>>
        %dma_wait3A_1486 = arith.constant 0 : i32
        %dma_wait3A_1487 = tpu.memref_slice %arg7[%dma_wait3A_1473, %dma_wait3A_1486] : memref<5x8192xf32, #tpu.memory_space<vmem>> -> memref<1x1024xf32, #tpu.memory_space<vmem>>
        %dma_wait3A_1488 = tpu.memref_squeeze %dma_wait3A_1487 : memref<1x1024xf32, #tpu.memory_space<vmem>> -> memref<1024xf32, #tpu.memory_space<vmem>>
        tpu.wait_dma2 semaphore(%arg13 : memref<!tpu.dma_semaphore, #tpu.memory_space<semaphore_mem>>) src(%dma_wait3A_1488 : memref<1024xf32, #tpu.memory_space<vmem>>) dst(%dma_wait3A_1485 : memref<1024xf32, #tpu.memory_space<hbm>>)
        %dma_wait3A_1489 = arith.constant 0 : i32
        %dma_wait3A_1490 = arith.constant 0 : i32
        %dma_wait3A_1491 = arith.constant 0 : i32
        %dma_wait3A_1492 = arith.constant 0 : i32
        %dma_wait3A_1493 = arith.constant 0 : i32
        %dma_wait3A_1494 = tpu.memref_slice %arg7[%dma_wait3A_1489, %dma_wait3A_1493] : memref<5x8192xf32, #tpu.memory_space<vmem>> -> memref<1x1024xf32, #tpu.memory_space<vmem>>
        %dma_wait3A_1495 = tpu.memref_squeeze %dma_wait3A_1494 : memref<1x1024xf32, #tpu.memory_space<vmem>> -> memref<1024xf32, #tpu.memory_space<vmem>>
        %dma_wait3A_1496 = arith.constant 0 : i32
        %dma_wait3A_1497 = tpu.memref_slice %arg4[%dma_wait3A_1490, %dma_wait3A_1491, %dma_wait3A_1492, %dma_wait3A_1496] : memref<50x8x32x1024xf32, #tpu.memory_space<hbm>> -> memref<1x1x1x1024xf32, #tpu.memory_space<hbm>>
        %dma_wait3A_1498 = tpu.memref_squeeze %dma_wait3A_1497 : memref<1x1x1x1024xf32, #tpu.memory_space<hbm>> -> memref<1024xf32, #tpu.memory_space<hbm>>
        %dma_wait3A_1499 = arith.constant 0 : i32
        %dma_wait3A_1500 = tpu.memref_slice %arg4[%dma_wait3A_1490, %dma_wait3A_1491, %dma_wait3A_1492, %dma_wait3A_1499] : memref<50x8x32x1024xf32, #tpu.memory_space<hbm>> -> memref<1x1x1x1024xf32, #tpu.memory_space<hbm>>
        %dma_wait3A_1501 = tpu.memref_squeeze %dma_wait3A_1500 : memref<1x1x1x1024xf32, #tpu.memory_space<hbm>> -> memref<1024xf32, #tpu.memory_space<hbm>>
        %dma_wait3A_1502 = arith.constant 0 : i32
        %dma_wait3A_1503 = tpu.memref_slice %arg7[%dma_wait3A_1489, %dma_wait3A_1502] : memref<5x8192xf32, #tpu.memory_space<vmem>> -> memref<1x1024xf32, #tpu.memory_space<vmem>>
        %dma_wait3A_1504 = tpu.memref_squeeze %dma_wait3A_1503 : memref<1x1024xf32, #tpu.memory_space<vmem>> -> memref<1024xf32, #tpu.memory_space<vmem>>
        tpu.wait_dma2 semaphore(%arg13 : memref<!tpu.dma_semaphore, #tpu.memory_space<semaphore_mem>>) src(%dma_wait3A_1504 : memref<1024xf32, #tpu.memory_space<vmem>>) dst(%dma_wait3A_1501 : memref<1024xf32, #tpu.memory_space<hbm>>)
        %dma_wait3A_1505 = arith.constant 0 : i32
        %dma_wait3A_1506 = arith.constant 0 : i32
        %dma_wait3A_1507 = arith.constant 0 : i32
        %dma_wait3A_1508 = arith.constant 0 : i32
        %dma_wait3A_1509 = arith.constant 0 : i32
        %dma_wait3A_1510 = tpu.memref_slice %arg7[%dma_wait3A_1505, %dma_wait3A_1509] : memref<5x8192xf32, #tpu.memory_space<vmem>> -> memref<1x1024xf32, #tpu.memory_space<vmem>>
        %dma_wait3A_1511 = tpu.memref_squeeze %dma_wait3A_1510 : memref<1x1024xf32, #tpu.memory_space<vmem>> -> memref<1024xf32, #tpu.memory_space<vmem>>
        %dma_wait3A_1512 = arith.constant 0 : i32
        %dma_wait3A_1513 = tpu.memref_slice %arg4[%dma_wait3A_1506, %dma_wait3A_1507, %dma_wait3A_1508, %dma_wait3A_1512] : memref<50x8x32x1024xf32, #tpu.memory_space<hbm>> -> memref<1x1x1x1024xf32, #tpu.memory_space<hbm>>
        %dma_wait3A_1514 = tpu.memref_squeeze %dma_wait3A_1513 : memref<1x1x1x1024xf32, #tpu.memory_space<hbm>> -> memref<1024xf32, #tpu.memory_space<hbm>>
        %dma_wait3A_1515 = arith.constant 0 : i32
        %dma_wait3A_1516 = tpu.memref_slice %arg4[%dma_wait3A_1506, %dma_wait3A_1507, %dma_wait3A_1508, %dma_wait3A_1515] : memref<50x8x32x1024xf32, #tpu.memory_space<hbm>> -> memref<1x1x1x1024xf32, #tpu.memory_space<hbm>>
        %dma_wait3A_1517 = tpu.memref_squeeze %dma_wait3A_1516 : memref<1x1x1x1024xf32, #tpu.memory_space<hbm>> -> memref<1024xf32, #tpu.memory_space<hbm>>
        %dma_wait3A_1518 = arith.constant 0 : i32
        %dma_wait3A_1519 = tpu.memref_slice %arg7[%dma_wait3A_1505, %dma_wait3A_1518] : memref<5x8192xf32, #tpu.memory_space<vmem>> -> memref<1x1024xf32, #tpu.memory_space<vmem>>
        %dma_wait3A_1520 = tpu.memref_squeeze %dma_wait3A_1519 : memref<1x1024xf32, #tpu.memory_space<vmem>> -> memref<1024xf32, #tpu.memory_space<vmem>>
        tpu.wait_dma2 semaphore(%arg13 : memref<!tpu.dma_semaphore, #tpu.memory_space<semaphore_mem>>) src(%dma_wait3A_1520 : memref<1024xf32, #tpu.memory_space<vmem>>) dst(%dma_wait3A_1517 : memref<1024xf32, #tpu.memory_space<hbm>>)
        %dma_wait3A_1521 = arith.constant 0 : i32
        %dma_wait3A_1522 = arith.constant 0 : i32
        %dma_wait3A_1523 = arith.constant 0 : i32
        %dma_wait3A_1524 = arith.constant 0 : i32
        %dma_wait3A_1525 = arith.constant 0 : i32
        %dma_wait3A_1526 = tpu.memref_slice %arg7[%dma_wait3A_1521, %dma_wait3A_1525] : memref<5x8192xf32, #tpu.memory_space<vmem>> -> memref<1x1024xf32, #tpu.memory_space<vmem>>
        %dma_wait3A_1527 = tpu.memref_squeeze %dma_wait3A_1526 : memref<1x1024xf32, #tpu.memory_space<vmem>> -> memref<1024xf32, #tpu.memory_space<vmem>>
        %dma_wait3A_1528 = arith.constant 0 : i32
        %dma_wait3A_1529 = tpu.memref_slice %arg4[%dma_wait3A_1522, %dma_wait3A_1523, %dma_wait3A_1524, %dma_wait3A_1528] : memref<50x8x32x1024xf32, #tpu.memory_space<hbm>> -> memref<1x1x1x1024xf32, #tpu.memory_space<hbm>>
        %dma_wait3A_1530 = tpu.memref_squeeze %dma_wait3A_1529 : memref<1x1x1x1024xf32, #tpu.memory_space<hbm>> -> memref<1024xf32, #tpu.memory_space<hbm>>
        %dma_wait3A_1531 = arith.constant 0 : i32
        %dma_wait3A_1532 = tpu.memref_slice %arg4[%dma_wait3A_1522, %dma_wait3A_1523, %dma_wait3A_1524, %dma_wait3A_1531] : memref<50x8x32x1024xf32, #tpu.memory_space<hbm>> -> memref<1x1x1x1024xf32, #tpu.memory_space<hbm>>
        %dma_wait3A_1533 = tpu.memref_squeeze %dma_wait3A_1532 : memref<1x1x1x1024xf32, #tpu.memory_space<hbm>> -> memref<1024xf32, #tpu.memory_space<hbm>>
        %dma_wait3A_1534 = arith.constant 0 : i32
        %dma_wait3A_1535 = tpu.memref_slice %arg7[%dma_wait3A_1521, %dma_wait3A_1534] : memref<5x8192xf32, #tpu.memory_space<vmem>> -> memref<1x1024xf32, #tpu.memory_space<vmem>>
        %dma_wait3A_1536 = tpu.memref_squeeze %dma_wait3A_1535 : memref<1x1024xf32, #tpu.memory_space<vmem>> -> memref<1024xf32, #tpu.memory_space<vmem>>
        tpu.wait_dma2 semaphore(%arg13 : memref<!tpu.dma_semaphore, #tpu.memory_space<semaphore_mem>>) src(%dma_wait3A_1536 : memref<1024xf32, #tpu.memory_space<vmem>>) dst(%dma_wait3A_1533 : memref<1024xf32, #tpu.memory_space<hbm>>)
        %dma_wait3A_1537 = arith.constant 0 : i32
        %dma_wait3A_1538 = arith.constant 0 : i32
        %dma_wait3A_1539 = arith.constant 0 : i32
        %dma_wait3A_1540 = arith.constant 0 : i32
        %dma_wait3A_1541 = arith.constant 0 : i32
        %dma_wait3A_1542 = tpu.memref_slice %arg7[%dma_wait3A_1537, %dma_wait3A_1541] : memref<5x8192xf32, #tpu.memory_space<vmem>> -> memref<1x1024xf32, #tpu.memory_space<vmem>>
        %dma_wait3A_1543 = tpu.memref_squeeze %dma_wait3A_1542 : memref<1x1024xf32, #tpu.memory_space<vmem>> -> memref<1024xf32, #tpu.memory_space<vmem>>
        %dma_wait3A_1544 = arith.constant 0 : i32
        %dma_wait3A_1545 = tpu.memref_slice %arg4[%dma_wait3A_1538, %dma_wait3A_1539, %dma_wait3A_1540, %dma_wait3A_1544] : memref<50x8x32x1024xf32, #tpu.memory_space<hbm>> -> memref<1x1x1x1024xf32, #tpu.memory_space<hbm>>
        %dma_wait3A_1546 = tpu.memref_squeeze %dma_wait3A_1545 : memref<1x1x1x1024xf32, #tpu.memory_space<hbm>> -> memref<1024xf32, #tpu.memory_space<hbm>>
        %dma_wait3A_1547 = arith.constant 0 : i32
        %dma_wait3A_1548 = tpu.memref_slice %arg4[%dma_wait3A_1538, %dma_wait3A_1539, %dma_wait3A_1540, %dma_wait3A_1547] : memref<50x8x32x1024xf32, #tpu.memory_space<hbm>> -> memref<1x1x1x1024xf32, #tpu.memory_space<hbm>>
        %dma_wait3A_1549 = tpu.memref_squeeze %dma_wait3A_1548 : memref<1x1x1x1024xf32, #tpu.memory_space<hbm>> -> memref<1024xf32, #tpu.memory_space<hbm>>
        %dma_wait3A_1550 = arith.constant 0 : i32
        %dma_wait3A_1551 = tpu.memref_slice %arg7[%dma_wait3A_1537, %dma_wait3A_1550] : memref<5x8192xf32, #tpu.memory_space<vmem>> -> memref<1x1024xf32, #tpu.memory_space<vmem>>
        %dma_wait3A_1552 = tpu.memref_squeeze %dma_wait3A_1551 : memref<1x1024xf32, #tpu.memory_space<vmem>> -> memref<1024xf32, #tpu.memory_space<vmem>>
        tpu.wait_dma2 semaphore(%arg13 : memref<!tpu.dma_semaphore, #tpu.memory_space<semaphore_mem>>) src(%dma_wait3A_1552 : memref<1024xf32, #tpu.memory_space<vmem>>) dst(%dma_wait3A_1549 : memref<1024xf32, #tpu.memory_space<hbm>>)
      } else {
      }
      %parallel_loop3A = arith.constant 0 : i32
      %parallel_loop3A_726 = arith.constant 64 : i32
      %parallel_loop3A_727 = arith.constant 1 : i32
      %parallel_loop3A_728 = arith.constant 0 : i32
      %parallel_loop3A_729 = arith.constant 0 : i32
      scf.for %parallel_loop3A_1425 = %parallel_loop3A to %parallel_loop3A_726 step %parallel_loop3A_727  : i32 {
        %parallel_loop3A_1426 = vector.broadcast %parallel_loop3A_1425 : i32 to vector<16xi32>
        %parallel_loop3A_1427 = arith.addi %parallel_loop3A_1426, %iota3A : vector<16xi32>
        %parallel_loop3A_1428 = arith.constant 63 : i32
        %parallel_loop3A_1429 = vector.broadcast %parallel_loop3A_1428 : i32 to vector<16xi32>
        %parallel_loop3A_1430 = arith.andi %parallel_loop3A_1427, %parallel_loop3A_1429 : vector<16xi32>
        %parallel_loop3A_1431 = arith.constant 128 : i32
        %parallel_loop3A_1432 = vector.broadcast %parallel_loop3A_1431 : i32 to vector<16xi32>
        %parallel_loop3A_1433 = arith.muli %parallel_loop3A_1430, %parallel_loop3A_1432 : vector<16xi32>
        %parallel_loop3A_1434 = arith.constant 0 : i32
        %parallel_loop3A_1435 = vector.broadcast %parallel_loop3A_1434 : i32 to vector<16xi32>
        %parallel_loop3A_1436 = arith.addi %iota3A, %parallel_loop3A_1435 : vector<16xi32>
        %parallel_loop3A_1437 = arith.constant 0 : i32
        %parallel_loop3A_1438 = arith.constant 0 : i32
        %parallel_loop3A_1439 = tpu.memref_slice %arg6[%parallel_loop3A_728, %parallel_loop3A_1437, %parallel_loop3A_1438] : memref<5x128x64xf32, #tpu.memory_space<vmem>> -> memref<1x128x64xf32, #tpu.memory_space<vmem>>
        %parallel_loop3A_1440 = tpu.memref_squeeze %parallel_loop3A_1439 : memref<1x128x64xf32, #tpu.memory_space<vmem>> -> memref<128x64xf32, #tpu.memory_space<vmem>>
        %parallel_loop3A_1441 = tpu.vector_load_idx %parallel_loop3A_1440[%parallel_loop3A_1436, %parallel_loop3A_1430] : memref<128x64xf32, #tpu.memory_space<vmem>>[vector<16xi32>, vector<16xi32>], vector<16xf32>,
        %parallel_loop3A_1442 = arith.addi %parallel_loop3A_1433, %parallel_loop3A_1436 : vector<16xi32>
        %parallel_loop3A_1443 = arith.constant 0 : i32
        %parallel_loop3A_1444 = tpu.memref_slice %arg7[%parallel_loop3A_729, %parallel_loop3A_1443] : memref<5x8192xf32, #tpu.memory_space<vmem>> -> memref<1x8192xf32, #tpu.memory_space<vmem>>
        %parallel_loop3A_1445 = tpu.memref_squeeze %parallel_loop3A_1444 : memref<1x8192xf32, #tpu.memory_space<vmem>> -> memref<8192xf32, #tpu.memory_space<vmem>>
        tpu.vector_store_idx %parallel_loop3A_1445[%parallel_loop3A_1442], %parallel_loop3A_1441 : memref<8192xf32, #tpu.memory_space<vmem>>[vector<16xi32>], vector<16xf32>,
        %parallel_loop3A_1446 = arith.constant 16 : i32
        %parallel_loop3A_1447 = vector.broadcast %parallel_loop3A_1446 : i32 to vector<16xi32>
        %parallel_loop3A_1448 = arith.addi %iota3A, %parallel_loop3A_1447 : vector<16xi32>
        %parallel_loop3A_1449 = arith.constant 0 : i32
        %parallel_loop3A_1450 = arith.constant 0 : i32
        %parallel_loop3A_1451 = tpu.memref_slice %arg6[%parallel_loop3A_728, %parallel_loop3A_1449, %parallel_loop3A_1450] : memref<5x128x64xf32, #tpu.memory_space<vmem>> -> memref<1x128x64xf32, #tpu.memory_space<vmem>>
        %parallel_loop3A_1452 = tpu.memref_squeeze %parallel_loop3A_1451 : memref<1x128x64xf32, #tpu.memory_space<vmem>> -> memref<128x64xf32, #tpu.memory_space<vmem>>
        %parallel_loop3A_1453 = tpu.vector_load_idx %parallel_loop3A_1452[%parallel_loop3A_1448, %parallel_loop3A_1430] : memref<128x64xf32, #tpu.memory_space<vmem>>[vector<16xi32>, vector<16xi32>], vector<16xf32>,
        %parallel_loop3A_1454 = arith.addi %parallel_loop3A_1433, %parallel_loop3A_1448 : vector<16xi32>
        %parallel_loop3A_1455 = arith.constant 0 : i32
        %parallel_loop3A_1456 = tpu.memref_slice %arg7[%parallel_loop3A_729, %parallel_loop3A_1455] : memref<5x8192xf32, #tpu.memory_space<vmem>> -> memref<1x8192xf32, #tpu.memory_space<vmem>>
        %parallel_loop3A_1457 = tpu.memref_squeeze %parallel_loop3A_1456 : memref<1x8192xf32, #tpu.memory_space<vmem>> -> memref<8192xf32, #tpu.memory_space<vmem>>
        tpu.vector_store_idx %parallel_loop3A_1457[%parallel_loop3A_1454], %parallel_loop3A_1453 : memref<8192xf32, #tpu.memory_space<vmem>>[vector<16xi32>], vector<16xf32>,
        %parallel_loop3A_1458 = arith.constant 32 : i32
        %parallel_loop3A_1459 = vector.broadcast %parallel_loop3A_1458 : i32 to vector<16xi32>
        %parallel_loop3A_1460 = arith.addi %iota3A, %parallel_loop3A_1459 : vector<16xi32>
        %parallel_loop3A_1461 = arith.constant 0 : i32
        %parallel_loop3A_1462 = arith.constant 0 : i32
        %parallel_loop3A_1463 = tpu.memref_slice %arg6[%parallel_loop3A_728, %parallel_loop3A_1461, %parallel_loop3A_1462] : memref<5x128x64xf32, #tpu.memory_space<vmem>> -> memref<1x128x64xf32, #tpu.memory_space<vmem>>
        %parallel_loop3A_1464 = tpu.memref_squeeze %parallel_loop3A_1463 : memref<1x128x64xf32, #tpu.memory_space<vmem>> -> memref<128x64xf32, #tpu.memory_space<vmem>>
        %parallel_loop3A_1465 = tpu.vector_load_idx %parallel_loop3A_1464[%parallel_loop3A_1460, %parallel_loop3A_1430] : memref<128x64xf32, #tpu.memory_space<vmem>>[vector<16xi32>, vector<16xi32>], vector<16xf32>,
        %parallel_loop3A_1466 = arith.addi %parallel_loop3A_1433, %parallel_loop3A_1460 : vector<16xi32>
        %parallel_loop3A_1467 = arith.constant 0 : i32
        %parallel_loop3A_1468 = tpu.memref_slice %arg7[%parallel_loop3A_729, %parallel_loop3A_1467] : memref<5x8192xf32, #tpu.memory_space<vmem>> -> memref<1x8192xf32, #tpu.memory_space<vmem>>
        %parallel_loop3A_1469 = tpu.memref_squeeze %parallel_loop3A_1468 : memref<1x8192xf32, #tpu.memory_space<vmem>> -> memref<8192xf32, #tpu.memory_space<vmem>>
        tpu.vector_store_idx %parallel_loop3A_1469[%parallel_loop3A_1466], %parallel_loop3A_1465 : memref<8192xf32, #tpu.memory_space<vmem>>[vector<16xi32>], vector<16xf32>,
        %parallel_loop3A_1470 = arith.constant 48 : i32
        %parallel_loop3A_1471 = vector.broadcast %parallel_loop3A_1470 : i32 to vector<16xi32>
        %parallel_loop3A_1472 = arith.addi %iota3A, %parallel_loop3A_1471 : vector<16xi32>
        %parallel_loop3A_1473 = arith.constant 0 : i32
        %parallel_loop3A_1474 = arith.constant 0 : i32
        %parallel_loop3A_1475 = tpu.memref_slice %arg6[%parallel_loop3A_728, %parallel_loop3A_1473, %parallel_loop3A_1474] : memref<5x128x64xf32, #tpu.memory_space<vmem>> -> memref<1x128x64xf32, #tpu.memory_space<vmem>>
        %parallel_loop3A_1476 = tpu.memref_squeeze %parallel_loop3A_1475 : memref<1x128x64xf32, #tpu.memory_space<vmem>> -> memref<128x64xf32, #tpu.memory_space<vmem>>
        %parallel_loop3A_1477 = tpu.vector_load_idx %parallel_loop3A_1476[%parallel_loop3A_1472, %parallel_loop3A_1430] : memref<128x64xf32, #tpu.memory_space<vmem>>[vector<16xi32>, vector<16xi32>], vector<16xf32>,
        %parallel_loop3A_1478 = arith.addi %parallel_loop3A_1433, %parallel_loop3A_1472 : vector<16xi32>
        %parallel_loop3A_1479 = arith.constant 0 : i32
        %parallel_loop3A_1480 = tpu.memref_slice %arg7[%parallel_loop3A_729, %parallel_loop3A_1479] : memref<5x8192xf32, #tpu.memory_space<vmem>> -> memref<1x8192xf32, #tpu.memory_space<vmem>>
        %parallel_loop3A_1481 = tpu.memref_squeeze %parallel_loop3A_1480 : memref<1x8192xf32, #tpu.memory_space<vmem>> -> memref<8192xf32, #tpu.memory_space<vmem>>
        tpu.vector_store_idx %parallel_loop3A_1481[%parallel_loop3A_1478], %parallel_loop3A_1477 : memref<8192xf32, #tpu.memory_space<vmem>>[vector<16xi32>], vector<16xf32>,
        %parallel_loop3A_1482 = arith.constant 64 : i32
        %parallel_loop3A_1483 = vector.broadcast %parallel_loop3A_1482 : i32 to vector<16xi32>
        %parallel_loop3A_1484 = arith.addi %iota3A, %parallel_loop3A_1483 : vector<16xi32>
        %parallel_loop3A_1485 = arith.constant 0 : i32
        %parallel_loop3A_1486 = arith.constant 0 : i32
        %parallel_loop3A_1487 = tpu.memref_slice %arg6[%parallel_loop3A_728, %parallel_loop3A_1485, %parallel_loop3A_1486] : memref<5x128x64xf32, #tpu.memory_space<vmem>> -> memref<1x128x64xf32, #tpu.memory_space<vmem>>
        %parallel_loop3A_1488 = tpu.memref_squeeze %parallel_loop3A_1487 : memref<1x128x64xf32, #tpu.memory_space<vmem>> -> memref<128x64xf32, #tpu.memory_space<vmem>>
        %parallel_loop3A_1489 = tpu.vector_load_idx %parallel_loop3A_1488[%parallel_loop3A_1484, %parallel_loop3A_1430] : memref<128x64xf32, #tpu.memory_space<vmem>>[vector<16xi32>, vector<16xi32>], vector<16xf32>,
        %parallel_loop3A_1490 = arith.addi %parallel_loop3A_1433, %parallel_loop3A_1484 : vector<16xi32>
        %parallel_loop3A_1491 = arith.constant 0 : i32
        %parallel_loop3A_1492 = tpu.memref_slice %arg7[%parallel_loop3A_729, %parallel_loop3A_1491] : memref<5x8192xf32, #tpu.memory_space<vmem>> -> memref<1x8192xf32, #tpu.memory_space<vmem>>
        %parallel_loop3A_1493 = tpu.memref_squeeze %parallel_loop3A_1492 : memref<1x8192xf32, #tpu.memory_space<vmem>> -> memref<8192xf32, #tpu.memory_space<vmem>>
        tpu.vector_store_idx %parallel_loop3A_1493[%parallel_loop3A_1490], %parallel_loop3A_1489 : memref<8192xf32, #tpu.memory_space<vmem>>[vector<16xi32>], vector<16xf32>,
        %parallel_loop3A_1494 = arith.constant 80 : i32
        %parallel_loop3A_1495 = vector.broadcast %parallel_loop3A_1494 : i32 to vector<16xi32>
        %parallel_loop3A_1496 = arith.addi %iota3A, %parallel_loop3A_1495 : vector<16xi32>
        %parallel_loop3A_1497 = arith.constant 0 : i32
        %parallel_loop3A_1498 = arith.constant 0 : i32
        %parallel_loop3A_1499 = tpu.memref_slice %arg6[%parallel_loop3A_728, %parallel_loop3A_1497, %parallel_loop3A_1498] : memref<5x128x64xf32, #tpu.memory_space<vmem>> -> memref<1x128x64xf32, #tpu.memory_space<vmem>>
        %parallel_loop3A_1500 = tpu.memref_squeeze %parallel_loop3A_1499 : memref<1x128x64xf32, #tpu.memory_space<vmem>> -> memref<128x64xf32, #tpu.memory_space<vmem>>
        %parallel_loop3A_1501 = tpu.vector_load_idx %parallel_loop3A_1500[%parallel_loop3A_1496, %parallel_loop3A_1430] : memref<128x64xf32, #tpu.memory_space<vmem>>[vector<16xi32>, vector<16xi32>], vector<16xf32>,
        %parallel_loop3A_1502 = arith.addi %parallel_loop3A_1433, %parallel_loop3A_1496 : vector<16xi32>
        %parallel_loop3A_1503 = arith.constant 0 : i32
        %parallel_loop3A_1504 = tpu.memref_slice %arg7[%parallel_loop3A_729, %parallel_loop3A_1503] : memref<5x8192xf32, #tpu.memory_space<vmem>> -> memref<1x8192xf32, #tpu.memory_space<vmem>>
        %parallel_loop3A_1505 = tpu.memref_squeeze %parallel_loop3A_1504 : memref<1x8192xf32, #tpu.memory_space<vmem>> -> memref<8192xf32, #tpu.memory_space<vmem>>
        tpu.vector_store_idx %parallel_loop3A_1505[%parallel_loop3A_1502], %parallel_loop3A_1501 : memref<8192xf32, #tpu.memory_space<vmem>>[vector<16xi32>], vector<16xf32>,
        %parallel_loop3A_1506 = arith.constant 96 : i32
        %parallel_loop3A_1507 = vector.broadcast %parallel_loop3A_1506 : i32 to vector<16xi32>
        %parallel_loop3A_1508 = arith.addi %iota3A, %parallel_loop3A_1507 : vector<16xi32>
        %parallel_loop3A_1509 = arith.constant 0 : i32
        %parallel_loop3A_1510 = arith.constant 0 : i32
        %parallel_loop3A_1511 = tpu.memref_slice %arg6[%parallel_loop3A_728, %parallel_loop3A_1509, %parallel_loop3A_1510] : memref<5x128x64xf32, #tpu.memory_space<vmem>> -> memref<1x128x64xf32, #tpu.memory_space<vmem>>
        %parallel_loop3A_1512 = tpu.memref_squeeze %parallel_loop3A_1511 : memref<1x128x64xf32, #tpu.memory_space<vmem>> -> memref<128x64xf32, #tpu.memory_space<vmem>>
        %parallel_loop3A_1513 = tpu.vector_load_idx %parallel_loop3A_1512[%parallel_loop3A_1508, %parallel_loop3A_1430] : memref<128x64xf32, #tpu.memory_space<vmem>>[vector<16xi32>, vector<16xi32>], vector<16xf32>,
        %parallel_loop3A_1514 = arith.addi %parallel_loop3A_1433, %parallel_loop3A_1508 : vector<16xi32>
        %parallel_loop3A_1515 = arith.constant 0 : i32
        %parallel_loop3A_1516 = tpu.memref_slice %arg7[%parallel_loop3A_729, %parallel_loop3A_1515] : memref<5x8192xf32, #tpu.memory_space<vmem>> -> memref<1x8192xf32, #tpu.memory_space<vmem>>
        %parallel_loop3A_1517 = tpu.memref_squeeze %parallel_loop3A_1516 : memref<1x8192xf32, #tpu.memory_space<vmem>> -> memref<8192xf32, #tpu.memory_space<vmem>>
        tpu.vector_store_idx %parallel_loop3A_1517[%parallel_loop3A_1514], %parallel_loop3A_1513 : memref<8192xf32, #tpu.memory_space<vmem>>[vector<16xi32>], vector<16xf32>,
        %parallel_loop3A_1518 = arith.constant 112 : i32
        %parallel_loop3A_1519 = vector.broadcast %parallel_loop3A_1518 : i32 to vector<16xi32>
        %parallel_loop3A_1520 = arith.addi %iota3A, %parallel_loop3A_1519 : vector<16xi32>
        %parallel_loop3A_1521 = arith.constant 0 : i32
        %parallel_loop3A_1522 = arith.constant 0 : i32
        %parallel_loop3A_1523 = tpu.memref_slice %arg6[%parallel_loop3A_728, %parallel_loop3A_1521, %parallel_loop3A_1522] : memref<5x128x64xf32, #tpu.memory_space<vmem>> -> memref<1x128x64xf32, #tpu.memory_space<vmem>>
        %parallel_loop3A_1524 = tpu.memref_squeeze %parallel_loop3A_1523 : memref<1x128x64xf32, #tpu.memory_space<vmem>> -> memref<128x64xf32, #tpu.memory_space<vmem>>
        %parallel_loop3A_1525 = tpu.vector_load_idx %parallel_loop3A_1524[%parallel_loop3A_1520, %parallel_loop3A_1430] : memref<128x64xf32, #tpu.memory_space<vmem>>[vector<16xi32>, vector<16xi32>], vector<16xf32>,
        %parallel_loop3A_1526 = arith.addi %parallel_loop3A_1433, %parallel_loop3A_1520 : vector<16xi32>
        %parallel_loop3A_1527 = arith.constant 0 : i32
        %parallel_loop3A_1528 = tpu.memref_slice %arg7[%parallel_loop3A_729, %parallel_loop3A_1527] : memref<5x8192xf32, #tpu.memory_space<vmem>> -> memref<1x8192xf32, #tpu.memory_space<vmem>>
        %parallel_loop3A_1529 = tpu.memref_squeeze %parallel_loop3A_1528 : memref<1x8192xf32, #tpu.memory_space<vmem>> -> memref<8192xf32, #tpu.memory_space<vmem>>
        tpu.vector_store_idx %parallel_loop3A_1529[%parallel_loop3A_1526], %parallel_loop3A_1525 : memref<8192xf32, #tpu.memory_space<vmem>>[vector<16xi32>], vector<16xf32>,
      } {sc.loop_unroll_factor = 8 : i64, sc.parallel_access}
      %add3A_730 = arith.constant 5 : i32
      %add3A_731 = arith.addi %add3A_712, %add3A_730 : i32
      %lt3A = arith.constant 50 : i32
      %lt3A_732 = arith.cmpi slt, %add3A_731, %lt3A : i32
      %convert_element_type3A_733 = arith.extui %lt3A_732 : i1 to i32
      %cond3A_734 = arith.constant 0 : i32
      %cond3A_735 = arith.cmpi ne, %convert_element_type3A_733, %cond3A_734 : i32
      scf.if %cond3A_735 {
        %add3A_1425 = arith.constant 5 : i32
        %add3A_1426 = arith.addi %add3A_712, %add3A_1425 : i32
        %dma_start3A_1427 = arith.constant 0 : i32
        %dma_start3A_1428 = arith.constant 0 : i32
        %dma_start3A_1429 = arith.constant 0 : i32
        %dma_start3A_1430 = tpu.memref_slice %arg6[%dma_start3A_1427, %dma_start3A_1428, %dma_start3A_1429] : memref<5x128x64xf32, #tpu.memory_space<vmem>> -> memref<1x128x64xf32, #tpu.memory_space<vmem>>
        %dma_start3A_1431 = tpu.memref_squeeze %dma_start3A_1430 : memref<1x128x64xf32, #tpu.memory_space<vmem>> -> memref<128x64xf32, #tpu.memory_space<vmem>>
        %dma_start3A_1432 = arith.constant 0 : i32
        %dma_start3A_1433 = tpu.memref_slice %arg5[%add3A_1426, %dma_start3A_1432] : memref<50x128xi32, #tpu.memory_space<vmem>> -> memref<1x128xi32, #tpu.memory_space<vmem>>
        %dma_start3A_1434 = tpu.memref_squeeze %dma_start3A_1433 : memref<1x128xi32, #tpu.memory_space<vmem>> -> memref<128xi32, #tpu.memory_space<vmem>>
        %dma_start3A_1435 = arith.constant 0 : i32
        %dma_start3A_1436 = arith.constant 0 : i32
        %dma_start3A_1437 = tpu.memref_slice %arg3[%dma_start3A_1435, %dma_start3A_1436] : memref<200000x64xf32, #tpu.memory_space<hbm>> -> memref<200000x64xf32, #tpu.memory_space<hbm>>
        tpu.enqueue_indirect_dma source(%dma_start3A_1437 : memref<200000x64xf32, #tpu.memory_space<hbm>>) target(%dma_start3A_1431 : memref<128x64xf32, #tpu.memory_space<vmem>>) offsets(%dma_start3A_1434 : memref<128xi32, #tpu.memory_space<vmem>>) semaphore(%arg8 : memref<!tpu.dma_semaphore, #tpu.memory_space<semaphore_mem>>)
      } else {
      }
      %dma_start3A_736 = arith.constant 0 : i32
      %dma_start3A_737 = arith.constant 0 : i32
      %dma_start3A_738 = arith.constant 0 : i32
      %dma_start3A_739 = tpu.memref_slice %arg7[%dma_start3A_736, %dma_start3A_738] : memref<5x8192xf32, #tpu.memory_space<vmem>> -> memref<1x1024xf32, #tpu.memory_space<vmem>>
      %dma_start3A_740 = tpu.memref_squeeze %dma_start3A_739 : memref<1x1024xf32, #tpu.memory_space<vmem>> -> memref<1024xf32, #tpu.memory_space<vmem>>
      %dma_start3A_741 = arith.constant 0 : i32
      %dma_start3A_742 = tpu.memref_slice %arg4[%add3A_712, %dma_start3A_737, %add3A, %dma_start3A_741] : memref<50x8x32x1024xf32, #tpu.memory_space<hbm>> -> memref<1x1x1x1024xf32, #tpu.memory_space<hbm>>
      %dma_start3A_743 = tpu.memref_squeeze %dma_start3A_742 : memref<1x1x1x1024xf32, #tpu.memory_space<hbm>> -> memref<1024xf32, #tpu.memory_space<hbm>>
      %dma_start3A_744 = arith.constant 0 : i32
      %dma_start3A_745 = tpu.memref_slice %arg4[%add3A_712, %dma_start3A_737, %add3A, %dma_start3A_744] : memref<50x8x32x1024xf32, #tpu.memory_space<hbm>> -> memref<1x1x1x1024xf32, #tpu.memory_space<hbm>>
      %dma_start3A_746 = tpu.memref_squeeze %dma_start3A_745 : memref<1x1x1x1024xf32, #tpu.memory_space<hbm>> -> memref<1024xf32, #tpu.memory_space<hbm>>
      %dma_start3A_747 = arith.constant 0 : i32
      %dma_start3A_748 = tpu.memref_slice %arg7[%dma_start3A_736, %dma_start3A_747] : memref<5x8192xf32, #tpu.memory_space<vmem>> -> memref<1x1024xf32, #tpu.memory_space<vmem>>
      %dma_start3A_749 = tpu.memref_squeeze %dma_start3A_748 : memref<1x1024xf32, #tpu.memory_space<vmem>> -> memref<1024xf32, #tpu.memory_space<vmem>>
      tpu.enqueue_dma source(%dma_start3A_749 : memref<1024xf32, #tpu.memory_space<vmem>>) target(%dma_start3A_746 : memref<1024xf32, #tpu.memory_space<hbm>>) target_semaphore(%arg13 : memref<!tpu.dma_semaphore, #tpu.memory_space<semaphore_mem>>)
      %dma_start3A_750 = arith.constant 0 : i32
      %dma_start3A_751 = arith.constant 1 : i32
      %dma_start3A_752 = arith.constant 1024 : i32
      %dma_start3A_753 = tpu.memref_slice %arg7[%dma_start3A_750, %dma_start3A_752] : memref<5x8192xf32, #tpu.memory_space<vmem>> -> memref<1x1024xf32, #tpu.memory_space<vmem>>
      %dma_start3A_754 = tpu.memref_squeeze %dma_start3A_753 : memref<1x1024xf32, #tpu.memory_space<vmem>> -> memref<1024xf32, #tpu.memory_space<vmem>>
      %dma_start3A_755 = arith.constant 0 : i32
      %dma_start3A_756 = tpu.memref_slice %arg4[%add3A_712, %dma_start3A_751, %add3A, %dma_start3A_755] : memref<50x8x32x1024xf32, #tpu.memory_space<hbm>> -> memref<1x1x1x1024xf32, #tpu.memory_space<hbm>>
      %dma_start3A_757 = tpu.memref_squeeze %dma_start3A_756 : memref<1x1x1x1024xf32, #tpu.memory_space<hbm>> -> memref<1024xf32, #tpu.memory_space<hbm>>
      %dma_start3A_758 = arith.constant 0 : i32
      %dma_start3A_759 = tpu.memref_slice %arg4[%add3A_712, %dma_start3A_751, %add3A, %dma_start3A_758] : memref<50x8x32x1024xf32, #tpu.memory_space<hbm>> -> memref<1x1x1x1024xf32, #tpu.memory_space<hbm>>
      %dma_start3A_760 = tpu.memref_squeeze %dma_start3A_759 : memref<1x1x1x1024xf32, #tpu.memory_space<hbm>> -> memref<1024xf32, #tpu.memory_space<hbm>>
      %dma_start3A_761 = arith.constant 1024 : i32
      %dma_start3A_762 = tpu.memref_slice %arg7[%dma_start3A_750, %dma_start3A_761] : memref<5x8192xf32, #tpu.memory_space<vmem>> -> memref<1x1024xf32, #tpu.memory_space<vmem>>
      %dma_start3A_763 = tpu.memref_squeeze %dma_start3A_762 : memref<1x1024xf32, #tpu.memory_space<vmem>> -> memref<1024xf32, #tpu.memory_space<vmem>>
      tpu.enqueue_dma source(%dma_start3A_763 : memref<1024xf32, #tpu.memory_space<vmem>>) target(%dma_start3A_760 : memref<1024xf32, #tpu.memory_space<hbm>>) target_semaphore(%arg13 : memref<!tpu.dma_semaphore, #tpu.memory_space<semaphore_mem>>)
      %dma_start3A_764 = arith.constant 0 : i32
      %dma_start3A_765 = arith.constant 2 : i32
      %dma_start3A_766 = arith.constant 2048 : i32
      %dma_start3A_767 = tpu.memref_slice %arg7[%dma_start3A_764, %dma_start3A_766] : memref<5x8192xf32, #tpu.memory_space<vmem>> -> memref<1x1024xf32, #tpu.memory_space<vmem>>
      %dma_start3A_768 = tpu.memref_squeeze %dma_start3A_767 : memref<1x1024xf32, #tpu.memory_space<vmem>> -> memref<1024xf32, #tpu.memory_space<vmem>>
      %dma_start3A_769 = arith.constant 0 : i32
      %dma_start3A_770 = tpu.memref_slice %arg4[%add3A_712, %dma_start3A_765, %add3A, %dma_start3A_769] : memref<50x8x32x1024xf32, #tpu.memory_space<hbm>> -> memref<1x1x1x1024xf32, #tpu.memory_space<hbm>>
      %dma_start3A_771 = tpu.memref_squeeze %dma_start3A_770 : memref<1x1x1x1024xf32, #tpu.memory_space<hbm>> -> memref<1024xf32, #tpu.memory_space<hbm>>
      %dma_start3A_772 = arith.constant 0 : i32
      %dma_start3A_773 = tpu.memref_slice %arg4[%add3A_712, %dma_start3A_765, %add3A, %dma_start3A_772] : memref<50x8x32x1024xf32, #tpu.memory_space<hbm>> -> memref<1x1x1x1024xf32, #tpu.memory_space<hbm>>
      %dma_start3A_774 = tpu.memref_squeeze %dma_start3A_773 : memref<1x1x1x1024xf32, #tpu.memory_space<hbm>> -> memref<1024xf32, #tpu.memory_space<hbm>>
      %dma_start3A_775 = arith.constant 2048 : i32
      %dma_start3A_776 = tpu.memref_slice %arg7[%dma_start3A_764, %dma_start3A_775] : memref<5x8192xf32, #tpu.memory_space<vmem>> -> memref<1x1024xf32, #tpu.memory_space<vmem>>
      %dma_start3A_777 = tpu.memref_squeeze %dma_start3A_776 : memref<1x1024xf32, #tpu.memory_space<vmem>> -> memref<1024xf32, #tpu.memory_space<vmem>>
      tpu.enqueue_dma source(%dma_start3A_777 : memref<1024xf32, #tpu.memory_space<vmem>>) target(%dma_start3A_774 : memref<1024xf32, #tpu.memory_space<hbm>>) target_semaphore(%arg13 : memref<!tpu.dma_semaphore, #tpu.memory_space<semaphore_mem>>)
      %dma_start3A_778 = arith.constant 0 : i32
      %dma_start3A_779 = arith.constant 3 : i32
      %dma_start3A_780 = arith.constant 3072 : i32
      %dma_start3A_781 = tpu.memref_slice %arg7[%dma_start3A_778, %dma_start3A_780] : memref<5x8192xf32, #tpu.memory_space<vmem>> -> memref<1x1024xf32, #tpu.memory_space<vmem>>
      %dma_start3A_782 = tpu.memref_squeeze %dma_start3A_781 : memref<1x1024xf32, #tpu.memory_space<vmem>> -> memref<1024xf32, #tpu.memory_space<vmem>>
      %dma_start3A_783 = arith.constant 0 : i32
      %dma_start3A_784 = tpu.memref_slice %arg4[%add3A_712, %dma_start3A_779, %add3A, %dma_start3A_783] : memref<50x8x32x1024xf32, #tpu.memory_space<hbm>> -> memref<1x1x1x1024xf32, #tpu.memory_space<hbm>>
      %dma_start3A_785 = tpu.memref_squeeze %dma_start3A_784 : memref<1x1x1x1024xf32, #tpu.memory_space<hbm>> -> memref<1024xf32, #tpu.memory_space<hbm>>
      %dma_start3A_786 = arith.constant 0 : i32
      %dma_start3A_787 = tpu.memref_slice %arg4[%add3A_712, %dma_start3A_779, %add3A, %dma_start3A_786] : memref<50x8x32x1024xf32, #tpu.memory_space<hbm>> -> memref<1x1x1x1024xf32, #tpu.memory_space<hbm>>
      %dma_start3A_788 = tpu.memref_squeeze %dma_start3A_787 : memref<1x1x1x1024xf32, #tpu.memory_space<hbm>> -> memref<1024xf32, #tpu.memory_space<hbm>>
      %dma_start3A_789 = arith.constant 3072 : i32
      %dma_start3A_790 = tpu.memref_slice %arg7[%dma_start3A_778, %dma_start3A_789] : memref<5x8192xf32, #tpu.memory_space<vmem>> -> memref<1x1024xf32, #tpu.memory_space<vmem>>
      %dma_start3A_791 = tpu.memref_squeeze %dma_start3A_790 : memref<1x1024xf32, #tpu.memory_space<vmem>> -> memref<1024xf32, #tpu.memory_space<vmem>>
      tpu.enqueue_dma source(%dma_start3A_791 : memref<1024xf32, #tpu.memory_space<vmem>>) target(%dma_start3A_788 : memref<1024xf32, #tpu.memory_space<hbm>>) target_semaphore(%arg13 : memref<!tpu.dma_semaphore, #tpu.memory_space<semaphore_mem>>)
      %dma_start3A_792 = arith.constant 0 : i32
      %dma_start3A_793 = arith.constant 4 : i32
      %dma_start3A_794 = arith.constant 4096 : i32
      %dma_start3A_795 = tpu.memref_slice %arg7[%dma_start3A_792, %dma_start3A_794] : memref<5x8192xf32, #tpu.memory_space<vmem>> -> memref<1x1024xf32, #tpu.memory_space<vmem>>
      %dma_start3A_796 = tpu.memref_squeeze %dma_start3A_795 : memref<1x1024xf32, #tpu.memory_space<vmem>> -> memref<1024xf32, #tpu.memory_space<vmem>>
      %dma_start3A_797 = arith.constant 0 : i32
      %dma_start3A_798 = tpu.memref_slice %arg4[%add3A_712, %dma_start3A_793, %add3A, %dma_start3A_797] : memref<50x8x32x1024xf32, #tpu.memory_space<hbm>> -> memref<1x1x1x1024xf32, #tpu.memory_space<hbm>>
      %dma_start3A_799 = tpu.memref_squeeze %dma_start3A_798 : memref<1x1x1x1024xf32, #tpu.memory_space<hbm>> -> memref<1024xf32, #tpu.memory_space<hbm>>
      %dma_start3A_800 = arith.constant 0 : i32
      %dma_start3A_801 = tpu.memref_slice %arg4[%add3A_712, %dma_start3A_793, %add3A, %dma_start3A_800] : memref<50x8x32x1024xf32, #tpu.memory_space<hbm>> -> memref<1x1x1x1024xf32, #tpu.memory_space<hbm>>
      %dma_start3A_802 = tpu.memref_squeeze %dma_start3A_801 : memref<1x1x1x1024xf32, #tpu.memory_space<hbm>> -> memref<1024xf32, #tpu.memory_space<hbm>>
      %dma_start3A_803 = arith.constant 4096 : i32
      %dma_start3A_804 = tpu.memref_slice %arg7[%dma_start3A_792, %dma_start3A_803] : memref<5x8192xf32, #tpu.memory_space<vmem>> -> memref<1x1024xf32, #tpu.memory_space<vmem>>
      %dma_start3A_805 = tpu.memref_squeeze %dma_start3A_804 : memref<1x1024xf32, #tpu.memory_space<vmem>> -> memref<1024xf32, #tpu.memory_space<vmem>>
      tpu.enqueue_dma source(%dma_start3A_805 : memref<1024xf32, #tpu.memory_space<vmem>>) target(%dma_start3A_802 : memref<1024xf32, #tpu.memory_space<hbm>>) target_semaphore(%arg13 : memref<!tpu.dma_semaphore, #tpu.memory_space<semaphore_mem>>)
      %dma_start3A_806 = arith.constant 0 : i32
      %dma_start3A_807 = arith.constant 5 : i32
      %dma_start3A_808 = arith.constant 5120 : i32
      %dma_start3A_809 = tpu.memref_slice %arg7[%dma_start3A_806, %dma_start3A_808] : memref<5x8192xf32, #tpu.memory_space<vmem>> -> memref<1x1024xf32, #tpu.memory_space<vmem>>
      %dma_start3A_810 = tpu.memref_squeeze %dma_start3A_809 : memref<1x1024xf32, #tpu.memory_space<vmem>> -> memref<1024xf32, #tpu.memory_space<vmem>>
      %dma_start3A_811 = arith.constant 0 : i32
      %dma_start3A_812 = tpu.memref_slice %arg4[%add3A_712, %dma_start3A_807, %add3A, %dma_start3A_811] : memref<50x8x32x1024xf32, #tpu.memory_space<hbm>> -> memref<1x1x1x1024xf32, #tpu.memory_space<hbm>>
      %dma_start3A_813 = tpu.memref_squeeze %dma_start3A_812 : memref<1x1x1x1024xf32, #tpu.memory_space<hbm>> -> memref<1024xf32, #tpu.memory_space<hbm>>
      %dma_start3A_814 = arith.constant 0 : i32
      %dma_start3A_815 = tpu.memref_slice %arg4[%add3A_712, %dma_start3A_807, %add3A, %dma_start3A_814] : memref<50x8x32x1024xf32, #tpu.memory_space<hbm>> -> memref<1x1x1x1024xf32, #tpu.memory_space<hbm>>
      %dma_start3A_816 = tpu.memref_squeeze %dma_start3A_815 : memref<1x1x1x1024xf32, #tpu.memory_space<hbm>> -> memref<1024xf32, #tpu.memory_space<hbm>>
      %dma_start3A_817 = arith.constant 5120 : i32
      %dma_start3A_818 = tpu.memref_slice %arg7[%dma_start3A_806, %dma_start3A_817] : memref<5x8192xf32, #tpu.memory_space<vmem>> -> memref<1x1024xf32, #tpu.memory_space<vmem>>
      %dma_start3A_819 = tpu.memref_squeeze %dma_start3A_818 : memref<1x1024xf32, #tpu.memory_space<vmem>> -> memref<1024xf32, #tpu.memory_space<vmem>>
      tpu.enqueue_dma source(%dma_start3A_819 : memref<1024xf32, #tpu.memory_space<vmem>>) target(%dma_start3A_816 : memref<1024xf32, #tpu.memory_space<hbm>>) target_semaphore(%arg13 : memref<!tpu.dma_semaphore, #tpu.memory_space<semaphore_mem>>)
      %dma_start3A_820 = arith.constant 0 : i32
      %dma_start3A_821 = arith.constant 6 : i32
      %dma_start3A_822 = arith.constant 6144 : i32
      %dma_start3A_823 = tpu.memref_slice %arg7[%dma_start3A_820, %dma_start3A_822] : memref<5x8192xf32, #tpu.memory_space<vmem>> -> memref<1x1024xf32, #tpu.memory_space<vmem>>
      %dma_start3A_824 = tpu.memref_squeeze %dma_start3A_823 : memref<1x1024xf32, #tpu.memory_space<vmem>> -> memref<1024xf32, #tpu.memory_space<vmem>>
      %dma_start3A_825 = arith.constant 0 : i32
      %dma_start3A_826 = tpu.memref_slice %arg4[%add3A_712, %dma_start3A_821, %add3A, %dma_start3A_825] : memref<50x8x32x1024xf32, #tpu.memory_space<hbm>> -> memref<1x1x1x1024xf32, #tpu.memory_space<hbm>>
      %dma_start3A_827 = tpu.memref_squeeze %dma_start3A_826 : memref<1x1x1x1024xf32, #tpu.memory_space<hbm>> -> memref<1024xf32, #tpu.memory_space<hbm>>
      %dma_start3A_828 = arith.constant 0 : i32
      %dma_start3A_829 = tpu.memref_slice %arg4[%add3A_712, %dma_start3A_821, %add3A, %dma_start3A_828] : memref<50x8x32x1024xf32, #tpu.memory_space<hbm>> -> memref<1x1x1x1024xf32, #tpu.memory_space<hbm>>
      %dma_start3A_830 = tpu.memref_squeeze %dma_start3A_829 : memref<1x1x1x1024xf32, #tpu.memory_space<hbm>> -> memref<1024xf32, #tpu.memory_space<hbm>>
      %dma_start3A_831 = arith.constant 6144 : i32
      %dma_start3A_832 = tpu.memref_slice %arg7[%dma_start3A_820, %dma_start3A_831] : memref<5x8192xf32, #tpu.memory_space<vmem>> -> memref<1x1024xf32, #tpu.memory_space<vmem>>
      %dma_start3A_833 = tpu.memref_squeeze %dma_start3A_832 : memref<1x1024xf32, #tpu.memory_space<vmem>> -> memref<1024xf32, #tpu.memory_space<vmem>>
      tpu.enqueue_dma source(%dma_start3A_833 : memref<1024xf32, #tpu.memory_space<vmem>>) target(%dma_start3A_830 : memref<1024xf32, #tpu.memory_space<hbm>>) target_semaphore(%arg13 : memref<!tpu.dma_semaphore, #tpu.memory_space<semaphore_mem>>)
      %dma_start3A_834 = arith.constant 0 : i32
      %dma_start3A_835 = arith.constant 7 : i32
      %dma_start3A_836 = arith.constant 7168 : i32
      %dma_start3A_837 = tpu.memref_slice %arg7[%dma_start3A_834, %dma_start3A_836] : memref<5x8192xf32, #tpu.memory_space<vmem>> -> memref<1x1024xf32, #tpu.memory_space<vmem>>
      %dma_start3A_838 = tpu.memref_squeeze %dma_start3A_837 : memref<1x1024xf32, #tpu.memory_space<vmem>> -> memref<1024xf32, #tpu.memory_space<vmem>>
      %dma_start3A_839 = arith.constant 0 : i32
      %dma_start3A_840 = tpu.memref_slice %arg4[%add3A_712, %dma_start3A_835, %add3A, %dma_start3A_839] : memref<50x8x32x1024xf32, #tpu.memory_space<hbm>> -> memref<1x1x1x1024xf32, #tpu.memory_space<hbm>>
      %dma_start3A_841 = tpu.memref_squeeze %dma_start3A_840 : memref<1x1x1x1024xf32, #tpu.memory_space<hbm>> -> memref<1024xf32, #tpu.memory_space<hbm>>
      %dma_start3A_842 = arith.constant 0 : i32
      %dma_start3A_843 = tpu.memref_slice %arg4[%add3A_712, %dma_start3A_835, %add3A, %dma_start3A_842] : memref<50x8x32x1024xf32, #tpu.memory_space<hbm>> -> memref<1x1x1x1024xf32, #tpu.memory_space<hbm>>
      %dma_start3A_844 = tpu.memref_squeeze %dma_start3A_843 : memref<1x1x1x1024xf32, #tpu.memory_space<hbm>> -> memref<1024xf32, #tpu.memory_space<hbm>>
      %dma_start3A_845 = arith.constant 7168 : i32
      %dma_start3A_846 = tpu.memref_slice %arg7[%dma_start3A_834, %dma_start3A_845] : memref<5x8192xf32, #tpu.memory_space<vmem>> -> memref<1x1024xf32, #tpu.memory_space<vmem>>
      %dma_start3A_847 = tpu.memref_squeeze %dma_start3A_846 : memref<1x1024xf32, #tpu.memory_space<vmem>> -> memref<1024xf32, #tpu.memory_space<vmem>>
      tpu.enqueue_dma source(%dma_start3A_847 : memref<1024xf32, #tpu.memory_space<vmem>>) target(%dma_start3A_844 : memref<1024xf32, #tpu.memory_space<hbm>>) target_semaphore(%arg13 : memref<!tpu.dma_semaphore, #tpu.memory_space<semaphore_mem>>)
      %mul3A_848 = arith.constant 5 : i32
      %mul3A_849 = arith.muli %scan3A_707, %mul3A_848 : i32
      %add3A_850 = arith.constant 1 : i32
      %add3A_851 = arith.addi %mul3A_849, %add3A_850 : i32
      %dma_wait3A_852 = arith.constant 1 : i32
      %dma_wait3A_853 = arith.constant 0 : i32
      %dma_wait3A_854 = arith.constant 0 : i32
      %dma_wait3A_855 = tpu.memref_slice %arg6[%dma_wait3A_852, %dma_wait3A_853, %dma_wait3A_854] : memref<5x128x64xf32, #tpu.memory_space<vmem>> -> memref<1x128x64xf32, #tpu.memory_space<vmem>>
      %dma_wait3A_856 = tpu.memref_squeeze %dma_wait3A_855 : memref<1x128x64xf32, #tpu.memory_space<vmem>> -> memref<128x64xf32, #tpu.memory_space<vmem>>
      %dma_wait3A_857 = arith.constant 0 : i32
      %dma_wait3A_858 = tpu.memref_slice %arg5[%add3A_851, %dma_wait3A_857] : memref<50x128xi32, #tpu.memory_space<vmem>> -> memref<1x128xi32, #tpu.memory_space<vmem>>
      %dma_wait3A_859 = tpu.memref_squeeze %dma_wait3A_858 : memref<1x128xi32, #tpu.memory_space<vmem>> -> memref<128xi32, #tpu.memory_space<vmem>>
      %dma_wait3A_860 = arith.constant 0 : i32
      %dma_wait3A_861 = arith.constant 0 : i32
      %dma_wait3A_862 = tpu.memref_slice %arg3[%dma_wait3A_860, %dma_wait3A_861] : memref<200000x64xf32, #tpu.memory_space<hbm>> -> memref<200000x64xf32, #tpu.memory_space<hbm>>
      tpu.wait_indirect_dma semaphore(%arg9 : memref<!tpu.dma_semaphore, #tpu.memory_space<semaphore_mem>>) src(%dma_wait3A_862 : memref<200000x64xf32, #tpu.memory_space<hbm>>) dst(%dma_wait3A_856 : memref<128x64xf32, #tpu.memory_space<vmem>>)
      %ge3A_863 = arith.constant 5 : i32
      %ge3A_864 = arith.cmpi sge, %add3A_851, %ge3A_863 : i32
      %convert_element_type3A_865 = arith.extui %ge3A_864 : i1 to i32
      %cond3A_866 = arith.constant 0 : i32
      %cond3A_867 = arith.cmpi ne, %convert_element_type3A_865, %cond3A_866 : i32
      scf.if %cond3A_867 {
        %dma_wait3A_1425 = arith.constant 1 : i32
        %dma_wait3A_1426 = arith.constant 0 : i32
        %dma_wait3A_1427 = arith.constant 0 : i32
        %dma_wait3A_1428 = arith.constant 0 : i32
        %dma_wait3A_1429 = arith.constant 0 : i32
        %dma_wait3A_1430 = tpu.memref_slice %arg7[%dma_wait3A_1425, %dma_wait3A_1429] : memref<5x8192xf32, #tpu.memory_space<vmem>> -> memref<1x1024xf32, #tpu.memory_space<vmem>>
        %dma_wait3A_1431 = tpu.memref_squeeze %dma_wait3A_1430 : memref<1x1024xf32, #tpu.memory_space<vmem>> -> memref<1024xf32, #tpu.memory_space<vmem>>
        %dma_wait3A_1432 = arith.constant 0 : i32
        %dma_wait3A_1433 = tpu.memref_slice %arg4[%dma_wait3A_1426, %dma_wait3A_1427, %dma_wait3A_1428, %dma_wait3A_1432] : memref<50x8x32x1024xf32, #tpu.memory_space<hbm>> -> memref<1x1x1x1024xf32, #tpu.memory_space<hbm>>
        %dma_wait3A_1434 = tpu.memref_squeeze %dma_wait3A_1433 : memref<1x1x1x1024xf32, #tpu.memory_space<hbm>> -> memref<1024xf32, #tpu.memory_space<hbm>>
        %dma_wait3A_1435 = arith.constant 0 : i32
        %dma_wait3A_1436 = tpu.memref_slice %arg4[%dma_wait3A_1426, %dma_wait3A_1427, %dma_wait3A_1428, %dma_wait3A_1435] : memref<50x8x32x1024xf32, #tpu.memory_space<hbm>> -> memref<1x1x1x1024xf32, #tpu.memory_space<hbm>>
        %dma_wait3A_1437 = tpu.memref_squeeze %dma_wait3A_1436 : memref<1x1x1x1024xf32, #tpu.memory_space<hbm>> -> memref<1024xf32, #tpu.memory_space<hbm>>
        %dma_wait3A_1438 = arith.constant 0 : i32
        %dma_wait3A_1439 = tpu.memref_slice %arg7[%dma_wait3A_1425, %dma_wait3A_1438] : memref<5x8192xf32, #tpu.memory_space<vmem>> -> memref<1x1024xf32, #tpu.memory_space<vmem>>
        %dma_wait3A_1440 = tpu.memref_squeeze %dma_wait3A_1439 : memref<1x1024xf32, #tpu.memory_space<vmem>> -> memref<1024xf32, #tpu.memory_space<vmem>>
        tpu.wait_dma2 semaphore(%arg14 : memref<!tpu.dma_semaphore, #tpu.memory_space<semaphore_mem>>) src(%dma_wait3A_1440 : memref<1024xf32, #tpu.memory_space<vmem>>) dst(%dma_wait3A_1437 : memref<1024xf32, #tpu.memory_space<hbm>>)
        %dma_wait3A_1441 = arith.constant 1 : i32
        %dma_wait3A_1442 = arith.constant 0 : i32
        %dma_wait3A_1443 = arith.constant 0 : i32
        %dma_wait3A_1444 = arith.constant 0 : i32
        %dma_wait3A_1445 = arith.constant 0 : i32
        %dma_wait3A_1446 = tpu.memref_slice %arg7[%dma_wait3A_1441, %dma_wait3A_1445] : memref<5x8192xf32, #tpu.memory_space<vmem>> -> memref<1x1024xf32, #tpu.memory_space<vmem>>
        %dma_wait3A_1447 = tpu.memref_squeeze %dma_wait3A_1446 : memref<1x1024xf32, #tpu.memory_space<vmem>> -> memref<1024xf32, #tpu.memory_space<vmem>>
        %dma_wait3A_1448 = arith.constant 0 : i32
        %dma_wait3A_1449 = tpu.memref_slice %arg4[%dma_wait3A_1442, %dma_wait3A_1443, %dma_wait3A_1444, %dma_wait3A_1448] : memref<50x8x32x1024xf32, #tpu.memory_space<hbm>> -> memref<1x1x1x1024xf32, #tpu.memory_space<hbm>>
        %dma_wait3A_1450 = tpu.memref_squeeze %dma_wait3A_1449 : memref<1x1x1x1024xf32, #tpu.memory_space<hbm>> -> memref<1024xf32, #tpu.memory_space<hbm>>
        %dma_wait3A_1451 = arith.constant 0 : i32
        %dma_wait3A_1452 = tpu.memref_slice %arg4[%dma_wait3A_1442, %dma_wait3A_1443, %dma_wait3A_1444, %dma_wait3A_1451] : memref<50x8x32x1024xf32, #tpu.memory_space<hbm>> -> memref<1x1x1x1024xf32, #tpu.memory_space<hbm>>
        %dma_wait3A_1453 = tpu.memref_squeeze %dma_wait3A_1452 : memref<1x1x1x1024xf32, #tpu.memory_space<hbm>> -> memref<1024xf32, #tpu.memory_space<hbm>>
        %dma_wait3A_1454 = arith.constant 0 : i32
        %dma_wait3A_1455 = tpu.memref_slice %arg7[%dma_wait3A_1441, %dma_wait3A_1454] : memref<5x8192xf32, #tpu.memory_space<vmem>> -> memref<1x1024xf32, #tpu.memory_space<vmem>>
        %dma_wait3A_1456 = tpu.memref_squeeze %dma_wait3A_1455 : memref<1x1024xf32, #tpu.memory_space<vmem>> -> memref<1024xf32, #tpu.memory_space<vmem>>
        tpu.wait_dma2 semaphore(%arg14 : memref<!tpu.dma_semaphore, #tpu.memory_space<semaphore_mem>>) src(%dma_wait3A_1456 : memref<1024xf32, #tpu.memory_space<vmem>>) dst(%dma_wait3A_1453 : memref<1024xf32, #tpu.memory_space<hbm>>)
        %dma_wait3A_1457 = arith.constant 1 : i32
        %dma_wait3A_1458 = arith.constant 0 : i32
        %dma_wait3A_1459 = arith.constant 0 : i32
        %dma_wait3A_1460 = arith.constant 0 : i32
        %dma_wait3A_1461 = arith.constant 0 : i32
        %dma_wait3A_1462 = tpu.memref_slice %arg7[%dma_wait3A_1457, %dma_wait3A_1461] : memref<5x8192xf32, #tpu.memory_space<vmem>> -> memref<1x1024xf32, #tpu.memory_space<vmem>>
        %dma_wait3A_1463 = tpu.memref_squeeze %dma_wait3A_1462 : memref<1x1024xf32, #tpu.memory_space<vmem>> -> memref<1024xf32, #tpu.memory_space<vmem>>
        %dma_wait3A_1464 = arith.constant 0 : i32
        %dma_wait3A_1465 = tpu.memref_slice %arg4[%dma_wait3A_1458, %dma_wait3A_1459, %dma_wait3A_1460, %dma_wait3A_1464] : memref<50x8x32x1024xf32, #tpu.memory_space<hbm>> -> memref<1x1x1x1024xf32, #tpu.memory_space<hbm>>
        %dma_wait3A_1466 = tpu.memref_squeeze %dma_wait3A_1465 : memref<1x1x1x1024xf32, #tpu.memory_space<hbm>> -> memref<1024xf32, #tpu.memory_space<hbm>>
        %dma_wait3A_1467 = arith.constant 0 : i32
        %dma_wait3A_1468 = tpu.memref_slice %arg4[%dma_wait3A_1458, %dma_wait3A_1459, %dma_wait3A_1460, %dma_wait3A_1467] : memref<50x8x32x1024xf32, #tpu.memory_space<hbm>> -> memref<1x1x1x1024xf32, #tpu.memory_space<hbm>>
        %dma_wait3A_1469 = tpu.memref_squeeze %dma_wait3A_1468 : memref<1x1x1x1024xf32, #tpu.memory_space<hbm>> -> memref<1024xf32, #tpu.memory_space<hbm>>
        %dma_wait3A_1470 = arith.constant 0 : i32
        %dma_wait3A_1471 = tpu.memref_slice %arg7[%dma_wait3A_1457, %dma_wait3A_1470] : memref<5x8192xf32, #tpu.memory_space<vmem>> -> memref<1x1024xf32, #tpu.memory_space<vmem>>
        %dma_wait3A_1472 = tpu.memref_squeeze %dma_wait3A_1471 : memref<1x1024xf32, #tpu.memory_space<vmem>> -> memref<1024xf32, #tpu.memory_space<vmem>>
        tpu.wait_dma2 semaphore(%arg14 : memref<!tpu.dma_semaphore, #tpu.memory_space<semaphore_mem>>) src(%dma_wait3A_1472 : memref<1024xf32, #tpu.memory_space<vmem>>) dst(%dma_wait3A_1469 : memref<1024xf32, #tpu.memory_space<hbm>>)
        %dma_wait3A_1473 = arith.constant 1 : i32
        %dma_wait3A_1474 = arith.constant 0 : i32
        %dma_wait3A_1475 = arith.constant 0 : i32
        %dma_wait3A_1476 = arith.constant 0 : i32
        %dma_wait3A_1477 = arith.constant 0 : i32
        %dma_wait3A_1478 = tpu.memref_slice %arg7[%dma_wait3A_1473, %dma_wait3A_1477] : memref<5x8192xf32, #tpu.memory_space<vmem>> -> memref<1x1024xf32, #tpu.memory_space<vmem>>
        %dma_wait3A_1479 = tpu.memref_squeeze %dma_wait3A_1478 : memref<1x1024xf32, #tpu.memory_space<vmem>> -> memref<1024xf32, #tpu.memory_space<vmem>>
        %dma_wait3A_1480 = arith.constant 0 : i32
        %dma_wait3A_1481 = tpu.memref_slice %arg4[%dma_wait3A_1474, %dma_wait3A_1475, %dma_wait3A_1476, %dma_wait3A_1480] : memref<50x8x32x1024xf32, #tpu.memory_space<hbm>> -> memref<1x1x1x1024xf32, #tpu.memory_space<hbm>>
        %dma_wait3A_1482 = tpu.memref_squeeze %dma_wait3A_1481 : memref<1x1x1x1024xf32, #tpu.memory_space<hbm>> -> memref<1024xf32, #tpu.memory_space<hbm>>
        %dma_wait3A_1483 = arith.constant 0 : i32
        %dma_wait3A_1484 = tpu.memref_slice %arg4[%dma_wait3A_1474, %dma_wait3A_1475, %dma_wait3A_1476, %dma_wait3A_1483] : memref<50x8x32x1024xf32, #tpu.memory_space<hbm>> -> memref<1x1x1x1024xf32, #tpu.memory_space<hbm>>
        %dma_wait3A_1485 = tpu.memref_squeeze %dma_wait3A_1484 : memref<1x1x1x1024xf32, #tpu.memory_space<hbm>> -> memref<1024xf32, #tpu.memory_space<hbm>>
        %dma_wait3A_1486 = arith.constant 0 : i32
        %dma_wait3A_1487 = tpu.memref_slice %arg7[%dma_wait3A_1473, %dma_wait3A_1486] : memref<5x8192xf32, #tpu.memory_space<vmem>> -> memref<1x1024xf32, #tpu.memory_space<vmem>>
        %dma_wait3A_1488 = tpu.memref_squeeze %dma_wait3A_1487 : memref<1x1024xf32, #tpu.memory_space<vmem>> -> memref<1024xf32, #tpu.memory_space<vmem>>
        tpu.wait_dma2 semaphore(%arg14 : memref<!tpu.dma_semaphore, #tpu.memory_space<semaphore_mem>>) src(%dma_wait3A_1488 : memref<1024xf32, #tpu.memory_space<vmem>>) dst(%dma_wait3A_1485 : memref<1024xf32, #tpu.memory_space<hbm>>)
        %dma_wait3A_1489 = arith.constant 1 : i32
        %dma_wait3A_1490 = arith.constant 0 : i32
        %dma_wait3A_1491 = arith.constant 0 : i32
        %dma_wait3A_1492 = arith.constant 0 : i32
        %dma_wait3A_1493 = arith.constant 0 : i32
        %dma_wait3A_1494 = tpu.memref_slice %arg7[%dma_wait3A_1489, %dma_wait3A_1493] : memref<5x8192xf32, #tpu.memory_space<vmem>> -> memref<1x1024xf32, #tpu.memory_space<vmem>>
        %dma_wait3A_1495 = tpu.memref_squeeze %dma_wait3A_1494 : memref<1x1024xf32, #tpu.memory_space<vmem>> -> memref<1024xf32, #tpu.memory_space<vmem>>
        %dma_wait3A_1496 = arith.constant 0 : i32
        %dma_wait3A_1497 = tpu.memref_slice %arg4[%dma_wait3A_1490, %dma_wait3A_1491, %dma_wait3A_1492, %dma_wait3A_1496] : memref<50x8x32x1024xf32, #tpu.memory_space<hbm>> -> memref<1x1x1x1024xf32, #tpu.memory_space<hbm>>
        %dma_wait3A_1498 = tpu.memref_squeeze %dma_wait3A_1497 : memref<1x1x1x1024xf32, #tpu.memory_space<hbm>> -> memref<1024xf32, #tpu.memory_space<hbm>>
        %dma_wait3A_1499 = arith.constant 0 : i32
        %dma_wait3A_1500 = tpu.memref_slice %arg4[%dma_wait3A_1490, %dma_wait3A_1491, %dma_wait3A_1492, %dma_wait3A_1499] : memref<50x8x32x1024xf32, #tpu.memory_space<hbm>> -> memref<1x1x1x1024xf32, #tpu.memory_space<hbm>>
        %dma_wait3A_1501 = tpu.memref_squeeze %dma_wait3A_1500 : memref<1x1x1x1024xf32, #tpu.memory_space<hbm>> -> memref<1024xf32, #tpu.memory_space<hbm>>
        %dma_wait3A_1502 = arith.constant 0 : i32
        %dma_wait3A_1503 = tpu.memref_slice %arg7[%dma_wait3A_1489, %dma_wait3A_1502] : memref<5x8192xf32, #tpu.memory_space<vmem>> -> memref<1x1024xf32, #tpu.memory_space<vmem>>
        %dma_wait3A_1504 = tpu.memref_squeeze %dma_wait3A_1503 : memref<1x1024xf32, #tpu.memory_space<vmem>> -> memref<1024xf32, #tpu.memory_space<vmem>>
        tpu.wait_dma2 semaphore(%arg14 : memref<!tpu.dma_semaphore, #tpu.memory_space<semaphore_mem>>) src(%dma_wait3A_1504 : memref<1024xf32, #tpu.memory_space<vmem>>) dst(%dma_wait3A_1501 : memref<1024xf32, #tpu.memory_space<hbm>>)
        %dma_wait3A_1505 = arith.constant 1 : i32
        %dma_wait3A_1506 = arith.constant 0 : i32
        %dma_wait3A_1507 = arith.constant 0 : i32
        %dma_wait3A_1508 = arith.constant 0 : i32
        %dma_wait3A_1509 = arith.constant 0 : i32
        %dma_wait3A_1510 = tpu.memref_slice %arg7[%dma_wait3A_1505, %dma_wait3A_1509] : memref<5x8192xf32, #tpu.memory_space<vmem>> -> memref<1x1024xf32, #tpu.memory_space<vmem>>
        %dma_wait3A_1511 = tpu.memref_squeeze %dma_wait3A_1510 : memref<1x1024xf32, #tpu.memory_space<vmem>> -> memref<1024xf32, #tpu.memory_space<vmem>>
        %dma_wait3A_1512 = arith.constant 0 : i32
        %dma_wait3A_1513 = tpu.memref_slice %arg4[%dma_wait3A_1506, %dma_wait3A_1507, %dma_wait3A_1508, %dma_wait3A_1512] : memref<50x8x32x1024xf32, #tpu.memory_space<hbm>> -> memref<1x1x1x1024xf32, #tpu.memory_space<hbm>>
        %dma_wait3A_1514 = tpu.memref_squeeze %dma_wait3A_1513 : memref<1x1x1x1024xf32, #tpu.memory_space<hbm>> -> memref<1024xf32, #tpu.memory_space<hbm>>
        %dma_wait3A_1515 = arith.constant 0 : i32
        %dma_wait3A_1516 = tpu.memref_slice %arg4[%dma_wait3A_1506, %dma_wait3A_1507, %dma_wait3A_1508, %dma_wait3A_1515] : memref<50x8x32x1024xf32, #tpu.memory_space<hbm>> -> memref<1x1x1x1024xf32, #tpu.memory_space<hbm>>
        %dma_wait3A_1517 = tpu.memref_squeeze %dma_wait3A_1516 : memref<1x1x1x1024xf32, #tpu.memory_space<hbm>> -> memref<1024xf32, #tpu.memory_space<hbm>>
        %dma_wait3A_1518 = arith.constant 0 : i32
        %dma_wait3A_1519 = tpu.memref_slice %arg7[%dma_wait3A_1505, %dma_wait3A_1518] : memref<5x8192xf32, #tpu.memory_space<vmem>> -> memref<1x1024xf32, #tpu.memory_space<vmem>>
        %dma_wait3A_1520 = tpu.memref_squeeze %dma_wait3A_1519 : memref<1x1024xf32, #tpu.memory_space<vmem>> -> memref<1024xf32, #tpu.memory_space<vmem>>
        tpu.wait_dma2 semaphore(%arg14 : memref<!tpu.dma_semaphore, #tpu.memory_space<semaphore_mem>>) src(%dma_wait3A_1520 : memref<1024xf32, #tpu.memory_space<vmem>>) dst(%dma_wait3A_1517 : memref<1024xf32, #tpu.memory_space<hbm>>)
        %dma_wait3A_1521 = arith.constant 1 : i32
        %dma_wait3A_1522 = arith.constant 0 : i32
        %dma_wait3A_1523 = arith.constant 0 : i32
        %dma_wait3A_1524 = arith.constant 0 : i32
        %dma_wait3A_1525 = arith.constant 0 : i32
        %dma_wait3A_1526 = tpu.memref_slice %arg7[%dma_wait3A_1521, %dma_wait3A_1525] : memref<5x8192xf32, #tpu.memory_space<vmem>> -> memref<1x1024xf32, #tpu.memory_space<vmem>>
        %dma_wait3A_1527 = tpu.memref_squeeze %dma_wait3A_1526 : memref<1x1024xf32, #tpu.memory_space<vmem>> -> memref<1024xf32, #tpu.memory_space<vmem>>
        %dma_wait3A_1528 = arith.constant 0 : i32
        %dma_wait3A_1529 = tpu.memref_slice %arg4[%dma_wait3A_1522, %dma_wait3A_1523, %dma_wait3A_1524, %dma_wait3A_1528] : memref<50x8x32x1024xf32, #tpu.memory_space<hbm>> -> memref<1x1x1x1024xf32, #tpu.memory_space<hbm>>
        %dma_wait3A_1530 = tpu.memref_squeeze %dma_wait3A_1529 : memref<1x1x1x1024xf32, #tpu.memory_space<hbm>> -> memref<1024xf32, #tpu.memory_space<hbm>>
        %dma_wait3A_1531 = arith.constant 0 : i32
        %dma_wait3A_1532 = tpu.memref_slice %arg4[%dma_wait3A_1522, %dma_wait3A_1523, %dma_wait3A_1524, %dma_wait3A_1531] : memref<50x8x32x1024xf32, #tpu.memory_space<hbm>> -> memref<1x1x1x1024xf32, #tpu.memory_space<hbm>>
        %dma_wait3A_1533 = tpu.memref_squeeze %dma_wait3A_1532 : memref<1x1x1x1024xf32, #tpu.memory_space<hbm>> -> memref<1024xf32, #tpu.memory_space<hbm>>
        %dma_wait3A_1534 = arith.constant 0 : i32
        %dma_wait3A_1535 = tpu.memref_slice %arg7[%dma_wait3A_1521, %dma_wait3A_1534] : memref<5x8192xf32, #tpu.memory_space<vmem>> -> memref<1x1024xf32, #tpu.memory_space<vmem>>
        %dma_wait3A_1536 = tpu.memref_squeeze %dma_wait3A_1535 : memref<1x1024xf32, #tpu.memory_space<vmem>> -> memref<1024xf32, #tpu.memory_space<vmem>>
        tpu.wait_dma2 semaphore(%arg14 : memref<!tpu.dma_semaphore, #tpu.memory_space<semaphore_mem>>) src(%dma_wait3A_1536 : memref<1024xf32, #tpu.memory_space<vmem>>) dst(%dma_wait3A_1533 : memref<1024xf32, #tpu.memory_space<hbm>>)
        %dma_wait3A_1537 = arith.constant 1 : i32
        %dma_wait3A_1538 = arith.constant 0 : i32
        %dma_wait3A_1539 = arith.constant 0 : i32
        %dma_wait3A_1540 = arith.constant 0 : i32
        %dma_wait3A_1541 = arith.constant 0 : i32
        %dma_wait3A_1542 = tpu.memref_slice %arg7[%dma_wait3A_1537, %dma_wait3A_1541] : memref<5x8192xf32, #tpu.memory_space<vmem>> -> memref<1x1024xf32, #tpu.memory_space<vmem>>
        %dma_wait3A_1543 = tpu.memref_squeeze %dma_wait3A_1542 : memref<1x1024xf32, #tpu.memory_space<vmem>> -> memref<1024xf32, #tpu.memory_space<vmem>>
        %dma_wait3A_1544 = arith.constant 0 : i32
        %dma_wait3A_1545 = tpu.memref_slice %arg4[%dma_wait3A_1538, %dma_wait3A_1539, %dma_wait3A_1540, %dma_wait3A_1544] : memref<50x8x32x1024xf32, #tpu.memory_space<hbm>> -> memref<1x1x1x1024xf32, #tpu.memory_space<hbm>>
        %dma_wait3A_1546 = tpu.memref_squeeze %dma_wait3A_1545 : memref<1x1x1x1024xf32, #tpu.memory_space<hbm>> -> memref<1024xf32, #tpu.memory_space<hbm>>
        %dma_wait3A_1547 = arith.constant 0 : i32
        %dma_wait3A_1548 = tpu.memref_slice %arg4[%dma_wait3A_1538, %dma_wait3A_1539, %dma_wait3A_1540, %dma_wait3A_1547] : memref<50x8x32x1024xf32, #tpu.memory_space<hbm>> -> memref<1x1x1x1024xf32, #tpu.memory_space<hbm>>
        %dma_wait3A_1549 = tpu.memref_squeeze %dma_wait3A_1548 : memref<1x1x1x1024xf32, #tpu.memory_space<hbm>> -> memref<1024xf32, #tpu.memory_space<hbm>>
        %dma_wait3A_1550 = arith.constant 0 : i32
        %dma_wait3A_1551 = tpu.memref_slice %arg7[%dma_wait3A_1537, %dma_wait3A_1550] : memref<5x8192xf32, #tpu.memory_space<vmem>> -> memref<1x1024xf32, #tpu.memory_space<vmem>>
        %dma_wait3A_1552 = tpu.memref_squeeze %dma_wait3A_1551 : memref<1x1024xf32, #tpu.memory_space<vmem>> -> memref<1024xf32, #tpu.memory_space<vmem>>
        tpu.wait_dma2 semaphore(%arg14 : memref<!tpu.dma_semaphore, #tpu.memory_space<semaphore_mem>>) src(%dma_wait3A_1552 : memref<1024xf32, #tpu.memory_space<vmem>>) dst(%dma_wait3A_1549 : memref<1024xf32, #tpu.memory_space<hbm>>)
      } else {
      }
      %parallel_loop3A_868 = arith.constant 0 : i32
      %parallel_loop3A_869 = arith.constant 64 : i32
      %parallel_loop3A_870 = arith.constant 1 : i32
      %parallel_loop3A_871 = arith.constant 1 : i32
      %parallel_loop3A_872 = arith.constant 1 : i32
      scf.for %parallel_loop3A_1425 = %parallel_loop3A_868 to %parallel_loop3A_869 step %parallel_loop3A_870  : i32 {
        %parallel_loop3A_1426 = vector.broadcast %parallel_loop3A_1425 : i32 to vector<16xi32>
        %parallel_loop3A_1427 = arith.addi %parallel_loop3A_1426, %iota3A : vector<16xi32>
        %parallel_loop3A_1428 = arith.constant 63 : i32
        %parallel_loop3A_1429 = vector.broadcast %parallel_loop3A_1428 : i32 to vector<16xi32>
        %parallel_loop3A_1430 = arith.andi %parallel_loop3A_1427, %parallel_loop3A_1429 : vector<16xi32>
        %parallel_loop3A_1431 = arith.constant 128 : i32
        %parallel_loop3A_1432 = vector.broadcast %parallel_loop3A_1431 : i32 to vector<16xi32>
        %parallel_loop3A_1433 = arith.muli %parallel_loop3A_1430, %parallel_loop3A_1432 : vector<16xi32>
        %parallel_loop3A_1434 = arith.constant 0 : i32
        %parallel_loop3A_1435 = vector.broadcast %parallel_loop3A_1434 : i32 to vector<16xi32>
        %parallel_loop3A_1436 = arith.addi %iota3A, %parallel_loop3A_1435 : vector<16xi32>
        %parallel_loop3A_1437 = arith.constant 0 : i32
        %parallel_loop3A_1438 = arith.constant 0 : i32
        %parallel_loop3A_1439 = tpu.memref_slice %arg6[%parallel_loop3A_871, %parallel_loop3A_1437, %parallel_loop3A_1438] : memref<5x128x64xf32, #tpu.memory_space<vmem>> -> memref<1x128x64xf32, #tpu.memory_space<vmem>>
        %parallel_loop3A_1440 = tpu.memref_squeeze %parallel_loop3A_1439 : memref<1x128x64xf32, #tpu.memory_space<vmem>> -> memref<128x64xf32, #tpu.memory_space<vmem>>
        %parallel_loop3A_1441 = tpu.vector_load_idx %parallel_loop3A_1440[%parallel_loop3A_1436, %parallel_loop3A_1430] : memref<128x64xf32, #tpu.memory_space<vmem>>[vector<16xi32>, vector<16xi32>], vector<16xf32>,
        %parallel_loop3A_1442 = arith.addi %parallel_loop3A_1433, %parallel_loop3A_1436 : vector<16xi32>
        %parallel_loop3A_1443 = arith.constant 0 : i32
        %parallel_loop3A_1444 = tpu.memref_slice %arg7[%parallel_loop3A_872, %parallel_loop3A_1443] : memref<5x8192xf32, #tpu.memory_space<vmem>> -> memref<1x8192xf32, #tpu.memory_space<vmem>>
        %parallel_loop3A_1445 = tpu.memref_squeeze %parallel_loop3A_1444 : memref<1x8192xf32, #tpu.memory_space<vmem>> -> memref<8192xf32, #tpu.memory_space<vmem>>
        tpu.vector_store_idx %parallel_loop3A_1445[%parallel_loop3A_1442], %parallel_loop3A_1441 : memref<8192xf32, #tpu.memory_space<vmem>>[vector<16xi32>], vector<16xf32>,
        %parallel_loop3A_1446 = arith.constant 16 : i32
        %parallel_loop3A_1447 = vector.broadcast %parallel_loop3A_1446 : i32 to vector<16xi32>
        %parallel_loop3A_1448 = arith.addi %iota3A, %parallel_loop3A_1447 : vector<16xi32>
        %parallel_loop3A_1449 = arith.constant 0 : i32
        %parallel_loop3A_1450 = arith.constant 0 : i32
        %parallel_loop3A_1451 = tpu.memref_slice %arg6[%parallel_loop3A_871, %parallel_loop3A_1449, %parallel_loop3A_1450] : memref<5x128x64xf32, #tpu.memory_space<vmem>> -> memref<1x128x64xf32, #tpu.memory_space<vmem>>
        %parallel_loop3A_1452 = tpu.memref_squeeze %parallel_loop3A_1451 : memref<1x128x64xf32, #tpu.memory_space<vmem>> -> memref<128x64xf32, #tpu.memory_space<vmem>>
        %parallel_loop3A_1453 = tpu.vector_load_idx %parallel_loop3A_1452[%parallel_loop3A_1448, %parallel_loop3A_1430] : memref<128x64xf32, #tpu.memory_space<vmem>>[vector<16xi32>, vector<16xi32>], vector<16xf32>,
        %parallel_loop3A_1454 = arith.addi %parallel_loop3A_1433, %parallel_loop3A_1448 : vector<16xi32>
        %parallel_loop3A_1455 = arith.constant 0 : i32
        %parallel_loop3A_1456 = tpu.memref_slice %arg7[%parallel_loop3A_872, %parallel_loop3A_1455] : memref<5x8192xf32, #tpu.memory_space<vmem>> -> memref<1x8192xf32, #tpu.memory_space<vmem>>
        %parallel_loop3A_1457 = tpu.memref_squeeze %parallel_loop3A_1456 : memref<1x8192xf32, #tpu.memory_space<vmem>> -> memref<8192xf32, #tpu.memory_space<vmem>>
        tpu.vector_store_idx %parallel_loop3A_1457[%parallel_loop3A_1454], %parallel_loop3A_1453 : memref<8192xf32, #tpu.memory_space<vmem>>[vector<16xi32>], vector<16xf32>,
        %parallel_loop3A_1458 = arith.constant 32 : i32
        %parallel_loop3A_1459 = vector.broadcast %parallel_loop3A_1458 : i32 to vector<16xi32>
        %parallel_loop3A_1460 = arith.addi %iota3A, %parallel_loop3A_1459 : vector<16xi32>
        %parallel_loop3A_1461 = arith.constant 0 : i32
        %parallel_loop3A_1462 = arith.constant 0 : i32
        %parallel_loop3A_1463 = tpu.memref_slice %arg6[%parallel_loop3A_871, %parallel_loop3A_1461, %parallel_loop3A_1462] : memref<5x128x64xf32, #tpu.memory_space<vmem>> -> memref<1x128x64xf32, #tpu.memory_space<vmem>>
        %parallel_loop3A_1464 = tpu.memref_squeeze %parallel_loop3A_1463 : memref<1x128x64xf32, #tpu.memory_space<vmem>> -> memref<128x64xf32, #tpu.memory_space<vmem>>
        %parallel_loop3A_1465 = tpu.vector_load_idx %parallel_loop3A_1464[%parallel_loop3A_1460, %parallel_loop3A_1430] : memref<128x64xf32, #tpu.memory_space<vmem>>[vector<16xi32>, vector<16xi32>], vector<16xf32>,
        %parallel_loop3A_1466 = arith.addi %parallel_loop3A_1433, %parallel_loop3A_1460 : vector<16xi32>
        %parallel_loop3A_1467 = arith.constant 0 : i32
        %parallel_loop3A_1468 = tpu.memref_slice %arg7[%parallel_loop3A_872, %parallel_loop3A_1467] : memref<5x8192xf32, #tpu.memory_space<vmem>> -> memref<1x8192xf32, #tpu.memory_space<vmem>>
        %parallel_loop3A_1469 = tpu.memref_squeeze %parallel_loop3A_1468 : memref<1x8192xf32, #tpu.memory_space<vmem>> -> memref<8192xf32, #tpu.memory_space<vmem>>
        tpu.vector_store_idx %parallel_loop3A_1469[%parallel_loop3A_1466], %parallel_loop3A_1465 : memref<8192xf32, #tpu.memory_space<vmem>>[vector<16xi32>], vector<16xf32>,
        %parallel_loop3A_1470 = arith.constant 48 : i32
        %parallel_loop3A_1471 = vector.broadcast %parallel_loop3A_1470 : i32 to vector<16xi32>
        %parallel_loop3A_1472 = arith.addi %iota3A, %parallel_loop3A_1471 : vector<16xi32>
        %parallel_loop3A_1473 = arith.constant 0 : i32
        %parallel_loop3A_1474 = arith.constant 0 : i32
        %parallel_loop3A_1475 = tpu.memref_slice %arg6[%parallel_loop3A_871, %parallel_loop3A_1473, %parallel_loop3A_1474] : memref<5x128x64xf32, #tpu.memory_space<vmem>> -> memref<1x128x64xf32, #tpu.memory_space<vmem>>
        %parallel_loop3A_1476 = tpu.memref_squeeze %parallel_loop3A_1475 : memref<1x128x64xf32, #tpu.memory_space<vmem>> -> memref<128x64xf32, #tpu.memory_space<vmem>>
        %parallel_loop3A_1477 = tpu.vector_load_idx %parallel_loop3A_1476[%parallel_loop3A_1472, %parallel_loop3A_1430] : memref<128x64xf32, #tpu.memory_space<vmem>>[vector<16xi32>, vector<16xi32>], vector<16xf32>,
        %parallel_loop3A_1478 = arith.addi %parallel_loop3A_1433, %parallel_loop3A_1472 : vector<16xi32>
        %parallel_loop3A_1479 = arith.constant 0 : i32
        %parallel_loop3A_1480 = tpu.memref_slice %arg7[%parallel_loop3A_872, %parallel_loop3A_1479] : memref<5x8192xf32, #tpu.memory_space<vmem>> -> memref<1x8192xf32, #tpu.memory_space<vmem>>
        %parallel_loop3A_1481 = tpu.memref_squeeze %parallel_loop3A_1480 : memref<1x8192xf32, #tpu.memory_space<vmem>> -> memref<8192xf32, #tpu.memory_space<vmem>>
        tpu.vector_store_idx %parallel_loop3A_1481[%parallel_loop3A_1478], %parallel_loop3A_1477 : memref<8192xf32, #tpu.memory_space<vmem>>[vector<16xi32>], vector<16xf32>,
        %parallel_loop3A_1482 = arith.constant 64 : i32
        %parallel_loop3A_1483 = vector.broadcast %parallel_loop3A_1482 : i32 to vector<16xi32>
        %parallel_loop3A_1484 = arith.addi %iota3A, %parallel_loop3A_1483 : vector<16xi32>
        %parallel_loop3A_1485 = arith.constant 0 : i32
        %parallel_loop3A_1486 = arith.constant 0 : i32
        %parallel_loop3A_1487 = tpu.memref_slice %arg6[%parallel_loop3A_871, %parallel_loop3A_1485, %parallel_loop3A_1486] : memref<5x128x64xf32, #tpu.memory_space<vmem>> -> memref<1x128x64xf32, #tpu.memory_space<vmem>>
        %parallel_loop3A_1488 = tpu.memref_squeeze %parallel_loop3A_1487 : memref<1x128x64xf32, #tpu.memory_space<vmem>> -> memref<128x64xf32, #tpu.memory_space<vmem>>
        %parallel_loop3A_1489 = tpu.vector_load_idx %parallel_loop3A_1488[%parallel_loop3A_1484, %parallel_loop3A_1430] : memref<128x64xf32, #tpu.memory_space<vmem>>[vector<16xi32>, vector<16xi32>], vector<16xf32>,
        %parallel_loop3A_1490 = arith.addi %parallel_loop3A_1433, %parallel_loop3A_1484 : vector<16xi32>
        %parallel_loop3A_1491 = arith.constant 0 : i32
        %parallel_loop3A_1492 = tpu.memref_slice %arg7[%parallel_loop3A_872, %parallel_loop3A_1491] : memref<5x8192xf32, #tpu.memory_space<vmem>> -> memref<1x8192xf32, #tpu.memory_space<vmem>>
        %parallel_loop3A_1493 = tpu.memref_squeeze %parallel_loop3A_1492 : memref<1x8192xf32, #tpu.memory_space<vmem>> -> memref<8192xf32, #tpu.memory_space<vmem>>
        tpu.vector_store_idx %parallel_loop3A_1493[%parallel_loop3A_1490], %parallel_loop3A_1489 : memref<8192xf32, #tpu.memory_space<vmem>>[vector<16xi32>], vector<16xf32>,
        %parallel_loop3A_1494 = arith.constant 80 : i32
        %parallel_loop3A_1495 = vector.broadcast %parallel_loop3A_1494 : i32 to vector<16xi32>
        %parallel_loop3A_1496 = arith.addi %iota3A, %parallel_loop3A_1495 : vector<16xi32>
        %parallel_loop3A_1497 = arith.constant 0 : i32
        %parallel_loop3A_1498 = arith.constant 0 : i32
        %parallel_loop3A_1499 = tpu.memref_slice %arg6[%parallel_loop3A_871, %parallel_loop3A_1497, %parallel_loop3A_1498] : memref<5x128x64xf32, #tpu.memory_space<vmem>> -> memref<1x128x64xf32, #tpu.memory_space<vmem>>
        %parallel_loop3A_1500 = tpu.memref_squeeze %parallel_loop3A_1499 : memref<1x128x64xf32, #tpu.memory_space<vmem>> -> memref<128x64xf32, #tpu.memory_space<vmem>>
        %parallel_loop3A_1501 = tpu.vector_load_idx %parallel_loop3A_1500[%parallel_loop3A_1496, %parallel_loop3A_1430] : memref<128x64xf32, #tpu.memory_space<vmem>>[vector<16xi32>, vector<16xi32>], vector<16xf32>,
        %parallel_loop3A_1502 = arith.addi %parallel_loop3A_1433, %parallel_loop3A_1496 : vector<16xi32>
        %parallel_loop3A_1503 = arith.constant 0 : i32
        %parallel_loop3A_1504 = tpu.memref_slice %arg7[%parallel_loop3A_872, %parallel_loop3A_1503] : memref<5x8192xf32, #tpu.memory_space<vmem>> -> memref<1x8192xf32, #tpu.memory_space<vmem>>
        %parallel_loop3A_1505 = tpu.memref_squeeze %parallel_loop3A_1504 : memref<1x8192xf32, #tpu.memory_space<vmem>> -> memref<8192xf32, #tpu.memory_space<vmem>>
        tpu.vector_store_idx %parallel_loop3A_1505[%parallel_loop3A_1502], %parallel_loop3A_1501 : memref<8192xf32, #tpu.memory_space<vmem>>[vector<16xi32>], vector<16xf32>,
        %parallel_loop3A_1506 = arith.constant 96 : i32
        %parallel_loop3A_1507 = vector.broadcast %parallel_loop3A_1506 : i32 to vector<16xi32>
        %parallel_loop3A_1508 = arith.addi %iota3A, %parallel_loop3A_1507 : vector<16xi32>
        %parallel_loop3A_1509 = arith.constant 0 : i32
        %parallel_loop3A_1510 = arith.constant 0 : i32
        %parallel_loop3A_1511 = tpu.memref_slice %arg6[%parallel_loop3A_871, %parallel_loop3A_1509, %parallel_loop3A_1510] : memref<5x128x64xf32, #tpu.memory_space<vmem>> -> memref<1x128x64xf32, #tpu.memory_space<vmem>>
        %parallel_loop3A_1512 = tpu.memref_squeeze %parallel_loop3A_1511 : memref<1x128x64xf32, #tpu.memory_space<vmem>> -> memref<128x64xf32, #tpu.memory_space<vmem>>
        %parallel_loop3A_1513 = tpu.vector_load_idx %parallel_loop3A_1512[%parallel_loop3A_1508, %parallel_loop3A_1430] : memref<128x64xf32, #tpu.memory_space<vmem>>[vector<16xi32>, vector<16xi32>], vector<16xf32>,
        %parallel_loop3A_1514 = arith.addi %parallel_loop3A_1433, %parallel_loop3A_1508 : vector<16xi32>
        %parallel_loop3A_1515 = arith.constant 0 : i32
        %parallel_loop3A_1516 = tpu.memref_slice %arg7[%parallel_loop3A_872, %parallel_loop3A_1515] : memref<5x8192xf32, #tpu.memory_space<vmem>> -> memref<1x8192xf32, #tpu.memory_space<vmem>>
        %parallel_loop3A_1517 = tpu.memref_squeeze %parallel_loop3A_1516 : memref<1x8192xf32, #tpu.memory_space<vmem>> -> memref<8192xf32, #tpu.memory_space<vmem>>
        tpu.vector_store_idx %parallel_loop3A_1517[%parallel_loop3A_1514], %parallel_loop3A_1513 : memref<8192xf32, #tpu.memory_space<vmem>>[vector<16xi32>], vector<16xf32>,
        %parallel_loop3A_1518 = arith.constant 112 : i32
        %parallel_loop3A_1519 = vector.broadcast %parallel_loop3A_1518 : i32 to vector<16xi32>
        %parallel_loop3A_1520 = arith.addi %iota3A, %parallel_loop3A_1519 : vector<16xi32>
        %parallel_loop3A_1521 = arith.constant 0 : i32
        %parallel_loop3A_1522 = arith.constant 0 : i32
        %parallel_loop3A_1523 = tpu.memref_slice %arg6[%parallel_loop3A_871, %parallel_loop3A_1521, %parallel_loop3A_1522] : memref<5x128x64xf32, #tpu.memory_space<vmem>> -> memref<1x128x64xf32, #tpu.memory_space<vmem>>
        %parallel_loop3A_1524 = tpu.memref_squeeze %parallel_loop3A_1523 : memref<1x128x64xf32, #tpu.memory_space<vmem>> -> memref<128x64xf32, #tpu.memory_space<vmem>>
        %parallel_loop3A_1525 = tpu.vector_load_idx %parallel_loop3A_1524[%parallel_loop3A_1520, %parallel_loop3A_1430] : memref<128x64xf32, #tpu.memory_space<vmem>>[vector<16xi32>, vector<16xi32>], vector<16xf32>,
        %parallel_loop3A_1526 = arith.addi %parallel_loop3A_1433, %parallel_loop3A_1520 : vector<16xi32>
        %parallel_loop3A_1527 = arith.constant 0 : i32
        %parallel_loop3A_1528 = tpu.memref_slice %arg7[%parallel_loop3A_872, %parallel_loop3A_1527] : memref<5x8192xf32, #tpu.memory_space<vmem>> -> memref<1x8192xf32, #tpu.memory_space<vmem>>
        %parallel_loop3A_1529 = tpu.memref_squeeze %parallel_loop3A_1528 : memref<1x8192xf32, #tpu.memory_space<vmem>> -> memref<8192xf32, #tpu.memory_space<vmem>>
        tpu.vector_store_idx %parallel_loop3A_1529[%parallel_loop3A_1526], %parallel_loop3A_1525 : memref<8192xf32, #tpu.memory_space<vmem>>[vector<16xi32>], vector<16xf32>,
      } {sc.loop_unroll_factor = 8 : i64, sc.parallel_access}
      %add3A_873 = arith.constant 5 : i32
      %add3A_874 = arith.addi %add3A_851, %add3A_873 : i32
      %lt3A_875 = arith.constant 50 : i32
      %lt3A_876 = arith.cmpi slt, %add3A_874, %lt3A_875 : i32
      %convert_element_type3A_877 = arith.extui %lt3A_876 : i1 to i32
      %cond3A_878 = arith.constant 0 : i32
      %cond3A_879 = arith.cmpi ne, %convert_element_type3A_877, %cond3A_878 : i32
      scf.if %cond3A_879 {
        %add3A_1425 = arith.constant 5 : i32
        %add3A_1426 = arith.addi %add3A_851, %add3A_1425 : i32
        %dma_start3A_1427 = arith.constant 1 : i32
        %dma_start3A_1428 = arith.constant 0 : i32
        %dma_start3A_1429 = arith.constant 0 : i32
        %dma_start3A_1430 = tpu.memref_slice %arg6[%dma_start3A_1427, %dma_start3A_1428, %dma_start3A_1429] : memref<5x128x64xf32, #tpu.memory_space<vmem>> -> memref<1x128x64xf32, #tpu.memory_space<vmem>>
        %dma_start3A_1431 = tpu.memref_squeeze %dma_start3A_1430 : memref<1x128x64xf32, #tpu.memory_space<vmem>> -> memref<128x64xf32, #tpu.memory_space<vmem>>
        %dma_start3A_1432 = arith.constant 0 : i32
        %dma_start3A_1433 = tpu.memref_slice %arg5[%add3A_1426, %dma_start3A_1432] : memref<50x128xi32, #tpu.memory_space<vmem>> -> memref<1x128xi32, #tpu.memory_space<vmem>>
        %dma_start3A_1434 = tpu.memref_squeeze %dma_start3A_1433 : memref<1x128xi32, #tpu.memory_space<vmem>> -> memref<128xi32, #tpu.memory_space<vmem>>
        %dma_start3A_1435 = arith.constant 0 : i32
        %dma_start3A_1436 = arith.constant 0 : i32
        %dma_start3A_1437 = tpu.memref_slice %arg3[%dma_start3A_1435, %dma_start3A_1436] : memref<200000x64xf32, #tpu.memory_space<hbm>> -> memref<200000x64xf32, #tpu.memory_space<hbm>>
        tpu.enqueue_indirect_dma source(%dma_start3A_1437 : memref<200000x64xf32, #tpu.memory_space<hbm>>) target(%dma_start3A_1431 : memref<128x64xf32, #tpu.memory_space<vmem>>) offsets(%dma_start3A_1434 : memref<128xi32, #tpu.memory_space<vmem>>) semaphore(%arg9 : memref<!tpu.dma_semaphore, #tpu.memory_space<semaphore_mem>>)
      } else {
      }
      %dma_start3A_880 = arith.constant 1 : i32
      %dma_start3A_881 = arith.constant 0 : i32
      %dma_start3A_882 = arith.constant 0 : i32
      %dma_start3A_883 = tpu.memref_slice %arg7[%dma_start3A_880, %dma_start3A_882] : memref<5x8192xf32, #tpu.memory_space<vmem>> -> memref<1x1024xf32, #tpu.memory_space<vmem>>
      %dma_start3A_884 = tpu.memref_squeeze %dma_start3A_883 : memref<1x1024xf32, #tpu.memory_space<vmem>> -> memref<1024xf32, #tpu.memory_space<vmem>>
      %dma_start3A_885 = arith.constant 0 : i32
      %dma_start3A_886 = tpu.memref_slice %arg4[%add3A_851, %dma_start3A_881, %add3A, %dma_start3A_885] : memref<50x8x32x1024xf32, #tpu.memory_space<hbm>> -> memref<1x1x1x1024xf32, #tpu.memory_space<hbm>>
      %dma_start3A_887 = tpu.memref_squeeze %dma_start3A_886 : memref<1x1x1x1024xf32, #tpu.memory_space<hbm>> -> memref<1024xf32, #tpu.memory_space<hbm>>
      %dma_start3A_888 = arith.constant 0 : i32
      %dma_start3A_889 = tpu.memref_slice %arg4[%add3A_851, %dma_start3A_881, %add3A, %dma_start3A_888] : memref<50x8x32x1024xf32, #tpu.memory_space<hbm>> -> memref<1x1x1x1024xf32, #tpu.memory_space<hbm>>
      %dma_start3A_890 = tpu.memref_squeeze %dma_start3A_889 : memref<1x1x1x1024xf32, #tpu.memory_space<hbm>> -> memref<1024xf32, #tpu.memory_space<hbm>>
      %dma_start3A_891 = arith.constant 0 : i32
      %dma_start3A_892 = tpu.memref_slice %arg7[%dma_start3A_880, %dma_start3A_891] : memref<5x8192xf32, #tpu.memory_space<vmem>> -> memref<1x1024xf32, #tpu.memory_space<vmem>>
      %dma_start3A_893 = tpu.memref_squeeze %dma_start3A_892 : memref<1x1024xf32, #tpu.memory_space<vmem>> -> memref<1024xf32, #tpu.memory_space<vmem>>
      tpu.enqueue_dma source(%dma_start3A_893 : memref<1024xf32, #tpu.memory_space<vmem>>) target(%dma_start3A_890 : memref<1024xf32, #tpu.memory_space<hbm>>) target_semaphore(%arg14 : memref<!tpu.dma_semaphore, #tpu.memory_space<semaphore_mem>>)
      %dma_start3A_894 = arith.constant 1 : i32
      %dma_start3A_895 = arith.constant 1 : i32
      %dma_start3A_896 = arith.constant 1024 : i32
      %dma_start3A_897 = tpu.memref_slice %arg7[%dma_start3A_894, %dma_start3A_896] : memref<5x8192xf32, #tpu.memory_space<vmem>> -> memref<1x1024xf32, #tpu.memory_space<vmem>>
      %dma_start3A_898 = tpu.memref_squeeze %dma_start3A_897 : memref<1x1024xf32, #tpu.memory_space<vmem>> -> memref<1024xf32, #tpu.memory_space<vmem>>
      %dma_start3A_899 = arith.constant 0 : i32
      %dma_start3A_900 = tpu.memref_slice %arg4[%add3A_851, %dma_start3A_895, %add3A, %dma_start3A_899] : memref<50x8x32x1024xf32, #tpu.memory_space<hbm>> -> memref<1x1x1x1024xf32, #tpu.memory_space<hbm>>
      %dma_start3A_901 = tpu.memref_squeeze %dma_start3A_900 : memref<1x1x1x1024xf32, #tpu.memory_space<hbm>> -> memref<1024xf32, #tpu.memory_space<hbm>>
      %dma_start3A_902 = arith.constant 0 : i32
      %dma_start3A_903 = tpu.memref_slice %arg4[%add3A_851, %dma_start3A_895, %add3A, %dma_start3A_902] : memref<50x8x32x1024xf32, #tpu.memory_space<hbm>> -> memref<1x1x1x1024xf32, #tpu.memory_space<hbm>>
      %dma_start3A_904 = tpu.memref_squeeze %dma_start3A_903 : memref<1x1x1x1024xf32, #tpu.memory_space<hbm>> -> memref<1024xf32, #tpu.memory_space<hbm>>
      %dma_start3A_905 = arith.constant 1024 : i32
      %dma_start3A_906 = tpu.memref_slice %arg7[%dma_start3A_894, %dma_start3A_905] : memref<5x8192xf32, #tpu.memory_space<vmem>> -> memref<1x1024xf32, #tpu.memory_space<vmem>>
      %dma_start3A_907 = tpu.memref_squeeze %dma_start3A_906 : memref<1x1024xf32, #tpu.memory_space<vmem>> -> memref<1024xf32, #tpu.memory_space<vmem>>
      tpu.enqueue_dma source(%dma_start3A_907 : memref<1024xf32, #tpu.memory_space<vmem>>) target(%dma_start3A_904 : memref<1024xf32, #tpu.memory_space<hbm>>) target_semaphore(%arg14 : memref<!tpu.dma_semaphore, #tpu.memory_space<semaphore_mem>>)
      %dma_start3A_908 = arith.constant 1 : i32
      %dma_start3A_909 = arith.constant 2 : i32
      %dma_start3A_910 = arith.constant 2048 : i32
      %dma_start3A_911 = tpu.memref_slice %arg7[%dma_start3A_908, %dma_start3A_910] : memref<5x8192xf32, #tpu.memory_space<vmem>> -> memref<1x1024xf32, #tpu.memory_space<vmem>>
      %dma_start3A_912 = tpu.memref_squeeze %dma_start3A_911 : memref<1x1024xf32, #tpu.memory_space<vmem>> -> memref<1024xf32, #tpu.memory_space<vmem>>
      %dma_start3A_913 = arith.constant 0 : i32
      %dma_start3A_914 = tpu.memref_slice %arg4[%add3A_851, %dma_start3A_909, %add3A, %dma_start3A_913] : memref<50x8x32x1024xf32, #tpu.memory_space<hbm>> -> memref<1x1x1x1024xf32, #tpu.memory_space<hbm>>
      %dma_start3A_915 = tpu.memref_squeeze %dma_start3A_914 : memref<1x1x1x1024xf32, #tpu.memory_space<hbm>> -> memref<1024xf32, #tpu.memory_space<hbm>>
      %dma_start3A_916 = arith.constant 0 : i32
      %dma_start3A_917 = tpu.memref_slice %arg4[%add3A_851, %dma_start3A_909, %add3A, %dma_start3A_916] : memref<50x8x32x1024xf32, #tpu.memory_space<hbm>> -> memref<1x1x1x1024xf32, #tpu.memory_space<hbm>>
      %dma_start3A_918 = tpu.memref_squeeze %dma_start3A_917 : memref<1x1x1x1024xf32, #tpu.memory_space<hbm>> -> memref<1024xf32, #tpu.memory_space<hbm>>
      %dma_start3A_919 = arith.constant 2048 : i32
      %dma_start3A_920 = tpu.memref_slice %arg7[%dma_start3A_908, %dma_start3A_919] : memref<5x8192xf32, #tpu.memory_space<vmem>> -> memref<1x1024xf32, #tpu.memory_space<vmem>>
      %dma_start3A_921 = tpu.memref_squeeze %dma_start3A_920 : memref<1x1024xf32, #tpu.memory_space<vmem>> -> memref<1024xf32, #tpu.memory_space<vmem>>
      tpu.enqueue_dma source(%dma_start3A_921 : memref<1024xf32, #tpu.memory_space<vmem>>) target(%dma_start3A_918 : memref<1024xf32, #tpu.memory_space<hbm>>) target_semaphore(%arg14 : memref<!tpu.dma_semaphore, #tpu.memory_space<semaphore_mem>>)
      %dma_start3A_922 = arith.constant 1 : i32
      %dma_start3A_923 = arith.constant 3 : i32
      %dma_start3A_924 = arith.constant 3072 : i32
      %dma_start3A_925 = tpu.memref_slice %arg7[%dma_start3A_922, %dma_start3A_924] : memref<5x8192xf32, #tpu.memory_space<vmem>> -> memref<1x1024xf32, #tpu.memory_space<vmem>>
      %dma_start3A_926 = tpu.memref_squeeze %dma_start3A_925 : memref<1x1024xf32, #tpu.memory_space<vmem>> -> memref<1024xf32, #tpu.memory_space<vmem>>
      %dma_start3A_927 = arith.constant 0 : i32
      %dma_start3A_928 = tpu.memref_slice %arg4[%add3A_851, %dma_start3A_923, %add3A, %dma_start3A_927] : memref<50x8x32x1024xf32, #tpu.memory_space<hbm>> -> memref<1x1x1x1024xf32, #tpu.memory_space<hbm>>
      %dma_start3A_929 = tpu.memref_squeeze %dma_start3A_928 : memref<1x1x1x1024xf32, #tpu.memory_space<hbm>> -> memref<1024xf32, #tpu.memory_space<hbm>>
      %dma_start3A_930 = arith.constant 0 : i32
      %dma_start3A_931 = tpu.memref_slice %arg4[%add3A_851, %dma_start3A_923, %add3A, %dma_start3A_930] : memref<50x8x32x1024xf32, #tpu.memory_space<hbm>> -> memref<1x1x1x1024xf32, #tpu.memory_space<hbm>>
      %dma_start3A_932 = tpu.memref_squeeze %dma_start3A_931 : memref<1x1x1x1024xf32, #tpu.memory_space<hbm>> -> memref<1024xf32, #tpu.memory_space<hbm>>
      %dma_start3A_933 = arith.constant 3072 : i32
      %dma_start3A_934 = tpu.memref_slice %arg7[%dma_start3A_922, %dma_start3A_933] : memref<5x8192xf32, #tpu.memory_space<vmem>> -> memref<1x1024xf32, #tpu.memory_space<vmem>>
      %dma_start3A_935 = tpu.memref_squeeze %dma_start3A_934 : memref<1x1024xf32, #tpu.memory_space<vmem>> -> memref<1024xf32, #tpu.memory_space<vmem>>
      tpu.enqueue_dma source(%dma_start3A_935 : memref<1024xf32, #tpu.memory_space<vmem>>) target(%dma_start3A_932 : memref<1024xf32, #tpu.memory_space<hbm>>) target_semaphore(%arg14 : memref<!tpu.dma_semaphore, #tpu.memory_space<semaphore_mem>>)
      %dma_start3A_936 = arith.constant 1 : i32
      %dma_start3A_937 = arith.constant 4 : i32
      %dma_start3A_938 = arith.constant 4096 : i32
      %dma_start3A_939 = tpu.memref_slice %arg7[%dma_start3A_936, %dma_start3A_938] : memref<5x8192xf32, #tpu.memory_space<vmem>> -> memref<1x1024xf32, #tpu.memory_space<vmem>>
      %dma_start3A_940 = tpu.memref_squeeze %dma_start3A_939 : memref<1x1024xf32, #tpu.memory_space<vmem>> -> memref<1024xf32, #tpu.memory_space<vmem>>
      %dma_start3A_941 = arith.constant 0 : i32
      %dma_start3A_942 = tpu.memref_slice %arg4[%add3A_851, %dma_start3A_937, %add3A, %dma_start3A_941] : memref<50x8x32x1024xf32, #tpu.memory_space<hbm>> -> memref<1x1x1x1024xf32, #tpu.memory_space<hbm>>
      %dma_start3A_943 = tpu.memref_squeeze %dma_start3A_942 : memref<1x1x1x1024xf32, #tpu.memory_space<hbm>> -> memref<1024xf32, #tpu.memory_space<hbm>>
      %dma_start3A_944 = arith.constant 0 : i32
      %dma_start3A_945 = tpu.memref_slice %arg4[%add3A_851, %dma_start3A_937, %add3A, %dma_start3A_944] : memref<50x8x32x1024xf32, #tpu.memory_space<hbm>> -> memref<1x1x1x1024xf32, #tpu.memory_space<hbm>>
      %dma_start3A_946 = tpu.memref_squeeze %dma_start3A_945 : memref<1x1x1x1024xf32, #tpu.memory_space<hbm>> -> memref<1024xf32, #tpu.memory_space<hbm>>
      %dma_start3A_947 = arith.constant 4096 : i32
      %dma_start3A_948 = tpu.memref_slice %arg7[%dma_start3A_936, %dma_start3A_947] : memref<5x8192xf32, #tpu.memory_space<vmem>> -> memref<1x1024xf32, #tpu.memory_space<vmem>>
      %dma_start3A_949 = tpu.memref_squeeze %dma_start3A_948 : memref<1x1024xf32, #tpu.memory_space<vmem>> -> memref<1024xf32, #tpu.memory_space<vmem>>
      tpu.enqueue_dma source(%dma_start3A_949 : memref<1024xf32, #tpu.memory_space<vmem>>) target(%dma_start3A_946 : memref<1024xf32, #tpu.memory_space<hbm>>) target_semaphore(%arg14 : memref<!tpu.dma_semaphore, #tpu.memory_space<semaphore_mem>>)
      %dma_start3A_950 = arith.constant 1 : i32
      %dma_start3A_951 = arith.constant 5 : i32
      %dma_start3A_952 = arith.constant 5120 : i32
      %dma_start3A_953 = tpu.memref_slice %arg7[%dma_start3A_950, %dma_start3A_952] : memref<5x8192xf32, #tpu.memory_space<vmem>> -> memref<1x1024xf32, #tpu.memory_space<vmem>>
      %dma_start3A_954 = tpu.memref_squeeze %dma_start3A_953 : memref<1x1024xf32, #tpu.memory_space<vmem>> -> memref<1024xf32, #tpu.memory_space<vmem>>
      %dma_start3A_955 = arith.constant 0 : i32
      %dma_start3A_956 = tpu.memref_slice %arg4[%add3A_851, %dma_start3A_951, %add3A, %dma_start3A_955] : memref<50x8x32x1024xf32, #tpu.memory_space<hbm>> -> memref<1x1x1x1024xf32, #tpu.memory_space<hbm>>
      %dma_start3A_957 = tpu.memref_squeeze %dma_start3A_956 : memref<1x1x1x1024xf32, #tpu.memory_space<hbm>> -> memref<1024xf32, #tpu.memory_space<hbm>>
      %dma_start3A_958 = arith.constant 0 : i32
      %dma_start3A_959 = tpu.memref_slice %arg4[%add3A_851, %dma_start3A_951, %add3A, %dma_start3A_958] : memref<50x8x32x1024xf32, #tpu.memory_space<hbm>> -> memref<1x1x1x1024xf32, #tpu.memory_space<hbm>>
      %dma_start3A_960 = tpu.memref_squeeze %dma_start3A_959 : memref<1x1x1x1024xf32, #tpu.memory_space<hbm>> -> memref<1024xf32, #tpu.memory_space<hbm>>
      %dma_start3A_961 = arith.constant 5120 : i32
      %dma_start3A_962 = tpu.memref_slice %arg7[%dma_start3A_950, %dma_start3A_961] : memref<5x8192xf32, #tpu.memory_space<vmem>> -> memref<1x1024xf32, #tpu.memory_space<vmem>>
      %dma_start3A_963 = tpu.memref_squeeze %dma_start3A_962 : memref<1x1024xf32, #tpu.memory_space<vmem>> -> memref<1024xf32, #tpu.memory_space<vmem>>
      tpu.enqueue_dma source(%dma_start3A_963 : memref<1024xf32, #tpu.memory_space<vmem>>) target(%dma_start3A_960 : memref<1024xf32, #tpu.memory_space<hbm>>) target_semaphore(%arg14 : memref<!tpu.dma_semaphore, #tpu.memory_space<semaphore_mem>>)
      %dma_start3A_964 = arith.constant 1 : i32
      %dma_start3A_965 = arith.constant 6 : i32
      %dma_start3A_966 = arith.constant 6144 : i32
      %dma_start3A_967 = tpu.memref_slice %arg7[%dma_start3A_964, %dma_start3A_966] : memref<5x8192xf32, #tpu.memory_space<vmem>> -> memref<1x1024xf32, #tpu.memory_space<vmem>>
      %dma_start3A_968 = tpu.memref_squeeze %dma_start3A_967 : memref<1x1024xf32, #tpu.memory_space<vmem>> -> memref<1024xf32, #tpu.memory_space<vmem>>
      %dma_start3A_969 = arith.constant 0 : i32
      %dma_start3A_970 = tpu.memref_slice %arg4[%add3A_851, %dma_start3A_965, %add3A, %dma_start3A_969] : memref<50x8x32x1024xf32, #tpu.memory_space<hbm>> -> memref<1x1x1x1024xf32, #tpu.memory_space<hbm>>
      %dma_start3A_971 = tpu.memref_squeeze %dma_start3A_970 : memref<1x1x1x1024xf32, #tpu.memory_space<hbm>> -> memref<1024xf32, #tpu.memory_space<hbm>>
      %dma_start3A_972 = arith.constant 0 : i32
      %dma_start3A_973 = tpu.memref_slice %arg4[%add3A_851, %dma_start3A_965, %add3A, %dma_start3A_972] : memref<50x8x32x1024xf32, #tpu.memory_space<hbm>> -> memref<1x1x1x1024xf32, #tpu.memory_space<hbm>>
      %dma_start3A_974 = tpu.memref_squeeze %dma_start3A_973 : memref<1x1x1x1024xf32, #tpu.memory_space<hbm>> -> memref<1024xf32, #tpu.memory_space<hbm>>
      %dma_start3A_975 = arith.constant 6144 : i32
      %dma_start3A_976 = tpu.memref_slice %arg7[%dma_start3A_964, %dma_start3A_975] : memref<5x8192xf32, #tpu.memory_space<vmem>> -> memref<1x1024xf32, #tpu.memory_space<vmem>>
      %dma_start3A_977 = tpu.memref_squeeze %dma_start3A_976 : memref<1x1024xf32, #tpu.memory_space<vmem>> -> memref<1024xf32, #tpu.memory_space<vmem>>
      tpu.enqueue_dma source(%dma_start3A_977 : memref<1024xf32, #tpu.memory_space<vmem>>) target(%dma_start3A_974 : memref<1024xf32, #tpu.memory_space<hbm>>) target_semaphore(%arg14 : memref<!tpu.dma_semaphore, #tpu.memory_space<semaphore_mem>>)
      %dma_start3A_978 = arith.constant 1 : i32
      %dma_start3A_979 = arith.constant 7 : i32
      %dma_start3A_980 = arith.constant 7168 : i32
      %dma_start3A_981 = tpu.memref_slice %arg7[%dma_start3A_978, %dma_start3A_980] : memref<5x8192xf32, #tpu.memory_space<vmem>> -> memref<1x1024xf32, #tpu.memory_space<vmem>>
      %dma_start3A_982 = tpu.memref_squeeze %dma_start3A_981 : memref<1x1024xf32, #tpu.memory_space<vmem>> -> memref<1024xf32, #tpu.memory_space<vmem>>
      %dma_start3A_983 = arith.constant 0 : i32
      %dma_start3A_984 = tpu.memref_slice %arg4[%add3A_851, %dma_start3A_979, %add3A, %dma_start3A_983] : memref<50x8x32x1024xf32, #tpu.memory_space<hbm>> -> memref<1x1x1x1024xf32, #tpu.memory_space<hbm>>
      %dma_start3A_985 = tpu.memref_squeeze %dma_start3A_984 : memref<1x1x1x1024xf32, #tpu.memory_space<hbm>> -> memref<1024xf32, #tpu.memory_space<hbm>>
      %dma_start3A_986 = arith.constant 0 : i32
      %dma_start3A_987 = tpu.memref_slice %arg4[%add3A_851, %dma_start3A_979, %add3A, %dma_start3A_986] : memref<50x8x32x1024xf32, #tpu.memory_space<hbm>> -> memref<1x1x1x1024xf32, #tpu.memory_space<hbm>>
      %dma_start3A_988 = tpu.memref_squeeze %dma_start3A_987 : memref<1x1x1x1024xf32, #tpu.memory_space<hbm>> -> memref<1024xf32, #tpu.memory_space<hbm>>
      %dma_start3A_989 = arith.constant 7168 : i32
      %dma_start3A_990 = tpu.memref_slice %arg7[%dma_start3A_978, %dma_start3A_989] : memref<5x8192xf32, #tpu.memory_space<vmem>> -> memref<1x1024xf32, #tpu.memory_space<vmem>>
      %dma_start3A_991 = tpu.memref_squeeze %dma_start3A_990 : memref<1x1024xf32, #tpu.memory_space<vmem>> -> memref<1024xf32, #tpu.memory_space<vmem>>
      tpu.enqueue_dma source(%dma_start3A_991 : memref<1024xf32, #tpu.memory_space<vmem>>) target(%dma_start3A_988 : memref<1024xf32, #tpu.memory_space<hbm>>) target_semaphore(%arg14 : memref<!tpu.dma_semaphore, #tpu.memory_space<semaphore_mem>>)
      %mul3A_992 = arith.constant 5 : i32
      %mul3A_993 = arith.muli %scan3A_707, %mul3A_992 : i32
      %add3A_994 = arith.constant 2 : i32
      %add3A_995 = arith.addi %mul3A_993, %add3A_994 : i32
      %dma_wait3A_996 = arith.constant 2 : i32
      %dma_wait3A_997 = arith.constant 0 : i32
      %dma_wait3A_998 = arith.constant 0 : i32
      %dma_wait3A_999 = tpu.memref_slice %arg6[%dma_wait3A_996, %dma_wait3A_997, %dma_wait3A_998] : memref<5x128x64xf32, #tpu.memory_space<vmem>> -> memref<1x128x64xf32, #tpu.memory_space<vmem>>
      %dma_wait3A_1000 = tpu.memref_squeeze %dma_wait3A_999 : memref<1x128x64xf32, #tpu.memory_space<vmem>> -> memref<128x64xf32, #tpu.memory_space<vmem>>
      %dma_wait3A_1001 = arith.constant 0 : i32
      %dma_wait3A_1002 = tpu.memref_slice %arg5[%add3A_995, %dma_wait3A_1001] : memref<50x128xi32, #tpu.memory_space<vmem>> -> memref<1x128xi32, #tpu.memory_space<vmem>>
      %dma_wait3A_1003 = tpu.memref_squeeze %dma_wait3A_1002 : memref<1x128xi32, #tpu.memory_space<vmem>> -> memref<128xi32, #tpu.memory_space<vmem>>
      %dma_wait3A_1004 = arith.constant 0 : i32
      %dma_wait3A_1005 = arith.constant 0 : i32
      %dma_wait3A_1006 = tpu.memref_slice %arg3[%dma_wait3A_1004, %dma_wait3A_1005] : memref<200000x64xf32, #tpu.memory_space<hbm>> -> memref<200000x64xf32, #tpu.memory_space<hbm>>
      tpu.wait_indirect_dma semaphore(%arg10 : memref<!tpu.dma_semaphore, #tpu.memory_space<semaphore_mem>>) src(%dma_wait3A_1006 : memref<200000x64xf32, #tpu.memory_space<hbm>>) dst(%dma_wait3A_1000 : memref<128x64xf32, #tpu.memory_space<vmem>>)
      %ge3A_1007 = arith.constant 5 : i32
      %ge3A_1008 = arith.cmpi sge, %add3A_995, %ge3A_1007 : i32
      %convert_element_type3A_1009 = arith.extui %ge3A_1008 : i1 to i32
      %cond3A_1010 = arith.constant 0 : i32
      %cond3A_1011 = arith.cmpi ne, %convert_element_type3A_1009, %cond3A_1010 : i32
      scf.if %cond3A_1011 {
        %dma_wait3A_1425 = arith.constant 2 : i32
        %dma_wait3A_1426 = arith.constant 0 : i32
        %dma_wait3A_1427 = arith.constant 0 : i32
        %dma_wait3A_1428 = arith.constant 0 : i32
        %dma_wait3A_1429 = arith.constant 0 : i32
        %dma_wait3A_1430 = tpu.memref_slice %arg7[%dma_wait3A_1425, %dma_wait3A_1429] : memref<5x8192xf32, #tpu.memory_space<vmem>> -> memref<1x1024xf32, #tpu.memory_space<vmem>>
        %dma_wait3A_1431 = tpu.memref_squeeze %dma_wait3A_1430 : memref<1x1024xf32, #tpu.memory_space<vmem>> -> memref<1024xf32, #tpu.memory_space<vmem>>
        %dma_wait3A_1432 = arith.constant 0 : i32
        %dma_wait3A_1433 = tpu.memref_slice %arg4[%dma_wait3A_1426, %dma_wait3A_1427, %dma_wait3A_1428, %dma_wait3A_1432] : memref<50x8x32x1024xf32, #tpu.memory_space<hbm>> -> memref<1x1x1x1024xf32, #tpu.memory_space<hbm>>
        %dma_wait3A_1434 = tpu.memref_squeeze %dma_wait3A_1433 : memref<1x1x1x1024xf32, #tpu.memory_space<hbm>> -> memref<1024xf32, #tpu.memory_space<hbm>>
        %dma_wait3A_1435 = arith.constant 0 : i32
        %dma_wait3A_1436 = tpu.memref_slice %arg4[%dma_wait3A_1426, %dma_wait3A_1427, %dma_wait3A_1428, %dma_wait3A_1435] : memref<50x8x32x1024xf32, #tpu.memory_space<hbm>> -> memref<1x1x1x1024xf32, #tpu.memory_space<hbm>>
        %dma_wait3A_1437 = tpu.memref_squeeze %dma_wait3A_1436 : memref<1x1x1x1024xf32, #tpu.memory_space<hbm>> -> memref<1024xf32, #tpu.memory_space<hbm>>
        %dma_wait3A_1438 = arith.constant 0 : i32
        %dma_wait3A_1439 = tpu.memref_slice %arg7[%dma_wait3A_1425, %dma_wait3A_1438] : memref<5x8192xf32, #tpu.memory_space<vmem>> -> memref<1x1024xf32, #tpu.memory_space<vmem>>
        %dma_wait3A_1440 = tpu.memref_squeeze %dma_wait3A_1439 : memref<1x1024xf32, #tpu.memory_space<vmem>> -> memref<1024xf32, #tpu.memory_space<vmem>>
        tpu.wait_dma2 semaphore(%arg15 : memref<!tpu.dma_semaphore, #tpu.memory_space<semaphore_mem>>) src(%dma_wait3A_1440 : memref<1024xf32, #tpu.memory_space<vmem>>) dst(%dma_wait3A_1437 : memref<1024xf32, #tpu.memory_space<hbm>>)
        %dma_wait3A_1441 = arith.constant 2 : i32
        %dma_wait3A_1442 = arith.constant 0 : i32
        %dma_wait3A_1443 = arith.constant 0 : i32
        %dma_wait3A_1444 = arith.constant 0 : i32
        %dma_wait3A_1445 = arith.constant 0 : i32
        %dma_wait3A_1446 = tpu.memref_slice %arg7[%dma_wait3A_1441, %dma_wait3A_1445] : memref<5x8192xf32, #tpu.memory_space<vmem>> -> memref<1x1024xf32, #tpu.memory_space<vmem>>
        %dma_wait3A_1447 = tpu.memref_squeeze %dma_wait3A_1446 : memref<1x1024xf32, #tpu.memory_space<vmem>> -> memref<1024xf32, #tpu.memory_space<vmem>>
        %dma_wait3A_1448 = arith.constant 0 : i32
        %dma_wait3A_1449 = tpu.memref_slice %arg4[%dma_wait3A_1442, %dma_wait3A_1443, %dma_wait3A_1444, %dma_wait3A_1448] : memref<50x8x32x1024xf32, #tpu.memory_space<hbm>> -> memref<1x1x1x1024xf32, #tpu.memory_space<hbm>>
        %dma_wait3A_1450 = tpu.memref_squeeze %dma_wait3A_1449 : memref<1x1x1x1024xf32, #tpu.memory_space<hbm>> -> memref<1024xf32, #tpu.memory_space<hbm>>
        %dma_wait3A_1451 = arith.constant 0 : i32
        %dma_wait3A_1452 = tpu.memref_slice %arg4[%dma_wait3A_1442, %dma_wait3A_1443, %dma_wait3A_1444, %dma_wait3A_1451] : memref<50x8x32x1024xf32, #tpu.memory_space<hbm>> -> memref<1x1x1x1024xf32, #tpu.memory_space<hbm>>
        %dma_wait3A_1453 = tpu.memref_squeeze %dma_wait3A_1452 : memref<1x1x1x1024xf32, #tpu.memory_space<hbm>> -> memref<1024xf32, #tpu.memory_space<hbm>>
        %dma_wait3A_1454 = arith.constant 0 : i32
        %dma_wait3A_1455 = tpu.memref_slice %arg7[%dma_wait3A_1441, %dma_wait3A_1454] : memref<5x8192xf32, #tpu.memory_space<vmem>> -> memref<1x1024xf32, #tpu.memory_space<vmem>>
        %dma_wait3A_1456 = tpu.memref_squeeze %dma_wait3A_1455 : memref<1x1024xf32, #tpu.memory_space<vmem>> -> memref<1024xf32, #tpu.memory_space<vmem>>
        tpu.wait_dma2 semaphore(%arg15 : memref<!tpu.dma_semaphore, #tpu.memory_space<semaphore_mem>>) src(%dma_wait3A_1456 : memref<1024xf32, #tpu.memory_space<vmem>>) dst(%dma_wait3A_1453 : memref<1024xf32, #tpu.memory_space<hbm>>)
        %dma_wait3A_1457 = arith.constant 2 : i32
        %dma_wait3A_1458 = arith.constant 0 : i32
        %dma_wait3A_1459 = arith.constant 0 : i32
        %dma_wait3A_1460 = arith.constant 0 : i32
        %dma_wait3A_1461 = arith.constant 0 : i32
        %dma_wait3A_1462 = tpu.memref_slice %arg7[%dma_wait3A_1457, %dma_wait3A_1461] : memref<5x8192xf32, #tpu.memory_space<vmem>> -> memref<1x1024xf32, #tpu.memory_space<vmem>>
        %dma_wait3A_1463 = tpu.memref_squeeze %dma_wait3A_1462 : memref<1x1024xf32, #tpu.memory_space<vmem>> -> memref<1024xf32, #tpu.memory_space<vmem>>
        %dma_wait3A_1464 = arith.constant 0 : i32
        %dma_wait3A_1465 = tpu.memref_slice %arg4[%dma_wait3A_1458, %dma_wait3A_1459, %dma_wait3A_1460, %dma_wait3A_1464] : memref<50x8x32x1024xf32, #tpu.memory_space<hbm>> -> memref<1x1x1x1024xf32, #tpu.memory_space<hbm>>
        %dma_wait3A_1466 = tpu.memref_squeeze %dma_wait3A_1465 : memref<1x1x1x1024xf32, #tpu.memory_space<hbm>> -> memref<1024xf32, #tpu.memory_space<hbm>>
        %dma_wait3A_1467 = arith.constant 0 : i32
        %dma_wait3A_1468 = tpu.memref_slice %arg4[%dma_wait3A_1458, %dma_wait3A_1459, %dma_wait3A_1460, %dma_wait3A_1467] : memref<50x8x32x1024xf32, #tpu.memory_space<hbm>> -> memref<1x1x1x1024xf32, #tpu.memory_space<hbm>>
        %dma_wait3A_1469 = tpu.memref_squeeze %dma_wait3A_1468 : memref<1x1x1x1024xf32, #tpu.memory_space<hbm>> -> memref<1024xf32, #tpu.memory_space<hbm>>
        %dma_wait3A_1470 = arith.constant 0 : i32
        %dma_wait3A_1471 = tpu.memref_slice %arg7[%dma_wait3A_1457, %dma_wait3A_1470] : memref<5x8192xf32, #tpu.memory_space<vmem>> -> memref<1x1024xf32, #tpu.memory_space<vmem>>
        %dma_wait3A_1472 = tpu.memref_squeeze %dma_wait3A_1471 : memref<1x1024xf32, #tpu.memory_space<vmem>> -> memref<1024xf32, #tpu.memory_space<vmem>>
        tpu.wait_dma2 semaphore(%arg15 : memref<!tpu.dma_semaphore, #tpu.memory_space<semaphore_mem>>) src(%dma_wait3A_1472 : memref<1024xf32, #tpu.memory_space<vmem>>) dst(%dma_wait3A_1469 : memref<1024xf32, #tpu.memory_space<hbm>>)
        %dma_wait3A_1473 = arith.constant 2 : i32
        %dma_wait3A_1474 = arith.constant 0 : i32
        %dma_wait3A_1475 = arith.constant 0 : i32
        %dma_wait3A_1476 = arith.constant 0 : i32
        %dma_wait3A_1477 = arith.constant 0 : i32
        %dma_wait3A_1478 = tpu.memref_slice %arg7[%dma_wait3A_1473, %dma_wait3A_1477] : memref<5x8192xf32, #tpu.memory_space<vmem>> -> memref<1x1024xf32, #tpu.memory_space<vmem>>
        %dma_wait3A_1479 = tpu.memref_squeeze %dma_wait3A_1478 : memref<1x1024xf32, #tpu.memory_space<vmem>> -> memref<1024xf32, #tpu.memory_space<vmem>>
        %dma_wait3A_1480 = arith.constant 0 : i32
        %dma_wait3A_1481 = tpu.memref_slice %arg4[%dma_wait3A_1474, %dma_wait3A_1475, %dma_wait3A_1476, %dma_wait3A_1480] : memref<50x8x32x1024xf32, #tpu.memory_space<hbm>> -> memref<1x1x1x1024xf32, #tpu.memory_space<hbm>>
        %dma_wait3A_1482 = tpu.memref_squeeze %dma_wait3A_1481 : memref<1x1x1x1024xf32, #tpu.memory_space<hbm>> -> memref<1024xf32, #tpu.memory_space<hbm>>
        %dma_wait3A_1483 = arith.constant 0 : i32
        %dma_wait3A_1484 = tpu.memref_slice %arg4[%dma_wait3A_1474, %dma_wait3A_1475, %dma_wait3A_1476, %dma_wait3A_1483] : memref<50x8x32x1024xf32, #tpu.memory_space<hbm>> -> memref<1x1x1x1024xf32, #tpu.memory_space<hbm>>
        %dma_wait3A_1485 = tpu.memref_squeeze %dma_wait3A_1484 : memref<1x1x1x1024xf32, #tpu.memory_space<hbm>> -> memref<1024xf32, #tpu.memory_space<hbm>>
        %dma_wait3A_1486 = arith.constant 0 : i32
        %dma_wait3A_1487 = tpu.memref_slice %arg7[%dma_wait3A_1473, %dma_wait3A_1486] : memref<5x8192xf32, #tpu.memory_space<vmem>> -> memref<1x1024xf32, #tpu.memory_space<vmem>>
        %dma_wait3A_1488 = tpu.memref_squeeze %dma_wait3A_1487 : memref<1x1024xf32, #tpu.memory_space<vmem>> -> memref<1024xf32, #tpu.memory_space<vmem>>
        tpu.wait_dma2 semaphore(%arg15 : memref<!tpu.dma_semaphore, #tpu.memory_space<semaphore_mem>>) src(%dma_wait3A_1488 : memref<1024xf32, #tpu.memory_space<vmem>>) dst(%dma_wait3A_1485 : memref<1024xf32, #tpu.memory_space<hbm>>)
        %dma_wait3A_1489 = arith.constant 2 : i32
        %dma_wait3A_1490 = arith.constant 0 : i32
        %dma_wait3A_1491 = arith.constant 0 : i32
        %dma_wait3A_1492 = arith.constant 0 : i32
        %dma_wait3A_1493 = arith.constant 0 : i32
        %dma_wait3A_1494 = tpu.memref_slice %arg7[%dma_wait3A_1489, %dma_wait3A_1493] : memref<5x8192xf32, #tpu.memory_space<vmem>> -> memref<1x1024xf32, #tpu.memory_space<vmem>>
        %dma_wait3A_1495 = tpu.memref_squeeze %dma_wait3A_1494 : memref<1x1024xf32, #tpu.memory_space<vmem>> -> memref<1024xf32, #tpu.memory_space<vmem>>
        %dma_wait3A_1496 = arith.constant 0 : i32
        %dma_wait3A_1497 = tpu.memref_slice %arg4[%dma_wait3A_1490, %dma_wait3A_1491, %dma_wait3A_1492, %dma_wait3A_1496] : memref<50x8x32x1024xf32, #tpu.memory_space<hbm>> -> memref<1x1x1x1024xf32, #tpu.memory_space<hbm>>
        %dma_wait3A_1498 = tpu.memref_squeeze %dma_wait3A_1497 : memref<1x1x1x1024xf32, #tpu.memory_space<hbm>> -> memref<1024xf32, #tpu.memory_space<hbm>>
        %dma_wait3A_1499 = arith.constant 0 : i32
        %dma_wait3A_1500 = tpu.memref_slice %arg4[%dma_wait3A_1490, %dma_wait3A_1491, %dma_wait3A_1492, %dma_wait3A_1499] : memref<50x8x32x1024xf32, #tpu.memory_space<hbm>> -> memref<1x1x1x1024xf32, #tpu.memory_space<hbm>>
        %dma_wait3A_1501 = tpu.memref_squeeze %dma_wait3A_1500 : memref<1x1x1x1024xf32, #tpu.memory_space<hbm>> -> memref<1024xf32, #tpu.memory_space<hbm>>
        %dma_wait3A_1502 = arith.constant 0 : i32
        %dma_wait3A_1503 = tpu.memref_slice %arg7[%dma_wait3A_1489, %dma_wait3A_1502] : memref<5x8192xf32, #tpu.memory_space<vmem>> -> memref<1x1024xf32, #tpu.memory_space<vmem>>
        %dma_wait3A_1504 = tpu.memref_squeeze %dma_wait3A_1503 : memref<1x1024xf32, #tpu.memory_space<vmem>> -> memref<1024xf32, #tpu.memory_space<vmem>>
        tpu.wait_dma2 semaphore(%arg15 : memref<!tpu.dma_semaphore, #tpu.memory_space<semaphore_mem>>) src(%dma_wait3A_1504 : memref<1024xf32, #tpu.memory_space<vmem>>) dst(%dma_wait3A_1501 : memref<1024xf32, #tpu.memory_space<hbm>>)
        %dma_wait3A_1505 = arith.constant 2 : i32
        %dma_wait3A_1506 = arith.constant 0 : i32
        %dma_wait3A_1507 = arith.constant 0 : i32
        %dma_wait3A_1508 = arith.constant 0 : i32
        %dma_wait3A_1509 = arith.constant 0 : i32
        %dma_wait3A_1510 = tpu.memref_slice %arg7[%dma_wait3A_1505, %dma_wait3A_1509] : memref<5x8192xf32, #tpu.memory_space<vmem>> -> memref<1x1024xf32, #tpu.memory_space<vmem>>
        %dma_wait3A_1511 = tpu.memref_squeeze %dma_wait3A_1510 : memref<1x1024xf32, #tpu.memory_space<vmem>> -> memref<1024xf32, #tpu.memory_space<vmem>>
        %dma_wait3A_1512 = arith.constant 0 : i32
        %dma_wait3A_1513 = tpu.memref_slice %arg4[%dma_wait3A_1506, %dma_wait3A_1507, %dma_wait3A_1508, %dma_wait3A_1512] : memref<50x8x32x1024xf32, #tpu.memory_space<hbm>> -> memref<1x1x1x1024xf32, #tpu.memory_space<hbm>>
        %dma_wait3A_1514 = tpu.memref_squeeze %dma_wait3A_1513 : memref<1x1x1x1024xf32, #tpu.memory_space<hbm>> -> memref<1024xf32, #tpu.memory_space<hbm>>
        %dma_wait3A_1515 = arith.constant 0 : i32
        %dma_wait3A_1516 = tpu.memref_slice %arg4[%dma_wait3A_1506, %dma_wait3A_1507, %dma_wait3A_1508, %dma_wait3A_1515] : memref<50x8x32x1024xf32, #tpu.memory_space<hbm>> -> memref<1x1x1x1024xf32, #tpu.memory_space<hbm>>
        %dma_wait3A_1517 = tpu.memref_squeeze %dma_wait3A_1516 : memref<1x1x1x1024xf32, #tpu.memory_space<hbm>> -> memref<1024xf32, #tpu.memory_space<hbm>>
        %dma_wait3A_1518 = arith.constant 0 : i32
        %dma_wait3A_1519 = tpu.memref_slice %arg7[%dma_wait3A_1505, %dma_wait3A_1518] : memref<5x8192xf32, #tpu.memory_space<vmem>> -> memref<1x1024xf32, #tpu.memory_space<vmem>>
        %dma_wait3A_1520 = tpu.memref_squeeze %dma_wait3A_1519 : memref<1x1024xf32, #tpu.memory_space<vmem>> -> memref<1024xf32, #tpu.memory_space<vmem>>
        tpu.wait_dma2 semaphore(%arg15 : memref<!tpu.dma_semaphore, #tpu.memory_space<semaphore_mem>>) src(%dma_wait3A_1520 : memref<1024xf32, #tpu.memory_space<vmem>>) dst(%dma_wait3A_1517 : memref<1024xf32, #tpu.memory_space<hbm>>)
        %dma_wait3A_1521 = arith.constant 2 : i32
        %dma_wait3A_1522 = arith.constant 0 : i32
        %dma_wait3A_1523 = arith.constant 0 : i32
        %dma_wait3A_1524 = arith.constant 0 : i32
        %dma_wait3A_1525 = arith.constant 0 : i32
        %dma_wait3A_1526 = tpu.memref_slice %arg7[%dma_wait3A_1521, %dma_wait3A_1525] : memref<5x8192xf32, #tpu.memory_space<vmem>> -> memref<1x1024xf32, #tpu.memory_space<vmem>>
        %dma_wait3A_1527 = tpu.memref_squeeze %dma_wait3A_1526 : memref<1x1024xf32, #tpu.memory_space<vmem>> -> memref<1024xf32, #tpu.memory_space<vmem>>
        %dma_wait3A_1528 = arith.constant 0 : i32
        %dma_wait3A_1529 = tpu.memref_slice %arg4[%dma_wait3A_1522, %dma_wait3A_1523, %dma_wait3A_1524, %dma_wait3A_1528] : memref<50x8x32x1024xf32, #tpu.memory_space<hbm>> -> memref<1x1x1x1024xf32, #tpu.memory_space<hbm>>
        %dma_wait3A_1530 = tpu.memref_squeeze %dma_wait3A_1529 : memref<1x1x1x1024xf32, #tpu.memory_space<hbm>> -> memref<1024xf32, #tpu.memory_space<hbm>>
        %dma_wait3A_1531 = arith.constant 0 : i32
        %dma_wait3A_1532 = tpu.memref_slice %arg4[%dma_wait3A_1522, %dma_wait3A_1523, %dma_wait3A_1524, %dma_wait3A_1531] : memref<50x8x32x1024xf32, #tpu.memory_space<hbm>> -> memref<1x1x1x1024xf32, #tpu.memory_space<hbm>>
        %dma_wait3A_1533 = tpu.memref_squeeze %dma_wait3A_1532 : memref<1x1x1x1024xf32, #tpu.memory_space<hbm>> -> memref<1024xf32, #tpu.memory_space<hbm>>
        %dma_wait3A_1534 = arith.constant 0 : i32
        %dma_wait3A_1535 = tpu.memref_slice %arg7[%dma_wait3A_1521, %dma_wait3A_1534] : memref<5x8192xf32, #tpu.memory_space<vmem>> -> memref<1x1024xf32, #tpu.memory_space<vmem>>
        %dma_wait3A_1536 = tpu.memref_squeeze %dma_wait3A_1535 : memref<1x1024xf32, #tpu.memory_space<vmem>> -> memref<1024xf32, #tpu.memory_space<vmem>>
        tpu.wait_dma2 semaphore(%arg15 : memref<!tpu.dma_semaphore, #tpu.memory_space<semaphore_mem>>) src(%dma_wait3A_1536 : memref<1024xf32, #tpu.memory_space<vmem>>) dst(%dma_wait3A_1533 : memref<1024xf32, #tpu.memory_space<hbm>>)
        %dma_wait3A_1537 = arith.constant 2 : i32
        %dma_wait3A_1538 = arith.constant 0 : i32
        %dma_wait3A_1539 = arith.constant 0 : i32
        %dma_wait3A_1540 = arith.constant 0 : i32
        %dma_wait3A_1541 = arith.constant 0 : i32
        %dma_wait3A_1542 = tpu.memref_slice %arg7[%dma_wait3A_1537, %dma_wait3A_1541] : memref<5x8192xf32, #tpu.memory_space<vmem>> -> memref<1x1024xf32, #tpu.memory_space<vmem>>
        %dma_wait3A_1543 = tpu.memref_squeeze %dma_wait3A_1542 : memref<1x1024xf32, #tpu.memory_space<vmem>> -> memref<1024xf32, #tpu.memory_space<vmem>>
        %dma_wait3A_1544 = arith.constant 0 : i32
        %dma_wait3A_1545 = tpu.memref_slice %arg4[%dma_wait3A_1538, %dma_wait3A_1539, %dma_wait3A_1540, %dma_wait3A_1544] : memref<50x8x32x1024xf32, #tpu.memory_space<hbm>> -> memref<1x1x1x1024xf32, #tpu.memory_space<hbm>>
        %dma_wait3A_1546 = tpu.memref_squeeze %dma_wait3A_1545 : memref<1x1x1x1024xf32, #tpu.memory_space<hbm>> -> memref<1024xf32, #tpu.memory_space<hbm>>
        %dma_wait3A_1547 = arith.constant 0 : i32
        %dma_wait3A_1548 = tpu.memref_slice %arg4[%dma_wait3A_1538, %dma_wait3A_1539, %dma_wait3A_1540, %dma_wait3A_1547] : memref<50x8x32x1024xf32, #tpu.memory_space<hbm>> -> memref<1x1x1x1024xf32, #tpu.memory_space<hbm>>
        %dma_wait3A_1549 = tpu.memref_squeeze %dma_wait3A_1548 : memref<1x1x1x1024xf32, #tpu.memory_space<hbm>> -> memref<1024xf32, #tpu.memory_space<hbm>>
        %dma_wait3A_1550 = arith.constant 0 : i32
        %dma_wait3A_1551 = tpu.memref_slice %arg7[%dma_wait3A_1537, %dma_wait3A_1550] : memref<5x8192xf32, #tpu.memory_space<vmem>> -> memref<1x1024xf32, #tpu.memory_space<vmem>>
        %dma_wait3A_1552 = tpu.memref_squeeze %dma_wait3A_1551 : memref<1x1024xf32, #tpu.memory_space<vmem>> -> memref<1024xf32, #tpu.memory_space<vmem>>
        tpu.wait_dma2 semaphore(%arg15 : memref<!tpu.dma_semaphore, #tpu.memory_space<semaphore_mem>>) src(%dma_wait3A_1552 : memref<1024xf32, #tpu.memory_space<vmem>>) dst(%dma_wait3A_1549 : memref<1024xf32, #tpu.memory_space<hbm>>)
      } else {
      }
      %parallel_loop3A_1012 = arith.constant 0 : i32
      %parallel_loop3A_1013 = arith.constant 64 : i32
      %parallel_loop3A_1014 = arith.constant 1 : i32
      %parallel_loop3A_1015 = arith.constant 2 : i32
      %parallel_loop3A_1016 = arith.constant 2 : i32
      scf.for %parallel_loop3A_1425 = %parallel_loop3A_1012 to %parallel_loop3A_1013 step %parallel_loop3A_1014  : i32 {
        %parallel_loop3A_1426 = vector.broadcast %parallel_loop3A_1425 : i32 to vector<16xi32>
        %parallel_loop3A_1427 = arith.addi %parallel_loop3A_1426, %iota3A : vector<16xi32>
        %parallel_loop3A_1428 = arith.constant 63 : i32
        %parallel_loop3A_1429 = vector.broadcast %parallel_loop3A_1428 : i32 to vector<16xi32>
        %parallel_loop3A_1430 = arith.andi %parallel_loop3A_1427, %parallel_loop3A_1429 : vector<16xi32>
        %parallel_loop3A_1431 = arith.constant 128 : i32
        %parallel_loop3A_1432 = vector.broadcast %parallel_loop3A_1431 : i32 to vector<16xi32>
        %parallel_loop3A_1433 = arith.muli %parallel_loop3A_1430, %parallel_loop3A_1432 : vector<16xi32>
        %parallel_loop3A_1434 = arith.constant 0 : i32
        %parallel_loop3A_1435 = vector.broadcast %parallel_loop3A_1434 : i32 to vector<16xi32>
        %parallel_loop3A_1436 = arith.addi %iota3A, %parallel_loop3A_1435 : vector<16xi32>
        %parallel_loop3A_1437 = arith.constant 0 : i32
        %parallel_loop3A_1438 = arith.constant 0 : i32
        %parallel_loop3A_1439 = tpu.memref_slice %arg6[%parallel_loop3A_1015, %parallel_loop3A_1437, %parallel_loop3A_1438] : memref<5x128x64xf32, #tpu.memory_space<vmem>> -> memref<1x128x64xf32, #tpu.memory_space<vmem>>
        %parallel_loop3A_1440 = tpu.memref_squeeze %parallel_loop3A_1439 : memref<1x128x64xf32, #tpu.memory_space<vmem>> -> memref<128x64xf32, #tpu.memory_space<vmem>>
        %parallel_loop3A_1441 = tpu.vector_load_idx %parallel_loop3A_1440[%parallel_loop3A_1436, %parallel_loop3A_1430] : memref<128x64xf32, #tpu.memory_space<vmem>>[vector<16xi32>, vector<16xi32>], vector<16xf32>,
        %parallel_loop3A_1442 = arith.addi %parallel_loop3A_1433, %parallel_loop3A_1436 : vector<16xi32>
        %parallel_loop3A_1443 = arith.constant 0 : i32
        %parallel_loop3A_1444 = tpu.memref_slice %arg7[%parallel_loop3A_1016, %parallel_loop3A_1443] : memref<5x8192xf32, #tpu.memory_space<vmem>> -> memref<1x8192xf32, #tpu.memory_space<vmem>>
        %parallel_loop3A_1445 = tpu.memref_squeeze %parallel_loop3A_1444 : memref<1x8192xf32, #tpu.memory_space<vmem>> -> memref<8192xf32, #tpu.memory_space<vmem>>
        tpu.vector_store_idx %parallel_loop3A_1445[%parallel_loop3A_1442], %parallel_loop3A_1441 : memref<8192xf32, #tpu.memory_space<vmem>>[vector<16xi32>], vector<16xf32>,
        %parallel_loop3A_1446 = arith.constant 16 : i32
        %parallel_loop3A_1447 = vector.broadcast %parallel_loop3A_1446 : i32 to vector<16xi32>
        %parallel_loop3A_1448 = arith.addi %iota3A, %parallel_loop3A_1447 : vector<16xi32>
        %parallel_loop3A_1449 = arith.constant 0 : i32
        %parallel_loop3A_1450 = arith.constant 0 : i32
        %parallel_loop3A_1451 = tpu.memref_slice %arg6[%parallel_loop3A_1015, %parallel_loop3A_1449, %parallel_loop3A_1450] : memref<5x128x64xf32, #tpu.memory_space<vmem>> -> memref<1x128x64xf32, #tpu.memory_space<vmem>>
        %parallel_loop3A_1452 = tpu.memref_squeeze %parallel_loop3A_1451 : memref<1x128x64xf32, #tpu.memory_space<vmem>> -> memref<128x64xf32, #tpu.memory_space<vmem>>
        %parallel_loop3A_1453 = tpu.vector_load_idx %parallel_loop3A_1452[%parallel_loop3A_1448, %parallel_loop3A_1430] : memref<128x64xf32, #tpu.memory_space<vmem>>[vector<16xi32>, vector<16xi32>], vector<16xf32>,
        %parallel_loop3A_1454 = arith.addi %parallel_loop3A_1433, %parallel_loop3A_1448 : vector<16xi32>
        %parallel_loop3A_1455 = arith.constant 0 : i32
        %parallel_loop3A_1456 = tpu.memref_slice %arg7[%parallel_loop3A_1016, %parallel_loop3A_1455] : memref<5x8192xf32, #tpu.memory_space<vmem>> -> memref<1x8192xf32, #tpu.memory_space<vmem>>
        %parallel_loop3A_1457 = tpu.memref_squeeze %parallel_loop3A_1456 : memref<1x8192xf32, #tpu.memory_space<vmem>> -> memref<8192xf32, #tpu.memory_space<vmem>>
        tpu.vector_store_idx %parallel_loop3A_1457[%parallel_loop3A_1454], %parallel_loop3A_1453 : memref<8192xf32, #tpu.memory_space<vmem>>[vector<16xi32>], vector<16xf32>,
        %parallel_loop3A_1458 = arith.constant 32 : i32
        %parallel_loop3A_1459 = vector.broadcast %parallel_loop3A_1458 : i32 to vector<16xi32>
        %parallel_loop3A_1460 = arith.addi %iota3A, %parallel_loop3A_1459 : vector<16xi32>
        %parallel_loop3A_1461 = arith.constant 0 : i32
        %parallel_loop3A_1462 = arith.constant 0 : i32
        %parallel_loop3A_1463 = tpu.memref_slice %arg6[%parallel_loop3A_1015, %parallel_loop3A_1461, %parallel_loop3A_1462] : memref<5x128x64xf32, #tpu.memory_space<vmem>> -> memref<1x128x64xf32, #tpu.memory_space<vmem>>
        %parallel_loop3A_1464 = tpu.memref_squeeze %parallel_loop3A_1463 : memref<1x128x64xf32, #tpu.memory_space<vmem>> -> memref<128x64xf32, #tpu.memory_space<vmem>>
        %parallel_loop3A_1465 = tpu.vector_load_idx %parallel_loop3A_1464[%parallel_loop3A_1460, %parallel_loop3A_1430] : memref<128x64xf32, #tpu.memory_space<vmem>>[vector<16xi32>, vector<16xi32>], vector<16xf32>,
        %parallel_loop3A_1466 = arith.addi %parallel_loop3A_1433, %parallel_loop3A_1460 : vector<16xi32>
        %parallel_loop3A_1467 = arith.constant 0 : i32
        %parallel_loop3A_1468 = tpu.memref_slice %arg7[%parallel_loop3A_1016, %parallel_loop3A_1467] : memref<5x8192xf32, #tpu.memory_space<vmem>> -> memref<1x8192xf32, #tpu.memory_space<vmem>>
        %parallel_loop3A_1469 = tpu.memref_squeeze %parallel_loop3A_1468 : memref<1x8192xf32, #tpu.memory_space<vmem>> -> memref<8192xf32, #tpu.memory_space<vmem>>
        tpu.vector_store_idx %parallel_loop3A_1469[%parallel_loop3A_1466], %parallel_loop3A_1465 : memref<8192xf32, #tpu.memory_space<vmem>>[vector<16xi32>], vector<16xf32>,
        %parallel_loop3A_1470 = arith.constant 48 : i32
        %parallel_loop3A_1471 = vector.broadcast %parallel_loop3A_1470 : i32 to vector<16xi32>
        %parallel_loop3A_1472 = arith.addi %iota3A, %parallel_loop3A_1471 : vector<16xi32>
        %parallel_loop3A_1473 = arith.constant 0 : i32
        %parallel_loop3A_1474 = arith.constant 0 : i32
        %parallel_loop3A_1475 = tpu.memref_slice %arg6[%parallel_loop3A_1015, %parallel_loop3A_1473, %parallel_loop3A_1474] : memref<5x128x64xf32, #tpu.memory_space<vmem>> -> memref<1x128x64xf32, #tpu.memory_space<vmem>>
        %parallel_loop3A_1476 = tpu.memref_squeeze %parallel_loop3A_1475 : memref<1x128x64xf32, #tpu.memory_space<vmem>> -> memref<128x64xf32, #tpu.memory_space<vmem>>
        %parallel_loop3A_1477 = tpu.vector_load_idx %parallel_loop3A_1476[%parallel_loop3A_1472, %parallel_loop3A_1430] : memref<128x64xf32, #tpu.memory_space<vmem>>[vector<16xi32>, vector<16xi32>], vector<16xf32>,
        %parallel_loop3A_1478 = arith.addi %parallel_loop3A_1433, %parallel_loop3A_1472 : vector<16xi32>
        %parallel_loop3A_1479 = arith.constant 0 : i32
        %parallel_loop3A_1480 = tpu.memref_slice %arg7[%parallel_loop3A_1016, %parallel_loop3A_1479] : memref<5x8192xf32, #tpu.memory_space<vmem>> -> memref<1x8192xf32, #tpu.memory_space<vmem>>
        %parallel_loop3A_1481 = tpu.memref_squeeze %parallel_loop3A_1480 : memref<1x8192xf32, #tpu.memory_space<vmem>> -> memref<8192xf32, #tpu.memory_space<vmem>>
        tpu.vector_store_idx %parallel_loop3A_1481[%parallel_loop3A_1478], %parallel_loop3A_1477 : memref<8192xf32, #tpu.memory_space<vmem>>[vector<16xi32>], vector<16xf32>,
        %parallel_loop3A_1482 = arith.constant 64 : i32
        %parallel_loop3A_1483 = vector.broadcast %parallel_loop3A_1482 : i32 to vector<16xi32>
        %parallel_loop3A_1484 = arith.addi %iota3A, %parallel_loop3A_1483 : vector<16xi32>
        %parallel_loop3A_1485 = arith.constant 0 : i32
        %parallel_loop3A_1486 = arith.constant 0 : i32
        %parallel_loop3A_1487 = tpu.memref_slice %arg6[%parallel_loop3A_1015, %parallel_loop3A_1485, %parallel_loop3A_1486] : memref<5x128x64xf32, #tpu.memory_space<vmem>> -> memref<1x128x64xf32, #tpu.memory_space<vmem>>
        %parallel_loop3A_1488 = tpu.memref_squeeze %parallel_loop3A_1487 : memref<1x128x64xf32, #tpu.memory_space<vmem>> -> memref<128x64xf32, #tpu.memory_space<vmem>>
        %parallel_loop3A_1489 = tpu.vector_load_idx %parallel_loop3A_1488[%parallel_loop3A_1484, %parallel_loop3A_1430] : memref<128x64xf32, #tpu.memory_space<vmem>>[vector<16xi32>, vector<16xi32>], vector<16xf32>,
        %parallel_loop3A_1490 = arith.addi %parallel_loop3A_1433, %parallel_loop3A_1484 : vector<16xi32>
        %parallel_loop3A_1491 = arith.constant 0 : i32
        %parallel_loop3A_1492 = tpu.memref_slice %arg7[%parallel_loop3A_1016, %parallel_loop3A_1491] : memref<5x8192xf32, #tpu.memory_space<vmem>> -> memref<1x8192xf32, #tpu.memory_space<vmem>>
        %parallel_loop3A_1493 = tpu.memref_squeeze %parallel_loop3A_1492 : memref<1x8192xf32, #tpu.memory_space<vmem>> -> memref<8192xf32, #tpu.memory_space<vmem>>
        tpu.vector_store_idx %parallel_loop3A_1493[%parallel_loop3A_1490], %parallel_loop3A_1489 : memref<8192xf32, #tpu.memory_space<vmem>>[vector<16xi32>], vector<16xf32>,
        %parallel_loop3A_1494 = arith.constant 80 : i32
        %parallel_loop3A_1495 = vector.broadcast %parallel_loop3A_1494 : i32 to vector<16xi32>
        %parallel_loop3A_1496 = arith.addi %iota3A, %parallel_loop3A_1495 : vector<16xi32>
        %parallel_loop3A_1497 = arith.constant 0 : i32
        %parallel_loop3A_1498 = arith.constant 0 : i32
        %parallel_loop3A_1499 = tpu.memref_slice %arg6[%parallel_loop3A_1015, %parallel_loop3A_1497, %parallel_loop3A_1498] : memref<5x128x64xf32, #tpu.memory_space<vmem>> -> memref<1x128x64xf32, #tpu.memory_space<vmem>>
        %parallel_loop3A_1500 = tpu.memref_squeeze %parallel_loop3A_1499 : memref<1x128x64xf32, #tpu.memory_space<vmem>> -> memref<128x64xf32, #tpu.memory_space<vmem>>
        %parallel_loop3A_1501 = tpu.vector_load_idx %parallel_loop3A_1500[%parallel_loop3A_1496, %parallel_loop3A_1430] : memref<128x64xf32, #tpu.memory_space<vmem>>[vector<16xi32>, vector<16xi32>], vector<16xf32>,
        %parallel_loop3A_1502 = arith.addi %parallel_loop3A_1433, %parallel_loop3A_1496 : vector<16xi32>
        %parallel_loop3A_1503 = arith.constant 0 : i32
        %parallel_loop3A_1504 = tpu.memref_slice %arg7[%parallel_loop3A_1016, %parallel_loop3A_1503] : memref<5x8192xf32, #tpu.memory_space<vmem>> -> memref<1x8192xf32, #tpu.memory_space<vmem>>
        %parallel_loop3A_1505 = tpu.memref_squeeze %parallel_loop3A_1504 : memref<1x8192xf32, #tpu.memory_space<vmem>> -> memref<8192xf32, #tpu.memory_space<vmem>>
        tpu.vector_store_idx %parallel_loop3A_1505[%parallel_loop3A_1502], %parallel_loop3A_1501 : memref<8192xf32, #tpu.memory_space<vmem>>[vector<16xi32>], vector<16xf32>,
        %parallel_loop3A_1506 = arith.constant 96 : i32
        %parallel_loop3A_1507 = vector.broadcast %parallel_loop3A_1506 : i32 to vector<16xi32>
        %parallel_loop3A_1508 = arith.addi %iota3A, %parallel_loop3A_1507 : vector<16xi32>
        %parallel_loop3A_1509 = arith.constant 0 : i32
        %parallel_loop3A_1510 = arith.constant 0 : i32
        %parallel_loop3A_1511 = tpu.memref_slice %arg6[%parallel_loop3A_1015, %parallel_loop3A_1509, %parallel_loop3A_1510] : memref<5x128x64xf32, #tpu.memory_space<vmem>> -> memref<1x128x64xf32, #tpu.memory_space<vmem>>
        %parallel_loop3A_1512 = tpu.memref_squeeze %parallel_loop3A_1511 : memref<1x128x64xf32, #tpu.memory_space<vmem>> -> memref<128x64xf32, #tpu.memory_space<vmem>>
        %parallel_loop3A_1513 = tpu.vector_load_idx %parallel_loop3A_1512[%parallel_loop3A_1508, %parallel_loop3A_1430] : memref<128x64xf32, #tpu.memory_space<vmem>>[vector<16xi32>, vector<16xi32>], vector<16xf32>,
        %parallel_loop3A_1514 = arith.addi %parallel_loop3A_1433, %parallel_loop3A_1508 : vector<16xi32>
        %parallel_loop3A_1515 = arith.constant 0 : i32
        %parallel_loop3A_1516 = tpu.memref_slice %arg7[%parallel_loop3A_1016, %parallel_loop3A_1515] : memref<5x8192xf32, #tpu.memory_space<vmem>> -> memref<1x8192xf32, #tpu.memory_space<vmem>>
        %parallel_loop3A_1517 = tpu.memref_squeeze %parallel_loop3A_1516 : memref<1x8192xf32, #tpu.memory_space<vmem>> -> memref<8192xf32, #tpu.memory_space<vmem>>
        tpu.vector_store_idx %parallel_loop3A_1517[%parallel_loop3A_1514], %parallel_loop3A_1513 : memref<8192xf32, #tpu.memory_space<vmem>>[vector<16xi32>], vector<16xf32>,
        %parallel_loop3A_1518 = arith.constant 112 : i32
        %parallel_loop3A_1519 = vector.broadcast %parallel_loop3A_1518 : i32 to vector<16xi32>
        %parallel_loop3A_1520 = arith.addi %iota3A, %parallel_loop3A_1519 : vector<16xi32>
        %parallel_loop3A_1521 = arith.constant 0 : i32
        %parallel_loop3A_1522 = arith.constant 0 : i32
        %parallel_loop3A_1523 = tpu.memref_slice %arg6[%parallel_loop3A_1015, %parallel_loop3A_1521, %parallel_loop3A_1522] : memref<5x128x64xf32, #tpu.memory_space<vmem>> -> memref<1x128x64xf32, #tpu.memory_space<vmem>>
        %parallel_loop3A_1524 = tpu.memref_squeeze %parallel_loop3A_1523 : memref<1x128x64xf32, #tpu.memory_space<vmem>> -> memref<128x64xf32, #tpu.memory_space<vmem>>
        %parallel_loop3A_1525 = tpu.vector_load_idx %parallel_loop3A_1524[%parallel_loop3A_1520, %parallel_loop3A_1430] : memref<128x64xf32, #tpu.memory_space<vmem>>[vector<16xi32>, vector<16xi32>], vector<16xf32>,
        %parallel_loop3A_1526 = arith.addi %parallel_loop3A_1433, %parallel_loop3A_1520 : vector<16xi32>
        %parallel_loop3A_1527 = arith.constant 0 : i32
        %parallel_loop3A_1528 = tpu.memref_slice %arg7[%parallel_loop3A_1016, %parallel_loop3A_1527] : memref<5x8192xf32, #tpu.memory_space<vmem>> -> memref<1x8192xf32, #tpu.memory_space<vmem>>
        %parallel_loop3A_1529 = tpu.memref_squeeze %parallel_loop3A_1528 : memref<1x8192xf32, #tpu.memory_space<vmem>> -> memref<8192xf32, #tpu.memory_space<vmem>>
        tpu.vector_store_idx %parallel_loop3A_1529[%parallel_loop3A_1526], %parallel_loop3A_1525 : memref<8192xf32, #tpu.memory_space<vmem>>[vector<16xi32>], vector<16xf32>,
      } {sc.loop_unroll_factor = 8 : i64, sc.parallel_access}
      %add3A_1017 = arith.constant 5 : i32
      %add3A_1018 = arith.addi %add3A_995, %add3A_1017 : i32
      %lt3A_1019 = arith.constant 50 : i32
      %lt3A_1020 = arith.cmpi slt, %add3A_1018, %lt3A_1019 : i32
      %convert_element_type3A_1021 = arith.extui %lt3A_1020 : i1 to i32
      %cond3A_1022 = arith.constant 0 : i32
      %cond3A_1023 = arith.cmpi ne, %convert_element_type3A_1021, %cond3A_1022 : i32
      scf.if %cond3A_1023 {
        %add3A_1425 = arith.constant 5 : i32
        %add3A_1426 = arith.addi %add3A_995, %add3A_1425 : i32
        %dma_start3A_1427 = arith.constant 2 : i32
        %dma_start3A_1428 = arith.constant 0 : i32
        %dma_start3A_1429 = arith.constant 0 : i32
        %dma_start3A_1430 = tpu.memref_slice %arg6[%dma_start3A_1427, %dma_start3A_1428, %dma_start3A_1429] : memref<5x128x64xf32, #tpu.memory_space<vmem>> -> memref<1x128x64xf32, #tpu.memory_space<vmem>>
        %dma_start3A_1431 = tpu.memref_squeeze %dma_start3A_1430 : memref<1x128x64xf32, #tpu.memory_space<vmem>> -> memref<128x64xf32, #tpu.memory_space<vmem>>
        %dma_start3A_1432 = arith.constant 0 : i32
        %dma_start3A_1433 = tpu.memref_slice %arg5[%add3A_1426, %dma_start3A_1432] : memref<50x128xi32, #tpu.memory_space<vmem>> -> memref<1x128xi32, #tpu.memory_space<vmem>>
        %dma_start3A_1434 = tpu.memref_squeeze %dma_start3A_1433 : memref<1x128xi32, #tpu.memory_space<vmem>> -> memref<128xi32, #tpu.memory_space<vmem>>
        %dma_start3A_1435 = arith.constant 0 : i32
        %dma_start3A_1436 = arith.constant 0 : i32
        %dma_start3A_1437 = tpu.memref_slice %arg3[%dma_start3A_1435, %dma_start3A_1436] : memref<200000x64xf32, #tpu.memory_space<hbm>> -> memref<200000x64xf32, #tpu.memory_space<hbm>>
        tpu.enqueue_indirect_dma source(%dma_start3A_1437 : memref<200000x64xf32, #tpu.memory_space<hbm>>) target(%dma_start3A_1431 : memref<128x64xf32, #tpu.memory_space<vmem>>) offsets(%dma_start3A_1434 : memref<128xi32, #tpu.memory_space<vmem>>) semaphore(%arg10 : memref<!tpu.dma_semaphore, #tpu.memory_space<semaphore_mem>>)
      } else {
      }
      %dma_start3A_1024 = arith.constant 2 : i32
      %dma_start3A_1025 = arith.constant 0 : i32
      %dma_start3A_1026 = arith.constant 0 : i32
      %dma_start3A_1027 = tpu.memref_slice %arg7[%dma_start3A_1024, %dma_start3A_1026] : memref<5x8192xf32, #tpu.memory_space<vmem>> -> memref<1x1024xf32, #tpu.memory_space<vmem>>
      %dma_start3A_1028 = tpu.memref_squeeze %dma_start3A_1027 : memref<1x1024xf32, #tpu.memory_space<vmem>> -> memref<1024xf32, #tpu.memory_space<vmem>>
      %dma_start3A_1029 = arith.constant 0 : i32
      %dma_start3A_1030 = tpu.memref_slice %arg4[%add3A_995, %dma_start3A_1025, %add3A, %dma_start3A_1029] : memref<50x8x32x1024xf32, #tpu.memory_space<hbm>> -> memref<1x1x1x1024xf32, #tpu.memory_space<hbm>>
      %dma_start3A_1031 = tpu.memref_squeeze %dma_start3A_1030 : memref<1x1x1x1024xf32, #tpu.memory_space<hbm>> -> memref<1024xf32, #tpu.memory_space<hbm>>
      %dma_start3A_1032 = arith.constant 0 : i32
      %dma_start3A_1033 = tpu.memref_slice %arg4[%add3A_995, %dma_start3A_1025, %add3A, %dma_start3A_1032] : memref<50x8x32x1024xf32, #tpu.memory_space<hbm>> -> memref<1x1x1x1024xf32, #tpu.memory_space<hbm>>
      %dma_start3A_1034 = tpu.memref_squeeze %dma_start3A_1033 : memref<1x1x1x1024xf32, #tpu.memory_space<hbm>> -> memref<1024xf32, #tpu.memory_space<hbm>>
      %dma_start3A_1035 = arith.constant 0 : i32
      %dma_start3A_1036 = tpu.memref_slice %arg7[%dma_start3A_1024, %dma_start3A_1035] : memref<5x8192xf32, #tpu.memory_space<vmem>> -> memref<1x1024xf32, #tpu.memory_space<vmem>>
      %dma_start3A_1037 = tpu.memref_squeeze %dma_start3A_1036 : memref<1x1024xf32, #tpu.memory_space<vmem>> -> memref<1024xf32, #tpu.memory_space<vmem>>
      tpu.enqueue_dma source(%dma_start3A_1037 : memref<1024xf32, #tpu.memory_space<vmem>>) target(%dma_start3A_1034 : memref<1024xf32, #tpu.memory_space<hbm>>) target_semaphore(%arg15 : memref<!tpu.dma_semaphore, #tpu.memory_space<semaphore_mem>>)
      %dma_start3A_1038 = arith.constant 2 : i32
      %dma_start3A_1039 = arith.constant 1 : i32
      %dma_start3A_1040 = arith.constant 1024 : i32
      %dma_start3A_1041 = tpu.memref_slice %arg7[%dma_start3A_1038, %dma_start3A_1040] : memref<5x8192xf32, #tpu.memory_space<vmem>> -> memref<1x1024xf32, #tpu.memory_space<vmem>>
      %dma_start3A_1042 = tpu.memref_squeeze %dma_start3A_1041 : memref<1x1024xf32, #tpu.memory_space<vmem>> -> memref<1024xf32, #tpu.memory_space<vmem>>
      %dma_start3A_1043 = arith.constant 0 : i32
      %dma_start3A_1044 = tpu.memref_slice %arg4[%add3A_995, %dma_start3A_1039, %add3A, %dma_start3A_1043] : memref<50x8x32x1024xf32, #tpu.memory_space<hbm>> -> memref<1x1x1x1024xf32, #tpu.memory_space<hbm>>
      %dma_start3A_1045 = tpu.memref_squeeze %dma_start3A_1044 : memref<1x1x1x1024xf32, #tpu.memory_space<hbm>> -> memref<1024xf32, #tpu.memory_space<hbm>>
      %dma_start3A_1046 = arith.constant 0 : i32
      %dma_start3A_1047 = tpu.memref_slice %arg4[%add3A_995, %dma_start3A_1039, %add3A, %dma_start3A_1046] : memref<50x8x32x1024xf32, #tpu.memory_space<hbm>> -> memref<1x1x1x1024xf32, #tpu.memory_space<hbm>>
      %dma_start3A_1048 = tpu.memref_squeeze %dma_start3A_1047 : memref<1x1x1x1024xf32, #tpu.memory_space<hbm>> -> memref<1024xf32, #tpu.memory_space<hbm>>
      %dma_start3A_1049 = arith.constant 1024 : i32
      %dma_start3A_1050 = tpu.memref_slice %arg7[%dma_start3A_1038, %dma_start3A_1049] : memref<5x8192xf32, #tpu.memory_space<vmem>> -> memref<1x1024xf32, #tpu.memory_space<vmem>>
      %dma_start3A_1051 = tpu.memref_squeeze %dma_start3A_1050 : memref<1x1024xf32, #tpu.memory_space<vmem>> -> memref<1024xf32, #tpu.memory_space<vmem>>
      tpu.enqueue_dma source(%dma_start3A_1051 : memref<1024xf32, #tpu.memory_space<vmem>>) target(%dma_start3A_1048 : memref<1024xf32, #tpu.memory_space<hbm>>) target_semaphore(%arg15 : memref<!tpu.dma_semaphore, #tpu.memory_space<semaphore_mem>>)
      %dma_start3A_1052 = arith.constant 2 : i32
      %dma_start3A_1053 = arith.constant 2 : i32
      %dma_start3A_1054 = arith.constant 2048 : i32
      %dma_start3A_1055 = tpu.memref_slice %arg7[%dma_start3A_1052, %dma_start3A_1054] : memref<5x8192xf32, #tpu.memory_space<vmem>> -> memref<1x1024xf32, #tpu.memory_space<vmem>>
      %dma_start3A_1056 = tpu.memref_squeeze %dma_start3A_1055 : memref<1x1024xf32, #tpu.memory_space<vmem>> -> memref<1024xf32, #tpu.memory_space<vmem>>
      %dma_start3A_1057 = arith.constant 0 : i32
      %dma_start3A_1058 = tpu.memref_slice %arg4[%add3A_995, %dma_start3A_1053, %add3A, %dma_start3A_1057] : memref<50x8x32x1024xf32, #tpu.memory_space<hbm>> -> memref<1x1x1x1024xf32, #tpu.memory_space<hbm>>
      %dma_start3A_1059 = tpu.memref_squeeze %dma_start3A_1058 : memref<1x1x1x1024xf32, #tpu.memory_space<hbm>> -> memref<1024xf32, #tpu.memory_space<hbm>>
      %dma_start3A_1060 = arith.constant 0 : i32
      %dma_start3A_1061 = tpu.memref_slice %arg4[%add3A_995, %dma_start3A_1053, %add3A, %dma_start3A_1060] : memref<50x8x32x1024xf32, #tpu.memory_space<hbm>> -> memref<1x1x1x1024xf32, #tpu.memory_space<hbm>>
      %dma_start3A_1062 = tpu.memref_squeeze %dma_start3A_1061 : memref<1x1x1x1024xf32, #tpu.memory_space<hbm>> -> memref<1024xf32, #tpu.memory_space<hbm>>
      %dma_start3A_1063 = arith.constant 2048 : i32
      %dma_start3A_1064 = tpu.memref_slice %arg7[%dma_start3A_1052, %dma_start3A_1063] : memref<5x8192xf32, #tpu.memory_space<vmem>> -> memref<1x1024xf32, #tpu.memory_space<vmem>>
      %dma_start3A_1065 = tpu.memref_squeeze %dma_start3A_1064 : memref<1x1024xf32, #tpu.memory_space<vmem>> -> memref<1024xf32, #tpu.memory_space<vmem>>
      tpu.enqueue_dma source(%dma_start3A_1065 : memref<1024xf32, #tpu.memory_space<vmem>>) target(%dma_start3A_1062 : memref<1024xf32, #tpu.memory_space<hbm>>) target_semaphore(%arg15 : memref<!tpu.dma_semaphore, #tpu.memory_space<semaphore_mem>>)
      %dma_start3A_1066 = arith.constant 2 : i32
      %dma_start3A_1067 = arith.constant 3 : i32
      %dma_start3A_1068 = arith.constant 3072 : i32
      %dma_start3A_1069 = tpu.memref_slice %arg7[%dma_start3A_1066, %dma_start3A_1068] : memref<5x8192xf32, #tpu.memory_space<vmem>> -> memref<1x1024xf32, #tpu.memory_space<vmem>>
      %dma_start3A_1070 = tpu.memref_squeeze %dma_start3A_1069 : memref<1x1024xf32, #tpu.memory_space<vmem>> -> memref<1024xf32, #tpu.memory_space<vmem>>
      %dma_start3A_1071 = arith.constant 0 : i32
      %dma_start3A_1072 = tpu.memref_slice %arg4[%add3A_995, %dma_start3A_1067, %add3A, %dma_start3A_1071] : memref<50x8x32x1024xf32, #tpu.memory_space<hbm>> -> memref<1x1x1x1024xf32, #tpu.memory_space<hbm>>
      %dma_start3A_1073 = tpu.memref_squeeze %dma_start3A_1072 : memref<1x1x1x1024xf32, #tpu.memory_space<hbm>> -> memref<1024xf32, #tpu.memory_space<hbm>>
      %dma_start3A_1074 = arith.constant 0 : i32
      %dma_start3A_1075 = tpu.memref_slice %arg4[%add3A_995, %dma_start3A_1067, %add3A, %dma_start3A_1074] : memref<50x8x32x1024xf32, #tpu.memory_space<hbm>> -> memref<1x1x1x1024xf32, #tpu.memory_space<hbm>>
      %dma_start3A_1076 = tpu.memref_squeeze %dma_start3A_1075 : memref<1x1x1x1024xf32, #tpu.memory_space<hbm>> -> memref<1024xf32, #tpu.memory_space<hbm>>
      %dma_start3A_1077 = arith.constant 3072 : i32
      %dma_start3A_1078 = tpu.memref_slice %arg7[%dma_start3A_1066, %dma_start3A_1077] : memref<5x8192xf32, #tpu.memory_space<vmem>> -> memref<1x1024xf32, #tpu.memory_space<vmem>>
      %dma_start3A_1079 = tpu.memref_squeeze %dma_start3A_1078 : memref<1x1024xf32, #tpu.memory_space<vmem>> -> memref<1024xf32, #tpu.memory_space<vmem>>
      tpu.enqueue_dma source(%dma_start3A_1079 : memref<1024xf32, #tpu.memory_space<vmem>>) target(%dma_start3A_1076 : memref<1024xf32, #tpu.memory_space<hbm>>) target_semaphore(%arg15 : memref<!tpu.dma_semaphore, #tpu.memory_space<semaphore_mem>>)
      %dma_start3A_1080 = arith.constant 2 : i32
      %dma_start3A_1081 = arith.constant 4 : i32
      %dma_start3A_1082 = arith.constant 4096 : i32
      %dma_start3A_1083 = tpu.memref_slice %arg7[%dma_start3A_1080, %dma_start3A_1082] : memref<5x8192xf32, #tpu.memory_space<vmem>> -> memref<1x1024xf32, #tpu.memory_space<vmem>>
      %dma_start3A_1084 = tpu.memref_squeeze %dma_start3A_1083 : memref<1x1024xf32, #tpu.memory_space<vmem>> -> memref<1024xf32, #tpu.memory_space<vmem>>
      %dma_start3A_1085 = arith.constant 0 : i32
      %dma_start3A_1086 = tpu.memref_slice %arg4[%add3A_995, %dma_start3A_1081, %add3A, %dma_start3A_1085] : memref<50x8x32x1024xf32, #tpu.memory_space<hbm>> -> memref<1x1x1x1024xf32, #tpu.memory_space<hbm>>
      %dma_start3A_1087 = tpu.memref_squeeze %dma_start3A_1086 : memref<1x1x1x1024xf32, #tpu.memory_space<hbm>> -> memref<1024xf32, #tpu.memory_space<hbm>>
      %dma_start3A_1088 = arith.constant 0 : i32
      %dma_start3A_1089 = tpu.memref_slice %arg4[%add3A_995, %dma_start3A_1081, %add3A, %dma_start3A_1088] : memref<50x8x32x1024xf32, #tpu.memory_space<hbm>> -> memref<1x1x1x1024xf32, #tpu.memory_space<hbm>>
      %dma_start3A_1090 = tpu.memref_squeeze %dma_start3A_1089 : memref<1x1x1x1024xf32, #tpu.memory_space<hbm>> -> memref<1024xf32, #tpu.memory_space<hbm>>
      %dma_start3A_1091 = arith.constant 4096 : i32
      %dma_start3A_1092 = tpu.memref_slice %arg7[%dma_start3A_1080, %dma_start3A_1091] : memref<5x8192xf32, #tpu.memory_space<vmem>> -> memref<1x1024xf32, #tpu.memory_space<vmem>>
      %dma_start3A_1093 = tpu.memref_squeeze %dma_start3A_1092 : memref<1x1024xf32, #tpu.memory_space<vmem>> -> memref<1024xf32, #tpu.memory_space<vmem>>
      tpu.enqueue_dma source(%dma_start3A_1093 : memref<1024xf32, #tpu.memory_space<vmem>>) target(%dma_start3A_1090 : memref<1024xf32, #tpu.memory_space<hbm>>) target_semaphore(%arg15 : memref<!tpu.dma_semaphore, #tpu.memory_space<semaphore_mem>>)
      %dma_start3A_1094 = arith.constant 2 : i32
      %dma_start3A_1095 = arith.constant 5 : i32
      %dma_start3A_1096 = arith.constant 5120 : i32
      %dma_start3A_1097 = tpu.memref_slice %arg7[%dma_start3A_1094, %dma_start3A_1096] : memref<5x8192xf32, #tpu.memory_space<vmem>> -> memref<1x1024xf32, #tpu.memory_space<vmem>>
      %dma_start3A_1098 = tpu.memref_squeeze %dma_start3A_1097 : memref<1x1024xf32, #tpu.memory_space<vmem>> -> memref<1024xf32, #tpu.memory_space<vmem>>
      %dma_start3A_1099 = arith.constant 0 : i32
      %dma_start3A_1100 = tpu.memref_slice %arg4[%add3A_995, %dma_start3A_1095, %add3A, %dma_start3A_1099] : memref<50x8x32x1024xf32, #tpu.memory_space<hbm>> -> memref<1x1x1x1024xf32, #tpu.memory_space<hbm>>
      %dma_start3A_1101 = tpu.memref_squeeze %dma_start3A_1100 : memref<1x1x1x1024xf32, #tpu.memory_space<hbm>> -> memref<1024xf32, #tpu.memory_space<hbm>>
      %dma_start3A_1102 = arith.constant 0 : i32
      %dma_start3A_1103 = tpu.memref_slice %arg4[%add3A_995, %dma_start3A_1095, %add3A, %dma_start3A_1102] : memref<50x8x32x1024xf32, #tpu.memory_space<hbm>> -> memref<1x1x1x1024xf32, #tpu.memory_space<hbm>>
      %dma_start3A_1104 = tpu.memref_squeeze %dma_start3A_1103 : memref<1x1x1x1024xf32, #tpu.memory_space<hbm>> -> memref<1024xf32, #tpu.memory_space<hbm>>
      %dma_start3A_1105 = arith.constant 5120 : i32
      %dma_start3A_1106 = tpu.memref_slice %arg7[%dma_start3A_1094, %dma_start3A_1105] : memref<5x8192xf32, #tpu.memory_space<vmem>> -> memref<1x1024xf32, #tpu.memory_space<vmem>>
      %dma_start3A_1107 = tpu.memref_squeeze %dma_start3A_1106 : memref<1x1024xf32, #tpu.memory_space<vmem>> -> memref<1024xf32, #tpu.memory_space<vmem>>
      tpu.enqueue_dma source(%dma_start3A_1107 : memref<1024xf32, #tpu.memory_space<vmem>>) target(%dma_start3A_1104 : memref<1024xf32, #tpu.memory_space<hbm>>) target_semaphore(%arg15 : memref<!tpu.dma_semaphore, #tpu.memory_space<semaphore_mem>>)
      %dma_start3A_1108 = arith.constant 2 : i32
      %dma_start3A_1109 = arith.constant 6 : i32
      %dma_start3A_1110 = arith.constant 6144 : i32
      %dma_start3A_1111 = tpu.memref_slice %arg7[%dma_start3A_1108, %dma_start3A_1110] : memref<5x8192xf32, #tpu.memory_space<vmem>> -> memref<1x1024xf32, #tpu.memory_space<vmem>>
      %dma_start3A_1112 = tpu.memref_squeeze %dma_start3A_1111 : memref<1x1024xf32, #tpu.memory_space<vmem>> -> memref<1024xf32, #tpu.memory_space<vmem>>
      %dma_start3A_1113 = arith.constant 0 : i32
      %dma_start3A_1114 = tpu.memref_slice %arg4[%add3A_995, %dma_start3A_1109, %add3A, %dma_start3A_1113] : memref<50x8x32x1024xf32, #tpu.memory_space<hbm>> -> memref<1x1x1x1024xf32, #tpu.memory_space<hbm>>
      %dma_start3A_1115 = tpu.memref_squeeze %dma_start3A_1114 : memref<1x1x1x1024xf32, #tpu.memory_space<hbm>> -> memref<1024xf32, #tpu.memory_space<hbm>>
      %dma_start3A_1116 = arith.constant 0 : i32
      %dma_start3A_1117 = tpu.memref_slice %arg4[%add3A_995, %dma_start3A_1109, %add3A, %dma_start3A_1116] : memref<50x8x32x1024xf32, #tpu.memory_space<hbm>> -> memref<1x1x1x1024xf32, #tpu.memory_space<hbm>>
      %dma_start3A_1118 = tpu.memref_squeeze %dma_start3A_1117 : memref<1x1x1x1024xf32, #tpu.memory_space<hbm>> -> memref<1024xf32, #tpu.memory_space<hbm>>
      %dma_start3A_1119 = arith.constant 6144 : i32
      %dma_start3A_1120 = tpu.memref_slice %arg7[%dma_start3A_1108, %dma_start3A_1119] : memref<5x8192xf32, #tpu.memory_space<vmem>> -> memref<1x1024xf32, #tpu.memory_space<vmem>>
      %dma_start3A_1121 = tpu.memref_squeeze %dma_start3A_1120 : memref<1x1024xf32, #tpu.memory_space<vmem>> -> memref<1024xf32, #tpu.memory_space<vmem>>
      tpu.enqueue_dma source(%dma_start3A_1121 : memref<1024xf32, #tpu.memory_space<vmem>>) target(%dma_start3A_1118 : memref<1024xf32, #tpu.memory_space<hbm>>) target_semaphore(%arg15 : memref<!tpu.dma_semaphore, #tpu.memory_space<semaphore_mem>>)
      %dma_start3A_1122 = arith.constant 2 : i32
      %dma_start3A_1123 = arith.constant 7 : i32
      %dma_start3A_1124 = arith.constant 7168 : i32
      %dma_start3A_1125 = tpu.memref_slice %arg7[%dma_start3A_1122, %dma_start3A_1124] : memref<5x8192xf32, #tpu.memory_space<vmem>> -> memref<1x1024xf32, #tpu.memory_space<vmem>>
      %dma_start3A_1126 = tpu.memref_squeeze %dma_start3A_1125 : memref<1x1024xf32, #tpu.memory_space<vmem>> -> memref<1024xf32, #tpu.memory_space<vmem>>
      %dma_start3A_1127 = arith.constant 0 : i32
      %dma_start3A_1128 = tpu.memref_slice %arg4[%add3A_995, %dma_start3A_1123, %add3A, %dma_start3A_1127] : memref<50x8x32x1024xf32, #tpu.memory_space<hbm>> -> memref<1x1x1x1024xf32, #tpu.memory_space<hbm>>
      %dma_start3A_1129 = tpu.memref_squeeze %dma_start3A_1128 : memref<1x1x1x1024xf32, #tpu.memory_space<hbm>> -> memref<1024xf32, #tpu.memory_space<hbm>>
      %dma_start3A_1130 = arith.constant 0 : i32
      %dma_start3A_1131 = tpu.memref_slice %arg4[%add3A_995, %dma_start3A_1123, %add3A, %dma_start3A_1130] : memref<50x8x32x1024xf32, #tpu.memory_space<hbm>> -> memref<1x1x1x1024xf32, #tpu.memory_space<hbm>>
      %dma_start3A_1132 = tpu.memref_squeeze %dma_start3A_1131 : memref<1x1x1x1024xf32, #tpu.memory_space<hbm>> -> memref<1024xf32, #tpu.memory_space<hbm>>
      %dma_start3A_1133 = arith.constant 7168 : i32
      %dma_start3A_1134 = tpu.memref_slice %arg7[%dma_start3A_1122, %dma_start3A_1133] : memref<5x8192xf32, #tpu.memory_space<vmem>> -> memref<1x1024xf32, #tpu.memory_space<vmem>>
      %dma_start3A_1135 = tpu.memref_squeeze %dma_start3A_1134 : memref<1x1024xf32, #tpu.memory_space<vmem>> -> memref<1024xf32, #tpu.memory_space<vmem>>
      tpu.enqueue_dma source(%dma_start3A_1135 : memref<1024xf32, #tpu.memory_space<vmem>>) target(%dma_start3A_1132 : memref<1024xf32, #tpu.memory_space<hbm>>) target_semaphore(%arg15 : memref<!tpu.dma_semaphore, #tpu.memory_space<semaphore_mem>>)
      %mul3A_1136 = arith.constant 5 : i32
      %mul3A_1137 = arith.muli %scan3A_707, %mul3A_1136 : i32
      %add3A_1138 = arith.constant 3 : i32
      %add3A_1139 = arith.addi %mul3A_1137, %add3A_1138 : i32
      %dma_wait3A_1140 = arith.constant 3 : i32
      %dma_wait3A_1141 = arith.constant 0 : i32
      %dma_wait3A_1142 = arith.constant 0 : i32
      %dma_wait3A_1143 = tpu.memref_slice %arg6[%dma_wait3A_1140, %dma_wait3A_1141, %dma_wait3A_1142] : memref<5x128x64xf32, #tpu.memory_space<vmem>> -> memref<1x128x64xf32, #tpu.memory_space<vmem>>
      %dma_wait3A_1144 = tpu.memref_squeeze %dma_wait3A_1143 : memref<1x128x64xf32, #tpu.memory_space<vmem>> -> memref<128x64xf32, #tpu.memory_space<vmem>>
      %dma_wait3A_1145 = arith.constant 0 : i32
      %dma_wait3A_1146 = tpu.memref_slice %arg5[%add3A_1139, %dma_wait3A_1145] : memref<50x128xi32, #tpu.memory_space<vmem>> -> memref<1x128xi32, #tpu.memory_space<vmem>>
      %dma_wait3A_1147 = tpu.memref_squeeze %dma_wait3A_1146 : memref<1x128xi32, #tpu.memory_space<vmem>> -> memref<128xi32, #tpu.memory_space<vmem>>
      %dma_wait3A_1148 = arith.constant 0 : i32
      %dma_wait3A_1149 = arith.constant 0 : i32
      %dma_wait3A_1150 = tpu.memref_slice %arg3[%dma_wait3A_1148, %dma_wait3A_1149] : memref<200000x64xf32, #tpu.memory_space<hbm>> -> memref<200000x64xf32, #tpu.memory_space<hbm>>
      tpu.wait_indirect_dma semaphore(%arg11 : memref<!tpu.dma_semaphore, #tpu.memory_space<semaphore_mem>>) src(%dma_wait3A_1150 : memref<200000x64xf32, #tpu.memory_space<hbm>>) dst(%dma_wait3A_1144 : memref<128x64xf32, #tpu.memory_space<vmem>>)
      %ge3A_1151 = arith.constant 5 : i32
      %ge3A_1152 = arith.cmpi sge, %add3A_1139, %ge3A_1151 : i32
      %convert_element_type3A_1153 = arith.extui %ge3A_1152 : i1 to i32
      %cond3A_1154 = arith.constant 0 : i32
      %cond3A_1155 = arith.cmpi ne, %convert_element_type3A_1153, %cond3A_1154 : i32
      scf.if %cond3A_1155 {
        %dma_wait3A_1425 = arith.constant 3 : i32
        %dma_wait3A_1426 = arith.constant 0 : i32
        %dma_wait3A_1427 = arith.constant 0 : i32
        %dma_wait3A_1428 = arith.constant 0 : i32
        %dma_wait3A_1429 = arith.constant 0 : i32
        %dma_wait3A_1430 = tpu.memref_slice %arg7[%dma_wait3A_1425, %dma_wait3A_1429] : memref<5x8192xf32, #tpu.memory_space<vmem>> -> memref<1x1024xf32, #tpu.memory_space<vmem>>
        %dma_wait3A_1431 = tpu.memref_squeeze %dma_wait3A_1430 : memref<1x1024xf32, #tpu.memory_space<vmem>> -> memref<1024xf32, #tpu.memory_space<vmem>>
        %dma_wait3A_1432 = arith.constant 0 : i32
        %dma_wait3A_1433 = tpu.memref_slice %arg4[%dma_wait3A_1426, %dma_wait3A_1427, %dma_wait3A_1428, %dma_wait3A_1432] : memref<50x8x32x1024xf32, #tpu.memory_space<hbm>> -> memref<1x1x1x1024xf32, #tpu.memory_space<hbm>>
        %dma_wait3A_1434 = tpu.memref_squeeze %dma_wait3A_1433 : memref<1x1x1x1024xf32, #tpu.memory_space<hbm>> -> memref<1024xf32, #tpu.memory_space<hbm>>
        %dma_wait3A_1435 = arith.constant 0 : i32
        %dma_wait3A_1436 = tpu.memref_slice %arg4[%dma_wait3A_1426, %dma_wait3A_1427, %dma_wait3A_1428, %dma_wait3A_1435] : memref<50x8x32x1024xf32, #tpu.memory_space<hbm>> -> memref<1x1x1x1024xf32, #tpu.memory_space<hbm>>
        %dma_wait3A_1437 = tpu.memref_squeeze %dma_wait3A_1436 : memref<1x1x1x1024xf32, #tpu.memory_space<hbm>> -> memref<1024xf32, #tpu.memory_space<hbm>>
        %dma_wait3A_1438 = arith.constant 0 : i32
        %dma_wait3A_1439 = tpu.memref_slice %arg7[%dma_wait3A_1425, %dma_wait3A_1438] : memref<5x8192xf32, #tpu.memory_space<vmem>> -> memref<1x1024xf32, #tpu.memory_space<vmem>>
        %dma_wait3A_1440 = tpu.memref_squeeze %dma_wait3A_1439 : memref<1x1024xf32, #tpu.memory_space<vmem>> -> memref<1024xf32, #tpu.memory_space<vmem>>
        tpu.wait_dma2 semaphore(%arg16 : memref<!tpu.dma_semaphore, #tpu.memory_space<semaphore_mem>>) src(%dma_wait3A_1440 : memref<1024xf32, #tpu.memory_space<vmem>>) dst(%dma_wait3A_1437 : memref<1024xf32, #tpu.memory_space<hbm>>)
        %dma_wait3A_1441 = arith.constant 3 : i32
        %dma_wait3A_1442 = arith.constant 0 : i32
        %dma_wait3A_1443 = arith.constant 0 : i32
        %dma_wait3A_1444 = arith.constant 0 : i32
        %dma_wait3A_1445 = arith.constant 0 : i32
        %dma_wait3A_1446 = tpu.memref_slice %arg7[%dma_wait3A_1441, %dma_wait3A_1445] : memref<5x8192xf32, #tpu.memory_space<vmem>> -> memref<1x1024xf32, #tpu.memory_space<vmem>>
        %dma_wait3A_1447 = tpu.memref_squeeze %dma_wait3A_1446 : memref<1x1024xf32, #tpu.memory_space<vmem>> -> memref<1024xf32, #tpu.memory_space<vmem>>
        %dma_wait3A_1448 = arith.constant 0 : i32
        %dma_wait3A_1449 = tpu.memref_slice %arg4[%dma_wait3A_1442, %dma_wait3A_1443, %dma_wait3A_1444, %dma_wait3A_1448] : memref<50x8x32x1024xf32, #tpu.memory_space<hbm>> -> memref<1x1x1x1024xf32, #tpu.memory_space<hbm>>
        %dma_wait3A_1450 = tpu.memref_squeeze %dma_wait3A_1449 : memref<1x1x1x1024xf32, #tpu.memory_space<hbm>> -> memref<1024xf32, #tpu.memory_space<hbm>>
        %dma_wait3A_1451 = arith.constant 0 : i32
        %dma_wait3A_1452 = tpu.memref_slice %arg4[%dma_wait3A_1442, %dma_wait3A_1443, %dma_wait3A_1444, %dma_wait3A_1451] : memref<50x8x32x1024xf32, #tpu.memory_space<hbm>> -> memref<1x1x1x1024xf32, #tpu.memory_space<hbm>>
        %dma_wait3A_1453 = tpu.memref_squeeze %dma_wait3A_1452 : memref<1x1x1x1024xf32, #tpu.memory_space<hbm>> -> memref<1024xf32, #tpu.memory_space<hbm>>
        %dma_wait3A_1454 = arith.constant 0 : i32
        %dma_wait3A_1455 = tpu.memref_slice %arg7[%dma_wait3A_1441, %dma_wait3A_1454] : memref<5x8192xf32, #tpu.memory_space<vmem>> -> memref<1x1024xf32, #tpu.memory_space<vmem>>
        %dma_wait3A_1456 = tpu.memref_squeeze %dma_wait3A_1455 : memref<1x1024xf32, #tpu.memory_space<vmem>> -> memref<1024xf32, #tpu.memory_space<vmem>>
        tpu.wait_dma2 semaphore(%arg16 : memref<!tpu.dma_semaphore, #tpu.memory_space<semaphore_mem>>) src(%dma_wait3A_1456 : memref<1024xf32, #tpu.memory_space<vmem>>) dst(%dma_wait3A_1453 : memref<1024xf32, #tpu.memory_space<hbm>>)
        %dma_wait3A_1457 = arith.constant 3 : i32
        %dma_wait3A_1458 = arith.constant 0 : i32
        %dma_wait3A_1459 = arith.constant 0 : i32
        %dma_wait3A_1460 = arith.constant 0 : i32
        %dma_wait3A_1461 = arith.constant 0 : i32
        %dma_wait3A_1462 = tpu.memref_slice %arg7[%dma_wait3A_1457, %dma_wait3A_1461] : memref<5x8192xf32, #tpu.memory_space<vmem>> -> memref<1x1024xf32, #tpu.memory_space<vmem>>
        %dma_wait3A_1463 = tpu.memref_squeeze %dma_wait3A_1462 : memref<1x1024xf32, #tpu.memory_space<vmem>> -> memref<1024xf32, #tpu.memory_space<vmem>>
        %dma_wait3A_1464 = arith.constant 0 : i32
        %dma_wait3A_1465 = tpu.memref_slice %arg4[%dma_wait3A_1458, %dma_wait3A_1459, %dma_wait3A_1460, %dma_wait3A_1464] : memref<50x8x32x1024xf32, #tpu.memory_space<hbm>> -> memref<1x1x1x1024xf32, #tpu.memory_space<hbm>>
        %dma_wait3A_1466 = tpu.memref_squeeze %dma_wait3A_1465 : memref<1x1x1x1024xf32, #tpu.memory_space<hbm>> -> memref<1024xf32, #tpu.memory_space<hbm>>
        %dma_wait3A_1467 = arith.constant 0 : i32
        %dma_wait3A_1468 = tpu.memref_slice %arg4[%dma_wait3A_1458, %dma_wait3A_1459, %dma_wait3A_1460, %dma_wait3A_1467] : memref<50x8x32x1024xf32, #tpu.memory_space<hbm>> -> memref<1x1x1x1024xf32, #tpu.memory_space<hbm>>
        %dma_wait3A_1469 = tpu.memref_squeeze %dma_wait3A_1468 : memref<1x1x1x1024xf32, #tpu.memory_space<hbm>> -> memref<1024xf32, #tpu.memory_space<hbm>>
        %dma_wait3A_1470 = arith.constant 0 : i32
        %dma_wait3A_1471 = tpu.memref_slice %arg7[%dma_wait3A_1457, %dma_wait3A_1470] : memref<5x8192xf32, #tpu.memory_space<vmem>> -> memref<1x1024xf32, #tpu.memory_space<vmem>>
        %dma_wait3A_1472 = tpu.memref_squeeze %dma_wait3A_1471 : memref<1x1024xf32, #tpu.memory_space<vmem>> -> memref<1024xf32, #tpu.memory_space<vmem>>
        tpu.wait_dma2 semaphore(%arg16 : memref<!tpu.dma_semaphore, #tpu.memory_space<semaphore_mem>>) src(%dma_wait3A_1472 : memref<1024xf32, #tpu.memory_space<vmem>>) dst(%dma_wait3A_1469 : memref<1024xf32, #tpu.memory_space<hbm>>)
        %dma_wait3A_1473 = arith.constant 3 : i32
        %dma_wait3A_1474 = arith.constant 0 : i32
        %dma_wait3A_1475 = arith.constant 0 : i32
        %dma_wait3A_1476 = arith.constant 0 : i32
        %dma_wait3A_1477 = arith.constant 0 : i32
        %dma_wait3A_1478 = tpu.memref_slice %arg7[%dma_wait3A_1473, %dma_wait3A_1477] : memref<5x8192xf32, #tpu.memory_space<vmem>> -> memref<1x1024xf32, #tpu.memory_space<vmem>>
        %dma_wait3A_1479 = tpu.memref_squeeze %dma_wait3A_1478 : memref<1x1024xf32, #tpu.memory_space<vmem>> -> memref<1024xf32, #tpu.memory_space<vmem>>
        %dma_wait3A_1480 = arith.constant 0 : i32
        %dma_wait3A_1481 = tpu.memref_slice %arg4[%dma_wait3A_1474, %dma_wait3A_1475, %dma_wait3A_1476, %dma_wait3A_1480] : memref<50x8x32x1024xf32, #tpu.memory_space<hbm>> -> memref<1x1x1x1024xf32, #tpu.memory_space<hbm>>
        %dma_wait3A_1482 = tpu.memref_squeeze %dma_wait3A_1481 : memref<1x1x1x1024xf32, #tpu.memory_space<hbm>> -> memref<1024xf32, #tpu.memory_space<hbm>>
        %dma_wait3A_1483 = arith.constant 0 : i32
        %dma_wait3A_1484 = tpu.memref_slice %arg4[%dma_wait3A_1474, %dma_wait3A_1475, %dma_wait3A_1476, %dma_wait3A_1483] : memref<50x8x32x1024xf32, #tpu.memory_space<hbm>> -> memref<1x1x1x1024xf32, #tpu.memory_space<hbm>>
        %dma_wait3A_1485 = tpu.memref_squeeze %dma_wait3A_1484 : memref<1x1x1x1024xf32, #tpu.memory_space<hbm>> -> memref<1024xf32, #tpu.memory_space<hbm>>
        %dma_wait3A_1486 = arith.constant 0 : i32
        %dma_wait3A_1487 = tpu.memref_slice %arg7[%dma_wait3A_1473, %dma_wait3A_1486] : memref<5x8192xf32, #tpu.memory_space<vmem>> -> memref<1x1024xf32, #tpu.memory_space<vmem>>
        %dma_wait3A_1488 = tpu.memref_squeeze %dma_wait3A_1487 : memref<1x1024xf32, #tpu.memory_space<vmem>> -> memref<1024xf32, #tpu.memory_space<vmem>>
        tpu.wait_dma2 semaphore(%arg16 : memref<!tpu.dma_semaphore, #tpu.memory_space<semaphore_mem>>) src(%dma_wait3A_1488 : memref<1024xf32, #tpu.memory_space<vmem>>) dst(%dma_wait3A_1485 : memref<1024xf32, #tpu.memory_space<hbm>>)
        %dma_wait3A_1489 = arith.constant 3 : i32
        %dma_wait3A_1490 = arith.constant 0 : i32
        %dma_wait3A_1491 = arith.constant 0 : i32
        %dma_wait3A_1492 = arith.constant 0 : i32
        %dma_wait3A_1493 = arith.constant 0 : i32
        %dma_wait3A_1494 = tpu.memref_slice %arg7[%dma_wait3A_1489, %dma_wait3A_1493] : memref<5x8192xf32, #tpu.memory_space<vmem>> -> memref<1x1024xf32, #tpu.memory_space<vmem>>
        %dma_wait3A_1495 = tpu.memref_squeeze %dma_wait3A_1494 : memref<1x1024xf32, #tpu.memory_space<vmem>> -> memref<1024xf32, #tpu.memory_space<vmem>>
        %dma_wait3A_1496 = arith.constant 0 : i32
        %dma_wait3A_1497 = tpu.memref_slice %arg4[%dma_wait3A_1490, %dma_wait3A_1491, %dma_wait3A_1492, %dma_wait3A_1496] : memref<50x8x32x1024xf32, #tpu.memory_space<hbm>> -> memref<1x1x1x1024xf32, #tpu.memory_space<hbm>>
        %dma_wait3A_1498 = tpu.memref_squeeze %dma_wait3A_1497 : memref<1x1x1x1024xf32, #tpu.memory_space<hbm>> -> memref<1024xf32, #tpu.memory_space<hbm>>
        %dma_wait3A_1499 = arith.constant 0 : i32
        %dma_wait3A_1500 = tpu.memref_slice %arg4[%dma_wait3A_1490, %dma_wait3A_1491, %dma_wait3A_1492, %dma_wait3A_1499] : memref<50x8x32x1024xf32, #tpu.memory_space<hbm>> -> memref<1x1x1x1024xf32, #tpu.memory_space<hbm>>
        %dma_wait3A_1501 = tpu.memref_squeeze %dma_wait3A_1500 : memref<1x1x1x1024xf32, #tpu.memory_space<hbm>> -> memref<1024xf32, #tpu.memory_space<hbm>>
        %dma_wait3A_1502 = arith.constant 0 : i32
        %dma_wait3A_1503 = tpu.memref_slice %arg7[%dma_wait3A_1489, %dma_wait3A_1502] : memref<5x8192xf32, #tpu.memory_space<vmem>> -> memref<1x1024xf32, #tpu.memory_space<vmem>>
        %dma_wait3A_1504 = tpu.memref_squeeze %dma_wait3A_1503 : memref<1x1024xf32, #tpu.memory_space<vmem>> -> memref<1024xf32, #tpu.memory_space<vmem>>
        tpu.wait_dma2 semaphore(%arg16 : memref<!tpu.dma_semaphore, #tpu.memory_space<semaphore_mem>>) src(%dma_wait3A_1504 : memref<1024xf32, #tpu.memory_space<vmem>>) dst(%dma_wait3A_1501 : memref<1024xf32, #tpu.memory_space<hbm>>)
        %dma_wait3A_1505 = arith.constant 3 : i32
        %dma_wait3A_1506 = arith.constant 0 : i32
        %dma_wait3A_1507 = arith.constant 0 : i32
        %dma_wait3A_1508 = arith.constant 0 : i32
        %dma_wait3A_1509 = arith.constant 0 : i32
        %dma_wait3A_1510 = tpu.memref_slice %arg7[%dma_wait3A_1505, %dma_wait3A_1509] : memref<5x8192xf32, #tpu.memory_space<vmem>> -> memref<1x1024xf32, #tpu.memory_space<vmem>>
        %dma_wait3A_1511 = tpu.memref_squeeze %dma_wait3A_1510 : memref<1x1024xf32, #tpu.memory_space<vmem>> -> memref<1024xf32, #tpu.memory_space<vmem>>
        %dma_wait3A_1512 = arith.constant 0 : i32
        %dma_wait3A_1513 = tpu.memref_slice %arg4[%dma_wait3A_1506, %dma_wait3A_1507, %dma_wait3A_1508, %dma_wait3A_1512] : memref<50x8x32x1024xf32, #tpu.memory_space<hbm>> -> memref<1x1x1x1024xf32, #tpu.memory_space<hbm>>
        %dma_wait3A_1514 = tpu.memref_squeeze %dma_wait3A_1513 : memref<1x1x1x1024xf32, #tpu.memory_space<hbm>> -> memref<1024xf32, #tpu.memory_space<hbm>>
        %dma_wait3A_1515 = arith.constant 0 : i32
        %dma_wait3A_1516 = tpu.memref_slice %arg4[%dma_wait3A_1506, %dma_wait3A_1507, %dma_wait3A_1508, %dma_wait3A_1515] : memref<50x8x32x1024xf32, #tpu.memory_space<hbm>> -> memref<1x1x1x1024xf32, #tpu.memory_space<hbm>>
        %dma_wait3A_1517 = tpu.memref_squeeze %dma_wait3A_1516 : memref<1x1x1x1024xf32, #tpu.memory_space<hbm>> -> memref<1024xf32, #tpu.memory_space<hbm>>
        %dma_wait3A_1518 = arith.constant 0 : i32
        %dma_wait3A_1519 = tpu.memref_slice %arg7[%dma_wait3A_1505, %dma_wait3A_1518] : memref<5x8192xf32, #tpu.memory_space<vmem>> -> memref<1x1024xf32, #tpu.memory_space<vmem>>
        %dma_wait3A_1520 = tpu.memref_squeeze %dma_wait3A_1519 : memref<1x1024xf32, #tpu.memory_space<vmem>> -> memref<1024xf32, #tpu.memory_space<vmem>>
        tpu.wait_dma2 semaphore(%arg16 : memref<!tpu.dma_semaphore, #tpu.memory_space<semaphore_mem>>) src(%dma_wait3A_1520 : memref<1024xf32, #tpu.memory_space<vmem>>) dst(%dma_wait3A_1517 : memref<1024xf32, #tpu.memory_space<hbm>>)
        %dma_wait3A_1521 = arith.constant 3 : i32
        %dma_wait3A_1522 = arith.constant 0 : i32
        %dma_wait3A_1523 = arith.constant 0 : i32
        %dma_wait3A_1524 = arith.constant 0 : i32
        %dma_wait3A_1525 = arith.constant 0 : i32
        %dma_wait3A_1526 = tpu.memref_slice %arg7[%dma_wait3A_1521, %dma_wait3A_1525] : memref<5x8192xf32, #tpu.memory_space<vmem>> -> memref<1x1024xf32, #tpu.memory_space<vmem>>
        %dma_wait3A_1527 = tpu.memref_squeeze %dma_wait3A_1526 : memref<1x1024xf32, #tpu.memory_space<vmem>> -> memref<1024xf32, #tpu.memory_space<vmem>>
        %dma_wait3A_1528 = arith.constant 0 : i32
        %dma_wait3A_1529 = tpu.memref_slice %arg4[%dma_wait3A_1522, %dma_wait3A_1523, %dma_wait3A_1524, %dma_wait3A_1528] : memref<50x8x32x1024xf32, #tpu.memory_space<hbm>> -> memref<1x1x1x1024xf32, #tpu.memory_space<hbm>>
        %dma_wait3A_1530 = tpu.memref_squeeze %dma_wait3A_1529 : memref<1x1x1x1024xf32, #tpu.memory_space<hbm>> -> memref<1024xf32, #tpu.memory_space<hbm>>
        %dma_wait3A_1531 = arith.constant 0 : i32
        %dma_wait3A_1532 = tpu.memref_slice %arg4[%dma_wait3A_1522, %dma_wait3A_1523, %dma_wait3A_1524, %dma_wait3A_1531] : memref<50x8x32x1024xf32, #tpu.memory_space<hbm>> -> memref<1x1x1x1024xf32, #tpu.memory_space<hbm>>
        %dma_wait3A_1533 = tpu.memref_squeeze %dma_wait3A_1532 : memref<1x1x1x1024xf32, #tpu.memory_space<hbm>> -> memref<1024xf32, #tpu.memory_space<hbm>>
        %dma_wait3A_1534 = arith.constant 0 : i32
        %dma_wait3A_1535 = tpu.memref_slice %arg7[%dma_wait3A_1521, %dma_wait3A_1534] : memref<5x8192xf32, #tpu.memory_space<vmem>> -> memref<1x1024xf32, #tpu.memory_space<vmem>>
        %dma_wait3A_1536 = tpu.memref_squeeze %dma_wait3A_1535 : memref<1x1024xf32, #tpu.memory_space<vmem>> -> memref<1024xf32, #tpu.memory_space<vmem>>
        tpu.wait_dma2 semaphore(%arg16 : memref<!tpu.dma_semaphore, #tpu.memory_space<semaphore_mem>>) src(%dma_wait3A_1536 : memref<1024xf32, #tpu.memory_space<vmem>>) dst(%dma_wait3A_1533 : memref<1024xf32, #tpu.memory_space<hbm>>)
        %dma_wait3A_1537 = arith.constant 3 : i32
        %dma_wait3A_1538 = arith.constant 0 : i32
        %dma_wait3A_1539 = arith.constant 0 : i32
        %dma_wait3A_1540 = arith.constant 0 : i32
        %dma_wait3A_1541 = arith.constant 0 : i32
        %dma_wait3A_1542 = tpu.memref_slice %arg7[%dma_wait3A_1537, %dma_wait3A_1541] : memref<5x8192xf32, #tpu.memory_space<vmem>> -> memref<1x1024xf32, #tpu.memory_space<vmem>>
        %dma_wait3A_1543 = tpu.memref_squeeze %dma_wait3A_1542 : memref<1x1024xf32, #tpu.memory_space<vmem>> -> memref<1024xf32, #tpu.memory_space<vmem>>
        %dma_wait3A_1544 = arith.constant 0 : i32
        %dma_wait3A_1545 = tpu.memref_slice %arg4[%dma_wait3A_1538, %dma_wait3A_1539, %dma_wait3A_1540, %dma_wait3A_1544] : memref<50x8x32x1024xf32, #tpu.memory_space<hbm>> -> memref<1x1x1x1024xf32, #tpu.memory_space<hbm>>
        %dma_wait3A_1546 = tpu.memref_squeeze %dma_wait3A_1545 : memref<1x1x1x1024xf32, #tpu.memory_space<hbm>> -> memref<1024xf32, #tpu.memory_space<hbm>>
        %dma_wait3A_1547 = arith.constant 0 : i32
        %dma_wait3A_1548 = tpu.memref_slice %arg4[%dma_wait3A_1538, %dma_wait3A_1539, %dma_wait3A_1540, %dma_wait3A_1547] : memref<50x8x32x1024xf32, #tpu.memory_space<hbm>> -> memref<1x1x1x1024xf32, #tpu.memory_space<hbm>>
        %dma_wait3A_1549 = tpu.memref_squeeze %dma_wait3A_1548 : memref<1x1x1x1024xf32, #tpu.memory_space<hbm>> -> memref<1024xf32, #tpu.memory_space<hbm>>
        %dma_wait3A_1550 = arith.constant 0 : i32
        %dma_wait3A_1551 = tpu.memref_slice %arg7[%dma_wait3A_1537, %dma_wait3A_1550] : memref<5x8192xf32, #tpu.memory_space<vmem>> -> memref<1x1024xf32, #tpu.memory_space<vmem>>
        %dma_wait3A_1552 = tpu.memref_squeeze %dma_wait3A_1551 : memref<1x1024xf32, #tpu.memory_space<vmem>> -> memref<1024xf32, #tpu.memory_space<vmem>>
        tpu.wait_dma2 semaphore(%arg16 : memref<!tpu.dma_semaphore, #tpu.memory_space<semaphore_mem>>) src(%dma_wait3A_1552 : memref<1024xf32, #tpu.memory_space<vmem>>) dst(%dma_wait3A_1549 : memref<1024xf32, #tpu.memory_space<hbm>>)
      } else {
      }
      %parallel_loop3A_1156 = arith.constant 0 : i32
      %parallel_loop3A_1157 = arith.constant 64 : i32
      %parallel_loop3A_1158 = arith.constant 1 : i32
      %parallel_loop3A_1159 = arith.constant 3 : i32
      %parallel_loop3A_1160 = arith.constant 3 : i32
      scf.for %parallel_loop3A_1425 = %parallel_loop3A_1156 to %parallel_loop3A_1157 step %parallel_loop3A_1158  : i32 {
        %parallel_loop3A_1426 = vector.broadcast %parallel_loop3A_1425 : i32 to vector<16xi32>
        %parallel_loop3A_1427 = arith.addi %parallel_loop3A_1426, %iota3A : vector<16xi32>
        %parallel_loop3A_1428 = arith.constant 63 : i32
        %parallel_loop3A_1429 = vector.broadcast %parallel_loop3A_1428 : i32 to vector<16xi32>
        %parallel_loop3A_1430 = arith.andi %parallel_loop3A_1427, %parallel_loop3A_1429 : vector<16xi32>
        %parallel_loop3A_1431 = arith.constant 128 : i32
        %parallel_loop3A_1432 = vector.broadcast %parallel_loop3A_1431 : i32 to vector<16xi32>
        %parallel_loop3A_1433 = arith.muli %parallel_loop3A_1430, %parallel_loop3A_1432 : vector<16xi32>
        %parallel_loop3A_1434 = arith.constant 0 : i32
        %parallel_loop3A_1435 = vector.broadcast %parallel_loop3A_1434 : i32 to vector<16xi32>
        %parallel_loop3A_1436 = arith.addi %iota3A, %parallel_loop3A_1435 : vector<16xi32>
        %parallel_loop3A_1437 = arith.constant 0 : i32
        %parallel_loop3A_1438 = arith.constant 0 : i32
        %parallel_loop3A_1439 = tpu.memref_slice %arg6[%parallel_loop3A_1159, %parallel_loop3A_1437, %parallel_loop3A_1438] : memref<5x128x64xf32, #tpu.memory_space<vmem>> -> memref<1x128x64xf32, #tpu.memory_space<vmem>>
        %parallel_loop3A_1440 = tpu.memref_squeeze %parallel_loop3A_1439 : memref<1x128x64xf32, #tpu.memory_space<vmem>> -> memref<128x64xf32, #tpu.memory_space<vmem>>
        %parallel_loop3A_1441 = tpu.vector_load_idx %parallel_loop3A_1440[%parallel_loop3A_1436, %parallel_loop3A_1430] : memref<128x64xf32, #tpu.memory_space<vmem>>[vector<16xi32>, vector<16xi32>], vector<16xf32>,
        %parallel_loop3A_1442 = arith.addi %parallel_loop3A_1433, %parallel_loop3A_1436 : vector<16xi32>
        %parallel_loop3A_1443 = arith.constant 0 : i32
        %parallel_loop3A_1444 = tpu.memref_slice %arg7[%parallel_loop3A_1160, %parallel_loop3A_1443] : memref<5x8192xf32, #tpu.memory_space<vmem>> -> memref<1x8192xf32, #tpu.memory_space<vmem>>
        %parallel_loop3A_1445 = tpu.memref_squeeze %parallel_loop3A_1444 : memref<1x8192xf32, #tpu.memory_space<vmem>> -> memref<8192xf32, #tpu.memory_space<vmem>>
        tpu.vector_store_idx %parallel_loop3A_1445[%parallel_loop3A_1442], %parallel_loop3A_1441 : memref<8192xf32, #tpu.memory_space<vmem>>[vector<16xi32>], vector<16xf32>,
        %parallel_loop3A_1446 = arith.constant 16 : i32
        %parallel_loop3A_1447 = vector.broadcast %parallel_loop3A_1446 : i32 to vector<16xi32>
        %parallel_loop3A_1448 = arith.addi %iota3A, %parallel_loop3A_1447 : vector<16xi32>
        %parallel_loop3A_1449 = arith.constant 0 : i32
        %parallel_loop3A_1450 = arith.constant 0 : i32
        %parallel_loop3A_1451 = tpu.memref_slice %arg6[%parallel_loop3A_1159, %parallel_loop3A_1449, %parallel_loop3A_1450] : memref<5x128x64xf32, #tpu.memory_space<vmem>> -> memref<1x128x64xf32, #tpu.memory_space<vmem>>
        %parallel_loop3A_1452 = tpu.memref_squeeze %parallel_loop3A_1451 : memref<1x128x64xf32, #tpu.memory_space<vmem>> -> memref<128x64xf32, #tpu.memory_space<vmem>>
        %parallel_loop3A_1453 = tpu.vector_load_idx %parallel_loop3A_1452[%parallel_loop3A_1448, %parallel_loop3A_1430] : memref<128x64xf32, #tpu.memory_space<vmem>>[vector<16xi32>, vector<16xi32>], vector<16xf32>,
        %parallel_loop3A_1454 = arith.addi %parallel_loop3A_1433, %parallel_loop3A_1448 : vector<16xi32>
        %parallel_loop3A_1455 = arith.constant 0 : i32
        %parallel_loop3A_1456 = tpu.memref_slice %arg7[%parallel_loop3A_1160, %parallel_loop3A_1455] : memref<5x8192xf32, #tpu.memory_space<vmem>> -> memref<1x8192xf32, #tpu.memory_space<vmem>>
        %parallel_loop3A_1457 = tpu.memref_squeeze %parallel_loop3A_1456 : memref<1x8192xf32, #tpu.memory_space<vmem>> -> memref<8192xf32, #tpu.memory_space<vmem>>
        tpu.vector_store_idx %parallel_loop3A_1457[%parallel_loop3A_1454], %parallel_loop3A_1453 : memref<8192xf32, #tpu.memory_space<vmem>>[vector<16xi32>], vector<16xf32>,
        %parallel_loop3A_1458 = arith.constant 32 : i32
        %parallel_loop3A_1459 = vector.broadcast %parallel_loop3A_1458 : i32 to vector<16xi32>
        %parallel_loop3A_1460 = arith.addi %iota3A, %parallel_loop3A_1459 : vector<16xi32>
        %parallel_loop3A_1461 = arith.constant 0 : i32
        %parallel_loop3A_1462 = arith.constant 0 : i32
        %parallel_loop3A_1463 = tpu.memref_slice %arg6[%parallel_loop3A_1159, %parallel_loop3A_1461, %parallel_loop3A_1462] : memref<5x128x64xf32, #tpu.memory_space<vmem>> -> memref<1x128x64xf32, #tpu.memory_space<vmem>>
        %parallel_loop3A_1464 = tpu.memref_squeeze %parallel_loop3A_1463 : memref<1x128x64xf32, #tpu.memory_space<vmem>> -> memref<128x64xf32, #tpu.memory_space<vmem>>
        %parallel_loop3A_1465 = tpu.vector_load_idx %parallel_loop3A_1464[%parallel_loop3A_1460, %parallel_loop3A_1430] : memref<128x64xf32, #tpu.memory_space<vmem>>[vector<16xi32>, vector<16xi32>], vector<16xf32>,
        %parallel_loop3A_1466 = arith.addi %parallel_loop3A_1433, %parallel_loop3A_1460 : vector<16xi32>
        %parallel_loop3A_1467 = arith.constant 0 : i32
        %parallel_loop3A_1468 = tpu.memref_slice %arg7[%parallel_loop3A_1160, %parallel_loop3A_1467] : memref<5x8192xf32, #tpu.memory_space<vmem>> -> memref<1x8192xf32, #tpu.memory_space<vmem>>
        %parallel_loop3A_1469 = tpu.memref_squeeze %parallel_loop3A_1468 : memref<1x8192xf32, #tpu.memory_space<vmem>> -> memref<8192xf32, #tpu.memory_space<vmem>>
        tpu.vector_store_idx %parallel_loop3A_1469[%parallel_loop3A_1466], %parallel_loop3A_1465 : memref<8192xf32, #tpu.memory_space<vmem>>[vector<16xi32>], vector<16xf32>,
        %parallel_loop3A_1470 = arith.constant 48 : i32
        %parallel_loop3A_1471 = vector.broadcast %parallel_loop3A_1470 : i32 to vector<16xi32>
        %parallel_loop3A_1472 = arith.addi %iota3A, %parallel_loop3A_1471 : vector<16xi32>
        %parallel_loop3A_1473 = arith.constant 0 : i32
        %parallel_loop3A_1474 = arith.constant 0 : i32
        %parallel_loop3A_1475 = tpu.memref_slice %arg6[%parallel_loop3A_1159, %parallel_loop3A_1473, %parallel_loop3A_1474] : memref<5x128x64xf32, #tpu.memory_space<vmem>> -> memref<1x128x64xf32, #tpu.memory_space<vmem>>
        %parallel_loop3A_1476 = tpu.memref_squeeze %parallel_loop3A_1475 : memref<1x128x64xf32, #tpu.memory_space<vmem>> -> memref<128x64xf32, #tpu.memory_space<vmem>>
        %parallel_loop3A_1477 = tpu.vector_load_idx %parallel_loop3A_1476[%parallel_loop3A_1472, %parallel_loop3A_1430] : memref<128x64xf32, #tpu.memory_space<vmem>>[vector<16xi32>, vector<16xi32>], vector<16xf32>,
        %parallel_loop3A_1478 = arith.addi %parallel_loop3A_1433, %parallel_loop3A_1472 : vector<16xi32>
        %parallel_loop3A_1479 = arith.constant 0 : i32
        %parallel_loop3A_1480 = tpu.memref_slice %arg7[%parallel_loop3A_1160, %parallel_loop3A_1479] : memref<5x8192xf32, #tpu.memory_space<vmem>> -> memref<1x8192xf32, #tpu.memory_space<vmem>>
        %parallel_loop3A_1481 = tpu.memref_squeeze %parallel_loop3A_1480 : memref<1x8192xf32, #tpu.memory_space<vmem>> -> memref<8192xf32, #tpu.memory_space<vmem>>
        tpu.vector_store_idx %parallel_loop3A_1481[%parallel_loop3A_1478], %parallel_loop3A_1477 : memref<8192xf32, #tpu.memory_space<vmem>>[vector<16xi32>], vector<16xf32>,
        %parallel_loop3A_1482 = arith.constant 64 : i32
        %parallel_loop3A_1483 = vector.broadcast %parallel_loop3A_1482 : i32 to vector<16xi32>
        %parallel_loop3A_1484 = arith.addi %iota3A, %parallel_loop3A_1483 : vector<16xi32>
        %parallel_loop3A_1485 = arith.constant 0 : i32
        %parallel_loop3A_1486 = arith.constant 0 : i32
        %parallel_loop3A_1487 = tpu.memref_slice %arg6[%parallel_loop3A_1159, %parallel_loop3A_1485, %parallel_loop3A_1486] : memref<5x128x64xf32, #tpu.memory_space<vmem>> -> memref<1x128x64xf32, #tpu.memory_space<vmem>>
        %parallel_loop3A_1488 = tpu.memref_squeeze %parallel_loop3A_1487 : memref<1x128x64xf32, #tpu.memory_space<vmem>> -> memref<128x64xf32, #tpu.memory_space<vmem>>
        %parallel_loop3A_1489 = tpu.vector_load_idx %parallel_loop3A_1488[%parallel_loop3A_1484, %parallel_loop3A_1430] : memref<128x64xf32, #tpu.memory_space<vmem>>[vector<16xi32>, vector<16xi32>], vector<16xf32>,
        %parallel_loop3A_1490 = arith.addi %parallel_loop3A_1433, %parallel_loop3A_1484 : vector<16xi32>
        %parallel_loop3A_1491 = arith.constant 0 : i32
        %parallel_loop3A_1492 = tpu.memref_slice %arg7[%parallel_loop3A_1160, %parallel_loop3A_1491] : memref<5x8192xf32, #tpu.memory_space<vmem>> -> memref<1x8192xf32, #tpu.memory_space<vmem>>
        %parallel_loop3A_1493 = tpu.memref_squeeze %parallel_loop3A_1492 : memref<1x8192xf32, #tpu.memory_space<vmem>> -> memref<8192xf32, #tpu.memory_space<vmem>>
        tpu.vector_store_idx %parallel_loop3A_1493[%parallel_loop3A_1490], %parallel_loop3A_1489 : memref<8192xf32, #tpu.memory_space<vmem>>[vector<16xi32>], vector<16xf32>,
        %parallel_loop3A_1494 = arith.constant 80 : i32
        %parallel_loop3A_1495 = vector.broadcast %parallel_loop3A_1494 : i32 to vector<16xi32>
        %parallel_loop3A_1496 = arith.addi %iota3A, %parallel_loop3A_1495 : vector<16xi32>
        %parallel_loop3A_1497 = arith.constant 0 : i32
        %parallel_loop3A_1498 = arith.constant 0 : i32
        %parallel_loop3A_1499 = tpu.memref_slice %arg6[%parallel_loop3A_1159, %parallel_loop3A_1497, %parallel_loop3A_1498] : memref<5x128x64xf32, #tpu.memory_space<vmem>> -> memref<1x128x64xf32, #tpu.memory_space<vmem>>
        %parallel_loop3A_1500 = tpu.memref_squeeze %parallel_loop3A_1499 : memref<1x128x64xf32, #tpu.memory_space<vmem>> -> memref<128x64xf32, #tpu.memory_space<vmem>>
        %parallel_loop3A_1501 = tpu.vector_load_idx %parallel_loop3A_1500[%parallel_loop3A_1496, %parallel_loop3A_1430] : memref<128x64xf32, #tpu.memory_space<vmem>>[vector<16xi32>, vector<16xi32>], vector<16xf32>,
        %parallel_loop3A_1502 = arith.addi %parallel_loop3A_1433, %parallel_loop3A_1496 : vector<16xi32>
        %parallel_loop3A_1503 = arith.constant 0 : i32
        %parallel_loop3A_1504 = tpu.memref_slice %arg7[%parallel_loop3A_1160, %parallel_loop3A_1503] : memref<5x8192xf32, #tpu.memory_space<vmem>> -> memref<1x8192xf32, #tpu.memory_space<vmem>>
        %parallel_loop3A_1505 = tpu.memref_squeeze %parallel_loop3A_1504 : memref<1x8192xf32, #tpu.memory_space<vmem>> -> memref<8192xf32, #tpu.memory_space<vmem>>
        tpu.vector_store_idx %parallel_loop3A_1505[%parallel_loop3A_1502], %parallel_loop3A_1501 : memref<8192xf32, #tpu.memory_space<vmem>>[vector<16xi32>], vector<16xf32>,
        %parallel_loop3A_1506 = arith.constant 96 : i32
        %parallel_loop3A_1507 = vector.broadcast %parallel_loop3A_1506 : i32 to vector<16xi32>
        %parallel_loop3A_1508 = arith.addi %iota3A, %parallel_loop3A_1507 : vector<16xi32>
        %parallel_loop3A_1509 = arith.constant 0 : i32
        %parallel_loop3A_1510 = arith.constant 0 : i32
        %parallel_loop3A_1511 = tpu.memref_slice %arg6[%parallel_loop3A_1159, %parallel_loop3A_1509, %parallel_loop3A_1510] : memref<5x128x64xf32, #tpu.memory_space<vmem>> -> memref<1x128x64xf32, #tpu.memory_space<vmem>>
        %parallel_loop3A_1512 = tpu.memref_squeeze %parallel_loop3A_1511 : memref<1x128x64xf32, #tpu.memory_space<vmem>> -> memref<128x64xf32, #tpu.memory_space<vmem>>
        %parallel_loop3A_1513 = tpu.vector_load_idx %parallel_loop3A_1512[%parallel_loop3A_1508, %parallel_loop3A_1430] : memref<128x64xf32, #tpu.memory_space<vmem>>[vector<16xi32>, vector<16xi32>], vector<16xf32>,
        %parallel_loop3A_1514 = arith.addi %parallel_loop3A_1433, %parallel_loop3A_1508 : vector<16xi32>
        %parallel_loop3A_1515 = arith.constant 0 : i32
        %parallel_loop3A_1516 = tpu.memref_slice %arg7[%parallel_loop3A_1160, %parallel_loop3A_1515] : memref<5x8192xf32, #tpu.memory_space<vmem>> -> memref<1x8192xf32, #tpu.memory_space<vmem>>
        %parallel_loop3A_1517 = tpu.memref_squeeze %parallel_loop3A_1516 : memref<1x8192xf32, #tpu.memory_space<vmem>> -> memref<8192xf32, #tpu.memory_space<vmem>>
        tpu.vector_store_idx %parallel_loop3A_1517[%parallel_loop3A_1514], %parallel_loop3A_1513 : memref<8192xf32, #tpu.memory_space<vmem>>[vector<16xi32>], vector<16xf32>,
        %parallel_loop3A_1518 = arith.constant 112 : i32
        %parallel_loop3A_1519 = vector.broadcast %parallel_loop3A_1518 : i32 to vector<16xi32>
        %parallel_loop3A_1520 = arith.addi %iota3A, %parallel_loop3A_1519 : vector<16xi32>
        %parallel_loop3A_1521 = arith.constant 0 : i32
        %parallel_loop3A_1522 = arith.constant 0 : i32
        %parallel_loop3A_1523 = tpu.memref_slice %arg6[%parallel_loop3A_1159, %parallel_loop3A_1521, %parallel_loop3A_1522] : memref<5x128x64xf32, #tpu.memory_space<vmem>> -> memref<1x128x64xf32, #tpu.memory_space<vmem>>
        %parallel_loop3A_1524 = tpu.memref_squeeze %parallel_loop3A_1523 : memref<1x128x64xf32, #tpu.memory_space<vmem>> -> memref<128x64xf32, #tpu.memory_space<vmem>>
        %parallel_loop3A_1525 = tpu.vector_load_idx %parallel_loop3A_1524[%parallel_loop3A_1520, %parallel_loop3A_1430] : memref<128x64xf32, #tpu.memory_space<vmem>>[vector<16xi32>, vector<16xi32>], vector<16xf32>,
        %parallel_loop3A_1526 = arith.addi %parallel_loop3A_1433, %parallel_loop3A_1520 : vector<16xi32>
        %parallel_loop3A_1527 = arith.constant 0 : i32
        %parallel_loop3A_1528 = tpu.memref_slice %arg7[%parallel_loop3A_1160, %parallel_loop3A_1527] : memref<5x8192xf32, #tpu.memory_space<vmem>> -> memref<1x8192xf32, #tpu.memory_space<vmem>>
        %parallel_loop3A_1529 = tpu.memref_squeeze %parallel_loop3A_1528 : memref<1x8192xf32, #tpu.memory_space<vmem>> -> memref<8192xf32, #tpu.memory_space<vmem>>
        tpu.vector_store_idx %parallel_loop3A_1529[%parallel_loop3A_1526], %parallel_loop3A_1525 : memref<8192xf32, #tpu.memory_space<vmem>>[vector<16xi32>], vector<16xf32>,
      } {sc.loop_unroll_factor = 8 : i64, sc.parallel_access}
      %add3A_1161 = arith.constant 5 : i32
      %add3A_1162 = arith.addi %add3A_1139, %add3A_1161 : i32
      %lt3A_1163 = arith.constant 50 : i32
      %lt3A_1164 = arith.cmpi slt, %add3A_1162, %lt3A_1163 : i32
      %convert_element_type3A_1165 = arith.extui %lt3A_1164 : i1 to i32
      %cond3A_1166 = arith.constant 0 : i32
      %cond3A_1167 = arith.cmpi ne, %convert_element_type3A_1165, %cond3A_1166 : i32
      scf.if %cond3A_1167 {
        %add3A_1425 = arith.constant 5 : i32
        %add3A_1426 = arith.addi %add3A_1139, %add3A_1425 : i32
        %dma_start3A_1427 = arith.constant 3 : i32
        %dma_start3A_1428 = arith.constant 0 : i32
        %dma_start3A_1429 = arith.constant 0 : i32
        %dma_start3A_1430 = tpu.memref_slice %arg6[%dma_start3A_1427, %dma_start3A_1428, %dma_start3A_1429] : memref<5x128x64xf32, #tpu.memory_space<vmem>> -> memref<1x128x64xf32, #tpu.memory_space<vmem>>
        %dma_start3A_1431 = tpu.memref_squeeze %dma_start3A_1430 : memref<1x128x64xf32, #tpu.memory_space<vmem>> -> memref<128x64xf32, #tpu.memory_space<vmem>>
        %dma_start3A_1432 = arith.constant 0 : i32
        %dma_start3A_1433 = tpu.memref_slice %arg5[%add3A_1426, %dma_start3A_1432] : memref<50x128xi32, #tpu.memory_space<vmem>> -> memref<1x128xi32, #tpu.memory_space<vmem>>
        %dma_start3A_1434 = tpu.memref_squeeze %dma_start3A_1433 : memref<1x128xi32, #tpu.memory_space<vmem>> -> memref<128xi32, #tpu.memory_space<vmem>>
        %dma_start3A_1435 = arith.constant 0 : i32
        %dma_start3A_1436 = arith.constant 0 : i32
        %dma_start3A_1437 = tpu.memref_slice %arg3[%dma_start3A_1435, %dma_start3A_1436] : memref<200000x64xf32, #tpu.memory_space<hbm>> -> memref<200000x64xf32, #tpu.memory_space<hbm>>
        tpu.enqueue_indirect_dma source(%dma_start3A_1437 : memref<200000x64xf32, #tpu.memory_space<hbm>>) target(%dma_start3A_1431 : memref<128x64xf32, #tpu.memory_space<vmem>>) offsets(%dma_start3A_1434 : memref<128xi32, #tpu.memory_space<vmem>>) semaphore(%arg11 : memref<!tpu.dma_semaphore, #tpu.memory_space<semaphore_mem>>)
      } else {
      }
      %dma_start3A_1168 = arith.constant 3 : i32
      %dma_start3A_1169 = arith.constant 0 : i32
      %dma_start3A_1170 = arith.constant 0 : i32
      %dma_start3A_1171 = tpu.memref_slice %arg7[%dma_start3A_1168, %dma_start3A_1170] : memref<5x8192xf32, #tpu.memory_space<vmem>> -> memref<1x1024xf32, #tpu.memory_space<vmem>>
      %dma_start3A_1172 = tpu.memref_squeeze %dma_start3A_1171 : memref<1x1024xf32, #tpu.memory_space<vmem>> -> memref<1024xf32, #tpu.memory_space<vmem>>
      %dma_start3A_1173 = arith.constant 0 : i32
      %dma_start3A_1174 = tpu.memref_slice %arg4[%add3A_1139, %dma_start3A_1169, %add3A, %dma_start3A_1173] : memref<50x8x32x1024xf32, #tpu.memory_space<hbm>> -> memref<1x1x1x1024xf32, #tpu.memory_space<hbm>>
      %dma_start3A_1175 = tpu.memref_squeeze %dma_start3A_1174 : memref<1x1x1x1024xf32, #tpu.memory_space<hbm>> -> memref<1024xf32, #tpu.memory_space<hbm>>
      %dma_start3A_1176 = arith.constant 0 : i32
      %dma_start3A_1177 = tpu.memref_slice %arg4[%add3A_1139, %dma_start3A_1169, %add3A, %dma_start3A_1176] : memref<50x8x32x1024xf32, #tpu.memory_space<hbm>> -> memref<1x1x1x1024xf32, #tpu.memory_space<hbm>>
      %dma_start3A_1178 = tpu.memref_squeeze %dma_start3A_1177 : memref<1x1x1x1024xf32, #tpu.memory_space<hbm>> -> memref<1024xf32, #tpu.memory_space<hbm>>
      %dma_start3A_1179 = arith.constant 0 : i32
      %dma_start3A_1180 = tpu.memref_slice %arg7[%dma_start3A_1168, %dma_start3A_1179] : memref<5x8192xf32, #tpu.memory_space<vmem>> -> memref<1x1024xf32, #tpu.memory_space<vmem>>
      %dma_start3A_1181 = tpu.memref_squeeze %dma_start3A_1180 : memref<1x1024xf32, #tpu.memory_space<vmem>> -> memref<1024xf32, #tpu.memory_space<vmem>>
      tpu.enqueue_dma source(%dma_start3A_1181 : memref<1024xf32, #tpu.memory_space<vmem>>) target(%dma_start3A_1178 : memref<1024xf32, #tpu.memory_space<hbm>>) target_semaphore(%arg16 : memref<!tpu.dma_semaphore, #tpu.memory_space<semaphore_mem>>)
      %dma_start3A_1182 = arith.constant 3 : i32
      %dma_start3A_1183 = arith.constant 1 : i32
      %dma_start3A_1184 = arith.constant 1024 : i32
      %dma_start3A_1185 = tpu.memref_slice %arg7[%dma_start3A_1182, %dma_start3A_1184] : memref<5x8192xf32, #tpu.memory_space<vmem>> -> memref<1x1024xf32, #tpu.memory_space<vmem>>
      %dma_start3A_1186 = tpu.memref_squeeze %dma_start3A_1185 : memref<1x1024xf32, #tpu.memory_space<vmem>> -> memref<1024xf32, #tpu.memory_space<vmem>>
      %dma_start3A_1187 = arith.constant 0 : i32
      %dma_start3A_1188 = tpu.memref_slice %arg4[%add3A_1139, %dma_start3A_1183, %add3A, %dma_start3A_1187] : memref<50x8x32x1024xf32, #tpu.memory_space<hbm>> -> memref<1x1x1x1024xf32, #tpu.memory_space<hbm>>
      %dma_start3A_1189 = tpu.memref_squeeze %dma_start3A_1188 : memref<1x1x1x1024xf32, #tpu.memory_space<hbm>> -> memref<1024xf32, #tpu.memory_space<hbm>>
      %dma_start3A_1190 = arith.constant 0 : i32
      %dma_start3A_1191 = tpu.memref_slice %arg4[%add3A_1139, %dma_start3A_1183, %add3A, %dma_start3A_1190] : memref<50x8x32x1024xf32, #tpu.memory_space<hbm>> -> memref<1x1x1x1024xf32, #tpu.memory_space<hbm>>
      %dma_start3A_1192 = tpu.memref_squeeze %dma_start3A_1191 : memref<1x1x1x1024xf32, #tpu.memory_space<hbm>> -> memref<1024xf32, #tpu.memory_space<hbm>>
      %dma_start3A_1193 = arith.constant 1024 : i32
      %dma_start3A_1194 = tpu.memref_slice %arg7[%dma_start3A_1182, %dma_start3A_1193] : memref<5x8192xf32, #tpu.memory_space<vmem>> -> memref<1x1024xf32, #tpu.memory_space<vmem>>
      %dma_start3A_1195 = tpu.memref_squeeze %dma_start3A_1194 : memref<1x1024xf32, #tpu.memory_space<vmem>> -> memref<1024xf32, #tpu.memory_space<vmem>>
      tpu.enqueue_dma source(%dma_start3A_1195 : memref<1024xf32, #tpu.memory_space<vmem>>) target(%dma_start3A_1192 : memref<1024xf32, #tpu.memory_space<hbm>>) target_semaphore(%arg16 : memref<!tpu.dma_semaphore, #tpu.memory_space<semaphore_mem>>)
      %dma_start3A_1196 = arith.constant 3 : i32
      %dma_start3A_1197 = arith.constant 2 : i32
      %dma_start3A_1198 = arith.constant 2048 : i32
      %dma_start3A_1199 = tpu.memref_slice %arg7[%dma_start3A_1196, %dma_start3A_1198] : memref<5x8192xf32, #tpu.memory_space<vmem>> -> memref<1x1024xf32, #tpu.memory_space<vmem>>
      %dma_start3A_1200 = tpu.memref_squeeze %dma_start3A_1199 : memref<1x1024xf32, #tpu.memory_space<vmem>> -> memref<1024xf32, #tpu.memory_space<vmem>>
      %dma_start3A_1201 = arith.constant 0 : i32
      %dma_start3A_1202 = tpu.memref_slice %arg4[%add3A_1139, %dma_start3A_1197, %add3A, %dma_start3A_1201] : memref<50x8x32x1024xf32, #tpu.memory_space<hbm>> -> memref<1x1x1x1024xf32, #tpu.memory_space<hbm>>
      %dma_start3A_1203 = tpu.memref_squeeze %dma_start3A_1202 : memref<1x1x1x1024xf32, #tpu.memory_space<hbm>> -> memref<1024xf32, #tpu.memory_space<hbm>>
      %dma_start3A_1204 = arith.constant 0 : i32
      %dma_start3A_1205 = tpu.memref_slice %arg4[%add3A_1139, %dma_start3A_1197, %add3A, %dma_start3A_1204] : memref<50x8x32x1024xf32, #tpu.memory_space<hbm>> -> memref<1x1x1x1024xf32, #tpu.memory_space<hbm>>
      %dma_start3A_1206 = tpu.memref_squeeze %dma_start3A_1205 : memref<1x1x1x1024xf32, #tpu.memory_space<hbm>> -> memref<1024xf32, #tpu.memory_space<hbm>>
      %dma_start3A_1207 = arith.constant 2048 : i32
      %dma_start3A_1208 = tpu.memref_slice %arg7[%dma_start3A_1196, %dma_start3A_1207] : memref<5x8192xf32, #tpu.memory_space<vmem>> -> memref<1x1024xf32, #tpu.memory_space<vmem>>
      %dma_start3A_1209 = tpu.memref_squeeze %dma_start3A_1208 : memref<1x1024xf32, #tpu.memory_space<vmem>> -> memref<1024xf32, #tpu.memory_space<vmem>>
      tpu.enqueue_dma source(%dma_start3A_1209 : memref<1024xf32, #tpu.memory_space<vmem>>) target(%dma_start3A_1206 : memref<1024xf32, #tpu.memory_space<hbm>>) target_semaphore(%arg16 : memref<!tpu.dma_semaphore, #tpu.memory_space<semaphore_mem>>)
      %dma_start3A_1210 = arith.constant 3 : i32
      %dma_start3A_1211 = arith.constant 3 : i32
      %dma_start3A_1212 = arith.constant 3072 : i32
      %dma_start3A_1213 = tpu.memref_slice %arg7[%dma_start3A_1210, %dma_start3A_1212] : memref<5x8192xf32, #tpu.memory_space<vmem>> -> memref<1x1024xf32, #tpu.memory_space<vmem>>
      %dma_start3A_1214 = tpu.memref_squeeze %dma_start3A_1213 : memref<1x1024xf32, #tpu.memory_space<vmem>> -> memref<1024xf32, #tpu.memory_space<vmem>>
      %dma_start3A_1215 = arith.constant 0 : i32
      %dma_start3A_1216 = tpu.memref_slice %arg4[%add3A_1139, %dma_start3A_1211, %add3A, %dma_start3A_1215] : memref<50x8x32x1024xf32, #tpu.memory_space<hbm>> -> memref<1x1x1x1024xf32, #tpu.memory_space<hbm>>
      %dma_start3A_1217 = tpu.memref_squeeze %dma_start3A_1216 : memref<1x1x1x1024xf32, #tpu.memory_space<hbm>> -> memref<1024xf32, #tpu.memory_space<hbm>>
      %dma_start3A_1218 = arith.constant 0 : i32
      %dma_start3A_1219 = tpu.memref_slice %arg4[%add3A_1139, %dma_start3A_1211, %add3A, %dma_start3A_1218] : memref<50x8x32x1024xf32, #tpu.memory_space<hbm>> -> memref<1x1x1x1024xf32, #tpu.memory_space<hbm>>
      %dma_start3A_1220 = tpu.memref_squeeze %dma_start3A_1219 : memref<1x1x1x1024xf32, #tpu.memory_space<hbm>> -> memref<1024xf32, #tpu.memory_space<hbm>>
      %dma_start3A_1221 = arith.constant 3072 : i32
      %dma_start3A_1222 = tpu.memref_slice %arg7[%dma_start3A_1210, %dma_start3A_1221] : memref<5x8192xf32, #tpu.memory_space<vmem>> -> memref<1x1024xf32, #tpu.memory_space<vmem>>
      %dma_start3A_1223 = tpu.memref_squeeze %dma_start3A_1222 : memref<1x1024xf32, #tpu.memory_space<vmem>> -> memref<1024xf32, #tpu.memory_space<vmem>>
      tpu.enqueue_dma source(%dma_start3A_1223 : memref<1024xf32, #tpu.memory_space<vmem>>) target(%dma_start3A_1220 : memref<1024xf32, #tpu.memory_space<hbm>>) target_semaphore(%arg16 : memref<!tpu.dma_semaphore, #tpu.memory_space<semaphore_mem>>)
      %dma_start3A_1224 = arith.constant 3 : i32
      %dma_start3A_1225 = arith.constant 4 : i32
      %dma_start3A_1226 = arith.constant 4096 : i32
      %dma_start3A_1227 = tpu.memref_slice %arg7[%dma_start3A_1224, %dma_start3A_1226] : memref<5x8192xf32, #tpu.memory_space<vmem>> -> memref<1x1024xf32, #tpu.memory_space<vmem>>
      %dma_start3A_1228 = tpu.memref_squeeze %dma_start3A_1227 : memref<1x1024xf32, #tpu.memory_space<vmem>> -> memref<1024xf32, #tpu.memory_space<vmem>>
      %dma_start3A_1229 = arith.constant 0 : i32
      %dma_start3A_1230 = tpu.memref_slice %arg4[%add3A_1139, %dma_start3A_1225, %add3A, %dma_start3A_1229] : memref<50x8x32x1024xf32, #tpu.memory_space<hbm>> -> memref<1x1x1x1024xf32, #tpu.memory_space<hbm>>
      %dma_start3A_1231 = tpu.memref_squeeze %dma_start3A_1230 : memref<1x1x1x1024xf32, #tpu.memory_space<hbm>> -> memref<1024xf32, #tpu.memory_space<hbm>>
      %dma_start3A_1232 = arith.constant 0 : i32
      %dma_start3A_1233 = tpu.memref_slice %arg4[%add3A_1139, %dma_start3A_1225, %add3A, %dma_start3A_1232] : memref<50x8x32x1024xf32, #tpu.memory_space<hbm>> -> memref<1x1x1x1024xf32, #tpu.memory_space<hbm>>
      %dma_start3A_1234 = tpu.memref_squeeze %dma_start3A_1233 : memref<1x1x1x1024xf32, #tpu.memory_space<hbm>> -> memref<1024xf32, #tpu.memory_space<hbm>>
      %dma_start3A_1235 = arith.constant 4096 : i32
      %dma_start3A_1236 = tpu.memref_slice %arg7[%dma_start3A_1224, %dma_start3A_1235] : memref<5x8192xf32, #tpu.memory_space<vmem>> -> memref<1x1024xf32, #tpu.memory_space<vmem>>
      %dma_start3A_1237 = tpu.memref_squeeze %dma_start3A_1236 : memref<1x1024xf32, #tpu.memory_space<vmem>> -> memref<1024xf32, #tpu.memory_space<vmem>>
      tpu.enqueue_dma source(%dma_start3A_1237 : memref<1024xf32, #tpu.memory_space<vmem>>) target(%dma_start3A_1234 : memref<1024xf32, #tpu.memory_space<hbm>>) target_semaphore(%arg16 : memref<!tpu.dma_semaphore, #tpu.memory_space<semaphore_mem>>)
      %dma_start3A_1238 = arith.constant 3 : i32
      %dma_start3A_1239 = arith.constant 5 : i32
      %dma_start3A_1240 = arith.constant 5120 : i32
      %dma_start3A_1241 = tpu.memref_slice %arg7[%dma_start3A_1238, %dma_start3A_1240] : memref<5x8192xf32, #tpu.memory_space<vmem>> -> memref<1x1024xf32, #tpu.memory_space<vmem>>
      %dma_start3A_1242 = tpu.memref_squeeze %dma_start3A_1241 : memref<1x1024xf32, #tpu.memory_space<vmem>> -> memref<1024xf32, #tpu.memory_space<vmem>>
      %dma_start3A_1243 = arith.constant 0 : i32
      %dma_start3A_1244 = tpu.memref_slice %arg4[%add3A_1139, %dma_start3A_1239, %add3A, %dma_start3A_1243] : memref<50x8x32x1024xf32, #tpu.memory_space<hbm>> -> memref<1x1x1x1024xf32, #tpu.memory_space<hbm>>
      %dma_start3A_1245 = tpu.memref_squeeze %dma_start3A_1244 : memref<1x1x1x1024xf32, #tpu.memory_space<hbm>> -> memref<1024xf32, #tpu.memory_space<hbm>>
      %dma_start3A_1246 = arith.constant 0 : i32
      %dma_start3A_1247 = tpu.memref_slice %arg4[%add3A_1139, %dma_start3A_1239, %add3A, %dma_start3A_1246] : memref<50x8x32x1024xf32, #tpu.memory_space<hbm>> -> memref<1x1x1x1024xf32, #tpu.memory_space<hbm>>
      %dma_start3A_1248 = tpu.memref_squeeze %dma_start3A_1247 : memref<1x1x1x1024xf32, #tpu.memory_space<hbm>> -> memref<1024xf32, #tpu.memory_space<hbm>>
      %dma_start3A_1249 = arith.constant 5120 : i32
      %dma_start3A_1250 = tpu.memref_slice %arg7[%dma_start3A_1238, %dma_start3A_1249] : memref<5x8192xf32, #tpu.memory_space<vmem>> -> memref<1x1024xf32, #tpu.memory_space<vmem>>
      %dma_start3A_1251 = tpu.memref_squeeze %dma_start3A_1250 : memref<1x1024xf32, #tpu.memory_space<vmem>> -> memref<1024xf32, #tpu.memory_space<vmem>>
      tpu.enqueue_dma source(%dma_start3A_1251 : memref<1024xf32, #tpu.memory_space<vmem>>) target(%dma_start3A_1248 : memref<1024xf32, #tpu.memory_space<hbm>>) target_semaphore(%arg16 : memref<!tpu.dma_semaphore, #tpu.memory_space<semaphore_mem>>)
      %dma_start3A_1252 = arith.constant 3 : i32
      %dma_start3A_1253 = arith.constant 6 : i32
      %dma_start3A_1254 = arith.constant 6144 : i32
      %dma_start3A_1255 = tpu.memref_slice %arg7[%dma_start3A_1252, %dma_start3A_1254] : memref<5x8192xf32, #tpu.memory_space<vmem>> -> memref<1x1024xf32, #tpu.memory_space<vmem>>
      %dma_start3A_1256 = tpu.memref_squeeze %dma_start3A_1255 : memref<1x1024xf32, #tpu.memory_space<vmem>> -> memref<1024xf32, #tpu.memory_space<vmem>>
      %dma_start3A_1257 = arith.constant 0 : i32
      %dma_start3A_1258 = tpu.memref_slice %arg4[%add3A_1139, %dma_start3A_1253, %add3A, %dma_start3A_1257] : memref<50x8x32x1024xf32, #tpu.memory_space<hbm>> -> memref<1x1x1x1024xf32, #tpu.memory_space<hbm>>
      %dma_start3A_1259 = tpu.memref_squeeze %dma_start3A_1258 : memref<1x1x1x1024xf32, #tpu.memory_space<hbm>> -> memref<1024xf32, #tpu.memory_space<hbm>>
      %dma_start3A_1260 = arith.constant 0 : i32
      %dma_start3A_1261 = tpu.memref_slice %arg4[%add3A_1139, %dma_start3A_1253, %add3A, %dma_start3A_1260] : memref<50x8x32x1024xf32, #tpu.memory_space<hbm>> -> memref<1x1x1x1024xf32, #tpu.memory_space<hbm>>
      %dma_start3A_1262 = tpu.memref_squeeze %dma_start3A_1261 : memref<1x1x1x1024xf32, #tpu.memory_space<hbm>> -> memref<1024xf32, #tpu.memory_space<hbm>>
      %dma_start3A_1263 = arith.constant 6144 : i32
      %dma_start3A_1264 = tpu.memref_slice %arg7[%dma_start3A_1252, %dma_start3A_1263] : memref<5x8192xf32, #tpu.memory_space<vmem>> -> memref<1x1024xf32, #tpu.memory_space<vmem>>
      %dma_start3A_1265 = tpu.memref_squeeze %dma_start3A_1264 : memref<1x1024xf32, #tpu.memory_space<vmem>> -> memref<1024xf32, #tpu.memory_space<vmem>>
      tpu.enqueue_dma source(%dma_start3A_1265 : memref<1024xf32, #tpu.memory_space<vmem>>) target(%dma_start3A_1262 : memref<1024xf32, #tpu.memory_space<hbm>>) target_semaphore(%arg16 : memref<!tpu.dma_semaphore, #tpu.memory_space<semaphore_mem>>)
      %dma_start3A_1266 = arith.constant 3 : i32
      %dma_start3A_1267 = arith.constant 7 : i32
      %dma_start3A_1268 = arith.constant 7168 : i32
      %dma_start3A_1269 = tpu.memref_slice %arg7[%dma_start3A_1266, %dma_start3A_1268] : memref<5x8192xf32, #tpu.memory_space<vmem>> -> memref<1x1024xf32, #tpu.memory_space<vmem>>
      %dma_start3A_1270 = tpu.memref_squeeze %dma_start3A_1269 : memref<1x1024xf32, #tpu.memory_space<vmem>> -> memref<1024xf32, #tpu.memory_space<vmem>>
      %dma_start3A_1271 = arith.constant 0 : i32
      %dma_start3A_1272 = tpu.memref_slice %arg4[%add3A_1139, %dma_start3A_1267, %add3A, %dma_start3A_1271] : memref<50x8x32x1024xf32, #tpu.memory_space<hbm>> -> memref<1x1x1x1024xf32, #tpu.memory_space<hbm>>
      %dma_start3A_1273 = tpu.memref_squeeze %dma_start3A_1272 : memref<1x1x1x1024xf32, #tpu.memory_space<hbm>> -> memref<1024xf32, #tpu.memory_space<hbm>>
      %dma_start3A_1274 = arith.constant 0 : i32
      %dma_start3A_1275 = tpu.memref_slice %arg4[%add3A_1139, %dma_start3A_1267, %add3A, %dma_start3A_1274] : memref<50x8x32x1024xf32, #tpu.memory_space<hbm>> -> memref<1x1x1x1024xf32, #tpu.memory_space<hbm>>
      %dma_start3A_1276 = tpu.memref_squeeze %dma_start3A_1275 : memref<1x1x1x1024xf32, #tpu.memory_space<hbm>> -> memref<1024xf32, #tpu.memory_space<hbm>>
      %dma_start3A_1277 = arith.constant 7168 : i32
      %dma_start3A_1278 = tpu.memref_slice %arg7[%dma_start3A_1266, %dma_start3A_1277] : memref<5x8192xf32, #tpu.memory_space<vmem>> -> memref<1x1024xf32, #tpu.memory_space<vmem>>
      %dma_start3A_1279 = tpu.memref_squeeze %dma_start3A_1278 : memref<1x1024xf32, #tpu.memory_space<vmem>> -> memref<1024xf32, #tpu.memory_space<vmem>>
      tpu.enqueue_dma source(%dma_start3A_1279 : memref<1024xf32, #tpu.memory_space<vmem>>) target(%dma_start3A_1276 : memref<1024xf32, #tpu.memory_space<hbm>>) target_semaphore(%arg16 : memref<!tpu.dma_semaphore, #tpu.memory_space<semaphore_mem>>)
      %mul3A_1280 = arith.constant 5 : i32
      %mul3A_1281 = arith.muli %scan3A_707, %mul3A_1280 : i32
      %add3A_1282 = arith.constant 4 : i32
      %add3A_1283 = arith.addi %mul3A_1281, %add3A_1282 : i32
      %dma_wait3A_1284 = arith.constant 4 : i32
      %dma_wait3A_1285 = arith.constant 0 : i32
      %dma_wait3A_1286 = arith.constant 0 : i32
      %dma_wait3A_1287 = tpu.memref_slice %arg6[%dma_wait3A_1284, %dma_wait3A_1285, %dma_wait3A_1286] : memref<5x128x64xf32, #tpu.memory_space<vmem>> -> memref<1x128x64xf32, #tpu.memory_space<vmem>>
      %dma_wait3A_1288 = tpu.memref_squeeze %dma_wait3A_1287 : memref<1x128x64xf32, #tpu.memory_space<vmem>> -> memref<128x64xf32, #tpu.memory_space<vmem>>
      %dma_wait3A_1289 = arith.constant 0 : i32
      %dma_wait3A_1290 = tpu.memref_slice %arg5[%add3A_1283, %dma_wait3A_1289] : memref<50x128xi32, #tpu.memory_space<vmem>> -> memref<1x128xi32, #tpu.memory_space<vmem>>
      %dma_wait3A_1291 = tpu.memref_squeeze %dma_wait3A_1290 : memref<1x128xi32, #tpu.memory_space<vmem>> -> memref<128xi32, #tpu.memory_space<vmem>>
      %dma_wait3A_1292 = arith.constant 0 : i32
      %dma_wait3A_1293 = arith.constant 0 : i32
      %dma_wait3A_1294 = tpu.memref_slice %arg3[%dma_wait3A_1292, %dma_wait3A_1293] : memref<200000x64xf32, #tpu.memory_space<hbm>> -> memref<200000x64xf32, #tpu.memory_space<hbm>>
      tpu.wait_indirect_dma semaphore(%arg12 : memref<!tpu.dma_semaphore, #tpu.memory_space<semaphore_mem>>) src(%dma_wait3A_1294 : memref<200000x64xf32, #tpu.memory_space<hbm>>) dst(%dma_wait3A_1288 : memref<128x64xf32, #tpu.memory_space<vmem>>)
      %ge3A_1295 = arith.constant 5 : i32
      %ge3A_1296 = arith.cmpi sge, %add3A_1283, %ge3A_1295 : i32
      %convert_element_type3A_1297 = arith.extui %ge3A_1296 : i1 to i32
      %cond3A_1298 = arith.constant 0 : i32
      %cond3A_1299 = arith.cmpi ne, %convert_element_type3A_1297, %cond3A_1298 : i32
      scf.if %cond3A_1299 {
        %dma_wait3A_1425 = arith.constant 4 : i32
        %dma_wait3A_1426 = arith.constant 0 : i32
        %dma_wait3A_1427 = arith.constant 0 : i32
        %dma_wait3A_1428 = arith.constant 0 : i32
        %dma_wait3A_1429 = arith.constant 0 : i32
        %dma_wait3A_1430 = tpu.memref_slice %arg7[%dma_wait3A_1425, %dma_wait3A_1429] : memref<5x8192xf32, #tpu.memory_space<vmem>> -> memref<1x1024xf32, #tpu.memory_space<vmem>>
        %dma_wait3A_1431 = tpu.memref_squeeze %dma_wait3A_1430 : memref<1x1024xf32, #tpu.memory_space<vmem>> -> memref<1024xf32, #tpu.memory_space<vmem>>
        %dma_wait3A_1432 = arith.constant 0 : i32
        %dma_wait3A_1433 = tpu.memref_slice %arg4[%dma_wait3A_1426, %dma_wait3A_1427, %dma_wait3A_1428, %dma_wait3A_1432] : memref<50x8x32x1024xf32, #tpu.memory_space<hbm>> -> memref<1x1x1x1024xf32, #tpu.memory_space<hbm>>
        %dma_wait3A_1434 = tpu.memref_squeeze %dma_wait3A_1433 : memref<1x1x1x1024xf32, #tpu.memory_space<hbm>> -> memref<1024xf32, #tpu.memory_space<hbm>>
        %dma_wait3A_1435 = arith.constant 0 : i32
        %dma_wait3A_1436 = tpu.memref_slice %arg4[%dma_wait3A_1426, %dma_wait3A_1427, %dma_wait3A_1428, %dma_wait3A_1435] : memref<50x8x32x1024xf32, #tpu.memory_space<hbm>> -> memref<1x1x1x1024xf32, #tpu.memory_space<hbm>>
        %dma_wait3A_1437 = tpu.memref_squeeze %dma_wait3A_1436 : memref<1x1x1x1024xf32, #tpu.memory_space<hbm>> -> memref<1024xf32, #tpu.memory_space<hbm>>
        %dma_wait3A_1438 = arith.constant 0 : i32
        %dma_wait3A_1439 = tpu.memref_slice %arg7[%dma_wait3A_1425, %dma_wait3A_1438] : memref<5x8192xf32, #tpu.memory_space<vmem>> -> memref<1x1024xf32, #tpu.memory_space<vmem>>
        %dma_wait3A_1440 = tpu.memref_squeeze %dma_wait3A_1439 : memref<1x1024xf32, #tpu.memory_space<vmem>> -> memref<1024xf32, #tpu.memory_space<vmem>>
        tpu.wait_dma2 semaphore(%arg17 : memref<!tpu.dma_semaphore, #tpu.memory_space<semaphore_mem>>) src(%dma_wait3A_1440 : memref<1024xf32, #tpu.memory_space<vmem>>) dst(%dma_wait3A_1437 : memref<1024xf32, #tpu.memory_space<hbm>>)
        %dma_wait3A_1441 = arith.constant 4 : i32
        %dma_wait3A_1442 = arith.constant 0 : i32
        %dma_wait3A_1443 = arith.constant 0 : i32
        %dma_wait3A_1444 = arith.constant 0 : i32
        %dma_wait3A_1445 = arith.constant 0 : i32
        %dma_wait3A_1446 = tpu.memref_slice %arg7[%dma_wait3A_1441, %dma_wait3A_1445] : memref<5x8192xf32, #tpu.memory_space<vmem>> -> memref<1x1024xf32, #tpu.memory_space<vmem>>
        %dma_wait3A_1447 = tpu.memref_squeeze %dma_wait3A_1446 : memref<1x1024xf32, #tpu.memory_space<vmem>> -> memref<1024xf32, #tpu.memory_space<vmem>>
        %dma_wait3A_1448 = arith.constant 0 : i32
        %dma_wait3A_1449 = tpu.memref_slice %arg4[%dma_wait3A_1442, %dma_wait3A_1443, %dma_wait3A_1444, %dma_wait3A_1448] : memref<50x8x32x1024xf32, #tpu.memory_space<hbm>> -> memref<1x1x1x1024xf32, #tpu.memory_space<hbm>>
        %dma_wait3A_1450 = tpu.memref_squeeze %dma_wait3A_1449 : memref<1x1x1x1024xf32, #tpu.memory_space<hbm>> -> memref<1024xf32, #tpu.memory_space<hbm>>
        %dma_wait3A_1451 = arith.constant 0 : i32
        %dma_wait3A_1452 = tpu.memref_slice %arg4[%dma_wait3A_1442, %dma_wait3A_1443, %dma_wait3A_1444, %dma_wait3A_1451] : memref<50x8x32x1024xf32, #tpu.memory_space<hbm>> -> memref<1x1x1x1024xf32, #tpu.memory_space<hbm>>
        %dma_wait3A_1453 = tpu.memref_squeeze %dma_wait3A_1452 : memref<1x1x1x1024xf32, #tpu.memory_space<hbm>> -> memref<1024xf32, #tpu.memory_space<hbm>>
        %dma_wait3A_1454 = arith.constant 0 : i32
        %dma_wait3A_1455 = tpu.memref_slice %arg7[%dma_wait3A_1441, %dma_wait3A_1454] : memref<5x8192xf32, #tpu.memory_space<vmem>> -> memref<1x1024xf32, #tpu.memory_space<vmem>>
        %dma_wait3A_1456 = tpu.memref_squeeze %dma_wait3A_1455 : memref<1x1024xf32, #tpu.memory_space<vmem>> -> memref<1024xf32, #tpu.memory_space<vmem>>
        tpu.wait_dma2 semaphore(%arg17 : memref<!tpu.dma_semaphore, #tpu.memory_space<semaphore_mem>>) src(%dma_wait3A_1456 : memref<1024xf32, #tpu.memory_space<vmem>>) dst(%dma_wait3A_1453 : memref<1024xf32, #tpu.memory_space<hbm>>)
        %dma_wait3A_1457 = arith.constant 4 : i32
        %dma_wait3A_1458 = arith.constant 0 : i32
        %dma_wait3A_1459 = arith.constant 0 : i32
        %dma_wait3A_1460 = arith.constant 0 : i32
        %dma_wait3A_1461 = arith.constant 0 : i32
        %dma_wait3A_1462 = tpu.memref_slice %arg7[%dma_wait3A_1457, %dma_wait3A_1461] : memref<5x8192xf32, #tpu.memory_space<vmem>> -> memref<1x1024xf32, #tpu.memory_space<vmem>>
        %dma_wait3A_1463 = tpu.memref_squeeze %dma_wait3A_1462 : memref<1x1024xf32, #tpu.memory_space<vmem>> -> memref<1024xf32, #tpu.memory_space<vmem>>
        %dma_wait3A_1464 = arith.constant 0 : i32
        %dma_wait3A_1465 = tpu.memref_slice %arg4[%dma_wait3A_1458, %dma_wait3A_1459, %dma_wait3A_1460, %dma_wait3A_1464] : memref<50x8x32x1024xf32, #tpu.memory_space<hbm>> -> memref<1x1x1x1024xf32, #tpu.memory_space<hbm>>
        %dma_wait3A_1466 = tpu.memref_squeeze %dma_wait3A_1465 : memref<1x1x1x1024xf32, #tpu.memory_space<hbm>> -> memref<1024xf32, #tpu.memory_space<hbm>>
        %dma_wait3A_1467 = arith.constant 0 : i32
        %dma_wait3A_1468 = tpu.memref_slice %arg4[%dma_wait3A_1458, %dma_wait3A_1459, %dma_wait3A_1460, %dma_wait3A_1467] : memref<50x8x32x1024xf32, #tpu.memory_space<hbm>> -> memref<1x1x1x1024xf32, #tpu.memory_space<hbm>>
        %dma_wait3A_1469 = tpu.memref_squeeze %dma_wait3A_1468 : memref<1x1x1x1024xf32, #tpu.memory_space<hbm>> -> memref<1024xf32, #tpu.memory_space<hbm>>
        %dma_wait3A_1470 = arith.constant 0 : i32
        %dma_wait3A_1471 = tpu.memref_slice %arg7[%dma_wait3A_1457, %dma_wait3A_1470] : memref<5x8192xf32, #tpu.memory_space<vmem>> -> memref<1x1024xf32, #tpu.memory_space<vmem>>
        %dma_wait3A_1472 = tpu.memref_squeeze %dma_wait3A_1471 : memref<1x1024xf32, #tpu.memory_space<vmem>> -> memref<1024xf32, #tpu.memory_space<vmem>>
        tpu.wait_dma2 semaphore(%arg17 : memref<!tpu.dma_semaphore, #tpu.memory_space<semaphore_mem>>) src(%dma_wait3A_1472 : memref<1024xf32, #tpu.memory_space<vmem>>) dst(%dma_wait3A_1469 : memref<1024xf32, #tpu.memory_space<hbm>>)
        %dma_wait3A_1473 = arith.constant 4 : i32
        %dma_wait3A_1474 = arith.constant 0 : i32
        %dma_wait3A_1475 = arith.constant 0 : i32
        %dma_wait3A_1476 = arith.constant 0 : i32
        %dma_wait3A_1477 = arith.constant 0 : i32
        %dma_wait3A_1478 = tpu.memref_slice %arg7[%dma_wait3A_1473, %dma_wait3A_1477] : memref<5x8192xf32, #tpu.memory_space<vmem>> -> memref<1x1024xf32, #tpu.memory_space<vmem>>
        %dma_wait3A_1479 = tpu.memref_squeeze %dma_wait3A_1478 : memref<1x1024xf32, #tpu.memory_space<vmem>> -> memref<1024xf32, #tpu.memory_space<vmem>>
        %dma_wait3A_1480 = arith.constant 0 : i32
        %dma_wait3A_1481 = tpu.memref_slice %arg4[%dma_wait3A_1474, %dma_wait3A_1475, %dma_wait3A_1476, %dma_wait3A_1480] : memref<50x8x32x1024xf32, #tpu.memory_space<hbm>> -> memref<1x1x1x1024xf32, #tpu.memory_space<hbm>>
        %dma_wait3A_1482 = tpu.memref_squeeze %dma_wait3A_1481 : memref<1x1x1x1024xf32, #tpu.memory_space<hbm>> -> memref<1024xf32, #tpu.memory_space<hbm>>
        %dma_wait3A_1483 = arith.constant 0 : i32
        %dma_wait3A_1484 = tpu.memref_slice %arg4[%dma_wait3A_1474, %dma_wait3A_1475, %dma_wait3A_1476, %dma_wait3A_1483] : memref<50x8x32x1024xf32, #tpu.memory_space<hbm>> -> memref<1x1x1x1024xf32, #tpu.memory_space<hbm>>
        %dma_wait3A_1485 = tpu.memref_squeeze %dma_wait3A_1484 : memref<1x1x1x1024xf32, #tpu.memory_space<hbm>> -> memref<1024xf32, #tpu.memory_space<hbm>>
        %dma_wait3A_1486 = arith.constant 0 : i32
        %dma_wait3A_1487 = tpu.memref_slice %arg7[%dma_wait3A_1473, %dma_wait3A_1486] : memref<5x8192xf32, #tpu.memory_space<vmem>> -> memref<1x1024xf32, #tpu.memory_space<vmem>>
        %dma_wait3A_1488 = tpu.memref_squeeze %dma_wait3A_1487 : memref<1x1024xf32, #tpu.memory_space<vmem>> -> memref<1024xf32, #tpu.memory_space<vmem>>
        tpu.wait_dma2 semaphore(%arg17 : memref<!tpu.dma_semaphore, #tpu.memory_space<semaphore_mem>>) src(%dma_wait3A_1488 : memref<1024xf32, #tpu.memory_space<vmem>>) dst(%dma_wait3A_1485 : memref<1024xf32, #tpu.memory_space<hbm>>)
        %dma_wait3A_1489 = arith.constant 4 : i32
        %dma_wait3A_1490 = arith.constant 0 : i32
        %dma_wait3A_1491 = arith.constant 0 : i32
        %dma_wait3A_1492 = arith.constant 0 : i32
        %dma_wait3A_1493 = arith.constant 0 : i32
        %dma_wait3A_1494 = tpu.memref_slice %arg7[%dma_wait3A_1489, %dma_wait3A_1493] : memref<5x8192xf32, #tpu.memory_space<vmem>> -> memref<1x1024xf32, #tpu.memory_space<vmem>>
        %dma_wait3A_1495 = tpu.memref_squeeze %dma_wait3A_1494 : memref<1x1024xf32, #tpu.memory_space<vmem>> -> memref<1024xf32, #tpu.memory_space<vmem>>
        %dma_wait3A_1496 = arith.constant 0 : i32
        %dma_wait3A_1497 = tpu.memref_slice %arg4[%dma_wait3A_1490, %dma_wait3A_1491, %dma_wait3A_1492, %dma_wait3A_1496] : memref<50x8x32x1024xf32, #tpu.memory_space<hbm>> -> memref<1x1x1x1024xf32, #tpu.memory_space<hbm>>
        %dma_wait3A_1498 = tpu.memref_squeeze %dma_wait3A_1497 : memref<1x1x1x1024xf32, #tpu.memory_space<hbm>> -> memref<1024xf32, #tpu.memory_space<hbm>>
        %dma_wait3A_1499 = arith.constant 0 : i32
        %dma_wait3A_1500 = tpu.memref_slice %arg4[%dma_wait3A_1490, %dma_wait3A_1491, %dma_wait3A_1492, %dma_wait3A_1499] : memref<50x8x32x1024xf32, #tpu.memory_space<hbm>> -> memref<1x1x1x1024xf32, #tpu.memory_space<hbm>>
        %dma_wait3A_1501 = tpu.memref_squeeze %dma_wait3A_1500 : memref<1x1x1x1024xf32, #tpu.memory_space<hbm>> -> memref<1024xf32, #tpu.memory_space<hbm>>
        %dma_wait3A_1502 = arith.constant 0 : i32
        %dma_wait3A_1503 = tpu.memref_slice %arg7[%dma_wait3A_1489, %dma_wait3A_1502] : memref<5x8192xf32, #tpu.memory_space<vmem>> -> memref<1x1024xf32, #tpu.memory_space<vmem>>
        %dma_wait3A_1504 = tpu.memref_squeeze %dma_wait3A_1503 : memref<1x1024xf32, #tpu.memory_space<vmem>> -> memref<1024xf32, #tpu.memory_space<vmem>>
        tpu.wait_dma2 semaphore(%arg17 : memref<!tpu.dma_semaphore, #tpu.memory_space<semaphore_mem>>) src(%dma_wait3A_1504 : memref<1024xf32, #tpu.memory_space<vmem>>) dst(%dma_wait3A_1501 : memref<1024xf32, #tpu.memory_space<hbm>>)
        %dma_wait3A_1505 = arith.constant 4 : i32
        %dma_wait3A_1506 = arith.constant 0 : i32
        %dma_wait3A_1507 = arith.constant 0 : i32
        %dma_wait3A_1508 = arith.constant 0 : i32
        %dma_wait3A_1509 = arith.constant 0 : i32
        %dma_wait3A_1510 = tpu.memref_slice %arg7[%dma_wait3A_1505, %dma_wait3A_1509] : memref<5x8192xf32, #tpu.memory_space<vmem>> -> memref<1x1024xf32, #tpu.memory_space<vmem>>
        %dma_wait3A_1511 = tpu.memref_squeeze %dma_wait3A_1510 : memref<1x1024xf32, #tpu.memory_space<vmem>> -> memref<1024xf32, #tpu.memory_space<vmem>>
        %dma_wait3A_1512 = arith.constant 0 : i32
        %dma_wait3A_1513 = tpu.memref_slice %arg4[%dma_wait3A_1506, %dma_wait3A_1507, %dma_wait3A_1508, %dma_wait3A_1512] : memref<50x8x32x1024xf32, #tpu.memory_space<hbm>> -> memref<1x1x1x1024xf32, #tpu.memory_space<hbm>>
        %dma_wait3A_1514 = tpu.memref_squeeze %dma_wait3A_1513 : memref<1x1x1x1024xf32, #tpu.memory_space<hbm>> -> memref<1024xf32, #tpu.memory_space<hbm>>
        %dma_wait3A_1515 = arith.constant 0 : i32
        %dma_wait3A_1516 = tpu.memref_slice %arg4[%dma_wait3A_1506, %dma_wait3A_1507, %dma_wait3A_1508, %dma_wait3A_1515] : memref<50x8x32x1024xf32, #tpu.memory_space<hbm>> -> memref<1x1x1x1024xf32, #tpu.memory_space<hbm>>
        %dma_wait3A_1517 = tpu.memref_squeeze %dma_wait3A_1516 : memref<1x1x1x1024xf32, #tpu.memory_space<hbm>> -> memref<1024xf32, #tpu.memory_space<hbm>>
        %dma_wait3A_1518 = arith.constant 0 : i32
        %dma_wait3A_1519 = tpu.memref_slice %arg7[%dma_wait3A_1505, %dma_wait3A_1518] : memref<5x8192xf32, #tpu.memory_space<vmem>> -> memref<1x1024xf32, #tpu.memory_space<vmem>>
        %dma_wait3A_1520 = tpu.memref_squeeze %dma_wait3A_1519 : memref<1x1024xf32, #tpu.memory_space<vmem>> -> memref<1024xf32, #tpu.memory_space<vmem>>
        tpu.wait_dma2 semaphore(%arg17 : memref<!tpu.dma_semaphore, #tpu.memory_space<semaphore_mem>>) src(%dma_wait3A_1520 : memref<1024xf32, #tpu.memory_space<vmem>>) dst(%dma_wait3A_1517 : memref<1024xf32, #tpu.memory_space<hbm>>)
        %dma_wait3A_1521 = arith.constant 4 : i32
        %dma_wait3A_1522 = arith.constant 0 : i32
        %dma_wait3A_1523 = arith.constant 0 : i32
        %dma_wait3A_1524 = arith.constant 0 : i32
        %dma_wait3A_1525 = arith.constant 0 : i32
        %dma_wait3A_1526 = tpu.memref_slice %arg7[%dma_wait3A_1521, %dma_wait3A_1525] : memref<5x8192xf32, #tpu.memory_space<vmem>> -> memref<1x1024xf32, #tpu.memory_space<vmem>>
        %dma_wait3A_1527 = tpu.memref_squeeze %dma_wait3A_1526 : memref<1x1024xf32, #tpu.memory_space<vmem>> -> memref<1024xf32, #tpu.memory_space<vmem>>
        %dma_wait3A_1528 = arith.constant 0 : i32
        %dma_wait3A_1529 = tpu.memref_slice %arg4[%dma_wait3A_1522, %dma_wait3A_1523, %dma_wait3A_1524, %dma_wait3A_1528] : memref<50x8x32x1024xf32, #tpu.memory_space<hbm>> -> memref<1x1x1x1024xf32, #tpu.memory_space<hbm>>
        %dma_wait3A_1530 = tpu.memref_squeeze %dma_wait3A_1529 : memref<1x1x1x1024xf32, #tpu.memory_space<hbm>> -> memref<1024xf32, #tpu.memory_space<hbm>>
        %dma_wait3A_1531 = arith.constant 0 : i32
        %dma_wait3A_1532 = tpu.memref_slice %arg4[%dma_wait3A_1522, %dma_wait3A_1523, %dma_wait3A_1524, %dma_wait3A_1531] : memref<50x8x32x1024xf32, #tpu.memory_space<hbm>> -> memref<1x1x1x1024xf32, #tpu.memory_space<hbm>>
        %dma_wait3A_1533 = tpu.memref_squeeze %dma_wait3A_1532 : memref<1x1x1x1024xf32, #tpu.memory_space<hbm>> -> memref<1024xf32, #tpu.memory_space<hbm>>
        %dma_wait3A_1534 = arith.constant 0 : i32
        %dma_wait3A_1535 = tpu.memref_slice %arg7[%dma_wait3A_1521, %dma_wait3A_1534] : memref<5x8192xf32, #tpu.memory_space<vmem>> -> memref<1x1024xf32, #tpu.memory_space<vmem>>
        %dma_wait3A_1536 = tpu.memref_squeeze %dma_wait3A_1535 : memref<1x1024xf32, #tpu.memory_space<vmem>> -> memref<1024xf32, #tpu.memory_space<vmem>>
        tpu.wait_dma2 semaphore(%arg17 : memref<!tpu.dma_semaphore, #tpu.memory_space<semaphore_mem>>) src(%dma_wait3A_1536 : memref<1024xf32, #tpu.memory_space<vmem>>) dst(%dma_wait3A_1533 : memref<1024xf32, #tpu.memory_space<hbm>>)
        %dma_wait3A_1537 = arith.constant 4 : i32
        %dma_wait3A_1538 = arith.constant 0 : i32
        %dma_wait3A_1539 = arith.constant 0 : i32
        %dma_wait3A_1540 = arith.constant 0 : i32
        %dma_wait3A_1541 = arith.constant 0 : i32
        %dma_wait3A_1542 = tpu.memref_slice %arg7[%dma_wait3A_1537, %dma_wait3A_1541] : memref<5x8192xf32, #tpu.memory_space<vmem>> -> memref<1x1024xf32, #tpu.memory_space<vmem>>
        %dma_wait3A_1543 = tpu.memref_squeeze %dma_wait3A_1542 : memref<1x1024xf32, #tpu.memory_space<vmem>> -> memref<1024xf32, #tpu.memory_space<vmem>>
        %dma_wait3A_1544 = arith.constant 0 : i32
        %dma_wait3A_1545 = tpu.memref_slice %arg4[%dma_wait3A_1538, %dma_wait3A_1539, %dma_wait3A_1540, %dma_wait3A_1544] : memref<50x8x32x1024xf32, #tpu.memory_space<hbm>> -> memref<1x1x1x1024xf32, #tpu.memory_space<hbm>>
        %dma_wait3A_1546 = tpu.memref_squeeze %dma_wait3A_1545 : memref<1x1x1x1024xf32, #tpu.memory_space<hbm>> -> memref<1024xf32, #tpu.memory_space<hbm>>
        %dma_wait3A_1547 = arith.constant 0 : i32
        %dma_wait3A_1548 = tpu.memref_slice %arg4[%dma_wait3A_1538, %dma_wait3A_1539, %dma_wait3A_1540, %dma_wait3A_1547] : memref<50x8x32x1024xf32, #tpu.memory_space<hbm>> -> memref<1x1x1x1024xf32, #tpu.memory_space<hbm>>
        %dma_wait3A_1549 = tpu.memref_squeeze %dma_wait3A_1548 : memref<1x1x1x1024xf32, #tpu.memory_space<hbm>> -> memref<1024xf32, #tpu.memory_space<hbm>>
        %dma_wait3A_1550 = arith.constant 0 : i32
        %dma_wait3A_1551 = tpu.memref_slice %arg7[%dma_wait3A_1537, %dma_wait3A_1550] : memref<5x8192xf32, #tpu.memory_space<vmem>> -> memref<1x1024xf32, #tpu.memory_space<vmem>>
        %dma_wait3A_1552 = tpu.memref_squeeze %dma_wait3A_1551 : memref<1x1024xf32, #tpu.memory_space<vmem>> -> memref<1024xf32, #tpu.memory_space<vmem>>
        tpu.wait_dma2 semaphore(%arg17 : memref<!tpu.dma_semaphore, #tpu.memory_space<semaphore_mem>>) src(%dma_wait3A_1552 : memref<1024xf32, #tpu.memory_space<vmem>>) dst(%dma_wait3A_1549 : memref<1024xf32, #tpu.memory_space<hbm>>)
      } else {
      }
      %parallel_loop3A_1300 = arith.constant 0 : i32
      %parallel_loop3A_1301 = arith.constant 64 : i32
      %parallel_loop3A_1302 = arith.constant 1 : i32
      %parallel_loop3A_1303 = arith.constant 4 : i32
      %parallel_loop3A_1304 = arith.constant 4 : i32
      scf.for %parallel_loop3A_1425 = %parallel_loop3A_1300 to %parallel_loop3A_1301 step %parallel_loop3A_1302  : i32 {
        %parallel_loop3A_1426 = vector.broadcast %parallel_loop3A_1425 : i32 to vector<16xi32>
        %parallel_loop3A_1427 = arith.addi %parallel_loop3A_1426, %iota3A : vector<16xi32>
        %parallel_loop3A_1428 = arith.constant 63 : i32
        %parallel_loop3A_1429 = vector.broadcast %parallel_loop3A_1428 : i32 to vector<16xi32>
        %parallel_loop3A_1430 = arith.andi %parallel_loop3A_1427, %parallel_loop3A_1429 : vector<16xi32>
        %parallel_loop3A_1431 = arith.constant 128 : i32
        %parallel_loop3A_1432 = vector.broadcast %parallel_loop3A_1431 : i32 to vector<16xi32>
        %parallel_loop3A_1433 = arith.muli %parallel_loop3A_1430, %parallel_loop3A_1432 : vector<16xi32>
        %parallel_loop3A_1434 = arith.constant 0 : i32
        %parallel_loop3A_1435 = vector.broadcast %parallel_loop3A_1434 : i32 to vector<16xi32>
        %parallel_loop3A_1436 = arith.addi %iota3A, %parallel_loop3A_1435 : vector<16xi32>
        %parallel_loop3A_1437 = arith.constant 0 : i32
        %parallel_loop3A_1438 = arith.constant 0 : i32
        %parallel_loop3A_1439 = tpu.memref_slice %arg6[%parallel_loop3A_1303, %parallel_loop3A_1437, %parallel_loop3A_1438] : memref<5x128x64xf32, #tpu.memory_space<vmem>> -> memref<1x128x64xf32, #tpu.memory_space<vmem>>
        %parallel_loop3A_1440 = tpu.memref_squeeze %parallel_loop3A_1439 : memref<1x128x64xf32, #tpu.memory_space<vmem>> -> memref<128x64xf32, #tpu.memory_space<vmem>>
        %parallel_loop3A_1441 = tpu.vector_load_idx %parallel_loop3A_1440[%parallel_loop3A_1436, %parallel_loop3A_1430] : memref<128x64xf32, #tpu.memory_space<vmem>>[vector<16xi32>, vector<16xi32>], vector<16xf32>,
        %parallel_loop3A_1442 = arith.addi %parallel_loop3A_1433, %parallel_loop3A_1436 : vector<16xi32>
        %parallel_loop3A_1443 = arith.constant 0 : i32
        %parallel_loop3A_1444 = tpu.memref_slice %arg7[%parallel_loop3A_1304, %parallel_loop3A_1443] : memref<5x8192xf32, #tpu.memory_space<vmem>> -> memref<1x8192xf32, #tpu.memory_space<vmem>>
        %parallel_loop3A_1445 = tpu.memref_squeeze %parallel_loop3A_1444 : memref<1x8192xf32, #tpu.memory_space<vmem>> -> memref<8192xf32, #tpu.memory_space<vmem>>
        tpu.vector_store_idx %parallel_loop3A_1445[%parallel_loop3A_1442], %parallel_loop3A_1441 : memref<8192xf32, #tpu.memory_space<vmem>>[vector<16xi32>], vector<16xf32>,
        %parallel_loop3A_1446 = arith.constant 16 : i32
        %parallel_loop3A_1447 = vector.broadcast %parallel_loop3A_1446 : i32 to vector<16xi32>
        %parallel_loop3A_1448 = arith.addi %iota3A, %parallel_loop3A_1447 : vector<16xi32>
        %parallel_loop3A_1449 = arith.constant 0 : i32
        %parallel_loop3A_1450 = arith.constant 0 : i32
        %parallel_loop3A_1451 = tpu.memref_slice %arg6[%parallel_loop3A_1303, %parallel_loop3A_1449, %parallel_loop3A_1450] : memref<5x128x64xf32, #tpu.memory_space<vmem>> -> memref<1x128x64xf32, #tpu.memory_space<vmem>>
        %parallel_loop3A_1452 = tpu.memref_squeeze %parallel_loop3A_1451 : memref<1x128x64xf32, #tpu.memory_space<vmem>> -> memref<128x64xf32, #tpu.memory_space<vmem>>
        %parallel_loop3A_1453 = tpu.vector_load_idx %parallel_loop3A_1452[%parallel_loop3A_1448, %parallel_loop3A_1430] : memref<128x64xf32, #tpu.memory_space<vmem>>[vector<16xi32>, vector<16xi32>], vector<16xf32>,
        %parallel_loop3A_1454 = arith.addi %parallel_loop3A_1433, %parallel_loop3A_1448 : vector<16xi32>
        %parallel_loop3A_1455 = arith.constant 0 : i32
        %parallel_loop3A_1456 = tpu.memref_slice %arg7[%parallel_loop3A_1304, %parallel_loop3A_1455] : memref<5x8192xf32, #tpu.memory_space<vmem>> -> memref<1x8192xf32, #tpu.memory_space<vmem>>
        %parallel_loop3A_1457 = tpu.memref_squeeze %parallel_loop3A_1456 : memref<1x8192xf32, #tpu.memory_space<vmem>> -> memref<8192xf32, #tpu.memory_space<vmem>>
        tpu.vector_store_idx %parallel_loop3A_1457[%parallel_loop3A_1454], %parallel_loop3A_1453 : memref<8192xf32, #tpu.memory_space<vmem>>[vector<16xi32>], vector<16xf32>,
        %parallel_loop3A_1458 = arith.constant 32 : i32
        %parallel_loop3A_1459 = vector.broadcast %parallel_loop3A_1458 : i32 to vector<16xi32>
        %parallel_loop3A_1460 = arith.addi %iota3A, %parallel_loop3A_1459 : vector<16xi32>
        %parallel_loop3A_1461 = arith.constant 0 : i32
        %parallel_loop3A_1462 = arith.constant 0 : i32
        %parallel_loop3A_1463 = tpu.memref_slice %arg6[%parallel_loop3A_1303, %parallel_loop3A_1461, %parallel_loop3A_1462] : memref<5x128x64xf32, #tpu.memory_space<vmem>> -> memref<1x128x64xf32, #tpu.memory_space<vmem>>
        %parallel_loop3A_1464 = tpu.memref_squeeze %parallel_loop3A_1463 : memref<1x128x64xf32, #tpu.memory_space<vmem>> -> memref<128x64xf32, #tpu.memory_space<vmem>>
        %parallel_loop3A_1465 = tpu.vector_load_idx %parallel_loop3A_1464[%parallel_loop3A_1460, %parallel_loop3A_1430] : memref<128x64xf32, #tpu.memory_space<vmem>>[vector<16xi32>, vector<16xi32>], vector<16xf32>,
        %parallel_loop3A_1466 = arith.addi %parallel_loop3A_1433, %parallel_loop3A_1460 : vector<16xi32>
        %parallel_loop3A_1467 = arith.constant 0 : i32
        %parallel_loop3A_1468 = tpu.memref_slice %arg7[%parallel_loop3A_1304, %parallel_loop3A_1467] : memref<5x8192xf32, #tpu.memory_space<vmem>> -> memref<1x8192xf32, #tpu.memory_space<vmem>>
        %parallel_loop3A_1469 = tpu.memref_squeeze %parallel_loop3A_1468 : memref<1x8192xf32, #tpu.memory_space<vmem>> -> memref<8192xf32, #tpu.memory_space<vmem>>
        tpu.vector_store_idx %parallel_loop3A_1469[%parallel_loop3A_1466], %parallel_loop3A_1465 : memref<8192xf32, #tpu.memory_space<vmem>>[vector<16xi32>], vector<16xf32>,
        %parallel_loop3A_1470 = arith.constant 48 : i32
        %parallel_loop3A_1471 = vector.broadcast %parallel_loop3A_1470 : i32 to vector<16xi32>
        %parallel_loop3A_1472 = arith.addi %iota3A, %parallel_loop3A_1471 : vector<16xi32>
        %parallel_loop3A_1473 = arith.constant 0 : i32
        %parallel_loop3A_1474 = arith.constant 0 : i32
        %parallel_loop3A_1475 = tpu.memref_slice %arg6[%parallel_loop3A_1303, %parallel_loop3A_1473, %parallel_loop3A_1474] : memref<5x128x64xf32, #tpu.memory_space<vmem>> -> memref<1x128x64xf32, #tpu.memory_space<vmem>>
        %parallel_loop3A_1476 = tpu.memref_squeeze %parallel_loop3A_1475 : memref<1x128x64xf32, #tpu.memory_space<vmem>> -> memref<128x64xf32, #tpu.memory_space<vmem>>
        %parallel_loop3A_1477 = tpu.vector_load_idx %parallel_loop3A_1476[%parallel_loop3A_1472, %parallel_loop3A_1430] : memref<128x64xf32, #tpu.memory_space<vmem>>[vector<16xi32>, vector<16xi32>], vector<16xf32>,
        %parallel_loop3A_1478 = arith.addi %parallel_loop3A_1433, %parallel_loop3A_1472 : vector<16xi32>
        %parallel_loop3A_1479 = arith.constant 0 : i32
        %parallel_loop3A_1480 = tpu.memref_slice %arg7[%parallel_loop3A_1304, %parallel_loop3A_1479] : memref<5x8192xf32, #tpu.memory_space<vmem>> -> memref<1x8192xf32, #tpu.memory_space<vmem>>
        %parallel_loop3A_1481 = tpu.memref_squeeze %parallel_loop3A_1480 : memref<1x8192xf32, #tpu.memory_space<vmem>> -> memref<8192xf32, #tpu.memory_space<vmem>>
        tpu.vector_store_idx %parallel_loop3A_1481[%parallel_loop3A_1478], %parallel_loop3A_1477 : memref<8192xf32, #tpu.memory_space<vmem>>[vector<16xi32>], vector<16xf32>,
        %parallel_loop3A_1482 = arith.constant 64 : i32
        %parallel_loop3A_1483 = vector.broadcast %parallel_loop3A_1482 : i32 to vector<16xi32>
        %parallel_loop3A_1484 = arith.addi %iota3A, %parallel_loop3A_1483 : vector<16xi32>
        %parallel_loop3A_1485 = arith.constant 0 : i32
        %parallel_loop3A_1486 = arith.constant 0 : i32
        %parallel_loop3A_1487 = tpu.memref_slice %arg6[%parallel_loop3A_1303, %parallel_loop3A_1485, %parallel_loop3A_1486] : memref<5x128x64xf32, #tpu.memory_space<vmem>> -> memref<1x128x64xf32, #tpu.memory_space<vmem>>
        %parallel_loop3A_1488 = tpu.memref_squeeze %parallel_loop3A_1487 : memref<1x128x64xf32, #tpu.memory_space<vmem>> -> memref<128x64xf32, #tpu.memory_space<vmem>>
        %parallel_loop3A_1489 = tpu.vector_load_idx %parallel_loop3A_1488[%parallel_loop3A_1484, %parallel_loop3A_1430] : memref<128x64xf32, #tpu.memory_space<vmem>>[vector<16xi32>, vector<16xi32>], vector<16xf32>,
        %parallel_loop3A_1490 = arith.addi %parallel_loop3A_1433, %parallel_loop3A_1484 : vector<16xi32>
        %parallel_loop3A_1491 = arith.constant 0 : i32
        %parallel_loop3A_1492 = tpu.memref_slice %arg7[%parallel_loop3A_1304, %parallel_loop3A_1491] : memref<5x8192xf32, #tpu.memory_space<vmem>> -> memref<1x8192xf32, #tpu.memory_space<vmem>>
        %parallel_loop3A_1493 = tpu.memref_squeeze %parallel_loop3A_1492 : memref<1x8192xf32, #tpu.memory_space<vmem>> -> memref<8192xf32, #tpu.memory_space<vmem>>
        tpu.vector_store_idx %parallel_loop3A_1493[%parallel_loop3A_1490], %parallel_loop3A_1489 : memref<8192xf32, #tpu.memory_space<vmem>>[vector<16xi32>], vector<16xf32>,
        %parallel_loop3A_1494 = arith.constant 80 : i32
        %parallel_loop3A_1495 = vector.broadcast %parallel_loop3A_1494 : i32 to vector<16xi32>
        %parallel_loop3A_1496 = arith.addi %iota3A, %parallel_loop3A_1495 : vector<16xi32>
        %parallel_loop3A_1497 = arith.constant 0 : i32
        %parallel_loop3A_1498 = arith.constant 0 : i32
        %parallel_loop3A_1499 = tpu.memref_slice %arg6[%parallel_loop3A_1303, %parallel_loop3A_1497, %parallel_loop3A_1498] : memref<5x128x64xf32, #tpu.memory_space<vmem>> -> memref<1x128x64xf32, #tpu.memory_space<vmem>>
        %parallel_loop3A_1500 = tpu.memref_squeeze %parallel_loop3A_1499 : memref<1x128x64xf32, #tpu.memory_space<vmem>> -> memref<128x64xf32, #tpu.memory_space<vmem>>
        %parallel_loop3A_1501 = tpu.vector_load_idx %parallel_loop3A_1500[%parallel_loop3A_1496, %parallel_loop3A_1430] : memref<128x64xf32, #tpu.memory_space<vmem>>[vector<16xi32>, vector<16xi32>], vector<16xf32>,
        %parallel_loop3A_1502 = arith.addi %parallel_loop3A_1433, %parallel_loop3A_1496 : vector<16xi32>
        %parallel_loop3A_1503 = arith.constant 0 : i32
        %parallel_loop3A_1504 = tpu.memref_slice %arg7[%parallel_loop3A_1304, %parallel_loop3A_1503] : memref<5x8192xf32, #tpu.memory_space<vmem>> -> memref<1x8192xf32, #tpu.memory_space<vmem>>
        %parallel_loop3A_1505 = tpu.memref_squeeze %parallel_loop3A_1504 : memref<1x8192xf32, #tpu.memory_space<vmem>> -> memref<8192xf32, #tpu.memory_space<vmem>>
        tpu.vector_store_idx %parallel_loop3A_1505[%parallel_loop3A_1502], %parallel_loop3A_1501 : memref<8192xf32, #tpu.memory_space<vmem>>[vector<16xi32>], vector<16xf32>,
        %parallel_loop3A_1506 = arith.constant 96 : i32
        %parallel_loop3A_1507 = vector.broadcast %parallel_loop3A_1506 : i32 to vector<16xi32>
        %parallel_loop3A_1508 = arith.addi %iota3A, %parallel_loop3A_1507 : vector<16xi32>
        %parallel_loop3A_1509 = arith.constant 0 : i32
        %parallel_loop3A_1510 = arith.constant 0 : i32
        %parallel_loop3A_1511 = tpu.memref_slice %arg6[%parallel_loop3A_1303, %parallel_loop3A_1509, %parallel_loop3A_1510] : memref<5x128x64xf32, #tpu.memory_space<vmem>> -> memref<1x128x64xf32, #tpu.memory_space<vmem>>
        %parallel_loop3A_1512 = tpu.memref_squeeze %parallel_loop3A_1511 : memref<1x128x64xf32, #tpu.memory_space<vmem>> -> memref<128x64xf32, #tpu.memory_space<vmem>>
        %parallel_loop3A_1513 = tpu.vector_load_idx %parallel_loop3A_1512[%parallel_loop3A_1508, %parallel_loop3A_1430] : memref<128x64xf32, #tpu.memory_space<vmem>>[vector<16xi32>, vector<16xi32>], vector<16xf32>,
        %parallel_loop3A_1514 = arith.addi %parallel_loop3A_1433, %parallel_loop3A_1508 : vector<16xi32>
        %parallel_loop3A_1515 = arith.constant 0 : i32
        %parallel_loop3A_1516 = tpu.memref_slice %arg7[%parallel_loop3A_1304, %parallel_loop3A_1515] : memref<5x8192xf32, #tpu.memory_space<vmem>> -> memref<1x8192xf32, #tpu.memory_space<vmem>>
        %parallel_loop3A_1517 = tpu.memref_squeeze %parallel_loop3A_1516 : memref<1x8192xf32, #tpu.memory_space<vmem>> -> memref<8192xf32, #tpu.memory_space<vmem>>
        tpu.vector_store_idx %parallel_loop3A_1517[%parallel_loop3A_1514], %parallel_loop3A_1513 : memref<8192xf32, #tpu.memory_space<vmem>>[vector<16xi32>], vector<16xf32>,
        %parallel_loop3A_1518 = arith.constant 112 : i32
        %parallel_loop3A_1519 = vector.broadcast %parallel_loop3A_1518 : i32 to vector<16xi32>
        %parallel_loop3A_1520 = arith.addi %iota3A, %parallel_loop3A_1519 : vector<16xi32>
        %parallel_loop3A_1521 = arith.constant 0 : i32
        %parallel_loop3A_1522 = arith.constant 0 : i32
        %parallel_loop3A_1523 = tpu.memref_slice %arg6[%parallel_loop3A_1303, %parallel_loop3A_1521, %parallel_loop3A_1522] : memref<5x128x64xf32, #tpu.memory_space<vmem>> -> memref<1x128x64xf32, #tpu.memory_space<vmem>>
        %parallel_loop3A_1524 = tpu.memref_squeeze %parallel_loop3A_1523 : memref<1x128x64xf32, #tpu.memory_space<vmem>> -> memref<128x64xf32, #tpu.memory_space<vmem>>
        %parallel_loop3A_1525 = tpu.vector_load_idx %parallel_loop3A_1524[%parallel_loop3A_1520, %parallel_loop3A_1430] : memref<128x64xf32, #tpu.memory_space<vmem>>[vector<16xi32>, vector<16xi32>], vector<16xf32>,
        %parallel_loop3A_1526 = arith.addi %parallel_loop3A_1433, %parallel_loop3A_1520 : vector<16xi32>
        %parallel_loop3A_1527 = arith.constant 0 : i32
        %parallel_loop3A_1528 = tpu.memref_slice %arg7[%parallel_loop3A_1304, %parallel_loop3A_1527] : memref<5x8192xf32, #tpu.memory_space<vmem>> -> memref<1x8192xf32, #tpu.memory_space<vmem>>
        %parallel_loop3A_1529 = tpu.memref_squeeze %parallel_loop3A_1528 : memref<1x8192xf32, #tpu.memory_space<vmem>> -> memref<8192xf32, #tpu.memory_space<vmem>>
        tpu.vector_store_idx %parallel_loop3A_1529[%parallel_loop3A_1526], %parallel_loop3A_1525 : memref<8192xf32, #tpu.memory_space<vmem>>[vector<16xi32>], vector<16xf32>,
      } {sc.loop_unroll_factor = 8 : i64, sc.parallel_access}
      %add3A_1305 = arith.constant 5 : i32
      %add3A_1306 = arith.addi %add3A_1283, %add3A_1305 : i32
      %lt3A_1307 = arith.constant 50 : i32
      %lt3A_1308 = arith.cmpi slt, %add3A_1306, %lt3A_1307 : i32
      %convert_element_type3A_1309 = arith.extui %lt3A_1308 : i1 to i32
      %cond3A_1310 = arith.constant 0 : i32
      %cond3A_1311 = arith.cmpi ne, %convert_element_type3A_1309, %cond3A_1310 : i32
      scf.if %cond3A_1311 {
        %add3A_1425 = arith.constant 5 : i32
        %add3A_1426 = arith.addi %add3A_1283, %add3A_1425 : i32
        %dma_start3A_1427 = arith.constant 4 : i32
        %dma_start3A_1428 = arith.constant 0 : i32
        %dma_start3A_1429 = arith.constant 0 : i32
        %dma_start3A_1430 = tpu.memref_slice %arg6[%dma_start3A_1427, %dma_start3A_1428, %dma_start3A_1429] : memref<5x128x64xf32, #tpu.memory_space<vmem>> -> memref<1x128x64xf32, #tpu.memory_space<vmem>>
        %dma_start3A_1431 = tpu.memref_squeeze %dma_start3A_1430 : memref<1x128x64xf32, #tpu.memory_space<vmem>> -> memref<128x64xf32, #tpu.memory_space<vmem>>
        %dma_start3A_1432 = arith.constant 0 : i32
        %dma_start3A_1433 = tpu.memref_slice %arg5[%add3A_1426, %dma_start3A_1432] : memref<50x128xi32, #tpu.memory_space<vmem>> -> memref<1x128xi32, #tpu.memory_space<vmem>>
        %dma_start3A_1434 = tpu.memref_squeeze %dma_start3A_1433 : memref<1x128xi32, #tpu.memory_space<vmem>> -> memref<128xi32, #tpu.memory_space<vmem>>
        %dma_start3A_1435 = arith.constant 0 : i32
        %dma_start3A_1436 = arith.constant 0 : i32
        %dma_start3A_1437 = tpu.memref_slice %arg3[%dma_start3A_1435, %dma_start3A_1436] : memref<200000x64xf32, #tpu.memory_space<hbm>> -> memref<200000x64xf32, #tpu.memory_space<hbm>>
        tpu.enqueue_indirect_dma source(%dma_start3A_1437 : memref<200000x64xf32, #tpu.memory_space<hbm>>) target(%dma_start3A_1431 : memref<128x64xf32, #tpu.memory_space<vmem>>) offsets(%dma_start3A_1434 : memref<128xi32, #tpu.memory_space<vmem>>) semaphore(%arg12 : memref<!tpu.dma_semaphore, #tpu.memory_space<semaphore_mem>>)
      } else {
      }
      %dma_start3A_1312 = arith.constant 4 : i32
      %dma_start3A_1313 = arith.constant 0 : i32
      %dma_start3A_1314 = arith.constant 0 : i32
      %dma_start3A_1315 = tpu.memref_slice %arg7[%dma_start3A_1312, %dma_start3A_1314] : memref<5x8192xf32, #tpu.memory_space<vmem>> -> memref<1x1024xf32, #tpu.memory_space<vmem>>
      %dma_start3A_1316 = tpu.memref_squeeze %dma_start3A_1315 : memref<1x1024xf32, #tpu.memory_space<vmem>> -> memref<1024xf32, #tpu.memory_space<vmem>>
      %dma_start3A_1317 = arith.constant 0 : i32
      %dma_start3A_1318 = tpu.memref_slice %arg4[%add3A_1283, %dma_start3A_1313, %add3A, %dma_start3A_1317] : memref<50x8x32x1024xf32, #tpu.memory_space<hbm>> -> memref<1x1x1x1024xf32, #tpu.memory_space<hbm>>
      %dma_start3A_1319 = tpu.memref_squeeze %dma_start3A_1318 : memref<1x1x1x1024xf32, #tpu.memory_space<hbm>> -> memref<1024xf32, #tpu.memory_space<hbm>>
      %dma_start3A_1320 = arith.constant 0 : i32
      %dma_start3A_1321 = tpu.memref_slice %arg4[%add3A_1283, %dma_start3A_1313, %add3A, %dma_start3A_1320] : memref<50x8x32x1024xf32, #tpu.memory_space<hbm>> -> memref<1x1x1x1024xf32, #tpu.memory_space<hbm>>
      %dma_start3A_1322 = tpu.memref_squeeze %dma_start3A_1321 : memref<1x1x1x1024xf32, #tpu.memory_space<hbm>> -> memref<1024xf32, #tpu.memory_space<hbm>>
      %dma_start3A_1323 = arith.constant 0 : i32
      %dma_start3A_1324 = tpu.memref_slice %arg7[%dma_start3A_1312, %dma_start3A_1323] : memref<5x8192xf32, #tpu.memory_space<vmem>> -> memref<1x1024xf32, #tpu.memory_space<vmem>>
      %dma_start3A_1325 = tpu.memref_squeeze %dma_start3A_1324 : memref<1x1024xf32, #tpu.memory_space<vmem>> -> memref<1024xf32, #tpu.memory_space<vmem>>
      tpu.enqueue_dma source(%dma_start3A_1325 : memref<1024xf32, #tpu.memory_space<vmem>>) target(%dma_start3A_1322 : memref<1024xf32, #tpu.memory_space<hbm>>) target_semaphore(%arg17 : memref<!tpu.dma_semaphore, #tpu.memory_space<semaphore_mem>>)
      %dma_start3A_1326 = arith.constant 4 : i32
      %dma_start3A_1327 = arith.constant 1 : i32
      %dma_start3A_1328 = arith.constant 1024 : i32
      %dma_start3A_1329 = tpu.memref_slice %arg7[%dma_start3A_1326, %dma_start3A_1328] : memref<5x8192xf32, #tpu.memory_space<vmem>> -> memref<1x1024xf32, #tpu.memory_space<vmem>>
      %dma_start3A_1330 = tpu.memref_squeeze %dma_start3A_1329 : memref<1x1024xf32, #tpu.memory_space<vmem>> -> memref<1024xf32, #tpu.memory_space<vmem>>
      %dma_start3A_1331 = arith.constant 0 : i32
      %dma_start3A_1332 = tpu.memref_slice %arg4[%add3A_1283, %dma_start3A_1327, %add3A, %dma_start3A_1331] : memref<50x8x32x1024xf32, #tpu.memory_space<hbm>> -> memref<1x1x1x1024xf32, #tpu.memory_space<hbm>>
      %dma_start3A_1333 = tpu.memref_squeeze %dma_start3A_1332 : memref<1x1x1x1024xf32, #tpu.memory_space<hbm>> -> memref<1024xf32, #tpu.memory_space<hbm>>
      %dma_start3A_1334 = arith.constant 0 : i32
      %dma_start3A_1335 = tpu.memref_slice %arg4[%add3A_1283, %dma_start3A_1327, %add3A, %dma_start3A_1334] : memref<50x8x32x1024xf32, #tpu.memory_space<hbm>> -> memref<1x1x1x1024xf32, #tpu.memory_space<hbm>>
      %dma_start3A_1336 = tpu.memref_squeeze %dma_start3A_1335 : memref<1x1x1x1024xf32, #tpu.memory_space<hbm>> -> memref<1024xf32, #tpu.memory_space<hbm>>
      %dma_start3A_1337 = arith.constant 1024 : i32
      %dma_start3A_1338 = tpu.memref_slice %arg7[%dma_start3A_1326, %dma_start3A_1337] : memref<5x8192xf32, #tpu.memory_space<vmem>> -> memref<1x1024xf32, #tpu.memory_space<vmem>>
      %dma_start3A_1339 = tpu.memref_squeeze %dma_start3A_1338 : memref<1x1024xf32, #tpu.memory_space<vmem>> -> memref<1024xf32, #tpu.memory_space<vmem>>
      tpu.enqueue_dma source(%dma_start3A_1339 : memref<1024xf32, #tpu.memory_space<vmem>>) target(%dma_start3A_1336 : memref<1024xf32, #tpu.memory_space<hbm>>) target_semaphore(%arg17 : memref<!tpu.dma_semaphore, #tpu.memory_space<semaphore_mem>>)
      %dma_start3A_1340 = arith.constant 4 : i32
      %dma_start3A_1341 = arith.constant 2 : i32
      %dma_start3A_1342 = arith.constant 2048 : i32
      %dma_start3A_1343 = tpu.memref_slice %arg7[%dma_start3A_1340, %dma_start3A_1342] : memref<5x8192xf32, #tpu.memory_space<vmem>> -> memref<1x1024xf32, #tpu.memory_space<vmem>>
      %dma_start3A_1344 = tpu.memref_squeeze %dma_start3A_1343 : memref<1x1024xf32, #tpu.memory_space<vmem>> -> memref<1024xf32, #tpu.memory_space<vmem>>
      %dma_start3A_1345 = arith.constant 0 : i32
      %dma_start3A_1346 = tpu.memref_slice %arg4[%add3A_1283, %dma_start3A_1341, %add3A, %dma_start3A_1345] : memref<50x8x32x1024xf32, #tpu.memory_space<hbm>> -> memref<1x1x1x1024xf32, #tpu.memory_space<hbm>>
      %dma_start3A_1347 = tpu.memref_squeeze %dma_start3A_1346 : memref<1x1x1x1024xf32, #tpu.memory_space<hbm>> -> memref<1024xf32, #tpu.memory_space<hbm>>
      %dma_start3A_1348 = arith.constant 0 : i32
      %dma_start3A_1349 = tpu.memref_slice %arg4[%add3A_1283, %dma_start3A_1341, %add3A, %dma_start3A_1348] : memref<50x8x32x1024xf32, #tpu.memory_space<hbm>> -> memref<1x1x1x1024xf32, #tpu.memory_space<hbm>>
      %dma_start3A_1350 = tpu.memref_squeeze %dma_start3A_1349 : memref<1x1x1x1024xf32, #tpu.memory_space<hbm>> -> memref<1024xf32, #tpu.memory_space<hbm>>
      %dma_start3A_1351 = arith.constant 2048 : i32
      %dma_start3A_1352 = tpu.memref_slice %arg7[%dma_start3A_1340, %dma_start3A_1351] : memref<5x8192xf32, #tpu.memory_space<vmem>> -> memref<1x1024xf32, #tpu.memory_space<vmem>>
      %dma_start3A_1353 = tpu.memref_squeeze %dma_start3A_1352 : memref<1x1024xf32, #tpu.memory_space<vmem>> -> memref<1024xf32, #tpu.memory_space<vmem>>
      tpu.enqueue_dma source(%dma_start3A_1353 : memref<1024xf32, #tpu.memory_space<vmem>>) target(%dma_start3A_1350 : memref<1024xf32, #tpu.memory_space<hbm>>) target_semaphore(%arg17 : memref<!tpu.dma_semaphore, #tpu.memory_space<semaphore_mem>>)
      %dma_start3A_1354 = arith.constant 4 : i32
      %dma_start3A_1355 = arith.constant 3 : i32
      %dma_start3A_1356 = arith.constant 3072 : i32
      %dma_start3A_1357 = tpu.memref_slice %arg7[%dma_start3A_1354, %dma_start3A_1356] : memref<5x8192xf32, #tpu.memory_space<vmem>> -> memref<1x1024xf32, #tpu.memory_space<vmem>>
      %dma_start3A_1358 = tpu.memref_squeeze %dma_start3A_1357 : memref<1x1024xf32, #tpu.memory_space<vmem>> -> memref<1024xf32, #tpu.memory_space<vmem>>
      %dma_start3A_1359 = arith.constant 0 : i32
      %dma_start3A_1360 = tpu.memref_slice %arg4[%add3A_1283, %dma_start3A_1355, %add3A, %dma_start3A_1359] : memref<50x8x32x1024xf32, #tpu.memory_space<hbm>> -> memref<1x1x1x1024xf32, #tpu.memory_space<hbm>>
      %dma_start3A_1361 = tpu.memref_squeeze %dma_start3A_1360 : memref<1x1x1x1024xf32, #tpu.memory_space<hbm>> -> memref<1024xf32, #tpu.memory_space<hbm>>
      %dma_start3A_1362 = arith.constant 0 : i32
      %dma_start3A_1363 = tpu.memref_slice %arg4[%add3A_1283, %dma_start3A_1355, %add3A, %dma_start3A_1362] : memref<50x8x32x1024xf32, #tpu.memory_space<hbm>> -> memref<1x1x1x1024xf32, #tpu.memory_space<hbm>>
      %dma_start3A_1364 = tpu.memref_squeeze %dma_start3A_1363 : memref<1x1x1x1024xf32, #tpu.memory_space<hbm>> -> memref<1024xf32, #tpu.memory_space<hbm>>
      %dma_start3A_1365 = arith.constant 3072 : i32
      %dma_start3A_1366 = tpu.memref_slice %arg7[%dma_start3A_1354, %dma_start3A_1365] : memref<5x8192xf32, #tpu.memory_space<vmem>> -> memref<1x1024xf32, #tpu.memory_space<vmem>>
      %dma_start3A_1367 = tpu.memref_squeeze %dma_start3A_1366 : memref<1x1024xf32, #tpu.memory_space<vmem>> -> memref<1024xf32, #tpu.memory_space<vmem>>
      tpu.enqueue_dma source(%dma_start3A_1367 : memref<1024xf32, #tpu.memory_space<vmem>>) target(%dma_start3A_1364 : memref<1024xf32, #tpu.memory_space<hbm>>) target_semaphore(%arg17 : memref<!tpu.dma_semaphore, #tpu.memory_space<semaphore_mem>>)
      %dma_start3A_1368 = arith.constant 4 : i32
      %dma_start3A_1369 = arith.constant 4 : i32
      %dma_start3A_1370 = arith.constant 4096 : i32
      %dma_start3A_1371 = tpu.memref_slice %arg7[%dma_start3A_1368, %dma_start3A_1370] : memref<5x8192xf32, #tpu.memory_space<vmem>> -> memref<1x1024xf32, #tpu.memory_space<vmem>>
      %dma_start3A_1372 = tpu.memref_squeeze %dma_start3A_1371 : memref<1x1024xf32, #tpu.memory_space<vmem>> -> memref<1024xf32, #tpu.memory_space<vmem>>
      %dma_start3A_1373 = arith.constant 0 : i32
      %dma_start3A_1374 = tpu.memref_slice %arg4[%add3A_1283, %dma_start3A_1369, %add3A, %dma_start3A_1373] : memref<50x8x32x1024xf32, #tpu.memory_space<hbm>> -> memref<1x1x1x1024xf32, #tpu.memory_space<hbm>>
      %dma_start3A_1375 = tpu.memref_squeeze %dma_start3A_1374 : memref<1x1x1x1024xf32, #tpu.memory_space<hbm>> -> memref<1024xf32, #tpu.memory_space<hbm>>
      %dma_start3A_1376 = arith.constant 0 : i32
      %dma_start3A_1377 = tpu.memref_slice %arg4[%add3A_1283, %dma_start3A_1369, %add3A, %dma_start3A_1376] : memref<50x8x32x1024xf32, #tpu.memory_space<hbm>> -> memref<1x1x1x1024xf32, #tpu.memory_space<hbm>>
      %dma_start3A_1378 = tpu.memref_squeeze %dma_start3A_1377 : memref<1x1x1x1024xf32, #tpu.memory_space<hbm>> -> memref<1024xf32, #tpu.memory_space<hbm>>
      %dma_start3A_1379 = arith.constant 4096 : i32
      %dma_start3A_1380 = tpu.memref_slice %arg7[%dma_start3A_1368, %dma_start3A_1379] : memref<5x8192xf32, #tpu.memory_space<vmem>> -> memref<1x1024xf32, #tpu.memory_space<vmem>>
      %dma_start3A_1381 = tpu.memref_squeeze %dma_start3A_1380 : memref<1x1024xf32, #tpu.memory_space<vmem>> -> memref<1024xf32, #tpu.memory_space<vmem>>
      tpu.enqueue_dma source(%dma_start3A_1381 : memref<1024xf32, #tpu.memory_space<vmem>>) target(%dma_start3A_1378 : memref<1024xf32, #tpu.memory_space<hbm>>) target_semaphore(%arg17 : memref<!tpu.dma_semaphore, #tpu.memory_space<semaphore_mem>>)
      %dma_start3A_1382 = arith.constant 4 : i32
      %dma_start3A_1383 = arith.constant 5 : i32
      %dma_start3A_1384 = arith.constant 5120 : i32
      %dma_start3A_1385 = tpu.memref_slice %arg7[%dma_start3A_1382, %dma_start3A_1384] : memref<5x8192xf32, #tpu.memory_space<vmem>> -> memref<1x1024xf32, #tpu.memory_space<vmem>>
      %dma_start3A_1386 = tpu.memref_squeeze %dma_start3A_1385 : memref<1x1024xf32, #tpu.memory_space<vmem>> -> memref<1024xf32, #tpu.memory_space<vmem>>
      %dma_start3A_1387 = arith.constant 0 : i32
      %dma_start3A_1388 = tpu.memref_slice %arg4[%add3A_1283, %dma_start3A_1383, %add3A, %dma_start3A_1387] : memref<50x8x32x1024xf32, #tpu.memory_space<hbm>> -> memref<1x1x1x1024xf32, #tpu.memory_space<hbm>>
      %dma_start3A_1389 = tpu.memref_squeeze %dma_start3A_1388 : memref<1x1x1x1024xf32, #tpu.memory_space<hbm>> -> memref<1024xf32, #tpu.memory_space<hbm>>
      %dma_start3A_1390 = arith.constant 0 : i32
      %dma_start3A_1391 = tpu.memref_slice %arg4[%add3A_1283, %dma_start3A_1383, %add3A, %dma_start3A_1390] : memref<50x8x32x1024xf32, #tpu.memory_space<hbm>> -> memref<1x1x1x1024xf32, #tpu.memory_space<hbm>>
      %dma_start3A_1392 = tpu.memref_squeeze %dma_start3A_1391 : memref<1x1x1x1024xf32, #tpu.memory_space<hbm>> -> memref<1024xf32, #tpu.memory_space<hbm>>
      %dma_start3A_1393 = arith.constant 5120 : i32
      %dma_start3A_1394 = tpu.memref_slice %arg7[%dma_start3A_1382, %dma_start3A_1393] : memref<5x8192xf32, #tpu.memory_space<vmem>> -> memref<1x1024xf32, #tpu.memory_space<vmem>>
      %dma_start3A_1395 = tpu.memref_squeeze %dma_start3A_1394 : memref<1x1024xf32, #tpu.memory_space<vmem>> -> memref<1024xf32, #tpu.memory_space<vmem>>
      tpu.enqueue_dma source(%dma_start3A_1395 : memref<1024xf32, #tpu.memory_space<vmem>>) target(%dma_start3A_1392 : memref<1024xf32, #tpu.memory_space<hbm>>) target_semaphore(%arg17 : memref<!tpu.dma_semaphore, #tpu.memory_space<semaphore_mem>>)
      %dma_start3A_1396 = arith.constant 4 : i32
      %dma_start3A_1397 = arith.constant 6 : i32
      %dma_start3A_1398 = arith.constant 6144 : i32
      %dma_start3A_1399 = tpu.memref_slice %arg7[%dma_start3A_1396, %dma_start3A_1398] : memref<5x8192xf32, #tpu.memory_space<vmem>> -> memref<1x1024xf32, #tpu.memory_space<vmem>>
      %dma_start3A_1400 = tpu.memref_squeeze %dma_start3A_1399 : memref<1x1024xf32, #tpu.memory_space<vmem>> -> memref<1024xf32, #tpu.memory_space<vmem>>
      %dma_start3A_1401 = arith.constant 0 : i32
      %dma_start3A_1402 = tpu.memref_slice %arg4[%add3A_1283, %dma_start3A_1397, %add3A, %dma_start3A_1401] : memref<50x8x32x1024xf32, #tpu.memory_space<hbm>> -> memref<1x1x1x1024xf32, #tpu.memory_space<hbm>>
      %dma_start3A_1403 = tpu.memref_squeeze %dma_start3A_1402 : memref<1x1x1x1024xf32, #tpu.memory_space<hbm>> -> memref<1024xf32, #tpu.memory_space<hbm>>
      %dma_start3A_1404 = arith.constant 0 : i32
      %dma_start3A_1405 = tpu.memref_slice %arg4[%add3A_1283, %dma_start3A_1397, %add3A, %dma_start3A_1404] : memref<50x8x32x1024xf32, #tpu.memory_space<hbm>> -> memref<1x1x1x1024xf32, #tpu.memory_space<hbm>>
      %dma_start3A_1406 = tpu.memref_squeeze %dma_start3A_1405 : memref<1x1x1x1024xf32, #tpu.memory_space<hbm>> -> memref<1024xf32, #tpu.memory_space<hbm>>
      %dma_start3A_1407 = arith.constant 6144 : i32
      %dma_start3A_1408 = tpu.memref_slice %arg7[%dma_start3A_1396, %dma_start3A_1407] : memref<5x8192xf32, #tpu.memory_space<vmem>> -> memref<1x1024xf32, #tpu.memory_space<vmem>>
      %dma_start3A_1409 = tpu.memref_squeeze %dma_start3A_1408 : memref<1x1024xf32, #tpu.memory_space<vmem>> -> memref<1024xf32, #tpu.memory_space<vmem>>
      tpu.enqueue_dma source(%dma_start3A_1409 : memref<1024xf32, #tpu.memory_space<vmem>>) target(%dma_start3A_1406 : memref<1024xf32, #tpu.memory_space<hbm>>) target_semaphore(%arg17 : memref<!tpu.dma_semaphore, #tpu.memory_space<semaphore_mem>>)
      %dma_start3A_1410 = arith.constant 4 : i32
      %dma_start3A_1411 = arith.constant 7 : i32
      %dma_start3A_1412 = arith.constant 7168 : i32
      %dma_start3A_1413 = tpu.memref_slice %arg7[%dma_start3A_1410, %dma_start3A_1412] : memref<5x8192xf32, #tpu.memory_space<vmem>> -> memref<1x1024xf32, #tpu.memory_space<vmem>>
      %dma_start3A_1414 = tpu.memref_squeeze %dma_start3A_1413 : memref<1x1024xf32, #tpu.memory_space<vmem>> -> memref<1024xf32, #tpu.memory_space<vmem>>
      %dma_start3A_1415 = arith.constant 0 : i32
      %dma_start3A_1416 = tpu.memref_slice %arg4[%add3A_1283, %dma_start3A_1411, %add3A, %dma_start3A_1415] : memref<50x8x32x1024xf32, #tpu.memory_space<hbm>> -> memref<1x1x1x1024xf32, #tpu.memory_space<hbm>>
      %dma_start3A_1417 = tpu.memref_squeeze %dma_start3A_1416 : memref<1x1x1x1024xf32, #tpu.memory_space<hbm>> -> memref<1024xf32, #tpu.memory_space<hbm>>
      %dma_start3A_1418 = arith.constant 0 : i32
      %dma_start3A_1419 = tpu.memref_slice %arg4[%add3A_1283, %dma_start3A_1411, %add3A, %dma_start3A_1418] : memref<50x8x32x1024xf32, #tpu.memory_space<hbm>> -> memref<1x1x1x1024xf32, #tpu.memory_space<hbm>>
      %dma_start3A_1420 = tpu.memref_squeeze %dma_start3A_1419 : memref<1x1x1x1024xf32, #tpu.memory_space<hbm>> -> memref<1024xf32, #tpu.memory_space<hbm>>
      %dma_start3A_1421 = arith.constant 7168 : i32
      %dma_start3A_1422 = tpu.memref_slice %arg7[%dma_start3A_1410, %dma_start3A_1421] : memref<5x8192xf32, #tpu.memory_space<vmem>> -> memref<1x1024xf32, #tpu.memory_space<vmem>>
      %dma_start3A_1423 = tpu.memref_squeeze %dma_start3A_1422 : memref<1x1024xf32, #tpu.memory_space<vmem>> -> memref<1024xf32, #tpu.memory_space<vmem>>
      tpu.enqueue_dma source(%dma_start3A_1423 : memref<1024xf32, #tpu.memory_space<vmem>>) target(%dma_start3A_1420 : memref<1024xf32, #tpu.memory_space<hbm>>) target_semaphore(%arg17 : memref<!tpu.dma_semaphore, #tpu.memory_space<semaphore_mem>>)
      %scan3A_1424 = arith.constant 0 : i32
      scf.yield %scan3A_1424 : i32
    }
    %scan3A_67 = arith.constant 10 : i32
    %dma_wait3A = arith.constant 0 : i32
    %dma_wait3A_68 = arith.constant 0 : i32
    %dma_wait3A_69 = arith.constant 0 : i32
    %dma_wait3A_70 = arith.constant 0 : i32
    %dma_wait3A_71 = arith.constant 0 : i32
    %dma_wait3A_72 = tpu.memref_slice %arg7[%dma_wait3A, %dma_wait3A_71] : memref<5x8192xf32, #tpu.memory_space<vmem>> -> memref<1x1024xf32, #tpu.memory_space<vmem>>
    %dma_wait3A_73 = tpu.memref_squeeze %dma_wait3A_72 : memref<1x1024xf32, #tpu.memory_space<vmem>> -> memref<1024xf32, #tpu.memory_space<vmem>>
    %dma_wait3A_74 = arith.constant 0 : i32
    %dma_wait3A_75 = tpu.memref_slice %arg4[%dma_wait3A_68, %dma_wait3A_69, %dma_wait3A_70, %dma_wait3A_74] : memref<50x8x32x1024xf32, #tpu.memory_space<hbm>> -> memref<1x1x1x1024xf32, #tpu.memory_space<hbm>>
    %dma_wait3A_76 = tpu.memref_squeeze %dma_wait3A_75 : memref<1x1x1x1024xf32, #tpu.memory_space<hbm>> -> memref<1024xf32, #tpu.memory_space<hbm>>
    %dma_wait3A_77 = arith.constant 0 : i32
    %dma_wait3A_78 = tpu.memref_slice %arg4[%dma_wait3A_68, %dma_wait3A_69, %dma_wait3A_70, %dma_wait3A_77] : memref<50x8x32x1024xf32, #tpu.memory_space<hbm>> -> memref<1x1x1x1024xf32, #tpu.memory_space<hbm>>
    %dma_wait3A_79 = tpu.memref_squeeze %dma_wait3A_78 : memref<1x1x1x1024xf32, #tpu.memory_space<hbm>> -> memref<1024xf32, #tpu.memory_space<hbm>>
    %dma_wait3A_80 = arith.constant 0 : i32
    %dma_wait3A_81 = tpu.memref_slice %arg7[%dma_wait3A, %dma_wait3A_80] : memref<5x8192xf32, #tpu.memory_space<vmem>> -> memref<1x1024xf32, #tpu.memory_space<vmem>>
    %dma_wait3A_82 = tpu.memref_squeeze %dma_wait3A_81 : memref<1x1024xf32, #tpu.memory_space<vmem>> -> memref<1024xf32, #tpu.memory_space<vmem>>
    tpu.wait_dma2 semaphore(%arg13 : memref<!tpu.dma_semaphore, #tpu.memory_space<semaphore_mem>>) src(%dma_wait3A_82 : memref<1024xf32, #tpu.memory_space<vmem>>) dst(%dma_wait3A_79 : memref<1024xf32, #tpu.memory_space<hbm>>)
    %dma_wait3A_83 = arith.constant 0 : i32
    %dma_wait3A_84 = arith.constant 0 : i32
    %dma_wait3A_85 = arith.constant 0 : i32
    %dma_wait3A_86 = arith.constant 0 : i32
    %dma_wait3A_87 = arith.constant 0 : i32
    %dma_wait3A_88 = tpu.memref_slice %arg7[%dma_wait3A_83, %dma_wait3A_87] : memref<5x8192xf32, #tpu.memory_space<vmem>> -> memref<1x1024xf32, #tpu.memory_space<vmem>>
    %dma_wait3A_89 = tpu.memref_squeeze %dma_wait3A_88 : memref<1x1024xf32, #tpu.memory_space<vmem>> -> memref<1024xf32, #tpu.memory_space<vmem>>
    %dma_wait3A_90 = arith.constant 0 : i32
    %dma_wait3A_91 = tpu.memref_slice %arg4[%dma_wait3A_84, %dma_wait3A_85, %dma_wait3A_86, %dma_wait3A_90] : memref<50x8x32x1024xf32, #tpu.memory_space<hbm>> -> memref<1x1x1x1024xf32, #tpu.memory_space<hbm>>
    %dma_wait3A_92 = tpu.memref_squeeze %dma_wait3A_91 : memref<1x1x1x1024xf32, #tpu.memory_space<hbm>> -> memref<1024xf32, #tpu.memory_space<hbm>>
    %dma_wait3A_93 = arith.constant 0 : i32
    %dma_wait3A_94 = tpu.memref_slice %arg4[%dma_wait3A_84, %dma_wait3A_85, %dma_wait3A_86, %dma_wait3A_93] : memref<50x8x32x1024xf32, #tpu.memory_space<hbm>> -> memref<1x1x1x1024xf32, #tpu.memory_space<hbm>>
    %dma_wait3A_95 = tpu.memref_squeeze %dma_wait3A_94 : memref<1x1x1x1024xf32, #tpu.memory_space<hbm>> -> memref<1024xf32, #tpu.memory_space<hbm>>
    %dma_wait3A_96 = arith.constant 0 : i32
    %dma_wait3A_97 = tpu.memref_slice %arg7[%dma_wait3A_83, %dma_wait3A_96] : memref<5x8192xf32, #tpu.memory_space<vmem>> -> memref<1x1024xf32, #tpu.memory_space<vmem>>
    %dma_wait3A_98 = tpu.memref_squeeze %dma_wait3A_97 : memref<1x1024xf32, #tpu.memory_space<vmem>> -> memref<1024xf32, #tpu.memory_space<vmem>>
    tpu.wait_dma2 semaphore(%arg13 : memref<!tpu.dma_semaphore, #tpu.memory_space<semaphore_mem>>) src(%dma_wait3A_98 : memref<1024xf32, #tpu.memory_space<vmem>>) dst(%dma_wait3A_95 : memref<1024xf32, #tpu.memory_space<hbm>>)
    %dma_wait3A_99 = arith.constant 0 : i32
    %dma_wait3A_100 = arith.constant 0 : i32
    %dma_wait3A_101 = arith.constant 0 : i32
    %dma_wait3A_102 = arith.constant 0 : i32
    %dma_wait3A_103 = arith.constant 0 : i32
    %dma_wait3A_104 = tpu.memref_slice %arg7[%dma_wait3A_99, %dma_wait3A_103] : memref<5x8192xf32, #tpu.memory_space<vmem>> -> memref<1x1024xf32, #tpu.memory_space<vmem>>
    %dma_wait3A_105 = tpu.memref_squeeze %dma_wait3A_104 : memref<1x1024xf32, #tpu.memory_space<vmem>> -> memref<1024xf32, #tpu.memory_space<vmem>>
    %dma_wait3A_106 = arith.constant 0 : i32
    %dma_wait3A_107 = tpu.memref_slice %arg4[%dma_wait3A_100, %dma_wait3A_101, %dma_wait3A_102, %dma_wait3A_106] : memref<50x8x32x1024xf32, #tpu.memory_space<hbm>> -> memref<1x1x1x1024xf32, #tpu.memory_space<hbm>>
    %dma_wait3A_108 = tpu.memref_squeeze %dma_wait3A_107 : memref<1x1x1x1024xf32, #tpu.memory_space<hbm>> -> memref<1024xf32, #tpu.memory_space<hbm>>
    %dma_wait3A_109 = arith.constant 0 : i32
    %dma_wait3A_110 = tpu.memref_slice %arg4[%dma_wait3A_100, %dma_wait3A_101, %dma_wait3A_102, %dma_wait3A_109] : memref<50x8x32x1024xf32, #tpu.memory_space<hbm>> -> memref<1x1x1x1024xf32, #tpu.memory_space<hbm>>
    %dma_wait3A_111 = tpu.memref_squeeze %dma_wait3A_110 : memref<1x1x1x1024xf32, #tpu.memory_space<hbm>> -> memref<1024xf32, #tpu.memory_space<hbm>>
    %dma_wait3A_112 = arith.constant 0 : i32
    %dma_wait3A_113 = tpu.memref_slice %arg7[%dma_wait3A_99, %dma_wait3A_112] : memref<5x8192xf32, #tpu.memory_space<vmem>> -> memref<1x1024xf32, #tpu.memory_space<vmem>>
    %dma_wait3A_114 = tpu.memref_squeeze %dma_wait3A_113 : memref<1x1024xf32, #tpu.memory_space<vmem>> -> memref<1024xf32, #tpu.memory_space<vmem>>
    tpu.wait_dma2 semaphore(%arg13 : memref<!tpu.dma_semaphore, #tpu.memory_space<semaphore_mem>>) src(%dma_wait3A_114 : memref<1024xf32, #tpu.memory_space<vmem>>) dst(%dma_wait3A_111 : memref<1024xf32, #tpu.memory_space<hbm>>)
    %dma_wait3A_115 = arith.constant 0 : i32
    %dma_wait3A_116 = arith.constant 0 : i32
    %dma_wait3A_117 = arith.constant 0 : i32
    %dma_wait3A_118 = arith.constant 0 : i32
    %dma_wait3A_119 = arith.constant 0 : i32
    %dma_wait3A_120 = tpu.memref_slice %arg7[%dma_wait3A_115, %dma_wait3A_119] : memref<5x8192xf32, #tpu.memory_space<vmem>> -> memref<1x1024xf32, #tpu.memory_space<vmem>>
    %dma_wait3A_121 = tpu.memref_squeeze %dma_wait3A_120 : memref<1x1024xf32, #tpu.memory_space<vmem>> -> memref<1024xf32, #tpu.memory_space<vmem>>
    %dma_wait3A_122 = arith.constant 0 : i32
    %dma_wait3A_123 = tpu.memref_slice %arg4[%dma_wait3A_116, %dma_wait3A_117, %dma_wait3A_118, %dma_wait3A_122] : memref<50x8x32x1024xf32, #tpu.memory_space<hbm>> -> memref<1x1x1x1024xf32, #tpu.memory_space<hbm>>
    %dma_wait3A_124 = tpu.memref_squeeze %dma_wait3A_123 : memref<1x1x1x1024xf32, #tpu.memory_space<hbm>> -> memref<1024xf32, #tpu.memory_space<hbm>>
    %dma_wait3A_125 = arith.constant 0 : i32
    %dma_wait3A_126 = tpu.memref_slice %arg4[%dma_wait3A_116, %dma_wait3A_117, %dma_wait3A_118, %dma_wait3A_125] : memref<50x8x32x1024xf32, #tpu.memory_space<hbm>> -> memref<1x1x1x1024xf32, #tpu.memory_space<hbm>>
    %dma_wait3A_127 = tpu.memref_squeeze %dma_wait3A_126 : memref<1x1x1x1024xf32, #tpu.memory_space<hbm>> -> memref<1024xf32, #tpu.memory_space<hbm>>
    %dma_wait3A_128 = arith.constant 0 : i32
    %dma_wait3A_129 = tpu.memref_slice %arg7[%dma_wait3A_115, %dma_wait3A_128] : memref<5x8192xf32, #tpu.memory_space<vmem>> -> memref<1x1024xf32, #tpu.memory_space<vmem>>
    %dma_wait3A_130 = tpu.memref_squeeze %dma_wait3A_129 : memref<1x1024xf32, #tpu.memory_space<vmem>> -> memref<1024xf32, #tpu.memory_space<vmem>>
    tpu.wait_dma2 semaphore(%arg13 : memref<!tpu.dma_semaphore, #tpu.memory_space<semaphore_mem>>) src(%dma_wait3A_130 : memref<1024xf32, #tpu.memory_space<vmem>>) dst(%dma_wait3A_127 : memref<1024xf32, #tpu.memory_space<hbm>>)
    %dma_wait3A_131 = arith.constant 0 : i32
    %dma_wait3A_132 = arith.constant 0 : i32
    %dma_wait3A_133 = arith.constant 0 : i32
    %dma_wait3A_134 = arith.constant 0 : i32
    %dma_wait3A_135 = arith.constant 0 : i32
    %dma_wait3A_136 = tpu.memref_slice %arg7[%dma_wait3A_131, %dma_wait3A_135] : memref<5x8192xf32, #tpu.memory_space<vmem>> -> memref<1x1024xf32, #tpu.memory_space<vmem>>
    %dma_wait3A_137 = tpu.memref_squeeze %dma_wait3A_136 : memref<1x1024xf32, #tpu.memory_space<vmem>> -> memref<1024xf32, #tpu.memory_space<vmem>>
    %dma_wait3A_138 = arith.constant 0 : i32
    %dma_wait3A_139 = tpu.memref_slice %arg4[%dma_wait3A_132, %dma_wait3A_133, %dma_wait3A_134, %dma_wait3A_138] : memref<50x8x32x1024xf32, #tpu.memory_space<hbm>> -> memref<1x1x1x1024xf32, #tpu.memory_space<hbm>>
    %dma_wait3A_140 = tpu.memref_squeeze %dma_wait3A_139 : memref<1x1x1x1024xf32, #tpu.memory_space<hbm>> -> memref<1024xf32, #tpu.memory_space<hbm>>
    %dma_wait3A_141 = arith.constant 0 : i32
    %dma_wait3A_142 = tpu.memref_slice %arg4[%dma_wait3A_132, %dma_wait3A_133, %dma_wait3A_134, %dma_wait3A_141] : memref<50x8x32x1024xf32, #tpu.memory_space<hbm>> -> memref<1x1x1x1024xf32, #tpu.memory_space<hbm>>
    %dma_wait3A_143 = tpu.memref_squeeze %dma_wait3A_142 : memref<1x1x1x1024xf32, #tpu.memory_space<hbm>> -> memref<1024xf32, #tpu.memory_space<hbm>>
    %dma_wait3A_144 = arith.constant 0 : i32
    %dma_wait3A_145 = tpu.memref_slice %arg7[%dma_wait3A_131, %dma_wait3A_144] : memref<5x8192xf32, #tpu.memory_space<vmem>> -> memref<1x1024xf32, #tpu.memory_space<vmem>>
    %dma_wait3A_146 = tpu.memref_squeeze %dma_wait3A_145 : memref<1x1024xf32, #tpu.memory_space<vmem>> -> memref<1024xf32, #tpu.memory_space<vmem>>
    tpu.wait_dma2 semaphore(%arg13 : memref<!tpu.dma_semaphore, #tpu.memory_space<semaphore_mem>>) src(%dma_wait3A_146 : memref<1024xf32, #tpu.memory_space<vmem>>) dst(%dma_wait3A_143 : memref<1024xf32, #tpu.memory_space<hbm>>)
    %dma_wait3A_147 = arith.constant 0 : i32
    %dma_wait3A_148 = arith.constant 0 : i32
    %dma_wait3A_149 = arith.constant 0 : i32
    %dma_wait3A_150 = arith.constant 0 : i32
    %dma_wait3A_151 = arith.constant 0 : i32
    %dma_wait3A_152 = tpu.memref_slice %arg7[%dma_wait3A_147, %dma_wait3A_151] : memref<5x8192xf32, #tpu.memory_space<vmem>> -> memref<1x1024xf32, #tpu.memory_space<vmem>>
    %dma_wait3A_153 = tpu.memref_squeeze %dma_wait3A_152 : memref<1x1024xf32, #tpu.memory_space<vmem>> -> memref<1024xf32, #tpu.memory_space<vmem>>
    %dma_wait3A_154 = arith.constant 0 : i32
    %dma_wait3A_155 = tpu.memref_slice %arg4[%dma_wait3A_148, %dma_wait3A_149, %dma_wait3A_150, %dma_wait3A_154] : memref<50x8x32x1024xf32, #tpu.memory_space<hbm>> -> memref<1x1x1x1024xf32, #tpu.memory_space<hbm>>
    %dma_wait3A_156 = tpu.memref_squeeze %dma_wait3A_155 : memref<1x1x1x1024xf32, #tpu.memory_space<hbm>> -> memref<1024xf32, #tpu.memory_space<hbm>>
    %dma_wait3A_157 = arith.constant 0 : i32
    %dma_wait3A_158 = tpu.memref_slice %arg4[%dma_wait3A_148, %dma_wait3A_149, %dma_wait3A_150, %dma_wait3A_157] : memref<50x8x32x1024xf32, #tpu.memory_space<hbm>> -> memref<1x1x1x1024xf32, #tpu.memory_space<hbm>>
    %dma_wait3A_159 = tpu.memref_squeeze %dma_wait3A_158 : memref<1x1x1x1024xf32, #tpu.memory_space<hbm>> -> memref<1024xf32, #tpu.memory_space<hbm>>
    %dma_wait3A_160 = arith.constant 0 : i32
    %dma_wait3A_161 = tpu.memref_slice %arg7[%dma_wait3A_147, %dma_wait3A_160] : memref<5x8192xf32, #tpu.memory_space<vmem>> -> memref<1x1024xf32, #tpu.memory_space<vmem>>
    %dma_wait3A_162 = tpu.memref_squeeze %dma_wait3A_161 : memref<1x1024xf32, #tpu.memory_space<vmem>> -> memref<1024xf32, #tpu.memory_space<vmem>>
    tpu.wait_dma2 semaphore(%arg13 : memref<!tpu.dma_semaphore, #tpu.memory_space<semaphore_mem>>) src(%dma_wait3A_162 : memref<1024xf32, #tpu.memory_space<vmem>>) dst(%dma_wait3A_159 : memref<1024xf32, #tpu.memory_space<hbm>>)
    %dma_wait3A_163 = arith.constant 0 : i32
    %dma_wait3A_164 = arith.constant 0 : i32
    %dma_wait3A_165 = arith.constant 0 : i32
    %dma_wait3A_166 = arith.constant 0 : i32
    %dma_wait3A_167 = arith.constant 0 : i32
    %dma_wait3A_168 = tpu.memref_slice %arg7[%dma_wait3A_163, %dma_wait3A_167] : memref<5x8192xf32, #tpu.memory_space<vmem>> -> memref<1x1024xf32, #tpu.memory_space<vmem>>
    %dma_wait3A_169 = tpu.memref_squeeze %dma_wait3A_168 : memref<1x1024xf32, #tpu.memory_space<vmem>> -> memref<1024xf32, #tpu.memory_space<vmem>>
    %dma_wait3A_170 = arith.constant 0 : i32
    %dma_wait3A_171 = tpu.memref_slice %arg4[%dma_wait3A_164, %dma_wait3A_165, %dma_wait3A_166, %dma_wait3A_170] : memref<50x8x32x1024xf32, #tpu.memory_space<hbm>> -> memref<1x1x1x1024xf32, #tpu.memory_space<hbm>>
    %dma_wait3A_172 = tpu.memref_squeeze %dma_wait3A_171 : memref<1x1x1x1024xf32, #tpu.memory_space<hbm>> -> memref<1024xf32, #tpu.memory_space<hbm>>
    %dma_wait3A_173 = arith.constant 0 : i32
    %dma_wait3A_174 = tpu.memref_slice %arg4[%dma_wait3A_164, %dma_wait3A_165, %dma_wait3A_166, %dma_wait3A_173] : memref<50x8x32x1024xf32, #tpu.memory_space<hbm>> -> memref<1x1x1x1024xf32, #tpu.memory_space<hbm>>
    %dma_wait3A_175 = tpu.memref_squeeze %dma_wait3A_174 : memref<1x1x1x1024xf32, #tpu.memory_space<hbm>> -> memref<1024xf32, #tpu.memory_space<hbm>>
    %dma_wait3A_176 = arith.constant 0 : i32
    %dma_wait3A_177 = tpu.memref_slice %arg7[%dma_wait3A_163, %dma_wait3A_176] : memref<5x8192xf32, #tpu.memory_space<vmem>> -> memref<1x1024xf32, #tpu.memory_space<vmem>>
    %dma_wait3A_178 = tpu.memref_squeeze %dma_wait3A_177 : memref<1x1024xf32, #tpu.memory_space<vmem>> -> memref<1024xf32, #tpu.memory_space<vmem>>
    tpu.wait_dma2 semaphore(%arg13 : memref<!tpu.dma_semaphore, #tpu.memory_space<semaphore_mem>>) src(%dma_wait3A_178 : memref<1024xf32, #tpu.memory_space<vmem>>) dst(%dma_wait3A_175 : memref<1024xf32, #tpu.memory_space<hbm>>)
    %dma_wait3A_179 = arith.constant 0 : i32
    %dma_wait3A_180 = arith.constant 0 : i32
    %dma_wait3A_181 = arith.constant 0 : i32
    %dma_wait3A_182 = arith.constant 0 : i32
    %dma_wait3A_183 = arith.constant 0 : i32
    %dma_wait3A_184 = tpu.memref_slice %arg7[%dma_wait3A_179, %dma_wait3A_183] : memref<5x8192xf32, #tpu.memory_space<vmem>> -> memref<1x1024xf32, #tpu.memory_space<vmem>>
    %dma_wait3A_185 = tpu.memref_squeeze %dma_wait3A_184 : memref<1x1024xf32, #tpu.memory_space<vmem>> -> memref<1024xf32, #tpu.memory_space<vmem>>
    %dma_wait3A_186 = arith.constant 0 : i32
    %dma_wait3A_187 = tpu.memref_slice %arg4[%dma_wait3A_180, %dma_wait3A_181, %dma_wait3A_182, %dma_wait3A_186] : memref<50x8x32x1024xf32, #tpu.memory_space<hbm>> -> memref<1x1x1x1024xf32, #tpu.memory_space<hbm>>
    %dma_wait3A_188 = tpu.memref_squeeze %dma_wait3A_187 : memref<1x1x1x1024xf32, #tpu.memory_space<hbm>> -> memref<1024xf32, #tpu.memory_space<hbm>>
    %dma_wait3A_189 = arith.constant 0 : i32
    %dma_wait3A_190 = tpu.memref_slice %arg4[%dma_wait3A_180, %dma_wait3A_181, %dma_wait3A_182, %dma_wait3A_189] : memref<50x8x32x1024xf32, #tpu.memory_space<hbm>> -> memref<1x1x1x1024xf32, #tpu.memory_space<hbm>>
    %dma_wait3A_191 = tpu.memref_squeeze %dma_wait3A_190 : memref<1x1x1x1024xf32, #tpu.memory_space<hbm>> -> memref<1024xf32, #tpu.memory_space<hbm>>
    %dma_wait3A_192 = arith.constant 0 : i32
    %dma_wait3A_193 = tpu.memref_slice %arg7[%dma_wait3A_179, %dma_wait3A_192] : memref<5x8192xf32, #tpu.memory_space<vmem>> -> memref<1x1024xf32, #tpu.memory_space<vmem>>
    %dma_wait3A_194 = tpu.memref_squeeze %dma_wait3A_193 : memref<1x1024xf32, #tpu.memory_space<vmem>> -> memref<1024xf32, #tpu.memory_space<vmem>>
    tpu.wait_dma2 semaphore(%arg13 : memref<!tpu.dma_semaphore, #tpu.memory_space<semaphore_mem>>) src(%dma_wait3A_194 : memref<1024xf32, #tpu.memory_space<vmem>>) dst(%dma_wait3A_191 : memref<1024xf32, #tpu.memory_space<hbm>>)
    %dma_wait3A_195 = arith.constant 1 : i32
    %dma_wait3A_196 = arith.constant 0 : i32
    %dma_wait3A_197 = arith.constant 0 : i32
    %dma_wait3A_198 = arith.constant 0 : i32
    %dma_wait3A_199 = arith.constant 0 : i32
    %dma_wait3A_200 = tpu.memref_slice %arg7[%dma_wait3A_195, %dma_wait3A_199] : memref<5x8192xf32, #tpu.memory_space<vmem>> -> memref<1x1024xf32, #tpu.memory_space<vmem>>
    %dma_wait3A_201 = tpu.memref_squeeze %dma_wait3A_200 : memref<1x1024xf32, #tpu.memory_space<vmem>> -> memref<1024xf32, #tpu.memory_space<vmem>>
    %dma_wait3A_202 = arith.constant 0 : i32
    %dma_wait3A_203 = tpu.memref_slice %arg4[%dma_wait3A_196, %dma_wait3A_197, %dma_wait3A_198, %dma_wait3A_202] : memref<50x8x32x1024xf32, #tpu.memory_space<hbm>> -> memref<1x1x1x1024xf32, #tpu.memory_space<hbm>>
    %dma_wait3A_204 = tpu.memref_squeeze %dma_wait3A_203 : memref<1x1x1x1024xf32, #tpu.memory_space<hbm>> -> memref<1024xf32, #tpu.memory_space<hbm>>
    %dma_wait3A_205 = arith.constant 0 : i32
    %dma_wait3A_206 = tpu.memref_slice %arg4[%dma_wait3A_196, %dma_wait3A_197, %dma_wait3A_198, %dma_wait3A_205] : memref<50x8x32x1024xf32, #tpu.memory_space<hbm>> -> memref<1x1x1x1024xf32, #tpu.memory_space<hbm>>
    %dma_wait3A_207 = tpu.memref_squeeze %dma_wait3A_206 : memref<1x1x1x1024xf32, #tpu.memory_space<hbm>> -> memref<1024xf32, #tpu.memory_space<hbm>>
    %dma_wait3A_208 = arith.constant 0 : i32
    %dma_wait3A_209 = tpu.memref_slice %arg7[%dma_wait3A_195, %dma_wait3A_208] : memref<5x8192xf32, #tpu.memory_space<vmem>> -> memref<1x1024xf32, #tpu.memory_space<vmem>>
    %dma_wait3A_210 = tpu.memref_squeeze %dma_wait3A_209 : memref<1x1024xf32, #tpu.memory_space<vmem>> -> memref<1024xf32, #tpu.memory_space<vmem>>
    tpu.wait_dma2 semaphore(%arg14 : memref<!tpu.dma_semaphore, #tpu.memory_space<semaphore_mem>>) src(%dma_wait3A_210 : memref<1024xf32, #tpu.memory_space<vmem>>) dst(%dma_wait3A_207 : memref<1024xf32, #tpu.memory_space<hbm>>)
    %dma_wait3A_211 = arith.constant 1 : i32
    %dma_wait3A_212 = arith.constant 0 : i32
    %dma_wait3A_213 = arith.constant 0 : i32
    %dma_wait3A_214 = arith.constant 0 : i32
    %dma_wait3A_215 = arith.constant 0 : i32
    %dma_wait3A_216 = tpu.memref_slice %arg7[%dma_wait3A_211, %dma_wait3A_215] : memref<5x8192xf32, #tpu.memory_space<vmem>> -> memref<1x1024xf32, #tpu.memory_space<vmem>>
    %dma_wait3A_217 = tpu.memref_squeeze %dma_wait3A_216 : memref<1x1024xf32, #tpu.memory_space<vmem>> -> memref<1024xf32, #tpu.memory_space<vmem>>
    %dma_wait3A_218 = arith.constant 0 : i32
    %dma_wait3A_219 = tpu.memref_slice %arg4[%dma_wait3A_212, %dma_wait3A_213, %dma_wait3A_214, %dma_wait3A_218] : memref<50x8x32x1024xf32, #tpu.memory_space<hbm>> -> memref<1x1x1x1024xf32, #tpu.memory_space<hbm>>
    %dma_wait3A_220 = tpu.memref_squeeze %dma_wait3A_219 : memref<1x1x1x1024xf32, #tpu.memory_space<hbm>> -> memref<1024xf32, #tpu.memory_space<hbm>>
    %dma_wait3A_221 = arith.constant 0 : i32
    %dma_wait3A_222 = tpu.memref_slice %arg4[%dma_wait3A_212, %dma_wait3A_213, %dma_wait3A_214, %dma_wait3A_221] : memref<50x8x32x1024xf32, #tpu.memory_space<hbm>> -> memref<1x1x1x1024xf32, #tpu.memory_space<hbm>>
    %dma_wait3A_223 = tpu.memref_squeeze %dma_wait3A_222 : memref<1x1x1x1024xf32, #tpu.memory_space<hbm>> -> memref<1024xf32, #tpu.memory_space<hbm>>
    %dma_wait3A_224 = arith.constant 0 : i32
    %dma_wait3A_225 = tpu.memref_slice %arg7[%dma_wait3A_211, %dma_wait3A_224] : memref<5x8192xf32, #tpu.memory_space<vmem>> -> memref<1x1024xf32, #tpu.memory_space<vmem>>
    %dma_wait3A_226 = tpu.memref_squeeze %dma_wait3A_225 : memref<1x1024xf32, #tpu.memory_space<vmem>> -> memref<1024xf32, #tpu.memory_space<vmem>>
    tpu.wait_dma2 semaphore(%arg14 : memref<!tpu.dma_semaphore, #tpu.memory_space<semaphore_mem>>) src(%dma_wait3A_226 : memref<1024xf32, #tpu.memory_space<vmem>>) dst(%dma_wait3A_223 : memref<1024xf32, #tpu.memory_space<hbm>>)
    %dma_wait3A_227 = arith.constant 1 : i32
    %dma_wait3A_228 = arith.constant 0 : i32
    %dma_wait3A_229 = arith.constant 0 : i32
    %dma_wait3A_230 = arith.constant 0 : i32
    %dma_wait3A_231 = arith.constant 0 : i32
    %dma_wait3A_232 = tpu.memref_slice %arg7[%dma_wait3A_227, %dma_wait3A_231] : memref<5x8192xf32, #tpu.memory_space<vmem>> -> memref<1x1024xf32, #tpu.memory_space<vmem>>
    %dma_wait3A_233 = tpu.memref_squeeze %dma_wait3A_232 : memref<1x1024xf32, #tpu.memory_space<vmem>> -> memref<1024xf32, #tpu.memory_space<vmem>>
    %dma_wait3A_234 = arith.constant 0 : i32
    %dma_wait3A_235 = tpu.memref_slice %arg4[%dma_wait3A_228, %dma_wait3A_229, %dma_wait3A_230, %dma_wait3A_234] : memref<50x8x32x1024xf32, #tpu.memory_space<hbm>> -> memref<1x1x1x1024xf32, #tpu.memory_space<hbm>>
    %dma_wait3A_236 = tpu.memref_squeeze %dma_wait3A_235 : memref<1x1x1x1024xf32, #tpu.memory_space<hbm>> -> memref<1024xf32, #tpu.memory_space<hbm>>
    %dma_wait3A_237 = arith.constant 0 : i32
    %dma_wait3A_238 = tpu.memref_slice %arg4[%dma_wait3A_228, %dma_wait3A_229, %dma_wait3A_230, %dma_wait3A_237] : memref<50x8x32x1024xf32, #tpu.memory_space<hbm>> -> memref<1x1x1x1024xf32, #tpu.memory_space<hbm>>
    %dma_wait3A_239 = tpu.memref_squeeze %dma_wait3A_238 : memref<1x1x1x1024xf32, #tpu.memory_space<hbm>> -> memref<1024xf32, #tpu.memory_space<hbm>>
    %dma_wait3A_240 = arith.constant 0 : i32
    %dma_wait3A_241 = tpu.memref_slice %arg7[%dma_wait3A_227, %dma_wait3A_240] : memref<5x8192xf32, #tpu.memory_space<vmem>> -> memref<1x1024xf32, #tpu.memory_space<vmem>>
    %dma_wait3A_242 = tpu.memref_squeeze %dma_wait3A_241 : memref<1x1024xf32, #tpu.memory_space<vmem>> -> memref<1024xf32, #tpu.memory_space<vmem>>
    tpu.wait_dma2 semaphore(%arg14 : memref<!tpu.dma_semaphore, #tpu.memory_space<semaphore_mem>>) src(%dma_wait3A_242 : memref<1024xf32, #tpu.memory_space<vmem>>) dst(%dma_wait3A_239 : memref<1024xf32, #tpu.memory_space<hbm>>)
    %dma_wait3A_243 = arith.constant 1 : i32
    %dma_wait3A_244 = arith.constant 0 : i32
    %dma_wait3A_245 = arith.constant 0 : i32
    %dma_wait3A_246 = arith.constant 0 : i32
    %dma_wait3A_247 = arith.constant 0 : i32
    %dma_wait3A_248 = tpu.memref_slice %arg7[%dma_wait3A_243, %dma_wait3A_247] : memref<5x8192xf32, #tpu.memory_space<vmem>> -> memref<1x1024xf32, #tpu.memory_space<vmem>>
    %dma_wait3A_249 = tpu.memref_squeeze %dma_wait3A_248 : memref<1x1024xf32, #tpu.memory_space<vmem>> -> memref<1024xf32, #tpu.memory_space<vmem>>
    %dma_wait3A_250 = arith.constant 0 : i32
    %dma_wait3A_251 = tpu.memref_slice %arg4[%dma_wait3A_244, %dma_wait3A_245, %dma_wait3A_246, %dma_wait3A_250] : memref<50x8x32x1024xf32, #tpu.memory_space<hbm>> -> memref<1x1x1x1024xf32, #tpu.memory_space<hbm>>
    %dma_wait3A_252 = tpu.memref_squeeze %dma_wait3A_251 : memref<1x1x1x1024xf32, #tpu.memory_space<hbm>> -> memref<1024xf32, #tpu.memory_space<hbm>>
    %dma_wait3A_253 = arith.constant 0 : i32
    %dma_wait3A_254 = tpu.memref_slice %arg4[%dma_wait3A_244, %dma_wait3A_245, %dma_wait3A_246, %dma_wait3A_253] : memref<50x8x32x1024xf32, #tpu.memory_space<hbm>> -> memref<1x1x1x1024xf32, #tpu.memory_space<hbm>>
    %dma_wait3A_255 = tpu.memref_squeeze %dma_wait3A_254 : memref<1x1x1x1024xf32, #tpu.memory_space<hbm>> -> memref<1024xf32, #tpu.memory_space<hbm>>
    %dma_wait3A_256 = arith.constant 0 : i32
    %dma_wait3A_257 = tpu.memref_slice %arg7[%dma_wait3A_243, %dma_wait3A_256] : memref<5x8192xf32, #tpu.memory_space<vmem>> -> memref<1x1024xf32, #tpu.memory_space<vmem>>
    %dma_wait3A_258 = tpu.memref_squeeze %dma_wait3A_257 : memref<1x1024xf32, #tpu.memory_space<vmem>> -> memref<1024xf32, #tpu.memory_space<vmem>>
    tpu.wait_dma2 semaphore(%arg14 : memref<!tpu.dma_semaphore, #tpu.memory_space<semaphore_mem>>) src(%dma_wait3A_258 : memref<1024xf32, #tpu.memory_space<vmem>>) dst(%dma_wait3A_255 : memref<1024xf32, #tpu.memory_space<hbm>>)
    %dma_wait3A_259 = arith.constant 1 : i32
    %dma_wait3A_260 = arith.constant 0 : i32
    %dma_wait3A_261 = arith.constant 0 : i32
    %dma_wait3A_262 = arith.constant 0 : i32
    %dma_wait3A_263 = arith.constant 0 : i32
    %dma_wait3A_264 = tpu.memref_slice %arg7[%dma_wait3A_259, %dma_wait3A_263] : memref<5x8192xf32, #tpu.memory_space<vmem>> -> memref<1x1024xf32, #tpu.memory_space<vmem>>
    %dma_wait3A_265 = tpu.memref_squeeze %dma_wait3A_264 : memref<1x1024xf32, #tpu.memory_space<vmem>> -> memref<1024xf32, #tpu.memory_space<vmem>>
    %dma_wait3A_266 = arith.constant 0 : i32
    %dma_wait3A_267 = tpu.memref_slice %arg4[%dma_wait3A_260, %dma_wait3A_261, %dma_wait3A_262, %dma_wait3A_266] : memref<50x8x32x1024xf32, #tpu.memory_space<hbm>> -> memref<1x1x1x1024xf32, #tpu.memory_space<hbm>>
    %dma_wait3A_268 = tpu.memref_squeeze %dma_wait3A_267 : memref<1x1x1x1024xf32, #tpu.memory_space<hbm>> -> memref<1024xf32, #tpu.memory_space<hbm>>
    %dma_wait3A_269 = arith.constant 0 : i32
    %dma_wait3A_270 = tpu.memref_slice %arg4[%dma_wait3A_260, %dma_wait3A_261, %dma_wait3A_262, %dma_wait3A_269] : memref<50x8x32x1024xf32, #tpu.memory_space<hbm>> -> memref<1x1x1x1024xf32, #tpu.memory_space<hbm>>
    %dma_wait3A_271 = tpu.memref_squeeze %dma_wait3A_270 : memref<1x1x1x1024xf32, #tpu.memory_space<hbm>> -> memref<1024xf32, #tpu.memory_space<hbm>>
    %dma_wait3A_272 = arith.constant 0 : i32
    %dma_wait3A_273 = tpu.memref_slice %arg7[%dma_wait3A_259, %dma_wait3A_272] : memref<5x8192xf32, #tpu.memory_space<vmem>> -> memref<1x1024xf32, #tpu.memory_space<vmem>>
    %dma_wait3A_274 = tpu.memref_squeeze %dma_wait3A_273 : memref<1x1024xf32, #tpu.memory_space<vmem>> -> memref<1024xf32, #tpu.memory_space<vmem>>
    tpu.wait_dma2 semaphore(%arg14 : memref<!tpu.dma_semaphore, #tpu.memory_space<semaphore_mem>>) src(%dma_wait3A_274 : memref<1024xf32, #tpu.memory_space<vmem>>) dst(%dma_wait3A_271 : memref<1024xf32, #tpu.memory_space<hbm>>)
    %dma_wait3A_275 = arith.constant 1 : i32
    %dma_wait3A_276 = arith.constant 0 : i32
    %dma_wait3A_277 = arith.constant 0 : i32
    %dma_wait3A_278 = arith.constant 0 : i32
    %dma_wait3A_279 = arith.constant 0 : i32
    %dma_wait3A_280 = tpu.memref_slice %arg7[%dma_wait3A_275, %dma_wait3A_279] : memref<5x8192xf32, #tpu.memory_space<vmem>> -> memref<1x1024xf32, #tpu.memory_space<vmem>>
    %dma_wait3A_281 = tpu.memref_squeeze %dma_wait3A_280 : memref<1x1024xf32, #tpu.memory_space<vmem>> -> memref<1024xf32, #tpu.memory_space<vmem>>
    %dma_wait3A_282 = arith.constant 0 : i32
    %dma_wait3A_283 = tpu.memref_slice %arg4[%dma_wait3A_276, %dma_wait3A_277, %dma_wait3A_278, %dma_wait3A_282] : memref<50x8x32x1024xf32, #tpu.memory_space<hbm>> -> memref<1x1x1x1024xf32, #tpu.memory_space<hbm>>
    %dma_wait3A_284 = tpu.memref_squeeze %dma_wait3A_283 : memref<1x1x1x1024xf32, #tpu.memory_space<hbm>> -> memref<1024xf32, #tpu.memory_space<hbm>>
    %dma_wait3A_285 = arith.constant 0 : i32
    %dma_wait3A_286 = tpu.memref_slice %arg4[%dma_wait3A_276, %dma_wait3A_277, %dma_wait3A_278, %dma_wait3A_285] : memref<50x8x32x1024xf32, #tpu.memory_space<hbm>> -> memref<1x1x1x1024xf32, #tpu.memory_space<hbm>>
    %dma_wait3A_287 = tpu.memref_squeeze %dma_wait3A_286 : memref<1x1x1x1024xf32, #tpu.memory_space<hbm>> -> memref<1024xf32, #tpu.memory_space<hbm>>
    %dma_wait3A_288 = arith.constant 0 : i32
    %dma_wait3A_289 = tpu.memref_slice %arg7[%dma_wait3A_275, %dma_wait3A_288] : memref<5x8192xf32, #tpu.memory_space<vmem>> -> memref<1x1024xf32, #tpu.memory_space<vmem>>
    %dma_wait3A_290 = tpu.memref_squeeze %dma_wait3A_289 : memref<1x1024xf32, #tpu.memory_space<vmem>> -> memref<1024xf32, #tpu.memory_space<vmem>>
    tpu.wait_dma2 semaphore(%arg14 : memref<!tpu.dma_semaphore, #tpu.memory_space<semaphore_mem>>) src(%dma_wait3A_290 : memref<1024xf32, #tpu.memory_space<vmem>>) dst(%dma_wait3A_287 : memref<1024xf32, #tpu.memory_space<hbm>>)
    %dma_wait3A_291 = arith.constant 1 : i32
    %dma_wait3A_292 = arith.constant 0 : i32
    %dma_wait3A_293 = arith.constant 0 : i32
    %dma_wait3A_294 = arith.constant 0 : i32
    %dma_wait3A_295 = arith.constant 0 : i32
    %dma_wait3A_296 = tpu.memref_slice %arg7[%dma_wait3A_291, %dma_wait3A_295] : memref<5x8192xf32, #tpu.memory_space<vmem>> -> memref<1x1024xf32, #tpu.memory_space<vmem>>
    %dma_wait3A_297 = tpu.memref_squeeze %dma_wait3A_296 : memref<1x1024xf32, #tpu.memory_space<vmem>> -> memref<1024xf32, #tpu.memory_space<vmem>>
    %dma_wait3A_298 = arith.constant 0 : i32
    %dma_wait3A_299 = tpu.memref_slice %arg4[%dma_wait3A_292, %dma_wait3A_293, %dma_wait3A_294, %dma_wait3A_298] : memref<50x8x32x1024xf32, #tpu.memory_space<hbm>> -> memref<1x1x1x1024xf32, #tpu.memory_space<hbm>>
    %dma_wait3A_300 = tpu.memref_squeeze %dma_wait3A_299 : memref<1x1x1x1024xf32, #tpu.memory_space<hbm>> -> memref<1024xf32, #tpu.memory_space<hbm>>
    %dma_wait3A_301 = arith.constant 0 : i32
    %dma_wait3A_302 = tpu.memref_slice %arg4[%dma_wait3A_292, %dma_wait3A_293, %dma_wait3A_294, %dma_wait3A_301] : memref<50x8x32x1024xf32, #tpu.memory_space<hbm>> -> memref<1x1x1x1024xf32, #tpu.memory_space<hbm>>
    %dma_wait3A_303 = tpu.memref_squeeze %dma_wait3A_302 : memref<1x1x1x1024xf32, #tpu.memory_space<hbm>> -> memref<1024xf32, #tpu.memory_space<hbm>>
    %dma_wait3A_304 = arith.constant 0 : i32
    %dma_wait3A_305 = tpu.memref_slice %arg7[%dma_wait3A_291, %dma_wait3A_304] : memref<5x8192xf32, #tpu.memory_space<vmem>> -> memref<1x1024xf32, #tpu.memory_space<vmem>>
    %dma_wait3A_306 = tpu.memref_squeeze %dma_wait3A_305 : memref<1x1024xf32, #tpu.memory_space<vmem>> -> memref<1024xf32, #tpu.memory_space<vmem>>
    tpu.wait_dma2 semaphore(%arg14 : memref<!tpu.dma_semaphore, #tpu.memory_space<semaphore_mem>>) src(%dma_wait3A_306 : memref<1024xf32, #tpu.memory_space<vmem>>) dst(%dma_wait3A_303 : memref<1024xf32, #tpu.memory_space<hbm>>)
    %dma_wait3A_307 = arith.constant 1 : i32
    %dma_wait3A_308 = arith.constant 0 : i32
    %dma_wait3A_309 = arith.constant 0 : i32
    %dma_wait3A_310 = arith.constant 0 : i32
    %dma_wait3A_311 = arith.constant 0 : i32
    %dma_wait3A_312 = tpu.memref_slice %arg7[%dma_wait3A_307, %dma_wait3A_311] : memref<5x8192xf32, #tpu.memory_space<vmem>> -> memref<1x1024xf32, #tpu.memory_space<vmem>>
    %dma_wait3A_313 = tpu.memref_squeeze %dma_wait3A_312 : memref<1x1024xf32, #tpu.memory_space<vmem>> -> memref<1024xf32, #tpu.memory_space<vmem>>
    %dma_wait3A_314 = arith.constant 0 : i32
    %dma_wait3A_315 = tpu.memref_slice %arg4[%dma_wait3A_308, %dma_wait3A_309, %dma_wait3A_310, %dma_wait3A_314] : memref<50x8x32x1024xf32, #tpu.memory_space<hbm>> -> memref<1x1x1x1024xf32, #tpu.memory_space<hbm>>
    %dma_wait3A_316 = tpu.memref_squeeze %dma_wait3A_315 : memref<1x1x1x1024xf32, #tpu.memory_space<hbm>> -> memref<1024xf32, #tpu.memory_space<hbm>>
    %dma_wait3A_317 = arith.constant 0 : i32
    %dma_wait3A_318 = tpu.memref_slice %arg4[%dma_wait3A_308, %dma_wait3A_309, %dma_wait3A_310, %dma_wait3A_317] : memref<50x8x32x1024xf32, #tpu.memory_space<hbm>> -> memref<1x1x1x1024xf32, #tpu.memory_space<hbm>>
    %dma_wait3A_319 = tpu.memref_squeeze %dma_wait3A_318 : memref<1x1x1x1024xf32, #tpu.memory_space<hbm>> -> memref<1024xf32, #tpu.memory_space<hbm>>
    %dma_wait3A_320 = arith.constant 0 : i32
    %dma_wait3A_321 = tpu.memref_slice %arg7[%dma_wait3A_307, %dma_wait3A_320] : memref<5x8192xf32, #tpu.memory_space<vmem>> -> memref<1x1024xf32, #tpu.memory_space<vmem>>
    %dma_wait3A_322 = tpu.memref_squeeze %dma_wait3A_321 : memref<1x1024xf32, #tpu.memory_space<vmem>> -> memref<1024xf32, #tpu.memory_space<vmem>>
    tpu.wait_dma2 semaphore(%arg14 : memref<!tpu.dma_semaphore, #tpu.memory_space<semaphore_mem>>) src(%dma_wait3A_322 : memref<1024xf32, #tpu.memory_space<vmem>>) dst(%dma_wait3A_319 : memref<1024xf32, #tpu.memory_space<hbm>>)
    %dma_wait3A_323 = arith.constant 2 : i32
    %dma_wait3A_324 = arith.constant 0 : i32
    %dma_wait3A_325 = arith.constant 0 : i32
    %dma_wait3A_326 = arith.constant 0 : i32
    %dma_wait3A_327 = arith.constant 0 : i32
    %dma_wait3A_328 = tpu.memref_slice %arg7[%dma_wait3A_323, %dma_wait3A_327] : memref<5x8192xf32, #tpu.memory_space<vmem>> -> memref<1x1024xf32, #tpu.memory_space<vmem>>
    %dma_wait3A_329 = tpu.memref_squeeze %dma_wait3A_328 : memref<1x1024xf32, #tpu.memory_space<vmem>> -> memref<1024xf32, #tpu.memory_space<vmem>>
    %dma_wait3A_330 = arith.constant 0 : i32
    %dma_wait3A_331 = tpu.memref_slice %arg4[%dma_wait3A_324, %dma_wait3A_325, %dma_wait3A_326, %dma_wait3A_330] : memref<50x8x32x1024xf32, #tpu.memory_space<hbm>> -> memref<1x1x1x1024xf32, #tpu.memory_space<hbm>>
    %dma_wait3A_332 = tpu.memref_squeeze %dma_wait3A_331 : memref<1x1x1x1024xf32, #tpu.memory_space<hbm>> -> memref<1024xf32, #tpu.memory_space<hbm>>
    %dma_wait3A_333 = arith.constant 0 : i32
    %dma_wait3A_334 = tpu.memref_slice %arg4[%dma_wait3A_324, %dma_wait3A_325, %dma_wait3A_326, %dma_wait3A_333] : memref<50x8x32x1024xf32, #tpu.memory_space<hbm>> -> memref<1x1x1x1024xf32, #tpu.memory_space<hbm>>
    %dma_wait3A_335 = tpu.memref_squeeze %dma_wait3A_334 : memref<1x1x1x1024xf32, #tpu.memory_space<hbm>> -> memref<1024xf32, #tpu.memory_space<hbm>>
    %dma_wait3A_336 = arith.constant 0 : i32
    %dma_wait3A_337 = tpu.memref_slice %arg7[%dma_wait3A_323, %dma_wait3A_336] : memref<5x8192xf32, #tpu.memory_space<vmem>> -> memref<1x1024xf32, #tpu.memory_space<vmem>>
    %dma_wait3A_338 = tpu.memref_squeeze %dma_wait3A_337 : memref<1x1024xf32, #tpu.memory_space<vmem>> -> memref<1024xf32, #tpu.memory_space<vmem>>
    tpu.wait_dma2 semaphore(%arg15 : memref<!tpu.dma_semaphore, #tpu.memory_space<semaphore_mem>>) src(%dma_wait3A_338 : memref<1024xf32, #tpu.memory_space<vmem>>) dst(%dma_wait3A_335 : memref<1024xf32, #tpu.memory_space<hbm>>)
    %dma_wait3A_339 = arith.constant 2 : i32
    %dma_wait3A_340 = arith.constant 0 : i32
    %dma_wait3A_341 = arith.constant 0 : i32
    %dma_wait3A_342 = arith.constant 0 : i32
    %dma_wait3A_343 = arith.constant 0 : i32
    %dma_wait3A_344 = tpu.memref_slice %arg7[%dma_wait3A_339, %dma_wait3A_343] : memref<5x8192xf32, #tpu.memory_space<vmem>> -> memref<1x1024xf32, #tpu.memory_space<vmem>>
    %dma_wait3A_345 = tpu.memref_squeeze %dma_wait3A_344 : memref<1x1024xf32, #tpu.memory_space<vmem>> -> memref<1024xf32, #tpu.memory_space<vmem>>
    %dma_wait3A_346 = arith.constant 0 : i32
    %dma_wait3A_347 = tpu.memref_slice %arg4[%dma_wait3A_340, %dma_wait3A_341, %dma_wait3A_342, %dma_wait3A_346] : memref<50x8x32x1024xf32, #tpu.memory_space<hbm>> -> memref<1x1x1x1024xf32, #tpu.memory_space<hbm>>
    %dma_wait3A_348 = tpu.memref_squeeze %dma_wait3A_347 : memref<1x1x1x1024xf32, #tpu.memory_space<hbm>> -> memref<1024xf32, #tpu.memory_space<hbm>>
    %dma_wait3A_349 = arith.constant 0 : i32
    %dma_wait3A_350 = tpu.memref_slice %arg4[%dma_wait3A_340, %dma_wait3A_341, %dma_wait3A_342, %dma_wait3A_349] : memref<50x8x32x1024xf32, #tpu.memory_space<hbm>> -> memref<1x1x1x1024xf32, #tpu.memory_space<hbm>>
    %dma_wait3A_351 = tpu.memref_squeeze %dma_wait3A_350 : memref<1x1x1x1024xf32, #tpu.memory_space<hbm>> -> memref<1024xf32, #tpu.memory_space<hbm>>
    %dma_wait3A_352 = arith.constant 0 : i32
    %dma_wait3A_353 = tpu.memref_slice %arg7[%dma_wait3A_339, %dma_wait3A_352] : memref<5x8192xf32, #tpu.memory_space<vmem>> -> memref<1x1024xf32, #tpu.memory_space<vmem>>
    %dma_wait3A_354 = tpu.memref_squeeze %dma_wait3A_353 : memref<1x1024xf32, #tpu.memory_space<vmem>> -> memref<1024xf32, #tpu.memory_space<vmem>>
    tpu.wait_dma2 semaphore(%arg15 : memref<!tpu.dma_semaphore, #tpu.memory_space<semaphore_mem>>) src(%dma_wait3A_354 : memref<1024xf32, #tpu.memory_space<vmem>>) dst(%dma_wait3A_351 : memref<1024xf32, #tpu.memory_space<hbm>>)
    %dma_wait3A_355 = arith.constant 2 : i32
    %dma_wait3A_356 = arith.constant 0 : i32
    %dma_wait3A_357 = arith.constant 0 : i32
    %dma_wait3A_358 = arith.constant 0 : i32
    %dma_wait3A_359 = arith.constant 0 : i32
    %dma_wait3A_360 = tpu.memref_slice %arg7[%dma_wait3A_355, %dma_wait3A_359] : memref<5x8192xf32, #tpu.memory_space<vmem>> -> memref<1x1024xf32, #tpu.memory_space<vmem>>
    %dma_wait3A_361 = tpu.memref_squeeze %dma_wait3A_360 : memref<1x1024xf32, #tpu.memory_space<vmem>> -> memref<1024xf32, #tpu.memory_space<vmem>>
    %dma_wait3A_362 = arith.constant 0 : i32
    %dma_wait3A_363 = tpu.memref_slice %arg4[%dma_wait3A_356, %dma_wait3A_357, %dma_wait3A_358, %dma_wait3A_362] : memref<50x8x32x1024xf32, #tpu.memory_space<hbm>> -> memref<1x1x1x1024xf32, #tpu.memory_space<hbm>>
    %dma_wait3A_364 = tpu.memref_squeeze %dma_wait3A_363 : memref<1x1x1x1024xf32, #tpu.memory_space<hbm>> -> memref<1024xf32, #tpu.memory_space<hbm>>
    %dma_wait3A_365 = arith.constant 0 : i32
    %dma_wait3A_366 = tpu.memref_slice %arg4[%dma_wait3A_356, %dma_wait3A_357, %dma_wait3A_358, %dma_wait3A_365] : memref<50x8x32x1024xf32, #tpu.memory_space<hbm>> -> memref<1x1x1x1024xf32, #tpu.memory_space<hbm>>
    %dma_wait3A_367 = tpu.memref_squeeze %dma_wait3A_366 : memref<1x1x1x1024xf32, #tpu.memory_space<hbm>> -> memref<1024xf32, #tpu.memory_space<hbm>>
    %dma_wait3A_368 = arith.constant 0 : i32
    %dma_wait3A_369 = tpu.memref_slice %arg7[%dma_wait3A_355, %dma_wait3A_368] : memref<5x8192xf32, #tpu.memory_space<vmem>> -> memref<1x1024xf32, #tpu.memory_space<vmem>>
    %dma_wait3A_370 = tpu.memref_squeeze %dma_wait3A_369 : memref<1x1024xf32, #tpu.memory_space<vmem>> -> memref<1024xf32, #tpu.memory_space<vmem>>
    tpu.wait_dma2 semaphore(%arg15 : memref<!tpu.dma_semaphore, #tpu.memory_space<semaphore_mem>>) src(%dma_wait3A_370 : memref<1024xf32, #tpu.memory_space<vmem>>) dst(%dma_wait3A_367 : memref<1024xf32, #tpu.memory_space<hbm>>)
    %dma_wait3A_371 = arith.constant 2 : i32
    %dma_wait3A_372 = arith.constant 0 : i32
    %dma_wait3A_373 = arith.constant 0 : i32
    %dma_wait3A_374 = arith.constant 0 : i32
    %dma_wait3A_375 = arith.constant 0 : i32
    %dma_wait3A_376 = tpu.memref_slice %arg7[%dma_wait3A_371, %dma_wait3A_375] : memref<5x8192xf32, #tpu.memory_space<vmem>> -> memref<1x1024xf32, #tpu.memory_space<vmem>>
    %dma_wait3A_377 = tpu.memref_squeeze %dma_wait3A_376 : memref<1x1024xf32, #tpu.memory_space<vmem>> -> memref<1024xf32, #tpu.memory_space<vmem>>
    %dma_wait3A_378 = arith.constant 0 : i32
    %dma_wait3A_379 = tpu.memref_slice %arg4[%dma_wait3A_372, %dma_wait3A_373, %dma_wait3A_374, %dma_wait3A_378] : memref<50x8x32x1024xf32, #tpu.memory_space<hbm>> -> memref<1x1x1x1024xf32, #tpu.memory_space<hbm>>
    %dma_wait3A_380 = tpu.memref_squeeze %dma_wait3A_379 : memref<1x1x1x1024xf32, #tpu.memory_space<hbm>> -> memref<1024xf32, #tpu.memory_space<hbm>>
    %dma_wait3A_381 = arith.constant 0 : i32
    %dma_wait3A_382 = tpu.memref_slice %arg4[%dma_wait3A_372, %dma_wait3A_373, %dma_wait3A_374, %dma_wait3A_381] : memref<50x8x32x1024xf32, #tpu.memory_space<hbm>> -> memref<1x1x1x1024xf32, #tpu.memory_space<hbm>>
    %dma_wait3A_383 = tpu.memref_squeeze %dma_wait3A_382 : memref<1x1x1x1024xf32, #tpu.memory_space<hbm>> -> memref<1024xf32, #tpu.memory_space<hbm>>
    %dma_wait3A_384 = arith.constant 0 : i32
    %dma_wait3A_385 = tpu.memref_slice %arg7[%dma_wait3A_371, %dma_wait3A_384] : memref<5x8192xf32, #tpu.memory_space<vmem>> -> memref<1x1024xf32, #tpu.memory_space<vmem>>
    %dma_wait3A_386 = tpu.memref_squeeze %dma_wait3A_385 : memref<1x1024xf32, #tpu.memory_space<vmem>> -> memref<1024xf32, #tpu.memory_space<vmem>>
    tpu.wait_dma2 semaphore(%arg15 : memref<!tpu.dma_semaphore, #tpu.memory_space<semaphore_mem>>) src(%dma_wait3A_386 : memref<1024xf32, #tpu.memory_space<vmem>>) dst(%dma_wait3A_383 : memref<1024xf32, #tpu.memory_space<hbm>>)
    %dma_wait3A_387 = arith.constant 2 : i32
    %dma_wait3A_388 = arith.constant 0 : i32
    %dma_wait3A_389 = arith.constant 0 : i32
    %dma_wait3A_390 = arith.constant 0 : i32
    %dma_wait3A_391 = arith.constant 0 : i32
    %dma_wait3A_392 = tpu.memref_slice %arg7[%dma_wait3A_387, %dma_wait3A_391] : memref<5x8192xf32, #tpu.memory_space<vmem>> -> memref<1x1024xf32, #tpu.memory_space<vmem>>
    %dma_wait3A_393 = tpu.memref_squeeze %dma_wait3A_392 : memref<1x1024xf32, #tpu.memory_space<vmem>> -> memref<1024xf32, #tpu.memory_space<vmem>>
    %dma_wait3A_394 = arith.constant 0 : i32
    %dma_wait3A_395 = tpu.memref_slice %arg4[%dma_wait3A_388, %dma_wait3A_389, %dma_wait3A_390, %dma_wait3A_394] : memref<50x8x32x1024xf32, #tpu.memory_space<hbm>> -> memref<1x1x1x1024xf32, #tpu.memory_space<hbm>>
    %dma_wait3A_396 = tpu.memref_squeeze %dma_wait3A_395 : memref<1x1x1x1024xf32, #tpu.memory_space<hbm>> -> memref<1024xf32, #tpu.memory_space<hbm>>
    %dma_wait3A_397 = arith.constant 0 : i32
    %dma_wait3A_398 = tpu.memref_slice %arg4[%dma_wait3A_388, %dma_wait3A_389, %dma_wait3A_390, %dma_wait3A_397] : memref<50x8x32x1024xf32, #tpu.memory_space<hbm>> -> memref<1x1x1x1024xf32, #tpu.memory_space<hbm>>
    %dma_wait3A_399 = tpu.memref_squeeze %dma_wait3A_398 : memref<1x1x1x1024xf32, #tpu.memory_space<hbm>> -> memref<1024xf32, #tpu.memory_space<hbm>>
    %dma_wait3A_400 = arith.constant 0 : i32
    %dma_wait3A_401 = tpu.memref_slice %arg7[%dma_wait3A_387, %dma_wait3A_400] : memref<5x8192xf32, #tpu.memory_space<vmem>> -> memref<1x1024xf32, #tpu.memory_space<vmem>>
    %dma_wait3A_402 = tpu.memref_squeeze %dma_wait3A_401 : memref<1x1024xf32, #tpu.memory_space<vmem>> -> memref<1024xf32, #tpu.memory_space<vmem>>
    tpu.wait_dma2 semaphore(%arg15 : memref<!tpu.dma_semaphore, #tpu.memory_space<semaphore_mem>>) src(%dma_wait3A_402 : memref<1024xf32, #tpu.memory_space<vmem>>) dst(%dma_wait3A_399 : memref<1024xf32, #tpu.memory_space<hbm>>)
    %dma_wait3A_403 = arith.constant 2 : i32
    %dma_wait3A_404 = arith.constant 0 : i32
    %dma_wait3A_405 = arith.constant 0 : i32
    %dma_wait3A_406 = arith.constant 0 : i32
    %dma_wait3A_407 = arith.constant 0 : i32
    %dma_wait3A_408 = tpu.memref_slice %arg7[%dma_wait3A_403, %dma_wait3A_407] : memref<5x8192xf32, #tpu.memory_space<vmem>> -> memref<1x1024xf32, #tpu.memory_space<vmem>>
    %dma_wait3A_409 = tpu.memref_squeeze %dma_wait3A_408 : memref<1x1024xf32, #tpu.memory_space<vmem>> -> memref<1024xf32, #tpu.memory_space<vmem>>
    %dma_wait3A_410 = arith.constant 0 : i32
    %dma_wait3A_411 = tpu.memref_slice %arg4[%dma_wait3A_404, %dma_wait3A_405, %dma_wait3A_406, %dma_wait3A_410] : memref<50x8x32x1024xf32, #tpu.memory_space<hbm>> -> memref<1x1x1x1024xf32, #tpu.memory_space<hbm>>
    %dma_wait3A_412 = tpu.memref_squeeze %dma_wait3A_411 : memref<1x1x1x1024xf32, #tpu.memory_space<hbm>> -> memref<1024xf32, #tpu.memory_space<hbm>>
    %dma_wait3A_413 = arith.constant 0 : i32
    %dma_wait3A_414 = tpu.memref_slice %arg4[%dma_wait3A_404, %dma_wait3A_405, %dma_wait3A_406, %dma_wait3A_413] : memref<50x8x32x1024xf32, #tpu.memory_space<hbm>> -> memref<1x1x1x1024xf32, #tpu.memory_space<hbm>>
    %dma_wait3A_415 = tpu.memref_squeeze %dma_wait3A_414 : memref<1x1x1x1024xf32, #tpu.memory_space<hbm>> -> memref<1024xf32, #tpu.memory_space<hbm>>
    %dma_wait3A_416 = arith.constant 0 : i32
    %dma_wait3A_417 = tpu.memref_slice %arg7[%dma_wait3A_403, %dma_wait3A_416] : memref<5x8192xf32, #tpu.memory_space<vmem>> -> memref<1x1024xf32, #tpu.memory_space<vmem>>
    %dma_wait3A_418 = tpu.memref_squeeze %dma_wait3A_417 : memref<1x1024xf32, #tpu.memory_space<vmem>> -> memref<1024xf32, #tpu.memory_space<vmem>>
    tpu.wait_dma2 semaphore(%arg15 : memref<!tpu.dma_semaphore, #tpu.memory_space<semaphore_mem>>) src(%dma_wait3A_418 : memref<1024xf32, #tpu.memory_space<vmem>>) dst(%dma_wait3A_415 : memref<1024xf32, #tpu.memory_space<hbm>>)
    %dma_wait3A_419 = arith.constant 2 : i32
    %dma_wait3A_420 = arith.constant 0 : i32
    %dma_wait3A_421 = arith.constant 0 : i32
    %dma_wait3A_422 = arith.constant 0 : i32
    %dma_wait3A_423 = arith.constant 0 : i32
    %dma_wait3A_424 = tpu.memref_slice %arg7[%dma_wait3A_419, %dma_wait3A_423] : memref<5x8192xf32, #tpu.memory_space<vmem>> -> memref<1x1024xf32, #tpu.memory_space<vmem>>
    %dma_wait3A_425 = tpu.memref_squeeze %dma_wait3A_424 : memref<1x1024xf32, #tpu.memory_space<vmem>> -> memref<1024xf32, #tpu.memory_space<vmem>>
    %dma_wait3A_426 = arith.constant 0 : i32
    %dma_wait3A_427 = tpu.memref_slice %arg4[%dma_wait3A_420, %dma_wait3A_421, %dma_wait3A_422, %dma_wait3A_426] : memref<50x8x32x1024xf32, #tpu.memory_space<hbm>> -> memref<1x1x1x1024xf32, #tpu.memory_space<hbm>>
    %dma_wait3A_428 = tpu.memref_squeeze %dma_wait3A_427 : memref<1x1x1x1024xf32, #tpu.memory_space<hbm>> -> memref<1024xf32, #tpu.memory_space<hbm>>
    %dma_wait3A_429 = arith.constant 0 : i32
    %dma_wait3A_430 = tpu.memref_slice %arg4[%dma_wait3A_420, %dma_wait3A_421, %dma_wait3A_422, %dma_wait3A_429] : memref<50x8x32x1024xf32, #tpu.memory_space<hbm>> -> memref<1x1x1x1024xf32, #tpu.memory_space<hbm>>
    %dma_wait3A_431 = tpu.memref_squeeze %dma_wait3A_430 : memref<1x1x1x1024xf32, #tpu.memory_space<hbm>> -> memref<1024xf32, #tpu.memory_space<hbm>>
    %dma_wait3A_432 = arith.constant 0 : i32
    %dma_wait3A_433 = tpu.memref_slice %arg7[%dma_wait3A_419, %dma_wait3A_432] : memref<5x8192xf32, #tpu.memory_space<vmem>> -> memref<1x1024xf32, #tpu.memory_space<vmem>>
    %dma_wait3A_434 = tpu.memref_squeeze %dma_wait3A_433 : memref<1x1024xf32, #tpu.memory_space<vmem>> -> memref<1024xf32, #tpu.memory_space<vmem>>
    tpu.wait_dma2 semaphore(%arg15 : memref<!tpu.dma_semaphore, #tpu.memory_space<semaphore_mem>>) src(%dma_wait3A_434 : memref<1024xf32, #tpu.memory_space<vmem>>) dst(%dma_wait3A_431 : memref<1024xf32, #tpu.memory_space<hbm>>)
    %dma_wait3A_435 = arith.constant 2 : i32
    %dma_wait3A_436 = arith.constant 0 : i32
    %dma_wait3A_437 = arith.constant 0 : i32
    %dma_wait3A_438 = arith.constant 0 : i32
    %dma_wait3A_439 = arith.constant 0 : i32
    %dma_wait3A_440 = tpu.memref_slice %arg7[%dma_wait3A_435, %dma_wait3A_439] : memref<5x8192xf32, #tpu.memory_space<vmem>> -> memref<1x1024xf32, #tpu.memory_space<vmem>>
    %dma_wait3A_441 = tpu.memref_squeeze %dma_wait3A_440 : memref<1x1024xf32, #tpu.memory_space<vmem>> -> memref<1024xf32, #tpu.memory_space<vmem>>
    %dma_wait3A_442 = arith.constant 0 : i32
    %dma_wait3A_443 = tpu.memref_slice %arg4[%dma_wait3A_436, %dma_wait3A_437, %dma_wait3A_438, %dma_wait3A_442] : memref<50x8x32x1024xf32, #tpu.memory_space<hbm>> -> memref<1x1x1x1024xf32, #tpu.memory_space<hbm>>
    %dma_wait3A_444 = tpu.memref_squeeze %dma_wait3A_443 : memref<1x1x1x1024xf32, #tpu.memory_space<hbm>> -> memref<1024xf32, #tpu.memory_space<hbm>>
    %dma_wait3A_445 = arith.constant 0 : i32
    %dma_wait3A_446 = tpu.memref_slice %arg4[%dma_wait3A_436, %dma_wait3A_437, %dma_wait3A_438, %dma_wait3A_445] : memref<50x8x32x1024xf32, #tpu.memory_space<hbm>> -> memref<1x1x1x1024xf32, #tpu.memory_space<hbm>>
    %dma_wait3A_447 = tpu.memref_squeeze %dma_wait3A_446 : memref<1x1x1x1024xf32, #tpu.memory_space<hbm>> -> memref<1024xf32, #tpu.memory_space<hbm>>
    %dma_wait3A_448 = arith.constant 0 : i32
    %dma_wait3A_449 = tpu.memref_slice %arg7[%dma_wait3A_435, %dma_wait3A_448] : memref<5x8192xf32, #tpu.memory_space<vmem>> -> memref<1x1024xf32, #tpu.memory_space<vmem>>
    %dma_wait3A_450 = tpu.memref_squeeze %dma_wait3A_449 : memref<1x1024xf32, #tpu.memory_space<vmem>> -> memref<1024xf32, #tpu.memory_space<vmem>>
    tpu.wait_dma2 semaphore(%arg15 : memref<!tpu.dma_semaphore, #tpu.memory_space<semaphore_mem>>) src(%dma_wait3A_450 : memref<1024xf32, #tpu.memory_space<vmem>>) dst(%dma_wait3A_447 : memref<1024xf32, #tpu.memory_space<hbm>>)
    %dma_wait3A_451 = arith.constant 3 : i32
    %dma_wait3A_452 = arith.constant 0 : i32
    %dma_wait3A_453 = arith.constant 0 : i32
    %dma_wait3A_454 = arith.constant 0 : i32
    %dma_wait3A_455 = arith.constant 0 : i32
    %dma_wait3A_456 = tpu.memref_slice %arg7[%dma_wait3A_451, %dma_wait3A_455] : memref<5x8192xf32, #tpu.memory_space<vmem>> -> memref<1x1024xf32, #tpu.memory_space<vmem>>
    %dma_wait3A_457 = tpu.memref_squeeze %dma_wait3A_456 : memref<1x1024xf32, #tpu.memory_space<vmem>> -> memref<1024xf32, #tpu.memory_space<vmem>>
    %dma_wait3A_458 = arith.constant 0 : i32
    %dma_wait3A_459 = tpu.memref_slice %arg4[%dma_wait3A_452, %dma_wait3A_453, %dma_wait3A_454, %dma_wait3A_458] : memref<50x8x32x1024xf32, #tpu.memory_space<hbm>> -> memref<1x1x1x1024xf32, #tpu.memory_space<hbm>>
    %dma_wait3A_460 = tpu.memref_squeeze %dma_wait3A_459 : memref<1x1x1x1024xf32, #tpu.memory_space<hbm>> -> memref<1024xf32, #tpu.memory_space<hbm>>
    %dma_wait3A_461 = arith.constant 0 : i32
    %dma_wait3A_462 = tpu.memref_slice %arg4[%dma_wait3A_452, %dma_wait3A_453, %dma_wait3A_454, %dma_wait3A_461] : memref<50x8x32x1024xf32, #tpu.memory_space<hbm>> -> memref<1x1x1x1024xf32, #tpu.memory_space<hbm>>
    %dma_wait3A_463 = tpu.memref_squeeze %dma_wait3A_462 : memref<1x1x1x1024xf32, #tpu.memory_space<hbm>> -> memref<1024xf32, #tpu.memory_space<hbm>>
    %dma_wait3A_464 = arith.constant 0 : i32
    %dma_wait3A_465 = tpu.memref_slice %arg7[%dma_wait3A_451, %dma_wait3A_464] : memref<5x8192xf32, #tpu.memory_space<vmem>> -> memref<1x1024xf32, #tpu.memory_space<vmem>>
    %dma_wait3A_466 = tpu.memref_squeeze %dma_wait3A_465 : memref<1x1024xf32, #tpu.memory_space<vmem>> -> memref<1024xf32, #tpu.memory_space<vmem>>
    tpu.wait_dma2 semaphore(%arg16 : memref<!tpu.dma_semaphore, #tpu.memory_space<semaphore_mem>>) src(%dma_wait3A_466 : memref<1024xf32, #tpu.memory_space<vmem>>) dst(%dma_wait3A_463 : memref<1024xf32, #tpu.memory_space<hbm>>)
    %dma_wait3A_467 = arith.constant 3 : i32
    %dma_wait3A_468 = arith.constant 0 : i32
    %dma_wait3A_469 = arith.constant 0 : i32
    %dma_wait3A_470 = arith.constant 0 : i32
    %dma_wait3A_471 = arith.constant 0 : i32
    %dma_wait3A_472 = tpu.memref_slice %arg7[%dma_wait3A_467, %dma_wait3A_471] : memref<5x8192xf32, #tpu.memory_space<vmem>> -> memref<1x1024xf32, #tpu.memory_space<vmem>>
    %dma_wait3A_473 = tpu.memref_squeeze %dma_wait3A_472 : memref<1x1024xf32, #tpu.memory_space<vmem>> -> memref<1024xf32, #tpu.memory_space<vmem>>
    %dma_wait3A_474 = arith.constant 0 : i32
    %dma_wait3A_475 = tpu.memref_slice %arg4[%dma_wait3A_468, %dma_wait3A_469, %dma_wait3A_470, %dma_wait3A_474] : memref<50x8x32x1024xf32, #tpu.memory_space<hbm>> -> memref<1x1x1x1024xf32, #tpu.memory_space<hbm>>
    %dma_wait3A_476 = tpu.memref_squeeze %dma_wait3A_475 : memref<1x1x1x1024xf32, #tpu.memory_space<hbm>> -> memref<1024xf32, #tpu.memory_space<hbm>>
    %dma_wait3A_477 = arith.constant 0 : i32
    %dma_wait3A_478 = tpu.memref_slice %arg4[%dma_wait3A_468, %dma_wait3A_469, %dma_wait3A_470, %dma_wait3A_477] : memref<50x8x32x1024xf32, #tpu.memory_space<hbm>> -> memref<1x1x1x1024xf32, #tpu.memory_space<hbm>>
    %dma_wait3A_479 = tpu.memref_squeeze %dma_wait3A_478 : memref<1x1x1x1024xf32, #tpu.memory_space<hbm>> -> memref<1024xf32, #tpu.memory_space<hbm>>
    %dma_wait3A_480 = arith.constant 0 : i32
    %dma_wait3A_481 = tpu.memref_slice %arg7[%dma_wait3A_467, %dma_wait3A_480] : memref<5x8192xf32, #tpu.memory_space<vmem>> -> memref<1x1024xf32, #tpu.memory_space<vmem>>
    %dma_wait3A_482 = tpu.memref_squeeze %dma_wait3A_481 : memref<1x1024xf32, #tpu.memory_space<vmem>> -> memref<1024xf32, #tpu.memory_space<vmem>>
    tpu.wait_dma2 semaphore(%arg16 : memref<!tpu.dma_semaphore, #tpu.memory_space<semaphore_mem>>) src(%dma_wait3A_482 : memref<1024xf32, #tpu.memory_space<vmem>>) dst(%dma_wait3A_479 : memref<1024xf32, #tpu.memory_space<hbm>>)
    %dma_wait3A_483 = arith.constant 3 : i32
    %dma_wait3A_484 = arith.constant 0 : i32
    %dma_wait3A_485 = arith.constant 0 : i32
    %dma_wait3A_486 = arith.constant 0 : i32
    %dma_wait3A_487 = arith.constant 0 : i32
    %dma_wait3A_488 = tpu.memref_slice %arg7[%dma_wait3A_483, %dma_wait3A_487] : memref<5x8192xf32, #tpu.memory_space<vmem>> -> memref<1x1024xf32, #tpu.memory_space<vmem>>
    %dma_wait3A_489 = tpu.memref_squeeze %dma_wait3A_488 : memref<1x1024xf32, #tpu.memory_space<vmem>> -> memref<1024xf32, #tpu.memory_space<vmem>>
    %dma_wait3A_490 = arith.constant 0 : i32
    %dma_wait3A_491 = tpu.memref_slice %arg4[%dma_wait3A_484, %dma_wait3A_485, %dma_wait3A_486, %dma_wait3A_490] : memref<50x8x32x1024xf32, #tpu.memory_space<hbm>> -> memref<1x1x1x1024xf32, #tpu.memory_space<hbm>>
    %dma_wait3A_492 = tpu.memref_squeeze %dma_wait3A_491 : memref<1x1x1x1024xf32, #tpu.memory_space<hbm>> -> memref<1024xf32, #tpu.memory_space<hbm>>
    %dma_wait3A_493 = arith.constant 0 : i32
    %dma_wait3A_494 = tpu.memref_slice %arg4[%dma_wait3A_484, %dma_wait3A_485, %dma_wait3A_486, %dma_wait3A_493] : memref<50x8x32x1024xf32, #tpu.memory_space<hbm>> -> memref<1x1x1x1024xf32, #tpu.memory_space<hbm>>
    %dma_wait3A_495 = tpu.memref_squeeze %dma_wait3A_494 : memref<1x1x1x1024xf32, #tpu.memory_space<hbm>> -> memref<1024xf32, #tpu.memory_space<hbm>>
    %dma_wait3A_496 = arith.constant 0 : i32
    %dma_wait3A_497 = tpu.memref_slice %arg7[%dma_wait3A_483, %dma_wait3A_496] : memref<5x8192xf32, #tpu.memory_space<vmem>> -> memref<1x1024xf32, #tpu.memory_space<vmem>>
    %dma_wait3A_498 = tpu.memref_squeeze %dma_wait3A_497 : memref<1x1024xf32, #tpu.memory_space<vmem>> -> memref<1024xf32, #tpu.memory_space<vmem>>
    tpu.wait_dma2 semaphore(%arg16 : memref<!tpu.dma_semaphore, #tpu.memory_space<semaphore_mem>>) src(%dma_wait3A_498 : memref<1024xf32, #tpu.memory_space<vmem>>) dst(%dma_wait3A_495 : memref<1024xf32, #tpu.memory_space<hbm>>)
    %dma_wait3A_499 = arith.constant 3 : i32
    %dma_wait3A_500 = arith.constant 0 : i32
    %dma_wait3A_501 = arith.constant 0 : i32
    %dma_wait3A_502 = arith.constant 0 : i32
    %dma_wait3A_503 = arith.constant 0 : i32
    %dma_wait3A_504 = tpu.memref_slice %arg7[%dma_wait3A_499, %dma_wait3A_503] : memref<5x8192xf32, #tpu.memory_space<vmem>> -> memref<1x1024xf32, #tpu.memory_space<vmem>>
    %dma_wait3A_505 = tpu.memref_squeeze %dma_wait3A_504 : memref<1x1024xf32, #tpu.memory_space<vmem>> -> memref<1024xf32, #tpu.memory_space<vmem>>
    %dma_wait3A_506 = arith.constant 0 : i32
    %dma_wait3A_507 = tpu.memref_slice %arg4[%dma_wait3A_500, %dma_wait3A_501, %dma_wait3A_502, %dma_wait3A_506] : memref<50x8x32x1024xf32, #tpu.memory_space<hbm>> -> memref<1x1x1x1024xf32, #tpu.memory_space<hbm>>
    %dma_wait3A_508 = tpu.memref_squeeze %dma_wait3A_507 : memref<1x1x1x1024xf32, #tpu.memory_space<hbm>> -> memref<1024xf32, #tpu.memory_space<hbm>>
    %dma_wait3A_509 = arith.constant 0 : i32
    %dma_wait3A_510 = tpu.memref_slice %arg4[%dma_wait3A_500, %dma_wait3A_501, %dma_wait3A_502, %dma_wait3A_509] : memref<50x8x32x1024xf32, #tpu.memory_space<hbm>> -> memref<1x1x1x1024xf32, #tpu.memory_space<hbm>>
    %dma_wait3A_511 = tpu.memref_squeeze %dma_wait3A_510 : memref<1x1x1x1024xf32, #tpu.memory_space<hbm>> -> memref<1024xf32, #tpu.memory_space<hbm>>
    %dma_wait3A_512 = arith.constant 0 : i32
    %dma_wait3A_513 = tpu.memref_slice %arg7[%dma_wait3A_499, %dma_wait3A_512] : memref<5x8192xf32, #tpu.memory_space<vmem>> -> memref<1x1024xf32, #tpu.memory_space<vmem>>
    %dma_wait3A_514 = tpu.memref_squeeze %dma_wait3A_513 : memref<1x1024xf32, #tpu.memory_space<vmem>> -> memref<1024xf32, #tpu.memory_space<vmem>>
    tpu.wait_dma2 semaphore(%arg16 : memref<!tpu.dma_semaphore, #tpu.memory_space<semaphore_mem>>) src(%dma_wait3A_514 : memref<1024xf32, #tpu.memory_space<vmem>>) dst(%dma_wait3A_511 : memref<1024xf32, #tpu.memory_space<hbm>>)
    %dma_wait3A_515 = arith.constant 3 : i32
    %dma_wait3A_516 = arith.constant 0 : i32
    %dma_wait3A_517 = arith.constant 0 : i32
    %dma_wait3A_518 = arith.constant 0 : i32
    %dma_wait3A_519 = arith.constant 0 : i32
    %dma_wait3A_520 = tpu.memref_slice %arg7[%dma_wait3A_515, %dma_wait3A_519] : memref<5x8192xf32, #tpu.memory_space<vmem>> -> memref<1x1024xf32, #tpu.memory_space<vmem>>
    %dma_wait3A_521 = tpu.memref_squeeze %dma_wait3A_520 : memref<1x1024xf32, #tpu.memory_space<vmem>> -> memref<1024xf32, #tpu.memory_space<vmem>>
    %dma_wait3A_522 = arith.constant 0 : i32
    %dma_wait3A_523 = tpu.memref_slice %arg4[%dma_wait3A_516, %dma_wait3A_517, %dma_wait3A_518, %dma_wait3A_522] : memref<50x8x32x1024xf32, #tpu.memory_space<hbm>> -> memref<1x1x1x1024xf32, #tpu.memory_space<hbm>>
    %dma_wait3A_524 = tpu.memref_squeeze %dma_wait3A_523 : memref<1x1x1x1024xf32, #tpu.memory_space<hbm>> -> memref<1024xf32, #tpu.memory_space<hbm>>
    %dma_wait3A_525 = arith.constant 0 : i32
    %dma_wait3A_526 = tpu.memref_slice %arg4[%dma_wait3A_516, %dma_wait3A_517, %dma_wait3A_518, %dma_wait3A_525] : memref<50x8x32x1024xf32, #tpu.memory_space<hbm>> -> memref<1x1x1x1024xf32, #tpu.memory_space<hbm>>
    %dma_wait3A_527 = tpu.memref_squeeze %dma_wait3A_526 : memref<1x1x1x1024xf32, #tpu.memory_space<hbm>> -> memref<1024xf32, #tpu.memory_space<hbm>>
    %dma_wait3A_528 = arith.constant 0 : i32
    %dma_wait3A_529 = tpu.memref_slice %arg7[%dma_wait3A_515, %dma_wait3A_528] : memref<5x8192xf32, #tpu.memory_space<vmem>> -> memref<1x1024xf32, #tpu.memory_space<vmem>>
    %dma_wait3A_530 = tpu.memref_squeeze %dma_wait3A_529 : memref<1x1024xf32, #tpu.memory_space<vmem>> -> memref<1024xf32, #tpu.memory_space<vmem>>
    tpu.wait_dma2 semaphore(%arg16 : memref<!tpu.dma_semaphore, #tpu.memory_space<semaphore_mem>>) src(%dma_wait3A_530 : memref<1024xf32, #tpu.memory_space<vmem>>) dst(%dma_wait3A_527 : memref<1024xf32, #tpu.memory_space<hbm>>)
    %dma_wait3A_531 = arith.constant 3 : i32
    %dma_wait3A_532 = arith.constant 0 : i32
    %dma_wait3A_533 = arith.constant 0 : i32
    %dma_wait3A_534 = arith.constant 0 : i32
    %dma_wait3A_535 = arith.constant 0 : i32
    %dma_wait3A_536 = tpu.memref_slice %arg7[%dma_wait3A_531, %dma_wait3A_535] : memref<5x8192xf32, #tpu.memory_space<vmem>> -> memref<1x1024xf32, #tpu.memory_space<vmem>>
    %dma_wait3A_537 = tpu.memref_squeeze %dma_wait3A_536 : memref<1x1024xf32, #tpu.memory_space<vmem>> -> memref<1024xf32, #tpu.memory_space<vmem>>
    %dma_wait3A_538 = arith.constant 0 : i32
    %dma_wait3A_539 = tpu.memref_slice %arg4[%dma_wait3A_532, %dma_wait3A_533, %dma_wait3A_534, %dma_wait3A_538] : memref<50x8x32x1024xf32, #tpu.memory_space<hbm>> -> memref<1x1x1x1024xf32, #tpu.memory_space<hbm>>
    %dma_wait3A_540 = tpu.memref_squeeze %dma_wait3A_539 : memref<1x1x1x1024xf32, #tpu.memory_space<hbm>> -> memref<1024xf32, #tpu.memory_space<hbm>>
    %dma_wait3A_541 = arith.constant 0 : i32
    %dma_wait3A_542 = tpu.memref_slice %arg4[%dma_wait3A_532, %dma_wait3A_533, %dma_wait3A_534, %dma_wait3A_541] : memref<50x8x32x1024xf32, #tpu.memory_space<hbm>> -> memref<1x1x1x1024xf32, #tpu.memory_space<hbm>>
    %dma_wait3A_543 = tpu.memref_squeeze %dma_wait3A_542 : memref<1x1x1x1024xf32, #tpu.memory_space<hbm>> -> memref<1024xf32, #tpu.memory_space<hbm>>
    %dma_wait3A_544 = arith.constant 0 : i32
    %dma_wait3A_545 = tpu.memref_slice %arg7[%dma_wait3A_531, %dma_wait3A_544] : memref<5x8192xf32, #tpu.memory_space<vmem>> -> memref<1x1024xf32, #tpu.memory_space<vmem>>
    %dma_wait3A_546 = tpu.memref_squeeze %dma_wait3A_545 : memref<1x1024xf32, #tpu.memory_space<vmem>> -> memref<1024xf32, #tpu.memory_space<vmem>>
    tpu.wait_dma2 semaphore(%arg16 : memref<!tpu.dma_semaphore, #tpu.memory_space<semaphore_mem>>) src(%dma_wait3A_546 : memref<1024xf32, #tpu.memory_space<vmem>>) dst(%dma_wait3A_543 : memref<1024xf32, #tpu.memory_space<hbm>>)
    %dma_wait3A_547 = arith.constant 3 : i32
    %dma_wait3A_548 = arith.constant 0 : i32
    %dma_wait3A_549 = arith.constant 0 : i32
    %dma_wait3A_550 = arith.constant 0 : i32
    %dma_wait3A_551 = arith.constant 0 : i32
    %dma_wait3A_552 = tpu.memref_slice %arg7[%dma_wait3A_547, %dma_wait3A_551] : memref<5x8192xf32, #tpu.memory_space<vmem>> -> memref<1x1024xf32, #tpu.memory_space<vmem>>
    %dma_wait3A_553 = tpu.memref_squeeze %dma_wait3A_552 : memref<1x1024xf32, #tpu.memory_space<vmem>> -> memref<1024xf32, #tpu.memory_space<vmem>>
    %dma_wait3A_554 = arith.constant 0 : i32
    %dma_wait3A_555 = tpu.memref_slice %arg4[%dma_wait3A_548, %dma_wait3A_549, %dma_wait3A_550, %dma_wait3A_554] : memref<50x8x32x1024xf32, #tpu.memory_space<hbm>> -> memref<1x1x1x1024xf32, #tpu.memory_space<hbm>>
    %dma_wait3A_556 = tpu.memref_squeeze %dma_wait3A_555 : memref<1x1x1x1024xf32, #tpu.memory_space<hbm>> -> memref<1024xf32, #tpu.memory_space<hbm>>
    %dma_wait3A_557 = arith.constant 0 : i32
    %dma_wait3A_558 = tpu.memref_slice %arg4[%dma_wait3A_548, %dma_wait3A_549, %dma_wait3A_550, %dma_wait3A_557] : memref<50x8x32x1024xf32, #tpu.memory_space<hbm>> -> memref<1x1x1x1024xf32, #tpu.memory_space<hbm>>
    %dma_wait3A_559 = tpu.memref_squeeze %dma_wait3A_558 : memref<1x1x1x1024xf32, #tpu.memory_space<hbm>> -> memref<1024xf32, #tpu.memory_space<hbm>>
    %dma_wait3A_560 = arith.constant 0 : i32
    %dma_wait3A_561 = tpu.memref_slice %arg7[%dma_wait3A_547, %dma_wait3A_560] : memref<5x8192xf32, #tpu.memory_space<vmem>> -> memref<1x1024xf32, #tpu.memory_space<vmem>>
    %dma_wait3A_562 = tpu.memref_squeeze %dma_wait3A_561 : memref<1x1024xf32, #tpu.memory_space<vmem>> -> memref<1024xf32, #tpu.memory_space<vmem>>
    tpu.wait_dma2 semaphore(%arg16 : memref<!tpu.dma_semaphore, #tpu.memory_space<semaphore_mem>>) src(%dma_wait3A_562 : memref<1024xf32, #tpu.memory_space<vmem>>) dst(%dma_wait3A_559 : memref<1024xf32, #tpu.memory_space<hbm>>)
    %dma_wait3A_563 = arith.constant 3 : i32
    %dma_wait3A_564 = arith.constant 0 : i32
    %dma_wait3A_565 = arith.constant 0 : i32
    %dma_wait3A_566 = arith.constant 0 : i32
    %dma_wait3A_567 = arith.constant 0 : i32
    %dma_wait3A_568 = tpu.memref_slice %arg7[%dma_wait3A_563, %dma_wait3A_567] : memref<5x8192xf32, #tpu.memory_space<vmem>> -> memref<1x1024xf32, #tpu.memory_space<vmem>>
    %dma_wait3A_569 = tpu.memref_squeeze %dma_wait3A_568 : memref<1x1024xf32, #tpu.memory_space<vmem>> -> memref<1024xf32, #tpu.memory_space<vmem>>
    %dma_wait3A_570 = arith.constant 0 : i32
    %dma_wait3A_571 = tpu.memref_slice %arg4[%dma_wait3A_564, %dma_wait3A_565, %dma_wait3A_566, %dma_wait3A_570] : memref<50x8x32x1024xf32, #tpu.memory_space<hbm>> -> memref<1x1x1x1024xf32, #tpu.memory_space<hbm>>
    %dma_wait3A_572 = tpu.memref_squeeze %dma_wait3A_571 : memref<1x1x1x1024xf32, #tpu.memory_space<hbm>> -> memref<1024xf32, #tpu.memory_space<hbm>>
    %dma_wait3A_573 = arith.constant 0 : i32
    %dma_wait3A_574 = tpu.memref_slice %arg4[%dma_wait3A_564, %dma_wait3A_565, %dma_wait3A_566, %dma_wait3A_573] : memref<50x8x32x1024xf32, #tpu.memory_space<hbm>> -> memref<1x1x1x1024xf32, #tpu.memory_space<hbm>>
    %dma_wait3A_575 = tpu.memref_squeeze %dma_wait3A_574 : memref<1x1x1x1024xf32, #tpu.memory_space<hbm>> -> memref<1024xf32, #tpu.memory_space<hbm>>
    %dma_wait3A_576 = arith.constant 0 : i32
    %dma_wait3A_577 = tpu.memref_slice %arg7[%dma_wait3A_563, %dma_wait3A_576] : memref<5x8192xf32, #tpu.memory_space<vmem>> -> memref<1x1024xf32, #tpu.memory_space<vmem>>
    %dma_wait3A_578 = tpu.memref_squeeze %dma_wait3A_577 : memref<1x1024xf32, #tpu.memory_space<vmem>> -> memref<1024xf32, #tpu.memory_space<vmem>>
    tpu.wait_dma2 semaphore(%arg16 : memref<!tpu.dma_semaphore, #tpu.memory_space<semaphore_mem>>) src(%dma_wait3A_578 : memref<1024xf32, #tpu.memory_space<vmem>>) dst(%dma_wait3A_575 : memref<1024xf32, #tpu.memory_space<hbm>>)
    %dma_wait3A_579 = arith.constant 4 : i32
    %dma_wait3A_580 = arith.constant 0 : i32
    %dma_wait3A_581 = arith.constant 0 : i32
    %dma_wait3A_582 = arith.constant 0 : i32
    %dma_wait3A_583 = arith.constant 0 : i32
    %dma_wait3A_584 = tpu.memref_slice %arg7[%dma_wait3A_579, %dma_wait3A_583] : memref<5x8192xf32, #tpu.memory_space<vmem>> -> memref<1x1024xf32, #tpu.memory_space<vmem>>
    %dma_wait3A_585 = tpu.memref_squeeze %dma_wait3A_584 : memref<1x1024xf32, #tpu.memory_space<vmem>> -> memref<1024xf32, #tpu.memory_space<vmem>>
    %dma_wait3A_586 = arith.constant 0 : i32
    %dma_wait3A_587 = tpu.memref_slice %arg4[%dma_wait3A_580, %dma_wait3A_581, %dma_wait3A_582, %dma_wait3A_586] : memref<50x8x32x1024xf32, #tpu.memory_space<hbm>> -> memref<1x1x1x1024xf32, #tpu.memory_space<hbm>>
    %dma_wait3A_588 = tpu.memref_squeeze %dma_wait3A_587 : memref<1x1x1x1024xf32, #tpu.memory_space<hbm>> -> memref<1024xf32, #tpu.memory_space<hbm>>
    %dma_wait3A_589 = arith.constant 0 : i32
    %dma_wait3A_590 = tpu.memref_slice %arg4[%dma_wait3A_580, %dma_wait3A_581, %dma_wait3A_582, %dma_wait3A_589] : memref<50x8x32x1024xf32, #tpu.memory_space<hbm>> -> memref<1x1x1x1024xf32, #tpu.memory_space<hbm>>
    %dma_wait3A_591 = tpu.memref_squeeze %dma_wait3A_590 : memref<1x1x1x1024xf32, #tpu.memory_space<hbm>> -> memref<1024xf32, #tpu.memory_space<hbm>>
    %dma_wait3A_592 = arith.constant 0 : i32
    %dma_wait3A_593 = tpu.memref_slice %arg7[%dma_wait3A_579, %dma_wait3A_592] : memref<5x8192xf32, #tpu.memory_space<vmem>> -> memref<1x1024xf32, #tpu.memory_space<vmem>>
    %dma_wait3A_594 = tpu.memref_squeeze %dma_wait3A_593 : memref<1x1024xf32, #tpu.memory_space<vmem>> -> memref<1024xf32, #tpu.memory_space<vmem>>
    tpu.wait_dma2 semaphore(%arg17 : memref<!tpu.dma_semaphore, #tpu.memory_space<semaphore_mem>>) src(%dma_wait3A_594 : memref<1024xf32, #tpu.memory_space<vmem>>) dst(%dma_wait3A_591 : memref<1024xf32, #tpu.memory_space<hbm>>)
    %dma_wait3A_595 = arith.constant 4 : i32
    %dma_wait3A_596 = arith.constant 0 : i32
    %dma_wait3A_597 = arith.constant 0 : i32
    %dma_wait3A_598 = arith.constant 0 : i32
    %dma_wait3A_599 = arith.constant 0 : i32
    %dma_wait3A_600 = tpu.memref_slice %arg7[%dma_wait3A_595, %dma_wait3A_599] : memref<5x8192xf32, #tpu.memory_space<vmem>> -> memref<1x1024xf32, #tpu.memory_space<vmem>>
    %dma_wait3A_601 = tpu.memref_squeeze %dma_wait3A_600 : memref<1x1024xf32, #tpu.memory_space<vmem>> -> memref<1024xf32, #tpu.memory_space<vmem>>
    %dma_wait3A_602 = arith.constant 0 : i32
    %dma_wait3A_603 = tpu.memref_slice %arg4[%dma_wait3A_596, %dma_wait3A_597, %dma_wait3A_598, %dma_wait3A_602] : memref<50x8x32x1024xf32, #tpu.memory_space<hbm>> -> memref<1x1x1x1024xf32, #tpu.memory_space<hbm>>
    %dma_wait3A_604 = tpu.memref_squeeze %dma_wait3A_603 : memref<1x1x1x1024xf32, #tpu.memory_space<hbm>> -> memref<1024xf32, #tpu.memory_space<hbm>>
    %dma_wait3A_605 = arith.constant 0 : i32
    %dma_wait3A_606 = tpu.memref_slice %arg4[%dma_wait3A_596, %dma_wait3A_597, %dma_wait3A_598, %dma_wait3A_605] : memref<50x8x32x1024xf32, #tpu.memory_space<hbm>> -> memref<1x1x1x1024xf32, #tpu.memory_space<hbm>>
    %dma_wait3A_607 = tpu.memref_squeeze %dma_wait3A_606 : memref<1x1x1x1024xf32, #tpu.memory_space<hbm>> -> memref<1024xf32, #tpu.memory_space<hbm>>
    %dma_wait3A_608 = arith.constant 0 : i32
    %dma_wait3A_609 = tpu.memref_slice %arg7[%dma_wait3A_595, %dma_wait3A_608] : memref<5x8192xf32, #tpu.memory_space<vmem>> -> memref<1x1024xf32, #tpu.memory_space<vmem>>
    %dma_wait3A_610 = tpu.memref_squeeze %dma_wait3A_609 : memref<1x1024xf32, #tpu.memory_space<vmem>> -> memref<1024xf32, #tpu.memory_space<vmem>>
    tpu.wait_dma2 semaphore(%arg17 : memref<!tpu.dma_semaphore, #tpu.memory_space<semaphore_mem>>) src(%dma_wait3A_610 : memref<1024xf32, #tpu.memory_space<vmem>>) dst(%dma_wait3A_607 : memref<1024xf32, #tpu.memory_space<hbm>>)
    %dma_wait3A_611 = arith.constant 4 : i32
    %dma_wait3A_612 = arith.constant 0 : i32
    %dma_wait3A_613 = arith.constant 0 : i32
    %dma_wait3A_614 = arith.constant 0 : i32
    %dma_wait3A_615 = arith.constant 0 : i32
    %dma_wait3A_616 = tpu.memref_slice %arg7[%dma_wait3A_611, %dma_wait3A_615] : memref<5x8192xf32, #tpu.memory_space<vmem>> -> memref<1x1024xf32, #tpu.memory_space<vmem>>
    %dma_wait3A_617 = tpu.memref_squeeze %dma_wait3A_616 : memref<1x1024xf32, #tpu.memory_space<vmem>> -> memref<1024xf32, #tpu.memory_space<vmem>>
    %dma_wait3A_618 = arith.constant 0 : i32
    %dma_wait3A_619 = tpu.memref_slice %arg4[%dma_wait3A_612, %dma_wait3A_613, %dma_wait3A_614, %dma_wait3A_618] : memref<50x8x32x1024xf32, #tpu.memory_space<hbm>> -> memref<1x1x1x1024xf32, #tpu.memory_space<hbm>>
    %dma_wait3A_620 = tpu.memref_squeeze %dma_wait3A_619 : memref<1x1x1x1024xf32, #tpu.memory_space<hbm>> -> memref<1024xf32, #tpu.memory_space<hbm>>
    %dma_wait3A_621 = arith.constant 0 : i32
    %dma_wait3A_622 = tpu.memref_slice %arg4[%dma_wait3A_612, %dma_wait3A_613, %dma_wait3A_614, %dma_wait3A_621] : memref<50x8x32x1024xf32, #tpu.memory_space<hbm>> -> memref<1x1x1x1024xf32, #tpu.memory_space<hbm>>
    %dma_wait3A_623 = tpu.memref_squeeze %dma_wait3A_622 : memref<1x1x1x1024xf32, #tpu.memory_space<hbm>> -> memref<1024xf32, #tpu.memory_space<hbm>>
    %dma_wait3A_624 = arith.constant 0 : i32
    %dma_wait3A_625 = tpu.memref_slice %arg7[%dma_wait3A_611, %dma_wait3A_624] : memref<5x8192xf32, #tpu.memory_space<vmem>> -> memref<1x1024xf32, #tpu.memory_space<vmem>>
    %dma_wait3A_626 = tpu.memref_squeeze %dma_wait3A_625 : memref<1x1024xf32, #tpu.memory_space<vmem>> -> memref<1024xf32, #tpu.memory_space<vmem>>
    tpu.wait_dma2 semaphore(%arg17 : memref<!tpu.dma_semaphore, #tpu.memory_space<semaphore_mem>>) src(%dma_wait3A_626 : memref<1024xf32, #tpu.memory_space<vmem>>) dst(%dma_wait3A_623 : memref<1024xf32, #tpu.memory_space<hbm>>)
    %dma_wait3A_627 = arith.constant 4 : i32
    %dma_wait3A_628 = arith.constant 0 : i32
    %dma_wait3A_629 = arith.constant 0 : i32
    %dma_wait3A_630 = arith.constant 0 : i32
    %dma_wait3A_631 = arith.constant 0 : i32
    %dma_wait3A_632 = tpu.memref_slice %arg7[%dma_wait3A_627, %dma_wait3A_631] : memref<5x8192xf32, #tpu.memory_space<vmem>> -> memref<1x1024xf32, #tpu.memory_space<vmem>>
    %dma_wait3A_633 = tpu.memref_squeeze %dma_wait3A_632 : memref<1x1024xf32, #tpu.memory_space<vmem>> -> memref<1024xf32, #tpu.memory_space<vmem>>
    %dma_wait3A_634 = arith.constant 0 : i32
    %dma_wait3A_635 = tpu.memref_slice %arg4[%dma_wait3A_628, %dma_wait3A_629, %dma_wait3A_630, %dma_wait3A_634] : memref<50x8x32x1024xf32, #tpu.memory_space<hbm>> -> memref<1x1x1x1024xf32, #tpu.memory_space<hbm>>
    %dma_wait3A_636 = tpu.memref_squeeze %dma_wait3A_635 : memref<1x1x1x1024xf32, #tpu.memory_space<hbm>> -> memref<1024xf32, #tpu.memory_space<hbm>>
    %dma_wait3A_637 = arith.constant 0 : i32
    %dma_wait3A_638 = tpu.memref_slice %arg4[%dma_wait3A_628, %dma_wait3A_629, %dma_wait3A_630, %dma_wait3A_637] : memref<50x8x32x1024xf32, #tpu.memory_space<hbm>> -> memref<1x1x1x1024xf32, #tpu.memory_space<hbm>>
    %dma_wait3A_639 = tpu.memref_squeeze %dma_wait3A_638 : memref<1x1x1x1024xf32, #tpu.memory_space<hbm>> -> memref<1024xf32, #tpu.memory_space<hbm>>
    %dma_wait3A_640 = arith.constant 0 : i32
    %dma_wait3A_641 = tpu.memref_slice %arg7[%dma_wait3A_627, %dma_wait3A_640] : memref<5x8192xf32, #tpu.memory_space<vmem>> -> memref<1x1024xf32, #tpu.memory_space<vmem>>
    %dma_wait3A_642 = tpu.memref_squeeze %dma_wait3A_641 : memref<1x1024xf32, #tpu.memory_space<vmem>> -> memref<1024xf32, #tpu.memory_space<vmem>>
    tpu.wait_dma2 semaphore(%arg17 : memref<!tpu.dma_semaphore, #tpu.memory_space<semaphore_mem>>) src(%dma_wait3A_642 : memref<1024xf32, #tpu.memory_space<vmem>>) dst(%dma_wait3A_639 : memref<1024xf32, #tpu.memory_space<hbm>>)
    %dma_wait3A_643 = arith.constant 4 : i32
    %dma_wait3A_644 = arith.constant 0 : i32
    %dma_wait3A_645 = arith.constant 0 : i32
    %dma_wait3A_646 = arith.constant 0 : i32
    %dma_wait3A_647 = arith.constant 0 : i32
    %dma_wait3A_648 = tpu.memref_slice %arg7[%dma_wait3A_643, %dma_wait3A_647] : memref<5x8192xf32, #tpu.memory_space<vmem>> -> memref<1x1024xf32, #tpu.memory_space<vmem>>
    %dma_wait3A_649 = tpu.memref_squeeze %dma_wait3A_648 : memref<1x1024xf32, #tpu.memory_space<vmem>> -> memref<1024xf32, #tpu.memory_space<vmem>>
    %dma_wait3A_650 = arith.constant 0 : i32
    %dma_wait3A_651 = tpu.memref_slice %arg4[%dma_wait3A_644, %dma_wait3A_645, %dma_wait3A_646, %dma_wait3A_650] : memref<50x8x32x1024xf32, #tpu.memory_space<hbm>> -> memref<1x1x1x1024xf32, #tpu.memory_space<hbm>>
    %dma_wait3A_652 = tpu.memref_squeeze %dma_wait3A_651 : memref<1x1x1x1024xf32, #tpu.memory_space<hbm>> -> memref<1024xf32, #tpu.memory_space<hbm>>
    %dma_wait3A_653 = arith.constant 0 : i32
    %dma_wait3A_654 = tpu.memref_slice %arg4[%dma_wait3A_644, %dma_wait3A_645, %dma_wait3A_646, %dma_wait3A_653] : memref<50x8x32x1024xf32, #tpu.memory_space<hbm>> -> memref<1x1x1x1024xf32, #tpu.memory_space<hbm>>
    %dma_wait3A_655 = tpu.memref_squeeze %dma_wait3A_654 : memref<1x1x1x1024xf32, #tpu.memory_space<hbm>> -> memref<1024xf32, #tpu.memory_space<hbm>>
    %dma_wait3A_656 = arith.constant 0 : i32
    %dma_wait3A_657 = tpu.memref_slice %arg7[%dma_wait3A_643, %dma_wait3A_656] : memref<5x8192xf32, #tpu.memory_space<vmem>> -> memref<1x1024xf32, #tpu.memory_space<vmem>>
    %dma_wait3A_658 = tpu.memref_squeeze %dma_wait3A_657 : memref<1x1024xf32, #tpu.memory_space<vmem>> -> memref<1024xf32, #tpu.memory_space<vmem>>
    tpu.wait_dma2 semaphore(%arg17 : memref<!tpu.dma_semaphore, #tpu.memory_space<semaphore_mem>>) src(%dma_wait3A_658 : memref<1024xf32, #tpu.memory_space<vmem>>) dst(%dma_wait3A_655 : memref<1024xf32, #tpu.memory_space<hbm>>)
    %dma_wait3A_659 = arith.constant 4 : i32
    %dma_wait3A_660 = arith.constant 0 : i32
    %dma_wait3A_661 = arith.constant 0 : i32
    %dma_wait3A_662 = arith.constant 0 : i32
    %dma_wait3A_663 = arith.constant 0 : i32
    %dma_wait3A_664 = tpu.memref_slice %arg7[%dma_wait3A_659, %dma_wait3A_663] : memref<5x8192xf32, #tpu.memory_space<vmem>> -> memref<1x1024xf32, #tpu.memory_space<vmem>>
    %dma_wait3A_665 = tpu.memref_squeeze %dma_wait3A_664 : memref<1x1024xf32, #tpu.memory_space<vmem>> -> memref<1024xf32, #tpu.memory_space<vmem>>
    %dma_wait3A_666 = arith.constant 0 : i32
    %dma_wait3A_667 = tpu.memref_slice %arg4[%dma_wait3A_660, %dma_wait3A_661, %dma_wait3A_662, %dma_wait3A_666] : memref<50x8x32x1024xf32, #tpu.memory_space<hbm>> -> memref<1x1x1x1024xf32, #tpu.memory_space<hbm>>
    %dma_wait3A_668 = tpu.memref_squeeze %dma_wait3A_667 : memref<1x1x1x1024xf32, #tpu.memory_space<hbm>> -> memref<1024xf32, #tpu.memory_space<hbm>>
    %dma_wait3A_669 = arith.constant 0 : i32
    %dma_wait3A_670 = tpu.memref_slice %arg4[%dma_wait3A_660, %dma_wait3A_661, %dma_wait3A_662, %dma_wait3A_669] : memref<50x8x32x1024xf32, #tpu.memory_space<hbm>> -> memref<1x1x1x1024xf32, #tpu.memory_space<hbm>>
    %dma_wait3A_671 = tpu.memref_squeeze %dma_wait3A_670 : memref<1x1x1x1024xf32, #tpu.memory_space<hbm>> -> memref<1024xf32, #tpu.memory_space<hbm>>
    %dma_wait3A_672 = arith.constant 0 : i32
    %dma_wait3A_673 = tpu.memref_slice %arg7[%dma_wait3A_659, %dma_wait3A_672] : memref<5x8192xf32, #tpu.memory_space<vmem>> -> memref<1x1024xf32, #tpu.memory_space<vmem>>
    %dma_wait3A_674 = tpu.memref_squeeze %dma_wait3A_673 : memref<1x1024xf32, #tpu.memory_space<vmem>> -> memref<1024xf32, #tpu.memory_space<vmem>>
    tpu.wait_dma2 semaphore(%arg17 : memref<!tpu.dma_semaphore, #tpu.memory_space<semaphore_mem>>) src(%dma_wait3A_674 : memref<1024xf32, #tpu.memory_space<vmem>>) dst(%dma_wait3A_671 : memref<1024xf32, #tpu.memory_space<hbm>>)
    %dma_wait3A_675 = arith.constant 4 : i32
    %dma_wait3A_676 = arith.constant 0 : i32
    %dma_wait3A_677 = arith.constant 0 : i32
    %dma_wait3A_678 = arith.constant 0 : i32
    %dma_wait3A_679 = arith.constant 0 : i32
    %dma_wait3A_680 = tpu.memref_slice %arg7[%dma_wait3A_675, %dma_wait3A_679] : memref<5x8192xf32, #tpu.memory_space<vmem>> -> memref<1x1024xf32, #tpu.memory_space<vmem>>
    %dma_wait3A_681 = tpu.memref_squeeze %dma_wait3A_680 : memref<1x1024xf32, #tpu.memory_space<vmem>> -> memref<1024xf32, #tpu.memory_space<vmem>>
    %dma_wait3A_682 = arith.constant 0 : i32
    %dma_wait3A_683 = tpu.memref_slice %arg4[%dma_wait3A_676, %dma_wait3A_677, %dma_wait3A_678, %dma_wait3A_682] : memref<50x8x32x1024xf32, #tpu.memory_space<hbm>> -> memref<1x1x1x1024xf32, #tpu.memory_space<hbm>>
    %dma_wait3A_684 = tpu.memref_squeeze %dma_wait3A_683 : memref<1x1x1x1024xf32, #tpu.memory_space<hbm>> -> memref<1024xf32, #tpu.memory_space<hbm>>
    %dma_wait3A_685 = arith.constant 0 : i32
    %dma_wait3A_686 = tpu.memref_slice %arg4[%dma_wait3A_676, %dma_wait3A_677, %dma_wait3A_678, %dma_wait3A_685] : memref<50x8x32x1024xf32, #tpu.memory_space<hbm>> -> memref<1x1x1x1024xf32, #tpu.memory_space<hbm>>
    %dma_wait3A_687 = tpu.memref_squeeze %dma_wait3A_686 : memref<1x1x1x1024xf32, #tpu.memory_space<hbm>> -> memref<1024xf32, #tpu.memory_space<hbm>>
    %dma_wait3A_688 = arith.constant 0 : i32
    %dma_wait3A_689 = tpu.memref_slice %arg7[%dma_wait3A_675, %dma_wait3A_688] : memref<5x8192xf32, #tpu.memory_space<vmem>> -> memref<1x1024xf32, #tpu.memory_space<vmem>>
    %dma_wait3A_690 = tpu.memref_squeeze %dma_wait3A_689 : memref<1x1024xf32, #tpu.memory_space<vmem>> -> memref<1024xf32, #tpu.memory_space<vmem>>
    tpu.wait_dma2 semaphore(%arg17 : memref<!tpu.dma_semaphore, #tpu.memory_space<semaphore_mem>>) src(%dma_wait3A_690 : memref<1024xf32, #tpu.memory_space<vmem>>) dst(%dma_wait3A_687 : memref<1024xf32, #tpu.memory_space<hbm>>)
    %dma_wait3A_691 = arith.constant 4 : i32
    %dma_wait3A_692 = arith.constant 0 : i32
    %dma_wait3A_693 = arith.constant 0 : i32
    %dma_wait3A_694 = arith.constant 0 : i32
    %dma_wait3A_695 = arith.constant 0 : i32
    %dma_wait3A_696 = tpu.memref_slice %arg7[%dma_wait3A_691, %dma_wait3A_695] : memref<5x8192xf32, #tpu.memory_space<vmem>> -> memref<1x1024xf32, #tpu.memory_space<vmem>>
    %dma_wait3A_697 = tpu.memref_squeeze %dma_wait3A_696 : memref<1x1024xf32, #tpu.memory_space<vmem>> -> memref<1024xf32, #tpu.memory_space<vmem>>
    %dma_wait3A_698 = arith.constant 0 : i32
    %dma_wait3A_699 = tpu.memref_slice %arg4[%dma_wait3A_692, %dma_wait3A_693, %dma_wait3A_694, %dma_wait3A_698] : memref<50x8x32x1024xf32, #tpu.memory_space<hbm>> -> memref<1x1x1x1024xf32, #tpu.memory_space<hbm>>
    %dma_wait3A_700 = tpu.memref_squeeze %dma_wait3A_699 : memref<1x1x1x1024xf32, #tpu.memory_space<hbm>> -> memref<1024xf32, #tpu.memory_space<hbm>>
    %dma_wait3A_701 = arith.constant 0 : i32
    %dma_wait3A_702 = tpu.memref_slice %arg4[%dma_wait3A_692, %dma_wait3A_693, %dma_wait3A_694, %dma_wait3A_701] : memref<50x8x32x1024xf32, #tpu.memory_space<hbm>> -> memref<1x1x1x1024xf32, #tpu.memory_space<hbm>>
    %dma_wait3A_703 = tpu.memref_squeeze %dma_wait3A_702 : memref<1x1x1x1024xf32, #tpu.memory_space<hbm>> -> memref<1024xf32, #tpu.memory_space<hbm>>
    %dma_wait3A_704 = arith.constant 0 : i32
    %dma_wait3A_705 = tpu.memref_slice %arg7[%dma_wait3A_691, %dma_wait3A_704] : memref<5x8192xf32, #tpu.memory_space<vmem>> -> memref<1x1024xf32, #tpu.memory_space<vmem>>
    %dma_wait3A_706 = tpu.memref_squeeze %dma_wait3A_705 : memref<1x1024xf32, #tpu.memory_space<vmem>> -> memref<1024xf32, #tpu.memory_space<vmem>>
    tpu.wait_dma2 semaphore(%arg17 : memref<!tpu.dma_semaphore, #tpu.memory_space<semaphore_mem>>) src(%dma_wait3A_706 : memref<1024xf32, #tpu.memory_space<vmem>>) dst(%dma_wait3A_703 : memref<1024xf32, #tpu.memory_space<hbm>>)
    return
  }
}

</mosaic_0001>

<sc_bundles>
// kernel: kernel.3.cloned.1.call-start
scs
__scs_entry_jumppad:
0x0: {  	(pc) =	sbr.rel $0x88, $3  }
0x1: {  	(tag) =	ssettag $0x0;
	lr =	simm.s32 $0x1  }
0x2: {  	[smem:$0x3F9F] =	sst lr;
	_ =	strace $0xD0000000  }
0x3: {  	_ = 	snop  }
0x4: {  	_ = 	snop  }
0x5: {  	_ = 	snop  }
0x6: {  	_ = 	snop  }
0x7: {  	_ = 	snop  }
__scs_overlays_trampoline_lowered:
0x8: {  	[smem:$0x3FAE] =	sst s0  }
0x9: {  	[smem:$0x3FAF] =	sst s1  }
0xa: {  	[smem:$0x3FB0] =	sst s2  }
0xb: {  	[smem:$0x3FB1] =	sst s3  }
0xc: {  	[smem:$0x3FB2] =	sst s4  }
0xd: {  	[smem:$0x3FB3] =	sst s5  }
0xe: {  	[smem:$0x3FB4] =	sst s6  }
0xf: {  	[smem:$0x3FB5] =	sst s7  }
0x10: {  	[smem:$0x3FB6] =	sst s8  }
0x11: {  	[smem:$0x3FB7] =	sst s9;
	s0 =	simm.s32 @!p0 $0x0  }
0x12: {  	s1 =	sld [smem:$0x3F9D];
	s0 =	simm.s32 @p0 $0x1  }
0x13: {  	[smem:$0x3FB8] =	sst s0;
	s0 =	simm.s32 @!p1 $0x0  }
0x14: {  	s2 =	sld [smem:$0x3F9C];
	s0 =	simm.s32 @p1 $0x1  }
0x15: {  	[smem:$0x3FB9] =	sst s0;
	s0 =	simm.s32 @!p2 $0x0  }
0x16: {  	s3 =	sld [smem:$0x3FDB];
	s0 =	simm.s32 @p2 $0x1  }
0x17: {  	s4 =	simm.s32 $0x1BF5;
	[smem:$0x3FBB] =	sst s0  }
0x18: {  	s0 =	sld [smem:$0x3F9E];
	_ =	swait.ge [sflag:s4], $0x0  }
0x19: {  	s7 =	sld [smem:$0x3F9F]  }
0x1a: {  	s8 =	sadd.s32 $0xFFFFE003, lr  }
0x1b: {  	s9 =	sadd.s32 $0xFFFFFEF7, lr;
	s5 =	simm.s32 $0xFFFFFFFF;
	p2 =	slt.u32 s8, $0xFFFFF086  }
0x1c: {  	p1 =	slt.u32 s9, $0xF7A;
	s5 =	simm.s32 @!p2 $0x0  }
0x1d: {  	s5 =	simm.s32 @p1 $0x1;
	p0 =	seq.s32 s7, s2  }
0x1e: {  	s7 =	smul.u32 @!p0 $0xF7A, s2;
	p2 =	seq.s32 @!p0 s5, $0x0  }
0x1f: {  	s9 =	smul.u32 $0xF7A, s1;
	s8 =	simm.s32 @!p0 $0x1BF5;
	p2 =	por !p2, p0  }
0x20: {  	[sflag:s8] =	ssyncset.s32 @!p0 $0xFFFFF086;
	s6 =	sadd.s32 @!p0 s3, s7;
	s7 =	simm.s32 @!p0 $0x108  }
0x21: {  	s3 =	sadd.s32 s3, s9;
	s6 =	sadd.s32 @!p0 $0x88, s6;
	s7 =	simm.s32 @p2 $0x1082  }
0x22: {  	[simem:s7], [sflag:s8] =	dma.local @!p0 [hbm:s6], $0xF7A  }
0x23: {  	s9 =	sor.u32 $0xD0000000, s2;
	s6 =	simm.s32 $0x108;
	_ =	swait.ge @!p0 [sflag:s8], $0x0  }
0x24: {  	s3 =	sadd.s32 $0x88, s3;
	s6 =	simm.s32 @!p1 $0x1082;
	[sflag:s4] =	ssyncset.s32 $0xFFFFF086  }
0x25: {  	[simem:s6], [sflag:s4] =	dma.local [hbm:s3], $0xF7A  }
0x26: {  	[smem:$0x3F9F] =	sst s1;
	(tag) =	ssettag s2;
	_ =	strace s9  }
0x27: {  	s1 =	sld [smem:$0x3FAF]  }
0x28: {  	s2 =	sld [smem:$0x3FB0]  }
0x29: {  	s4 =	sld [smem:$0x3FB2]  }
0x2a: {  	p0 =	seq.s32 s5, $0x0;
	s5 =	sld [smem:$0x3FB3]  }
0x2b: {  	s6 =	sld [smem:$0x3FB4]  }
0x2c: {  	s7 =	sld [smem:$0x3FB5]  }
0x2d: {  	s3 =	simm.s32 $0x108;
	s8 =	sld [smem:$0x3FB6]  }
0x2e: {  	s3 =	simm.s32 @!p0 $0x1082;
	s9 =	sld [smem:$0x3FB7]  }
0x2f: {  	lr =	sadd.s32 s0, s3;
	s0 =	sld [smem:$0x3FAE]  }
0x30: {  	s3 =	sld [smem:$0x3FB1]  }
0x31: {  	[smem:$0x3FBA] =	sst s10  }
0x32: {  	s10 =	sld [smem:$0x3FB8];
	_ =	sdelay $0x3  }
0x33: {  	p0 =	seq.s32 s10, $0x1;
	s10 =	sld [smem:$0x3FBA];
	_ =	sdelay $0x3  }
0x34: {  	[smem:$0x3FBA] =	sst s10  }
0x35: {  	s10 =	sld [smem:$0x3FB9];
	_ =	sdelay $0x3  }
0x36: {  	p1 =	seq.s32 s10, $0x1;
	s10 =	sld [smem:$0x3FBA];
	_ =	sdelay $0x3  }
0x37: {  	[smem:$0x3FBA] =	sst s10  }
0x38: {  	s10 =	sld [smem:$0x3FBB]  }
0x39: {  	_ = 	snop;
	(pc) =	sbr.ind lr, $3  }
0x3a: {  	_ = 	snop  }
0x3b: {  	_ = 	snop  }
0x3c: {  	p2 =	seq.s32 s10, $0x1;
	s10 =	sld [smem:$0x3FBA]  }
0x3d: {  	_ =	shalt  }
0x3e: {  	_ =	shalt  }
0x3f: {  	_ =	shalt  }
0x40: {  	_ =	shalt  }
0x41: {  	_ =	shalt  }
0x42: {  	_ =	shalt  }
0x43: {  	_ =	shalt  }
0x44: {  	_ =	shalt  }
0x45: {  	_ =	shalt  }
0x46: {  	_ =	shalt  }
0x47: {  	_ =	shalt  }
0x48: {  	_ =	shalt  }
0x49: {  	_ =	shalt  }
0x4a: {  	_ =	shalt  }
0x4b: {  	_ =	shalt  }
0x4c: {  	_ =	shalt  }
0x4d: {  	_ =	shalt  }
0x4e: {  	_ =	shalt  }
0x4f: {  	_ =	shalt  }
0x50: {  	_ =	shalt  }
0x51: {  	_ =	shalt  }
0x52: {  	_ =	shalt  }
0x53: {  	_ =	shalt  }
0x54: {  	_ =	shalt  }
0x55: {  	_ =	shalt  }
0x56: {  	_ =	shalt  }
0x57: {  	_ =	shalt  }
0x58: {  	_ =	shalt  }
0x59: {  	_ =	shalt  }
0x5a: {  	_ =	shalt  }
0x5b: {  	_ =	shalt  }
0x5c: {  	_ =	shalt  }
0x5d: {  	_ =	shalt  }
0x5e: {  	_ =	shalt  }
0x5f: {  	_ =	shalt  }
0x60: {  	_ =	shalt  }
0x61: {  	_ =	shalt  }
0x62: {  	_ =	shalt  }
0x63: {  	_ =	shalt  }
0x64: {  	_ =	shalt  }
0x65: {  	_ =	shalt  }
0x66: {  	_ =	shalt  }
0x67: {  	_ =	shalt  }
0x68: {  	_ =	shalt  }
0x69: {  	_ =	shalt  }
0x6a: {  	_ =	shalt  }
0x6b: {  	_ =	shalt  }
0x6c: {  	_ =	shalt  }
0x6d: {  	_ =	shalt  }
0x6e: {  	_ =	shalt  }
0x6f: {  	_ =	shalt  }
0x70: {  	_ =	shalt  }
0x71: {  	_ =	shalt  }
0x72: {  	_ =	shalt  }
0x73: {  	_ =	shalt  }
0x74: {  	_ =	shalt  }
0x75: {  	_ =	shalt  }
0x76: {  	_ =	shalt  }
0x77: {  	_ =	shalt  }
0x78: {  	_ =	shalt  }
0x79: {  	_ =	shalt  }
0x7a: {  	_ =	shalt  }
0x7b: {  	_ =	shalt  }
0x7c: {  	_ =	shalt  }
0x7d: {  	_ =	shalt  }
0x7e: {  	_ =	shalt  }
0x7f: {  	_ =	shalt  }
0x80: {  	_ =	shalt  }
0x81: {  	_ =	shalt  }
0x82: {  	_ =	shalt  }
0x83: {  	_ =	shalt  }
0x84: {  	_ =	shalt  }
0x85: {  	_ =	shalt  }
0x86: {  	_ =	shalt  }
0x87: {  	_ =	shalt  }
.Lfunc_end0:
.L_simem_size_0:
called_computation_lowered:
.L_overlay_start_0:
0x88: {  	s2 =	sld [smem:$0x3FD9]  }
0x89: {  	s3 =	sld [smem:$0x3FFE];
	_ =	sdelay $0x1  }
0x8a: {  	s1 =	srdreg.scid  }
0x8b: {  	s0 =	sand.u32 $0x1, s1  }
0x8c: {  	s17 =	sshll.u32 s0, $0xA;
	s2 =	sadd.s32 s3, s2  }
0x8d: {  	s2 =	sadd.s32 s2, s17  }
0x8e: {  	[smem:$0x3FC6] =	sst s2  }
0x8f: {  	_ = 	snop  }
0x90: {  	s2 =	sld [smem:$0x3FD0];
	(tm) =	ssettm $0x1  }
0x91: {  	s18 =	sld [smem:$0x3FFB];
	_ =	sdelay $0x3  }
0x92: {  	_ =	strace s18  }
0x93: {  	s3 =	sld [smem:$0x3FFC];
	_ =	sdelay $0x3  }
0x94: {  	_ =	strace s3  }
0x95: {  	s3 =	sld [smem:$0x3FFD];
	_ =	sdelay $0x3  }
0x96: {  	_ =	strace s3  }
0x97: {  	_ =	strace $0x8FFFFFFF  }
0x98: {  	s19 =	sld [smem:$0x3FDB];
	_ =	sdelay $0x1  }
0x99: {  	s4 =	simm.s32 $_scs_section_size  }
0x9a: {  	s5 =	simm.s32 $_size__tile_overlayer_lowered;
	s6 =	simm.s32 $_tile_overlayer_lowered  }
0x9b: {  	s22 =	simm.s32 $0x1BFF;
	s21 =	sshll.u32 s6, $0x1;
	s3 =	sadd.s32 s4, s19  }
0x9c: {  	s7 =	simm.s32 $0x0;
	s20 =	sshll.u32 s5, $0x1;
	s5 =	sadd.s32 s21, s3  }
0x9d: {  	[timem:s7], [sflag:s22] =	dma.local [hbm:s5], s20  }
0x9e: {  	_ =	swait.ge [sflag:s22], s20  }
0x9f: {  	s4 =	ssub.s32 $0x0, s20;
	[sflag:s22] =	ssyncset.done $0x0  }
0xa0: {  	[sflag:s22] =	ssyncadd.s32 s4;
	_ =	sdelay $0x1  }
0xa1: {  	s23 =	simm.s32 $0x1B8B  }
0xa2: {  	_ =	swait.ge [sflag:s23], $0x1  }
0xa3: {  	[sflag:s23] =	ssyncset.done $0x0  }
0xa4: {  	s25 =	simm.s32 $0x1B8E;
	s24 =	sld [smem:$0x3FFE];
	[sflag:s23] =	ssyncadd.s32 $0xFFFFFFFF  }
0xa5: {  	s26 =	simm.s32 $execute0_lowered;
	[smem:$0x3FD2] =	sst s25  }
0xa6: {  	s5 =	sshll.u32 s26, $0x1;
	_ =	strace $0x80000046;
	[dreg:$0x1] =	wrdreg $0xFFFFFFFF  }
0xa7: {  	s28 =	simm.s32 $_size_execute0_lowered;
	s3 =	sadd.s32 s3, s5;
	[dreg:$0x0] =	wrdreg $0x0  }
0xa8: {  	s5 =	sshll.u32 s28, $0x1;
	[dreg:$0x2] =	wrdreg s3  }
0xa9: {  	[dreg:$0x3] =	wrdreg s5  }
0xaa: {  	[dreg:$0x4] =	wrdreg $0xC0  }
0xab: {  	_ =	task [dreg:s7], $0x5FFFF  }
0xac: {  	[dreg:$0x1] =	wrdreg $0xFFFFFFFF  }
0xad: {  	[dreg:$0x0] =	wrdreg $0x60  }
0xae: {  	[dreg:$0x2] =	wrdreg s24  }
0xaf: {  	[dreg:$0x3] =	wrdreg s2  }
0xb0: {  	[dreg:$0x4] =	wrdreg $0x9  }
0xb1: {  	_ =	task.clear_ibuf [dreg:s7], $0x5FFFF;
	_ =	strace $0x90000046  }
0xb2: {  	s29 =	simm.s32 $0x9;
	_ =	strace $0x80000048  }
0xb3: {  	_ =	swait.ge [sflag:s29], $0x1  }
0xb4: {  	[sflag:s29] =	ssyncadd.s32 $0xFFFFFFFF  }
0xb5: {  	_ =	strace $0x90000048  }
0xb6: {  	_ =	sfence  }
0xb7: {  	s30 =	sld [smem:$0x0];
	_ =	sdelay $0x2  }
0xb8: {  	s31 =	sshll.u32 s1, $0xD;
	s1 =	sshrl.u32 s1, $0x2  }
0xb9: {  	s3 =	sand.u32 $0x4000, s31;
	s1 =	sadd.s32 s1, s30  }
0xba: {  	s0 =	sor.u32 s3, s0;
	s1 =	sshll.u32 s1, $0x11  }
0xbb: {  	s0 =	sor.u32 s1, s0  }
0xbc: {  	s0 =	sadd.s32 $0x8F2B, s0  }
0xbd: {  	[sflag:s0] =	ssyncadd.remote.s32 $0x1  }
0xbe: {  	_ =	sfence.sel $0xFFFF  }
0xbf: {  	[dreg:$0x0] =	wrdreg $0xFFFFFFFF;
	(pc) =	sbr.abs _section_cstart, $3  }
0xc0: {  	[dreg:$0x1] =	wrdreg $0xFFFFFFFF  }
0xc1: {  	_ =	task.clear_ibuf [dreg:s7], $0x2FFFF;
	_ =	strace $0x9FFFFFFF  }
0xc2: {  	(tm) =	ssettm $0x7FFFFFFF  }
0xc3: {  	_ =	shalt  }
tec
execute0_lowered:
.L_overlay_start_1:
0x0: {  	(tag) =	ssettag $0x1  }
0x1: {  	v0 =	vimm.s32 $0xC3824100;
	vm0 =	vcmask $0xF00  }
0x2: {  	v2 =	vimm.s32 $0x7C7;
	vm14 =	vcmask $0x300;
	vm9 =	vcmask $0x1310  }
0x3: {  	vm13 =	vcmask $0x704;
	vm12 =	vcmask $0xB08;
	vm10 =	vcmask $0x1714  }
0x4: {  	vm11 =	vcmask $0xF0C;
	vm8 =	vcmask $0x1B18;
	vm7 =	vcmask $0x1F1C  }
0x5: {  	vm6 =	vcmask $0x2320;
	vm5 =	vcmask $0x2724;
	vm4 =	vcmask $0x2B28  }
0x6: {  	vm3 =	vcmask $0x2F2C;
	vm2 =	vcmask $0x3330;
	vm1 =	vcmask $0x3734  }
0x7: {  	vm15 =	vcmask $0x3B38;
	v4 =	vimm.s32 $0xBC7;
	v6 =	vimm.s32 $0xFC7  }
0x8: {  	v8 =	vimm.s32 $0x13C7;
	v13 =	vimm.s32 $0x17C7;
	v16 =	vimm.s32 $0x1BC7  }
0x9: {  	v17 =	vimm.s32 $0x1FC7;
	v1 =	vunpack.c.0.s8.s32 v0;
	v0 =	vlaneseq.u32  }
0xa: {  	v2 =	vsel vm14, $0x400, v2;
	v4 =	vsel vm14, $0x800, v4;
	v6 =	vsel vm14, $0xC00, v6  }
0xb: {  	v8 =	vsel vm14, $0x1000, v8;
	v14 =	vsel vm14, $0x1400, v13;
	v16 =	vsel vm14, $0x1800, v16  }
0xc: {  	v17 =	vsel vm14, $0x1C00, v17;
	v2 =	vsel vm13, $0x441, v2;
	v5 =	vsel vm13, $0x841, v4  }
0xd: {  	v4 =	vor.u32 $0x10, v0;
	v6 =	vsel vm13, $0xC41, v6;
	v8 =	vsel vm13, $0x1041, v8  }
0xe: {  	v13 =	vor.u32 $0x40, v0;
	v15 =	vsel vm13, $0x1441, v14;
	v14 =	vor.u32 $0x1FC8, v0  }
0xf: {  	v16 =	vsel vm13, $0x1841, v16;
	v17 =	vsel vm13, $0x1C41, v17;
	v20 =	vor.u32 $0x60, v0  }
0x10: {  	v21 =	vor.u32 $0x1FE8, v0;
	v23 =	vor.u32 $0x70, v0;
	v24 =	vor.u32 $0x1FF8, v0  }
0x11: {  	v1 =	vand.u32 $0xFF, v1;
	v2 =	vsel vm12, $0x482, v2;
	v7 =	vsel vm12, $0x882, v5  }
0x12: {  	v5 =	vor.u32 $0x1F98, v0;
	v6 =	vsel vm12, $0xC82, v6;
	v8 =	vsel vm12, $0x1082, v8  }
0x13: {  	v15 =	vsel vm12, $0x1482, v15;
	v16 =	vsel vm12, $0x1882, v16;
	v17 =	vsel vm12, $0x1C82, v17  }
0x14: {  	v1 =	vnsel vm0, $0x3C7, v1;
	v2 =	vsel vm11, $0x4C3, v2;
	v7 =	vsel vm11, $0x8C3, v7  }
0x15: {  	v6 =	vsel vm11, $0xCC3, v6;
	v8 =	vsel vm11, $0x10C3, v8;
	v15 =	vsel vm11, $0x14C3, v15  }
0x16: {  	v16 =	vsel vm11, $0x18C3, v16;
	v17 =	vsel vm11, $0x1CC3, v17;
	v1 =	vsel vm9, $0x104, v1  }
0x17: {  	v2 =	vsel vm9, $0x504, v2;
	v7 =	vsel vm9, $0x904, v7;
	v6 =	vsel vm9, $0xD04, v6  }
0x18: {  	v8 =	vsel vm9, $0x1104, v8;
	v15 =	vsel vm9, $0x1504, v15;
	v16 =	vsel vm9, $0x1904, v16  }
0x19: {  	v17 =	vsel vm9, $0x1D04, v17;
	v1 =	vsel vm10, $0x145, v1;
	v2 =	vsel vm10, $0x545, v2  }
0x1a: {  	v7 =	vsel vm10, $0x945, v7;
	v6 =	vsel vm10, $0xD45, v6;
	v8 =	vsel vm10, $0x1145, v8  }
0x1b: {  	v15 =	vsel vm10, $0x1545, v15;
	v16 =	vsel vm10, $0x1945, v16;
	v17 =	vsel vm10, $0x1D45, v17  }
0x1c: {  	v1 =	vsel vm8, $0x186, v1;
	v2 =	vsel vm8, $0x586, v2;
	v7 =	vsel vm8, $0x986, v7  }
0x1d: {  	v6 =	vsel vm8, $0xD86, v6;
	v8 =	vsel vm8, $0x1186, v8;
	v15 =	vsel vm8, $0x1586, v15  }
0x1e: {  	v16 =	vsel vm8, $0x1986, v16;
	v17 =	vsel vm8, $0x1D86, v17;
	v1 =	vsel vm7, $0x1C7, v1  }
0x1f: {  	v2 =	vsel vm7, $0x5C7, v2;
	v7 =	vsel vm7, $0x9C7, v7;
	v6 =	vsel vm7, $0xDC7, v6  }
0x20: {  	v8 =	vsel vm7, $0x11C7, v8;
	v15 =	vsel vm7, $0x15C7, v15;
	v16 =	vsel vm7, $0x19C7, v16  }
0x21: {  	v17 =	vsel vm7, $0x1DC7, v17;
	v1 =	vsel vm6, $0x200, v1;
	v2 =	vsel vm6, $0x600, v2  }
0x22: {  	v7 =	vsel vm6, $0xA00, v7;
	v6 =	vsel vm6, $0xE00, v6;
	v8 =	vsel vm6, $0x1200, v8  }
0x23: {  	v15 =	vsel vm6, $0x1600, v15;
	v16 =	vsel vm6, $0x1A00, v16;
	v17 =	vsel vm6, $0x1E00, v17  }
0x24: {  	v1 =	vsel vm5, $0x241, v1;
	v2 =	vsel vm5, $0x641, v2;
	v7 =	vsel vm5, $0xA41, v7  }
0x25: {  	v6 =	vsel vm5, $0xE41, v6;
	v8 =	vsel vm5, $0x1241, v8;
	v15 =	vsel vm5, $0x1641, v15  }
0x26: {  	v16 =	vsel vm5, $0x1A41, v16;
	v17 =	vsel vm5, $0x1E41, v17;
	v1 =	vsel vm4, $0x282, v1  }
0x27: {  	s0 =	rddreg [dreg:$0x0];
	s1 =	srdreg.scid;
	v2 =	vsel vm4, $0x682, v2;
	v7 =	vsel vm4, $0xA82, v7;
	v6 =	vsel vm4, $0xE82, v6  }
0x28: {  	s3 =	stileid.u32;
	s2 =	rddreg [dreg:$0x1];
	s28 =	simm.s32 $0x7900;
	v10 =	vsel vm4, $0x1282, v8;
	v8 =	vor.u32 $0x1FA8, v0;
	v15 =	vsel vm4, $0x1682, v15  }
0x29: {  	s30 =	simm.s32 $0x9900;
	s31 =	simm.s32 $0x1;
	s21 =	simm.s32 $0x2;
	v16 =	vsel vm4, $0x1A82, v16;
	v17 =	vsel vm4, $0x1E82, v17;
	v1 =	vsel vm3, $0x2C3, v1  }
0x2a: {  	s19 =	simm.s32 $0xD900;
	s20 =	simm.s32 $0xF900;
	s29 =	simm.s32 $0x4;
	v2 =	vsel vm3, $0x6C3, v2;
	v7 =	vsel vm3, $0xAC3, v7;
	v9 =	vsel vm3, $0xEC3, v6  }
0x2b: {  	s15 =	simm.s32 $0x0;
	s1 =	sand.u32 $0x1, s1;
	s4 =	sshll.u32 s3, $0x1;
	v11 =	vsel vm3, $0x12C3, v10;
	v10 =	vor.u32 $0x30, v0;
	v15 =	vsel vm3, $0x16C3, v15  }
0x2c: {  	s3 =	simm.s32 $0x0;
	s8 =	sadd.s32 $0x2000, s2;
	s9 =	sadd.s32 $0x3000, s2;
	v18 =	vsel vm3, $0x1AC3, v16;
	v16 =	vor.u32 $0x50, v0;
	v19 =	vsel vm3, $0x1EC3, v17  }
0x2d: {  	s10 =	sadd.s32 $0x4000, s2;
	s11 =	sadd.s32 $0x5000, s2;
	s12 =	sadd.s32 $0x6000, s2;
	v17 =	vor.u32 $0x1FD8, v0;
	v1 =	vsel vm2, $0x304, v1;
	v3 =	vsel vm2, $0x704, v2  }
0x2e: {  	s13 =	sadd.s32 $0x7000, s2;
	s5 =	sor.u32 s1, s4;
	[smem:$0x7FF] =	sst s3;
	v2 =	vor.u32 $0x1F88, v0;
	v7 =	vsel vm2, $0xB04, v7;
	v9 =	vsel vm2, $0xF04, v9  }
0x2f: {  	s1 =	ssub.s32 $0x2, s1;
	s4 =	sshll.u32 s5, $0x4;
	_ =	strace $0x80000047;
	v12 =	vsel vm2, $0x1304, v11;
	v11 =	vor.u32 $0x1FB8, v0;
	v15 =	vsel vm2, $0x1704, v15  }
0x30: {  	s7 =	sshrl.u32 s1, $0x1;
	s24 =	sshll.u32 s5, $0xA;
	s6 =	sadd.s32 s4, s0;
	v18 =	vsel vm2, $0x1B04, v18;
	v19 =	vsel vm2, $0x1F04, v19;
	v1 =	vsel vm1, $0x345, v1  }
0x31: {  	s4 =	sadd.s32 $0x6800, s0;
	s5 =	sor.u32 $0x40000, s24;
	[dreg:$0x4] =	wrdreg s24;
	v3 =	vsel vm1, $0x745, v3;
	v7 =	vsel vm1, $0xB45, v7;
	v9 =	vsel vm1, $0xF45, v9  }
0x32: {  	s22 =	ssub.s32 s1, s7;
	s25 =	sor.u32 $0x80000, s24;
	[dreg:$0x5] =	wrdreg s5;
	v12 =	vsel vm1, $0x1345, v12;
	v15 =	vsel vm1, $0x1745, v15;
	v18 =	vsel vm1, $0x1B45, v18  }
0x33: {  	s7 =	sadd.s32 $0x1000, s2;
	s26 =	sor.u32 $0xC0000, s24;
	[dreg:$0x6] =	wrdreg s25;
	v22 =	vsel vm1, $0x1F45, v19;
	v19 =	vmul.u32 $0x40, v0;
	v1 =	vsel vm15, $0x386, v1  }
0x34: {  	s1 =	sor.u32 $0x100000, s24;
	s24 =	simm.s32 $0x5;
	[dreg:$0x7] =	wrdreg s26;
	v3 =	vsel vm15, $0x786, v3;
	v6 =	vsel vm15, $0xB86, v7;
	v7 =	vor.u32 $0x20, v0  }
0x35: {  	s23 =	sadd.s32 $0x400, s6;
	[dreg:$0x8] =	wrdreg s1;
	s0 =	smax.u32 s22, $0x1;
	v9 =	vsel vm15, $0xF86, v9;
	v12 =	vsel vm15, $0x1386, v12;
	v15 =	vsel vm15, $0x1786, v15  }
0x36: {  	s22 =	simm.s32 $0x1900;
	s25 =	simm.s32 $0x5900;
	s1 =	simm.s32 $0xB900;
	v18 =	vsel vm15, $0x1B86, v18;
	v22 =	vsel vm15, $0x1F86, v22;
	v25 =	vor.u32 $0x400, v19  }
0x37: {  	s5 =	simm.s32 $0x11900;
	s26 =	simm.s32 $0x13900;
	[dreg:$0x3] =	wrdreg s23;
	v26 =	vor.u32 $0x800, v19;
	v27 =	vor.u32 $0xC00, v19;
	v28 =	vor.u32 $0x1000, v19  }
0x38: {  	[dreg:$0x9] =	wrdreg s0;
	s23 =	simm.s32 $0x3900;
	s0 =	simm.s32 $0x3;
	v29 =	vor.u32 $0x1400, v19;
	v30 =	vor.u32 $0x1800, v19;
	v31 =	vor.u32 $0x1C00, v19  }
.LBB2_1:
0x39: {  	[dreg:$0xa] =	wrdreg s15  }
0x3a: {  	s6 =	rddreg [dreg:$0x3]  }
0x3b: {  	s14 =	simm.s32 $0x80;
	s18 =	simm.s32 $0x1000;
	s15 =	simm.s32 $0xB  }
0x3c: {  	[tilespmem:s3], [sflag:$0xB] =	stream.strided.gather [hbm4b:s6+s14], $0x1900, s18, s14, $0x38;
	[tilespmem:$0x15900] =	vst v63  }
0x3d: {  	_ =	swait.ge [sflag:s15], $0x1900  }
0x3e: {  	[sflag:s15] =	ssyncset.done $0x0  }
0x3f: {  	[sflag:s15] =	ssyncadd.s32 $0xFFFFE700  }
0x40: {  	[tilespmem:s22], [sflag:$0x1] =	stream.indirect.gather [hbm4b:s4+s14], $0x40, s3, s14, $0xb8;
	[tilespmem:$0x15900] =	vst v63  }
0x41: {  	_ = 	snop  }
0x42: {  	[tilespmem:s23], [sflag:$0x2] =	stream.indirect.gather [hbm4b:s4+s14], $0x40, s14, s14, $0xb8;
	[tilespmem:$0x15900] =	vst v63  }
0x43: {  	s16 =	simm.s32 $0x100  }
0x44: {  	[tilespmem:s25], [sflag:$0x3] =	stream.indirect.gather [hbm4b:s4+s14], $0x40, s16, s14, $0xb8;
	[tilespmem:$0x15900] =	vst v63  }
0x45: {  	s17 =	simm.s32 $0x180  }
0x46: {  	[tilespmem:s28], [sflag:$0x4] =	stream.indirect.gather [hbm4b:s4+s14], $0x40, s17, s14, $0xb8;
	[tilespmem:$0x15900] =	vst v63  }
0x47: {  	s18 =	simm.s32 $0x200  }
0x48: {  	[tilespmem:s30], [sflag:$0x5] =	stream.indirect.gather [hbm4b:s4+s14], $0x40, s18, s14, $0xb8;
	[tilespmem:$0x15900] =	vst v63  }
0x49: {  	s18 =	simm.s32 $0x0  }
.LBB2_2:
0x4a: {  	_ =	swait.ge [sflag:s31], $0x2000  }
0x4b: {  	p0 =	seq.s32 s18, $0x0;
	[sflag:s31] =	ssyncset.done $0x0  }
0x4c: {  	s6 =	simm.s32 @!p0 $0x6;
	[sflag:s31] =	ssyncadd.s32 $0xFFFFE000  }
0x4d: {  	_ =	swait.ge @!p0 [sflag:s6], $0x400  }
0x4e: {  	[sflag:s6] =	ssyncset.done @!p0 $0x0  }
0x4f: {  	[sflag:s6] =	ssyncadd.s32 @!p0 $0xFFFFFC00  }
0x50: {  	_ =	swait.ge @!p0 [sflag:s6], $0x400  }
0x51: {  	[sflag:s6] =	ssyncset.done @!p0 $0x0  }
0x52: {  	[sflag:s6] =	ssyncadd.s32 @!p0 $0xFFFFFC00  }
0x53: {  	_ =	swait.ge @!p0 [sflag:s6], $0x400  }
0x54: {  	[sflag:s6] =	ssyncset.done @!p0 $0x0  }
0x55: {  	[sflag:s6] =	ssyncadd.s32 @!p0 $0xFFFFFC00  }
0x56: {  	_ =	swait.ge @!p0 [sflag:s6], $0x400  }
0x57: {  	[sflag:s6] =	ssyncset.done @!p0 $0x0  }
0x58: {  	[sflag:s6] =	ssyncadd.s32 @!p0 $0xFFFFFC00  }
0x59: {  	_ =	swait.ge @!p0 [sflag:s6], $0x400  }
0x5a: {  	[sflag:s6] =	ssyncset.done @!p0 $0x0  }
0x5b: {  	[sflag:s6] =	ssyncadd.s32 @!p0 $0xFFFFFC00  }
0x5c: {  	_ =	swait.ge @!p0 [sflag:s6], $0x400  }
0x5d: {  	[sflag:s6] =	ssyncset.done @!p0 $0x0  }
0x5e: {  	[sflag:s6] =	ssyncadd.s32 @!p0 $0xFFFFFC00  }
0x5f: {  	_ =	swait.ge @!p0 [sflag:s6], $0x400  }
0x60: {  	[sflag:s6] =	ssyncset.done @!p0 $0x0  }
0x61: {  	[sflag:s6] =	ssyncadd.s32 @!p0 $0xFFFFFC00  }
0x62: {  	_ =	swait.ge @!p0 [sflag:s6], $0x400  }
0x63: {  	[sflag:s6] =	ssyncset.done @!p0 $0x0  }
0x64: {  	[sflag:s6] =	ssyncadd.s32 @!p0 $0xFFFFFC00;
	s6 =	simm.s32 $0x0  }
.LBB2_3:
0x65: {  	v32 =	vadd.s32 s6, v0;
	s14 =	sadd.s32 $0x1, s6  }
0x66: {  	v36 =	vand.u32 $0x38, v32;
	v34 =	vadd.s32 s14, v0  }
0x67: {  	v33 =	vor.u32 v1, v36;
	v37 =	vand.u32 $0x3F, v34  }
0x68: {  	v35 =	vor.u32 v19, v37;
	_ =	sdelay $0x1  }
0x69: {  	v38 =	vshll.u32 v32, $0x7  }
0x6a: {  	v32 =	vor.u32 v0, v38;
	v39 =	vshll.u32 v34, $0x7  }
0x6b: {  	v32 =	vand.u32 v2, v32;
	v40 =	vor.u32 v0, v39;
	v33 =	vld.idx.msk [tilespmem:v33+s22+$0x0], $0xffff  }
0x6c: {  	v59 =	vor.u32 v3, v36;
	v40 =	vand.u32 v2, v40;
	v35 =	vld.idx.msk [tilespmem:v35+s22+$0x0], $0xffff  }
0x6d: {  	v41 =	vor.u32 v25, v37;
	_ =	sdelay $0x2  }
0x6e: {  	v60 =	vor.u32 v4, v38;
	[tilespmem:v32+s1+$0x0] =	vst.idx.msk $0xffff, v33  }
0x6f: {  	s15 =	sadd.s32 $0x2, s6;
	v61 =	vor.u32 v4, v39;
	v32 =	vand.u32 v5, v60;
	v34 =	vld.idx.msk [tilespmem:v59+s22+$0x0], $0xffff;
	[tilespmem:v40+s1+$0x0] =	vst.idx.msk $0xffff, v35  }
0x70: {  	v63 =	vadd.s32 s15, v0;
	v42 =	vor.u32 v6, v36;
	v62 =	vand.u32 v5, v61;
	v35 =	vld.idx.msk [tilespmem:v41+s22+$0x0], $0xffff  }
0x71: {  	v43 =	vor.u32 v26, v37;
	v33 =	vand.u32 $0x3F, v63  }
0x72: {  	v44 =	vor.u32 v19, v33  }
0x73: {  	v48 =	vor.u32 v7, v38  }
0x74: {  	v49 =	vand.u32 v8, v48;
	[tilespmem:v32+s1+$0x0] =	vst.idx.msk $0xffff, v34  }
0x75: {  	v50 =	vor.u32 v7, v39;
	v32 =	vshll.u32 v63, $0x7;
	v34 =	vld.idx.msk [tilespmem:v42+s22+$0x0], $0xffff;
	[tilespmem:v62+s1+$0x0] =	vst.idx.msk $0xffff, v35  }
0x76: {  	v51 =	vor.u32 v9, v36;
	v35 =	vand.u32 v8, v50;
	v53 =	vor.u32 v0, v32;
	v52 =	vld.idx.msk [tilespmem:v43+s22+$0x0], $0xffff  }
0x77: {  	v45 =	vor.u32 v27, v37;
	v44 =	vld.idx.msk [tilespmem:v44+s22+$0x0], $0xffff;
	v43 =	vand.u32 v2, v53  }
0x78: {  	v46 =	vor.u32 v25, v33;
	_ =	sdelay $0x1  }
0x79: {  	v47 =	vor.u32 v10, v38;
	v55 =	vor.u32 v12, v36;
	[tilespmem:v49+s1+$0x0] =	vst.idx.msk $0xffff, v34  }
0x7a: {  	v54 =	vand.u32 v11, v47;
	v56 =	vor.u32 v10, v39;
	v40 =	vld.idx.msk [tilespmem:v51+s22+$0x0], $0xffff;
	[tilespmem:v35+s1+$0x0] =	vst.idx.msk $0xffff, v52  }
0x7b: {  	v57 =	vand.u32 v11, v56;
	v58 =	vor.u32 v4, v32;
	[tilespmem:v43+s1+$0x0] =	vst.idx.msk $0xffff, v44;
	v41 =	vld.idx.msk [tilespmem:v45+s22+$0x0], $0xffff  }
0x7c: {  	s16 =	sadd.s32 $0x3, s6;
	v59 =	vor.u32 v28, v37;
	v60 =	vand.u32 v5, v58;
	v44 =	vld.idx.msk [tilespmem:v46+s22+$0x0], $0xffff  }
0x7d: {  	v48 =	vadd.s32 s16, v0;
	v61 =	vor.u32 v26, v33  }
0x7e: {  	v50 =	vor.u32 v15, v36;
	v35 =	vand.u32 $0x3F, v48  }
0x7f: {  	v49 =	vor.u32 v13, v38;
	v63 =	vor.u32 v19, v35;
	[tilespmem:v54+s1+$0x0] =	vst.idx.msk $0xffff, v40  }
0x80: {  	v62 =	vand.u32 v14, v49;
	v54 =	vor.u32 v13, v39;
	v42 =	vld.idx.msk [tilespmem:v55+s22+$0x0], $0xffff;
	[tilespmem:v57+s1+$0x0] =	vst.idx.msk $0xffff, v41  }
0x81: {  	v56 =	vor.u32 v7, v32;
	v55 =	vand.u32 v14, v54;
	[tilespmem:v60+s1+$0x0] =	vst.idx.msk $0xffff, v44;
	v41 =	vld.idx.msk [tilespmem:v59+s22+$0x0], $0xffff  }
0x82: {  	v34 =	vshll.u32 v48, $0x7;
	v57 =	vor.u32 v29, v37;
	v58 =	vld.idx.msk [tilespmem:v61+s22+$0x0], $0xffff;
	v59 =	vand.u32 v8, v56  }
0x83: {  	v48 =	vor.u32 v0, v34;
	v60 =	vor.u32 v27, v33  }
0x84: {  	v51 =	vor.u32 v16, v38;
	v48 =	vand.u32 v2, v48;
	v49 =	vld.idx.msk [tilespmem:v63+s22+$0x0], $0xffff  }
0x85: {  	v63 =	vor.u32 v18, v36;
	[tilespmem:v62+s1+$0x0] =	vst.idx.msk $0xffff, v42;
	v62 =	vor.u32 v25, v35  }
0x86: {  	v54 =	vor.u32 v16, v39;
	v61 =	vand.u32 v17, v51;
	v50 =	vld.idx.msk [tilespmem:v50+s22+$0x0], $0xffff;
	[tilespmem:v55+s1+$0x0] =	vst.idx.msk $0xffff, v41  }
0x87: {  	v41 =	vand.u32 v17, v54;
	[tilespmem:v59+s1+$0x0] =	vst.idx.msk $0xffff, v58;
	v55 =	vor.u32 v10, v32;
	v43 =	vld.idx.msk [tilespmem:v57+s22+$0x0], $0xffff  }
0x88: {  	v56 =	vor.u32 v30, v37;
	v46 =	vld.idx.msk [tilespmem:v60+s22+$0x0], $0xffff;
	v44 =	vand.u32 v11, v55  }
0x89: {  	[tilespmem:v48+s1+$0x0] =	vst.idx.msk $0xffff, v49;
	v58 =	vor.u32 v4, v34;
	v57 =	vor.u32 v28, v33  }
0x8a: {  	v36 =	vor.u32 v22, v36;
	v48 =	vand.u32 v5, v58;
	v42 =	vld.idx.msk [tilespmem:v62+s22+$0x0], $0xffff  }
0x8b: {  	v59 =	vor.u32 v20, v38;
	[tilespmem:v61+s1+$0x0] =	vst.idx.msk $0xffff, v50;
	v61 =	vor.u32 v26, v35  }
0x8c: {  	v60 =	vand.u32 v21, v59;
	v62 =	vor.u32 v20, v39;
	v50 =	vld.idx.msk [tilespmem:v63+s22+$0x0], $0xffff;
	[tilespmem:v41+s1+$0x0] =	vst.idx.msk $0xffff, v43  }
0x8d: {  	v41 =	vand.u32 v21, v62;
	[tilespmem:v44+s1+$0x0] =	vst.idx.msk $0xffff, v46;
	v63 =	vor.u32 v13, v32;
	v43 =	vld.idx.msk [tilespmem:v56+s22+$0x0], $0xffff  }
0x8e: {  	v52 =	vor.u32 v29, v33;
	v37 =	vor.u32 v31, v37;
	v51 =	vld.idx.msk [tilespmem:v57+s22+$0x0], $0xffff;
	v44 =	vand.u32 v14, v63  }
0x8f: {  	v53 =	vor.u32 v7, v34;
	v38 =	vor.u32 v23, v38;
	[tilespmem:v48+s1+$0x0] =	vst.idx.msk $0xffff, v42  }
0x90: {  	s15 =	sadd.s32 $0x5, s6;
	v55 =	vor.u32 v27, v35;
	v39 =	vor.u32 v23, v39;
	v42 =	vand.u32 v8, v53;
	v54 =	vld.idx.msk [tilespmem:v61+s22+$0x0], $0xffff  }
0x91: {  	s17 =	sadd.s32 $0x4, s6;
	v38 =	vand.u32 v24, v38;
	v58 =	vadd.s32 s15, v0;
	v56 =	vand.u32 v24, v39;
	[tilespmem:v60+s1+$0x0] =	vst.idx.msk $0xffff, v50  }
0x92: {  	v62 =	vadd.s32 s17, v0;
	v39 =	vand.u32 $0x3F, v58;
	v53 =	vor.u32 v20, v32;
	v36 =	vld.idx.msk [tilespmem:v36+s22+$0x0], $0xffff;
	[tilespmem:v41+s1+$0x0] =	vst.idx.msk $0xffff, v43  }
0x93: {  	v61 =	vor.u32 v10, v34;
	v60 =	vor.u32 v16, v32;
	[tilespmem:v44+s1+$0x0] =	vst.idx.msk $0xffff, v51;
	v37 =	vld.idx.msk [tilespmem:v37+s22+$0x0], $0xffff  }
0x94: {  	s16 =	sadd.s32 $0x6, s6;
	v53 =	vand.u32 v21, v53;
	v45 =	vand.u32 v17, v60;
	v41 =	vand.u32 $0x3F, v62;
	v44 =	vld.idx.msk [tilespmem:v52+s22+$0x0], $0xffff  }
0x95: {  	v57 =	vand.u32 v11, v61;
	v60 =	vadd.s32 s16, v0;
	v59 =	vor.u32 v19, v41;
	[tilespmem:v42+s1+$0x0] =	vst.idx.msk $0xffff, v54  }
0x96: {  	s17 =	sadd.s32 $0x7, s6;
	v51 =	vor.u32 v30, v33;
	v52 =	vor.u32 v19, v39;
	v40 =	vand.u32 $0x3F, v60;
	v63 =	vld.idx.msk [tilespmem:v55+s22+$0x0], $0xffff  }
0x97: {  	v48 =	vor.u32 v25, v41;
	v54 =	vor.u32 v19, v40;
	v55 =	vadd.s32 s17, v0;
	[tilespmem:v38+s1+$0x0] =	vst.idx.msk $0xffff, v36  }
0x98: {  	v36 =	vshll.u32 v62, $0x7;
	v43 =	vand.u32 $0x3F, v55;
	v38 =	vshll.u32 v60, $0x7;
	[tilespmem:v56+s1+$0x0] =	vst.idx.msk $0xffff, v37  }
0x99: {  	[tilespmem:v45+s1+$0x0] =	vst.idx.msk $0xffff, v44;
	v61 =	vor.u32 v0, v36;
	v37 =	vshll.u32 v58, $0x7;
	v45 =	vor.u32 v19, v43  }
0x9a: {  	v44 =	vor.u32 v28, v35;
	v46 =	vld.idx.msk [tilespmem:v59+s22+$0x0], $0xffff;
	v47 =	vand.u32 v2, v61;
	v62 =	vor.u32 v0, v37  }
0x9b: {  	v49 =	vld.idx.msk [tilespmem:v52+s22+$0x0], $0xffff;
	v60 =	vor.u32 v0, v38;
	[tilespmem:v57+s1+$0x0] =	vst.idx.msk $0xffff, v63;
	v63 =	vand.u32 v2, v62  }
0x9c: {  	v42 =	vshll.u32 v55, $0x7;
	v61 =	vor.u32 v25, v39;
	v56 =	vand.u32 v2, v60;
	v54 =	vld.idx.msk [tilespmem:v54+s22+$0x0], $0xffff  }
0x9d: {  	v58 =	vor.u32 v0, v42;
	v59 =	vor.u32 v4, v36;
	v57 =	vor.u32 v25, v40  }
0x9e: {  	v58 =	vand.u32 v2, v58;
	v60 =	vor.u32 v4, v38;
	v62 =	vor.u32 v13, v34;
	v45 =	vld.idx.msk [tilespmem:v45+s22+$0x0], $0xffff  }
0x9f: {  	v55 =	vand.u32 v14, v62;
	v44 =	vld.idx.msk [tilespmem:v44+s22+$0x0], $0xffff;
	[tilespmem:v47+s1+$0x0] =	vst.idx.msk $0xffff, v46;
	v47 =	vor.u32 v25, v43  }
0xa0: {  	v46 =	vand.u32 v5, v59;
	v48 =	vld.idx.msk [tilespmem:v48+s22+$0x0], $0xffff;
	[tilespmem:v63+s1+$0x0] =	vst.idx.msk $0xffff, v49;
	v63 =	vor.u32 v4, v37  }
0xa1: {  	v59 =	vor.u32 v26, v41;
	[tilespmem:v56+s1+$0x0] =	vst.idx.msk $0xffff, v54;
	v50 =	vld.idx.msk [tilespmem:v61+s22+$0x0], $0xffff;
	v49 =	vand.u32 v5, v63  }
0xa2: {  	v33 =	vor.u32 v31, v33;
	v52 =	vand.u32 v5, v60;
	v56 =	vld.idx.msk [tilespmem:v57+s22+$0x0], $0xffff;
	v61 =	vor.u32 v26, v39  }
0xa3: {  	v62 =	vor.u32 v26, v40;
	v63 =	vor.u32 v4, v42;
	[tilespmem:v58+s1+$0x0] =	vst.idx.msk $0xffff, v45  }
0xa4: {  	v60 =	vor.u32 v7, v37;
	[tilespmem:v55+s1+$0x0] =	vst.idx.msk $0xffff, v44;
	v45 =	vand.u32 v5, v63;
	v47 =	vld.idx.msk [tilespmem:v47+s22+$0x0], $0xffff  }
0xa5: {  	v58 =	vor.u32 v7, v36;
	[tilespmem:v46+s1+$0x0] =	vst.idx.msk $0xffff, v48;
	v46 =	vor.u32 v26, v43  }
0xa6: {  	v55 =	vor.u32 v27, v41;
	v44 =	vand.u32 v8, v58;
	v48 =	vld.idx.msk [tilespmem:v59+s22+$0x0], $0xffff;
	[tilespmem:v49+s1+$0x0] =	vst.idx.msk $0xffff, v50  }
0xa7: {  	[tilespmem:v52+s1+$0x0] =	vst.idx.msk $0xffff, v56;
	v49 =	vand.u32 v8, v60;
	v50 =	vld.idx.msk [tilespmem:v61+s22+$0x0], $0xffff;
	v61 =	vor.u32 v7, v38  }
0xa8: {  	v54 =	vor.u32 v29, v35;
	v56 =	vor.u32 v27, v39;
	v57 =	vld.idx.msk [tilespmem:v62+s22+$0x0], $0xffff;
	v52 =	vand.u32 v8, v61  }
0xa9: {  	v58 =	vor.u32 v27, v40;
	v62 =	vor.u32 v7, v42;
	[tilespmem:v45+s1+$0x0] =	vst.idx.msk $0xffff, v47  }
0xaa: {  	v63 =	vor.u32 v16, v34;
	v59 =	vor.u32 v28, v41;
	v45 =	vand.u32 v8, v62;
	v46 =	vld.idx.msk [tilespmem:v46+s22+$0x0], $0xffff  }
0xab: {  	v60 =	vor.u32 v10, v36;
	[tilespmem:v44+s1+$0x0] =	vst.idx.msk $0xffff, v48;
	v48 =	vor.u32 v27, v43  }
0xac: {  	v61 =	vor.u32 v10, v37;
	v44 =	vand.u32 v11, v60;
	v55 =	vld.idx.msk [tilespmem:v55+s22+$0x0], $0xffff;
	[tilespmem:v49+s1+$0x0] =	vst.idx.msk $0xffff, v50  }
0xad: {  	v62 =	vor.u32 v10, v38;
	v49 =	vand.u32 v11, v61;
	v50 =	vld.idx.msk [tilespmem:v56+s22+$0x0], $0xffff;
	[tilespmem:v52+s1+$0x0] =	vst.idx.msk $0xffff, v57  }
0xae: {  	v47 =	vand.u32 v17, v63;
	v56 =	vor.u32 v28, v39;
	v52 =	vand.u32 v11, v62;
	v57 =	vld.idx.msk [tilespmem:v58+s22+$0x0], $0xffff  }
0xaf: {  	v58 =	vor.u32 v28, v40;
	[tilespmem:v45+s1+$0x0] =	vst.idx.msk $0xffff, v46;
	v45 =	vor.u32 v10, v42  }
0xb0: {  	v63 =	vor.u32 v13, v37;
	v60 =	vor.u32 v13, v36;
	v48 =	vld.idx.msk [tilespmem:v48+s22+$0x0], $0xffff;
	v45 =	vand.u32 v11, v45  }
0xb1: {  	v54 =	vld.idx.msk [tilespmem:v54+s22+$0x0], $0xffff;
	v61 =	vor.u32 v13, v38;
	[tilespmem:v44+s1+$0x0] =	vst.idx.msk $0xffff, v55;
	v55 =	vor.u32 v28, v43  }
0xb2: {  	v46 =	vor.u32 v30, v35;
	v44 =	vand.u32 v14, v60;
	v59 =	vld.idx.msk [tilespmem:v59+s22+$0x0], $0xffff;
	[tilespmem:v49+s1+$0x0] =	vst.idx.msk $0xffff, v50  }
0xb3: {  	v60 =	vor.u32 v29, v41;
	v49 =	vand.u32 v14, v63;
	v50 =	vld.idx.msk [tilespmem:v56+s22+$0x0], $0xffff;
	[tilespmem:v52+s1+$0x0] =	vst.idx.msk $0xffff, v57  }
0xb4: {  	v62 =	vor.u32 v20, v34;
	v57 =	vor.u32 v29, v39;
	v52 =	vand.u32 v14, v61;
	v58 =	vld.idx.msk [tilespmem:v58+s22+$0x0], $0xffff  }
0xb5: {  	v51 =	vld.idx.msk [tilespmem:v51+s22+$0x0], $0xffff;
	v63 =	vor.u32 v13, v42;
	[tilespmem:v45+s1+$0x0] =	vst.idx.msk $0xffff, v48;
	v45 =	vor.u32 v29, v40  }
0xb6: {  	[tilespmem:v47+s1+$0x0] =	vst.idx.msk $0xffff, v54;
	v47 =	vand.u32 v21, v62;
	v48 =	vand.u32 v14, v63;
	v54 =	vld.idx.msk [tilespmem:v55+s22+$0x0], $0xffff  }
0xb7: {  	v46 =	vld.idx.msk [tilespmem:v46+s22+$0x0], $0xffff;
	v61 =	vor.u32 v16, v36;
	v55 =	vor.u32 v29, v43;
	[tilespmem:v44+s1+$0x0] =	vst.idx.msk $0xffff, v59  }
0xb8: {  	v62 =	vor.u32 v16, v37;
	v44 =	vand.u32 v17, v61;
	[tilespmem:v49+s1+$0x0] =	vst.idx.msk $0xffff, v50;
	v49 =	vld.idx.msk [tilespmem:v60+s22+$0x0], $0xffff  }
0xb9: {  	v63 =	vor.u32 v16, v38;
	v50 =	vand.u32 v17, v62;
	[tilespmem:v52+s1+$0x0] =	vst.idx.msk $0xffff, v58;
	v52 =	vld.idx.msk [tilespmem:v57+s22+$0x0], $0xffff  }
0xba: {  	[tilespmem:v53+s1+$0x0] =	vst.idx.msk $0xffff, v51;
	v59 =	vand.u32 v17, v63;
	v60 =	vor.u32 v30, v41;
	v45 =	vld.idx.msk [tilespmem:v45+s22+$0x0], $0xffff  }
0xbb: {  	v61 =	vor.u32 v16, v42;
	v62 =	vor.u32 v30, v39;
	[tilespmem:v48+s1+$0x0] =	vst.idx.msk $0xffff, v54  }
0xbc: {  	v56 =	vor.u32 v30, v40;
	v53 =	vand.u32 v17, v61;
	[tilespmem:v47+s1+$0x0] =	vst.idx.msk $0xffff, v46;
	v63 =	vld.idx.msk [tilespmem:v55+s22+$0x0], $0xffff  }
0xbd: {  	v35 =	vor.u32 v31, v35;
	v57 =	vor.u32 v30, v43;
	[tilespmem:v44+s1+$0x0] =	vst.idx.msk $0xffff, v49  }
0xbe: {  	v61 =	vor.u32 v20, v42;
	v58 =	vor.u32 v20, v36;
	[tilespmem:v50+s1+$0x0] =	vst.idx.msk $0xffff, v52  }
0xbf: {  	v48 =	vld.idx.msk [tilespmem:v60+s22+$0x0], $0xffff;
	[tilespmem:v59+s1+$0x0] =	vst.idx.msk $0xffff, v45;
	v45 =	vand.u32 v21, v58;
	v59 =	vor.u32 v20, v37  }
0xc0: {  	v41 =	vor.u32 v31, v41;
	v60 =	vor.u32 v20, v38;
	v46 =	vld.idx.msk [tilespmem:v62+s22+$0x0], $0xffff;
	v50 =	vand.u32 v21, v59  }
0xc1: {  	v39 =	vor.u32 v31, v39;
	v47 =	vand.u32 v21, v60;
	[tilespmem:v53+s1+$0x0] =	vst.idx.msk $0xffff, v63;
	v44 =	vld.idx.msk [tilespmem:v56+s22+$0x0], $0xffff  }
0xc2: {  	v32 =	vor.u32 v23, v32;
	v40 =	vor.u32 v31, v40;
	v51 =	vand.u32 v21, v61;
	v49 =	vld.idx.msk [tilespmem:v57+s22+$0x0], $0xffff  }
0xc3: {  	v32 =	vand.u32 v24, v32;
	v33 =	vld.idx.msk [tilespmem:v33+s22+$0x0], $0xffff;
	v34 =	vor.u32 v23, v34;
	v43 =	vor.u32 v31, v43  }
0xc4: {  	v34 =	vand.u32 v24, v34;
	v35 =	vld.idx.msk [tilespmem:v35+s22+$0x0], $0xffff;
	v36 =	vor.u32 v23, v36;
	[tilespmem:v45+s1+$0x0] =	vst.idx.msk $0xffff, v48  }
0xc5: {  	v36 =	vand.u32 v24, v36;
	v37 =	vor.u32 v23, v37;
	[tilespmem:v50+s1+$0x0] =	vst.idx.msk $0xffff, v46;
	v41 =	vld.idx.msk [tilespmem:v41+s22+$0x0], $0xffff  }
0xc6: {  	v38 =	vor.u32 v23, v38;
	v37 =	vand.u32 v24, v37;
	[tilespmem:v47+s1+$0x0] =	vst.idx.msk $0xffff, v44;
	v39 =	vld.idx.msk [tilespmem:v39+s22+$0x0], $0xffff  }
0xc7: {  	v42 =	vor.u32 v23, v42;
	v38 =	vand.u32 v24, v38;
	[tilespmem:v51+s1+$0x0] =	vst.idx.msk $0xffff, v49;
	v40 =	vld.idx.msk [tilespmem:v40+s22+$0x0], $0xffff  }
0xc8: {  	p1 =	slt.u32 s6, $0x38;
	[tilespmem:v32+s1+$0x0] =	vst.idx.msk $0xffff, v33;
	v63 =	vand.u32 v24, v42;
	v62 =	vld.idx.msk [tilespmem:v43+s22+$0x0], $0xffff  }
.Ltmp0:
0xc9: {  	[tilespmem:v34+s1+$0x0] =	vst.idx.msk $0xffff, v35;
	(pc) =	sbr.rel @p1 .LBB2_3-.Ltmp0, $4  }
0xca: {  	[tilespmem:v36+s1+$0x0] =	vst.idx.msk $0xffff, v41  }
0xcb: {  	[tilespmem:v37+s1+$0x0] =	vst.idx.msk $0xffff, v39  }
0xcc: {  	[tilespmem:v38+s1+$0x0] =	vst.idx.msk $0xffff, v40  }
0xcd: {  	s6 =	sadd.s32 $0x8, s6;
	[tilespmem:v63+s1+$0x0] =	vst.idx.msk $0xffff, v62  }
0xce: {  	p1 =	seq.s32 s18, $0x9  }
0xcf: {  	s6 =	smul.u32 @!p1 $0xA00, s18;
	_ =	sdelay $0x1  }
0xd0: {  	s16 =	simm.s32 @!p1 $0x80;
	s14 =	sshra.s32 @!p1 s6, $0x2  }
0xd1: {  	s17 =	simm.s32 @!p1 $0x1900;
	s6 =	smul.u32 $0x140000, s18;
	s15 =	sadd.s32 @!p1 $0x280, s14  }
0xd2: {  	[tilespmem:s17], [sflag:$0x1] =	stream.indirect.gather @!p1 [hbm4b:s4+s16], $0x40, s15, s16, $0xb8;
	[tilespmem:$0x15900] =	vst v63  }
0xd3: {  	s16 =	rddreg [dreg:$0x4]  }
0xd4: {  	s15 =	sor.u32 s16, s6  }
0xd5: {  	s15 =	sshrl.u32 s15, $0x3  }
0xd6: {  	s17 =	sadd.s32 s2, s15  }
0xd7: {  	[hbm4b:s17+s3] =	stream.linear.scatter [tilespmem:s1], [sflag:$0x6], $0x400, $0x38;
	[tilespmem:$0x15900] =	vst v63  }
0xd8: {  	s16 =	sadd.s32 s15, s7;
	s17 =	simm.s32 $0xBD00  }
0xd9: {  	[hbm4b:s16+s3] =	stream.linear.scatter [tilespmem:s17], [sflag:$0x6], $0x400, $0x38;
	[tilespmem:$0x15900] =	vst v63  }
0xda: {  	s16 =	sadd.s32 s15, s8;
	s17 =	simm.s32 $0xC100  }
0xdb: {  	[hbm4b:s16+s3] =	stream.linear.scatter [tilespmem:s17], [sflag:$0x6], $0x400, $0x38;
	[tilespmem:$0x15900] =	vst v63  }
0xdc: {  	s16 =	sadd.s32 s15, s9;
	s17 =	simm.s32 $0xC500  }
0xdd: {  	[hbm4b:s16+s3] =	stream.linear.scatter [tilespmem:s17], [sflag:$0x6], $0x400, $0x38;
	[tilespmem:$0x15900] =	vst v63  }
0xde: {  	s16 =	sadd.s32 s15, s10;
	s17 =	simm.s32 $0xC900  }
0xdf: {  	[hbm4b:s16+s3] =	stream.linear.scatter [tilespmem:s17], [sflag:$0x6], $0x400, $0x38;
	[tilespmem:$0x15900] =	vst v63  }
0xe0: {  	s16 =	sadd.s32 s15, s11;
	s17 =	simm.s32 $0xCD00  }
0xe1: {  	[hbm4b:s16+s3] =	stream.linear.scatter [tilespmem:s17], [sflag:$0x6], $0x400, $0x38;
	[tilespmem:$0x15900] =	vst v63  }
0xe2: {  	s16 =	sadd.s32 s15, s12;
	s17 =	simm.s32 $0xD100  }
0xe3: {  	[hbm4b:s16+s3] =	stream.linear.scatter [tilespmem:s17], [sflag:$0x6], $0x400, $0x38;
	[tilespmem:$0x15900] =	vst v63  }
0xe4: {  	s15 =	sadd.s32 s15, s13;
	s17 =	simm.s32 $0xD500  }
0xe5: {  	[hbm4b:s15+s3] =	stream.linear.scatter [tilespmem:s17], [sflag:$0x6], $0x400, $0x38;
	[tilespmem:$0x15900] =	vst v63  }
0xe6: {  	_ =	swait.ge [sflag:s21], $0x2000  }
0xe7: {  	[sflag:s21] =	ssyncset.done $0x0  }
0xe8: {  	s15 =	simm.s32 @!p0 $0x7;
	[sflag:s21] =	ssyncadd.s32 $0xFFFFE000  }
0xe9: {  	_ =	swait.ge @!p0 [sflag:s15], $0x400  }
0xea: {  	[sflag:s15] =	ssyncset.done @!p0 $0x0  }
0xeb: {  	[sflag:s15] =	ssyncadd.s32 @!p0 $0xFFFFFC00  }
0xec: {  	_ =	swait.ge @!p0 [sflag:s15], $0x400  }
0xed: {  	[sflag:s15] =	ssyncset.done @!p0 $0x0  }
0xee: {  	[sflag:s15] =	ssyncadd.s32 @!p0 $0xFFFFFC00  }
0xef: {  	_ =	swait.ge @!p0 [sflag:s15], $0x400  }
0xf0: {  	[sflag:s15] =	ssyncset.done @!p0 $0x0  }
0xf1: {  	[sflag:s15] =	ssyncadd.s32 @!p0 $0xFFFFFC00  }
0xf2: {  	_ =	swait.ge @!p0 [sflag:s15], $0x400  }
0xf3: {  	[sflag:s15] =	ssyncset.done @!p0 $0x0  }
0xf4: {  	[sflag:s15] =	ssyncadd.s32 @!p0 $0xFFFFFC00  }
0xf5: {  	_ =	swait.ge @!p0 [sflag:s15], $0x400  }
0xf6: {  	[sflag:s15] =	ssyncset.done @!p0 $0x0  }
0xf7: {  	[sflag:s15] =	ssyncadd.s32 @!p0 $0xFFFFFC00  }
0xf8: {  	_ =	swait.ge @!p0 [sflag:s15], $0x400  }
0xf9: {  	[sflag:s15] =	ssyncset.done @!p0 $0x0  }
0xfa: {  	[sflag:s15] =	ssyncadd.s32 @!p0 $0xFFFFFC00  }
0xfb: {  	_ =	swait.ge @!p0 [sflag:s15], $0x400  }
0xfc: {  	[sflag:s15] =	ssyncset.done @!p0 $0x0  }
0xfd: {  	[sflag:s15] =	ssyncadd.s32 @!p0 $0xFFFFFC00  }
0xfe: {  	_ =	swait.ge @!p0 [sflag:s15], $0x400  }
0xff: {  	[sflag:s15] =	ssyncset.done @!p0 $0x0  }
0x100: {  	[sflag:s15] =	ssyncadd.s32 @!p0 $0xFFFFFC00;
	s15 =	simm.s32 $0x0  }
.LBB2_5:
0x101: {  	v32 =	vadd.s32 s15, v0;
	s16 =	sadd.s32 $0x1, s15  }
0x102: {  	v36 =	vand.u32 $0x38, v32;
	v34 =	vadd.s32 s16, v0  }
0x103: {  	v33 =	vor.u32 v1, v36;
	v37 =	vand.u32 $0x3F, v34  }
0x104: {  	v35 =	vor.u32 v19, v37;
	_ =	sdelay $0x1  }
0x105: {  	v38 =	vshll.u32 v32, $0x7  }
0x106: {  	v32 =	vor.u32 v0, v38;
	v39 =	vshll.u32 v34, $0x7  }
0x107: {  	v32 =	vand.u32 v2, v32;
	v40 =	vor.u32 v0, v39;
	v33 =	vld.idx.msk [tilespmem:v33+s23+$0x0], $0xffff  }
0x108: {  	v59 =	vor.u32 v3, v36;
	v40 =	vand.u32 v2, v40;
	v35 =	vld.idx.msk [tilespmem:v35+s23+$0x0], $0xffff  }
0x109: {  	v41 =	vor.u32 v25, v37;
	_ =	sdelay $0x2  }
0x10a: {  	v60 =	vor.u32 v4, v38;
	[tilespmem:v32+s19+$0x0] =	vst.idx.msk $0xffff, v33  }
0x10b: {  	s17 =	sadd.s32 $0x2, s15;
	v61 =	vor.u32 v4, v39;
	v32 =	vand.u32 v5, v60;
	v34 =	vld.idx.msk [tilespmem:v59+s23+$0x0], $0xffff;
	[tilespmem:v40+s19+$0x0] =	vst.idx.msk $0xffff, v35  }
0x10c: {  	v63 =	vadd.s32 s17, v0;
	v42 =	vor.u32 v6, v36;
	v62 =	vand.u32 v5, v61;
	v35 =	vld.idx.msk [tilespmem:v41+s23+$0x0], $0xffff  }
0x10d: {  	v43 =	vor.u32 v26, v37;
	v33 =	vand.u32 $0x3F, v63  }
0x10e: {  	v44 =	vor.u32 v19, v33  }
0x10f: {  	v48 =	vor.u32 v7, v38  }
0x110: {  	v49 =	vand.u32 v8, v48;
	[tilespmem:v32+s19+$0x0] =	vst.idx.msk $0xffff, v34  }
0x111: {  	v50 =	vor.u32 v7, v39;
	v32 =	vshll.u32 v63, $0x7;
	v34 =	vld.idx.msk [tilespmem:v42+s23+$0x0], $0xffff;
	[tilespmem:v62+s19+$0x0] =	vst.idx.msk $0xffff, v35  }
0x112: {  	v51 =	vor.u32 v9, v36;
	v35 =	vand.u32 v8, v50;
	v53 =	vor.u32 v0, v32;
	v52 =	vld.idx.msk [tilespmem:v43+s23+$0x0], $0xffff  }
0x113: {  	v45 =	vor.u32 v27, v37;
	v44 =	vld.idx.msk [tilespmem:v44+s23+$0x0], $0xffff;
	v43 =	vand.u32 v2, v53  }
0x114: {  	v46 =	vor.u32 v25, v33;
	_ =	sdelay $0x1  }
0x115: {  	v47 =	vor.u32 v10, v38;
	v55 =	vor.u32 v12, v36;
	[tilespmem:v49+s19+$0x0] =	vst.idx.msk $0xffff, v34  }
0x116: {  	v54 =	vand.u32 v11, v47;
	v56 =	vor.u32 v10, v39;
	v40 =	vld.idx.msk [tilespmem:v51+s23+$0x0], $0xffff;
	[tilespmem:v35+s19+$0x0] =	vst.idx.msk $0xffff, v52  }
0x117: {  	v57 =	vand.u32 v11, v56;
	v58 =	vor.u32 v4, v32;
	[tilespmem:v43+s19+$0x0] =	vst.idx.msk $0xffff, v44;
	v41 =	vld.idx.msk [tilespmem:v45+s23+$0x0], $0xffff  }
0x118: {  	s17 =	sadd.s32 $0x3, s15;
	v59 =	vor.u32 v28, v37;
	v60 =	vand.u32 v5, v58;
	v44 =	vld.idx.msk [tilespmem:v46+s23+$0x0], $0xffff  }
0x119: {  	v48 =	vadd.s32 s17, v0;
	v61 =	vor.u32 v26, v33  }
0x11a: {  	v50 =	vor.u32 v15, v36;
	v35 =	vand.u32 $0x3F, v48  }
0x11b: {  	v49 =	vor.u32 v13, v38;
	v63 =	vor.u32 v19, v35;
	[tilespmem:v54+s19+$0x0] =	vst.idx.msk $0xffff, v40  }
0x11c: {  	v62 =	vand.u32 v14, v49;
	v54 =	vor.u32 v13, v39;
	v42 =	vld.idx.msk [tilespmem:v55+s23+$0x0], $0xffff;
	[tilespmem:v57+s19+$0x0] =	vst.idx.msk $0xffff, v41  }
0x11d: {  	v56 =	vor.u32 v7, v32;
	v55 =	vand.u32 v14, v54;
	[tilespmem:v60+s19+$0x0] =	vst.idx.msk $0xffff, v44;
	v41 =	vld.idx.msk [tilespmem:v59+s23+$0x0], $0xffff  }
0x11e: {  	v34 =	vshll.u32 v48, $0x7;
	v57 =	vor.u32 v29, v37;
	v58 =	vld.idx.msk [tilespmem:v61+s23+$0x0], $0xffff;
	v59 =	vand.u32 v8, v56  }
0x11f: {  	v48 =	vor.u32 v0, v34;
	v60 =	vor.u32 v27, v33  }
0x120: {  	v51 =	vor.u32 v16, v38;
	v48 =	vand.u32 v2, v48;
	v49 =	vld.idx.msk [tilespmem:v63+s23+$0x0], $0xffff  }
0x121: {  	v63 =	vor.u32 v18, v36;
	[tilespmem:v62+s19+$0x0] =	vst.idx.msk $0xffff, v42;
	v62 =	vor.u32 v25, v35  }
0x122: {  	v54 =	vor.u32 v16, v39;
	v61 =	vand.u32 v17, v51;
	v50 =	vld.idx.msk [tilespmem:v50+s23+$0x0], $0xffff;
	[tilespmem:v55+s19+$0x0] =	vst.idx.msk $0xffff, v41  }
0x123: {  	v41 =	vand.u32 v17, v54;
	[tilespmem:v59+s19+$0x0] =	vst.idx.msk $0xffff, v58;
	v55 =	vor.u32 v10, v32;
	v43 =	vld.idx.msk [tilespmem:v57+s23+$0x0], $0xffff  }
0x124: {  	v56 =	vor.u32 v30, v37;
	v46 =	vld.idx.msk [tilespmem:v60+s23+$0x0], $0xffff;
	v44 =	vand.u32 v11, v55  }
0x125: {  	[tilespmem:v48+s19+$0x0] =	vst.idx.msk $0xffff, v49;
	v58 =	vor.u32 v4, v34;
	v57 =	vor.u32 v28, v33  }
0x126: {  	v52 =	vor.u32 v29, v33;
	v36 =	vor.u32 v22, v36;
	v48 =	vand.u32 v5, v58;
	v42 =	vld.idx.msk [tilespmem:v62+s23+$0x0], $0xffff  }
0x127: {  	v59 =	vor.u32 v20, v38;
	[tilespmem:v61+s19+$0x0] =	vst.idx.msk $0xffff, v50;
	v61 =	vor.u32 v26, v35  }
0x128: {  	v60 =	vand.u32 v21, v59;
	v62 =	vor.u32 v20, v39;
	v50 =	vld.idx.msk [tilespmem:v63+s23+$0x0], $0xffff;
	[tilespmem:v41+s19+$0x0] =	vst.idx.msk $0xffff, v43  }
0x129: {  	v41 =	vand.u32 v21, v62;
	[tilespmem:v44+s19+$0x0] =	vst.idx.msk $0xffff, v46;
	v63 =	vor.u32 v13, v32;
	v43 =	vld.idx.msk [tilespmem:v56+s23+$0x0], $0xffff  }
0x12a: {  	v53 =	vor.u32 v7, v34;
	v37 =	vor.u32 v31, v37;
	v51 =	vld.idx.msk [tilespmem:v57+s23+$0x0], $0xffff;
	v44 =	vand.u32 v14, v63  }
0x12b: {  	s17 =	sadd.s32 $0x4, s15;
	v38 =	vor.u32 v23, v38;
	v55 =	vor.u32 v27, v35;
	[tilespmem:v48+s19+$0x0] =	vst.idx.msk $0xffff, v42  }
0x12c: {  	v39 =	vor.u32 v23, v39;
	v62 =	vadd.s32 s17, v0;
	s17 =	sadd.s32 $0x5, s15;
	v42 =	vand.u32 v8, v53;
	v54 =	vld.idx.msk [tilespmem:v61+s23+$0x0], $0xffff  }
0x12d: {  	v38 =	vand.u32 v24, v38;
	v56 =	vand.u32 v24, v39;
	v58 =	vadd.s32 s17, v0;
	[tilespmem:v60+s19+$0x0] =	vst.idx.msk $0xffff, v50  }
0x12e: {  	v39 =	vand.u32 $0x3F, v58;
	v53 =	vor.u32 v20, v32;
	v36 =	vld.idx.msk [tilespmem:v36+s23+$0x0], $0xffff;
	[tilespmem:v41+s19+$0x0] =	vst.idx.msk $0xffff, v43  }
0x12f: {  	v61 =	vor.u32 v10, v34;
	v60 =	vor.u32 v16, v32;
	[tilespmem:v44+s19+$0x0] =	vst.idx.msk $0xffff, v51;
	v37 =	vld.idx.msk [tilespmem:v37+s23+$0x0], $0xffff  }
0x130: {  	s17 =	sadd.s32 $0x6, s15;
	v53 =	vand.u32 v21, v53;
	v45 =	vand.u32 v17, v60;
	v41 =	vand.u32 $0x3F, v62;
	v44 =	vld.idx.msk [tilespmem:v52+s23+$0x0], $0xffff  }
0x131: {  	v57 =	vand.u32 v11, v61;
	v60 =	vadd.s32 s17, v0;
	v59 =	vor.u32 v19, v41;
	[tilespmem:v42+s19+$0x0] =	vst.idx.msk $0xffff, v54  }
0x132: {  	v51 =	vor.u32 v30, v33;
	s17 =	sadd.s32 $0x7, s15;
	v52 =	vor.u32 v19, v39;
	v40 =	vand.u32 $0x3F, v60;
	v63 =	vld.idx.msk [tilespmem:v55+s23+$0x0], $0xffff  }
0x133: {  	v48 =	vor.u32 v25, v41;
	v54 =	vor.u32 v19, v40;
	v55 =	vadd.s32 s17, v0;
	[tilespmem:v38+s19+$0x0] =	vst.idx.msk $0xffff, v36  }
0x134: {  	v36 =	vshll.u32 v62, $0x7;
	v43 =	vand.u32 $0x3F, v55;
	v38 =	vshll.u32 v60, $0x7;
	[tilespmem:v56+s19+$0x0] =	vst.idx.msk $0xffff, v37  }
0x135: {  	[tilespmem:v45+s19+$0x0] =	vst.idx.msk $0xffff, v44;
	v61 =	vor.u32 v0, v36;
	v37 =	vshll.u32 v58, $0x7;
	v45 =	vor.u32 v19, v43  }
0x136: {  	v44 =	vor.u32 v28, v35;
	v46 =	vld.idx.msk [tilespmem:v59+s23+$0x0], $0xffff;
	v47 =	vand.u32 v2, v61;
	v62 =	vor.u32 v0, v37  }
0x137: {  	v49 =	vld.idx.msk [tilespmem:v52+s23+$0x0], $0xffff;
	v60 =	vor.u32 v0, v38;
	[tilespmem:v57+s19+$0x0] =	vst.idx.msk $0xffff, v63;
	v63 =	vand.u32 v2, v62  }
0x138: {  	v42 =	vshll.u32 v55, $0x7;
	v61 =	vor.u32 v25, v39;
	v56 =	vand.u32 v2, v60;
	v54 =	vld.idx.msk [tilespmem:v54+s23+$0x0], $0xffff  }
0x139: {  	v58 =	vor.u32 v0, v42;
	v59 =	vor.u32 v4, v36;
	v57 =	vor.u32 v25, v40  }
0x13a: {  	v58 =	vand.u32 v2, v58;
	v60 =	vor.u32 v4, v38;
	v62 =	vor.u32 v13, v34;
	v45 =	vld.idx.msk [tilespmem:v45+s23+$0x0], $0xffff  }
0x13b: {  	v55 =	vand.u32 v14, v62;
	v44 =	vld.idx.msk [tilespmem:v44+s23+$0x0], $0xffff;
	[tilespmem:v47+s19+$0x0] =	vst.idx.msk $0xffff, v46;
	v47 =	vor.u32 v25, v43  }
0x13c: {  	v46 =	vand.u32 v5, v59;
	v48 =	vld.idx.msk [tilespmem:v48+s23+$0x0], $0xffff;
	[tilespmem:v63+s19+$0x0] =	vst.idx.msk $0xffff, v49;
	v63 =	vor.u32 v4, v37  }
0x13d: {  	v59 =	vor.u32 v26, v41;
	[tilespmem:v56+s19+$0x0] =	vst.idx.msk $0xffff, v54;
	v50 =	vld.idx.msk [tilespmem:v61+s23+$0x0], $0xffff;
	v49 =	vand.u32 v5, v63  }
0x13e: {  	v33 =	vor.u32 v31, v33;
	v52 =	vand.u32 v5, v60;
	v56 =	vld.idx.msk [tilespmem:v57+s23+$0x0], $0xffff;
	v61 =	vor.u32 v26, v39  }
0x13f: {  	v62 =	vor.u32 v26, v40;
	v63 =	vor.u32 v4, v42;
	[tilespmem:v58+s19+$0x0] =	vst.idx.msk $0xffff, v45  }
0x140: {  	v60 =	vor.u32 v7, v37;
	[tilespmem:v55+s19+$0x0] =	vst.idx.msk $0xffff, v44;
	v45 =	vand.u32 v5, v63;
	v47 =	vld.idx.msk [tilespmem:v47+s23+$0x0], $0xffff  }
0x141: {  	v58 =	vor.u32 v7, v36;
	[tilespmem:v46+s19+$0x0] =	vst.idx.msk $0xffff, v48;
	v46 =	vor.u32 v26, v43  }
0x142: {  	v55 =	vor.u32 v27, v41;
	v44 =	vand.u32 v8, v58;
	v48 =	vld.idx.msk [tilespmem:v59+s23+$0x0], $0xffff;
	[tilespmem:v49+s19+$0x0] =	vst.idx.msk $0xffff, v50  }
0x143: {  	[tilespmem:v52+s19+$0x0] =	vst.idx.msk $0xffff, v56;
	v49 =	vand.u32 v8, v60;
	v50 =	vld.idx.msk [tilespmem:v61+s23+$0x0], $0xffff;
	v61 =	vor.u32 v7, v38  }
0x144: {  	v54 =	vor.u32 v29, v35;
	v56 =	vor.u32 v27, v39;
	v57 =	vld.idx.msk [tilespmem:v62+s23+$0x0], $0xffff;
	v52 =	vand.u32 v8, v61  }
0x145: {  	v58 =	vor.u32 v27, v40;
	v62 =	vor.u32 v7, v42;
	[tilespmem:v45+s19+$0x0] =	vst.idx.msk $0xffff, v47  }
0x146: {  	v63 =	vor.u32 v16, v34;
	v59 =	vor.u32 v28, v41;
	v45 =	vand.u32 v8, v62;
	v46 =	vld.idx.msk [tilespmem:v46+s23+$0x0], $0xffff  }
0x147: {  	v60 =	vor.u32 v10, v36;
	[tilespmem:v44+s19+$0x0] =	vst.idx.msk $0xffff, v48;
	v48 =	vor.u32 v27, v43  }
0x148: {  	v61 =	vor.u32 v10, v37;
	v44 =	vand.u32 v11, v60;
	v55 =	vld.idx.msk [tilespmem:v55+s23+$0x0], $0xffff;
	[tilespmem:v49+s19+$0x0] =	vst.idx.msk $0xffff, v50  }
0x149: {  	v62 =	vor.u32 v10, v38;
	v49 =	vand.u32 v11, v61;
	v50 =	vld.idx.msk [tilespmem:v56+s23+$0x0], $0xffff;
	[tilespmem:v52+s19+$0x0] =	vst.idx.msk $0xffff, v57  }
0x14a: {  	v47 =	vand.u32 v17, v63;
	v56 =	vor.u32 v28, v39;
	v52 =	vand.u32 v11, v62;
	v57 =	vld.idx.msk [tilespmem:v58+s23+$0x0], $0xffff  }
0x14b: {  	v58 =	vor.u32 v28, v40;
	[tilespmem:v45+s19+$0x0] =	vst.idx.msk $0xffff, v46;
	v45 =	vor.u32 v10, v42  }
0x14c: {  	v63 =	vor.u32 v13, v37;
	v60 =	vor.u32 v13, v36;
	v48 =	vld.idx.msk [tilespmem:v48+s23+$0x0], $0xffff;
	v45 =	vand.u32 v11, v45  }
0x14d: {  	v54 =	vld.idx.msk [tilespmem:v54+s23+$0x0], $0xffff;
	v61 =	vor.u32 v13, v38;
	[tilespmem:v44+s19+$0x0] =	vst.idx.msk $0xffff, v55;
	v55 =	vor.u32 v28, v43  }
0x14e: {  	v46 =	vor.u32 v30, v35;
	v44 =	vand.u32 v14, v60;
	v59 =	vld.idx.msk [tilespmem:v59+s23+$0x0], $0xffff;
	[tilespmem:v49+s19+$0x0] =	vst.idx.msk $0xffff, v50  }
0x14f: {  	v60 =	vor.u32 v29, v41;
	v49 =	vand.u32 v14, v63;
	v50 =	vld.idx.msk [tilespmem:v56+s23+$0x0], $0xffff;
	[tilespmem:v52+s19+$0x0] =	vst.idx.msk $0xffff, v57  }
0x150: {  	v62 =	vor.u32 v20, v34;
	v57 =	vor.u32 v29, v39;
	v52 =	vand.u32 v14, v61;
	v58 =	vld.idx.msk [tilespmem:v58+s23+$0x0], $0xffff  }
0x151: {  	v51 =	vld.idx.msk [tilespmem:v51+s23+$0x0], $0xffff;
	v63 =	vor.u32 v13, v42;
	[tilespmem:v45+s19+$0x0] =	vst.idx.msk $0xffff, v48;
	v45 =	vor.u32 v29, v40  }
0x152: {  	[tilespmem:v47+s19+$0x0] =	vst.idx.msk $0xffff, v54;
	v47 =	vand.u32 v21, v62;
	v48 =	vand.u32 v14, v63;
	v54 =	vld.idx.msk [tilespmem:v55+s23+$0x0], $0xffff  }
0x153: {  	v46 =	vld.idx.msk [tilespmem:v46+s23+$0x0], $0xffff;
	v61 =	vor.u32 v16, v36;
	v55 =	vor.u32 v29, v43;
	[tilespmem:v44+s19+$0x0] =	vst.idx.msk $0xffff, v59  }
0x154: {  	v62 =	vor.u32 v16, v37;
	v44 =	vand.u32 v17, v61;
	[tilespmem:v49+s19+$0x0] =	vst.idx.msk $0xffff, v50;
	v49 =	vld.idx.msk [tilespmem:v60+s23+$0x0], $0xffff  }
0x155: {  	v63 =	vor.u32 v16, v38;
	v50 =	vand.u32 v17, v62;
	[tilespmem:v52+s19+$0x0] =	vst.idx.msk $0xffff, v58;
	v52 =	vld.idx.msk [tilespmem:v57+s23+$0x0], $0xffff  }
0x156: {  	[tilespmem:v53+s19+$0x0] =	vst.idx.msk $0xffff, v51;
	v59 =	vand.u32 v17, v63;
	v60 =	vor.u32 v30, v41;
	v45 =	vld.idx.msk [tilespmem:v45+s23+$0x0], $0xffff  }
0x157: {  	v61 =	vor.u32 v16, v42;
	v62 =	vor.u32 v30, v39;
	[tilespmem:v48+s19+$0x0] =	vst.idx.msk $0xffff, v54  }
0x158: {  	v56 =	vor.u32 v30, v40;
	v53 =	vand.u32 v17, v61;
	[tilespmem:v47+s19+$0x0] =	vst.idx.msk $0xffff, v46;
	v63 =	vld.idx.msk [tilespmem:v55+s23+$0x0], $0xffff  }
0x159: {  	v35 =	vor.u32 v31, v35;
	v57 =	vor.u32 v30, v43;
	[tilespmem:v44+s19+$0x0] =	vst.idx.msk $0xffff, v49  }
0x15a: {  	v61 =	vor.u32 v20, v42;
	v58 =	vor.u32 v20, v36;
	[tilespmem:v50+s19+$0x0] =	vst.idx.msk $0xffff, v52  }
0x15b: {  	v48 =	vld.idx.msk [tilespmem:v60+s23+$0x0], $0xffff;
	[tilespmem:v59+s19+$0x0] =	vst.idx.msk $0xffff, v45;
	v45 =	vand.u32 v21, v58;
	v59 =	vor.u32 v20, v37  }
0x15c: {  	v41 =	vor.u32 v31, v41;
	v60 =	vor.u32 v20, v38;
	v46 =	vld.idx.msk [tilespmem:v62+s23+$0x0], $0xffff;
	v50 =	vand.u32 v21, v59  }
0x15d: {  	v39 =	vor.u32 v31, v39;
	v47 =	vand.u32 v21, v60;
	[tilespmem:v53+s19+$0x0] =	vst.idx.msk $0xffff, v63;
	v44 =	vld.idx.msk [tilespmem:v56+s23+$0x0], $0xffff  }
0x15e: {  	v32 =	vor.u32 v23, v32;
	v40 =	vor.u32 v31, v40;
	v51 =	vand.u32 v21, v61;
	v49 =	vld.idx.msk [tilespmem:v57+s23+$0x0], $0xffff  }
0x15f: {  	v32 =	vand.u32 v24, v32;
	v33 =	vld.idx.msk [tilespmem:v33+s23+$0x0], $0xffff;
	v34 =	vor.u32 v23, v34;
	v43 =	vor.u32 v31, v43  }
0x160: {  	v34 =	vand.u32 v24, v34;
	v35 =	vld.idx.msk [tilespmem:v35+s23+$0x0], $0xffff;
	v36 =	vor.u32 v23, v36;
	[tilespmem:v45+s19+$0x0] =	vst.idx.msk $0xffff, v48  }
0x161: {  	v36 =	vand.u32 v24, v36;
	v37 =	vor.u32 v23, v37;
	[tilespmem:v50+s19+$0x0] =	vst.idx.msk $0xffff, v46;
	v41 =	vld.idx.msk [tilespmem:v41+s23+$0x0], $0xffff  }
0x162: {  	v38 =	vor.u32 v23, v38;
	v37 =	vand.u32 v24, v37;
	[tilespmem:v47+s19+$0x0] =	vst.idx.msk $0xffff, v44;
	v39 =	vld.idx.msk [tilespmem:v39+s23+$0x0], $0xffff  }
0x163: {  	v42 =	vor.u32 v23, v42;
	v38 =	vand.u32 v24, v38;
	[tilespmem:v51+s19+$0x0] =	vst.idx.msk $0xffff, v49;
	v40 =	vld.idx.msk [tilespmem:v40+s23+$0x0], $0xffff  }
0x164: {  	p2 =	slt.u32 s15, $0x38;
	[tilespmem:v32+s19+$0x0] =	vst.idx.msk $0xffff, v33;
	v63 =	vand.u32 v24, v42;
	v62 =	vld.idx.msk [tilespmem:v43+s23+$0x0], $0xffff  }
.Ltmp1:
0x165: {  	[tilespmem:v34+s19+$0x0] =	vst.idx.msk $0xffff, v35;
	(pc) =	sbr.rel @p2 .LBB2_5-.Ltmp1, $4  }
0x166: {  	[tilespmem:v36+s19+$0x0] =	vst.idx.msk $0xffff, v41  }
0x167: {  	[tilespmem:v37+s19+$0x0] =	vst.idx.msk $0xffff, v39  }
0x168: {  	[tilespmem:v38+s19+$0x0] =	vst.idx.msk $0xffff, v40  }
0x169: {  	s15 =	sadd.s32 $0x8, s15;
	[tilespmem:v63+s19+$0x0] =	vst.idx.msk $0xffff, v62  }
0x16a: {  	s15 =	sadd.s32 @!p1 $0x300, s14;
	s16 =	simm.s32 @!p1 $0x80;
	s17 =	simm.s32 @!p1 $0x3900  }
0x16b: {  	[tilespmem:s17], [sflag:$0x2] =	stream.indirect.gather @!p1 [hbm4b:s4+s16], $0x40, s15, s16, $0xb8;
	[tilespmem:$0x15900] =	vst v63  }
0x16c: {  	s16 =	rddreg [dreg:$0x5]  }
0x16d: {  	s15 =	sadd.s32 s16, s6  }
0x16e: {  	s15 =	sshrl.u32 s15, $0x3  }
0x16f: {  	s17 =	sadd.s32 s2, s15  }
0x170: {  	[hbm4b:s17+s3] =	stream.linear.scatter [tilespmem:s19], [sflag:$0x7], $0x400, $0x38;
	[tilespmem:$0x15900] =	vst v63  }
0x171: {  	s16 =	sadd.s32 s15, s7;
	s17 =	simm.s32 $0xDD00  }
0x172: {  	[hbm4b:s16+s3] =	stream.linear.scatter [tilespmem:s17], [sflag:$0x7], $0x400, $0x38;
	[tilespmem:$0x15900] =	vst v63  }
0x173: {  	s16 =	sadd.s32 s15, s8;
	s17 =	simm.s32 $0xE100  }
0x174: {  	[hbm4b:s16+s3] =	stream.linear.scatter [tilespmem:s17], [sflag:$0x7], $0x400, $0x38;
	[tilespmem:$0x15900] =	vst v63  }
0x175: {  	s16 =	sadd.s32 s15, s9;
	s17 =	simm.s32 $0xE500  }
0x176: {  	[hbm4b:s16+s3] =	stream.linear.scatter [tilespmem:s17], [sflag:$0x7], $0x400, $0x38;
	[tilespmem:$0x15900] =	vst v63  }
0x177: {  	s16 =	sadd.s32 s15, s10;
	s17 =	simm.s32 $0xE900  }
0x178: {  	[hbm4b:s16+s3] =	stream.linear.scatter [tilespmem:s17], [sflag:$0x7], $0x400, $0x38;
	[tilespmem:$0x15900] =	vst v63  }
0x179: {  	s16 =	sadd.s32 s15, s11;
	s17 =	simm.s32 $0xED00  }
0x17a: {  	[hbm4b:s16+s3] =	stream.linear.scatter [tilespmem:s17], [sflag:$0x7], $0x400, $0x38;
	[tilespmem:$0x15900] =	vst v63  }
0x17b: {  	s16 =	sadd.s32 s15, s12;
	s17 =	simm.s32 $0xF100  }
0x17c: {  	[hbm4b:s16+s3] =	stream.linear.scatter [tilespmem:s17], [sflag:$0x7], $0x400, $0x38;
	[tilespmem:$0x15900] =	vst v63  }
0x17d: {  	s15 =	sadd.s32 s15, s13;
	s17 =	simm.s32 $0xF500  }
0x17e: {  	[hbm4b:s15+s3] =	stream.linear.scatter [tilespmem:s17], [sflag:$0x7], $0x400, $0x38;
	[tilespmem:$0x15900] =	vst v63  }
0x17f: {  	_ =	swait.ge [sflag:s0], $0x2000  }
0x180: {  	[sflag:s0] =	ssyncset.done $0x0  }
0x181: {  	s15 =	simm.s32 @!p0 $0x8;
	[sflag:s0] =	ssyncadd.s32 $0xFFFFE000  }
0x182: {  	_ =	swait.ge @!p0 [sflag:s15], $0x400  }
0x183: {  	[sflag:s15] =	ssyncset.done @!p0 $0x0  }
0x184: {  	[sflag:s15] =	ssyncadd.s32 @!p0 $0xFFFFFC00  }
0x185: {  	_ =	swait.ge @!p0 [sflag:s15], $0x400  }
0x186: {  	[sflag:s15] =	ssyncset.done @!p0 $0x0  }
0x187: {  	[sflag:s15] =	ssyncadd.s32 @!p0 $0xFFFFFC00  }
0x188: {  	_ =	swait.ge @!p0 [sflag:s15], $0x400  }
0x189: {  	[sflag:s15] =	ssyncset.done @!p0 $0x0  }
0x18a: {  	[sflag:s15] =	ssyncadd.s32 @!p0 $0xFFFFFC00  }
0x18b: {  	_ =	swait.ge @!p0 [sflag:s15], $0x400  }
0x18c: {  	[sflag:s15] =	ssyncset.done @!p0 $0x0  }
0x18d: {  	[sflag:s15] =	ssyncadd.s32 @!p0 $0xFFFFFC00  }
0x18e: {  	_ =	swait.ge @!p0 [sflag:s15], $0x400  }
0x18f: {  	[sflag:s15] =	ssyncset.done @!p0 $0x0  }
0x190: {  	[sflag:s15] =	ssyncadd.s32 @!p0 $0xFFFFFC00  }
0x191: {  	_ =	swait.ge @!p0 [sflag:s15], $0x400  }
0x192: {  	[sflag:s15] =	ssyncset.done @!p0 $0x0  }
0x193: {  	[sflag:s15] =	ssyncadd.s32 @!p0 $0xFFFFFC00  }
0x194: {  	_ =	swait.ge @!p0 [sflag:s15], $0x400  }
0x195: {  	[sflag:s15] =	ssyncset.done @!p0 $0x0  }
0x196: {  	[sflag:s15] =	ssyncadd.s32 @!p0 $0xFFFFFC00  }
0x197: {  	_ =	swait.ge @!p0 [sflag:s15], $0x400  }
0x198: {  	[sflag:s15] =	ssyncset.done @!p0 $0x0  }
0x199: {  	[sflag:s15] =	ssyncadd.s32 @!p0 $0xFFFFFC00;
	s15 =	simm.s32 $0x0  }
.LBB2_7:
0x19a: {  	v32 =	vadd.s32 s15, v0;
	s16 =	sadd.s32 $0x1, s15  }
0x19b: {  	v36 =	vand.u32 $0x38, v32;
	v34 =	vadd.s32 s16, v0  }
0x19c: {  	v33 =	vor.u32 v1, v36;
	v37 =	vand.u32 $0x3F, v34  }
0x19d: {  	v35 =	vor.u32 v19, v37;
	_ =	sdelay $0x1  }
0x19e: {  	v38 =	vshll.u32 v32, $0x7  }
0x19f: {  	v32 =	vor.u32 v0, v38;
	v39 =	vshll.u32 v34, $0x7  }
0x1a0: {  	v32 =	vand.u32 v2, v32;
	v40 =	vor.u32 v0, v39;
	v33 =	vld.idx.msk [tilespmem:v33+s25+$0x0], $0xffff  }
0x1a1: {  	v59 =	vor.u32 v3, v36;
	v40 =	vand.u32 v2, v40;
	v35 =	vld.idx.msk [tilespmem:v35+s25+$0x0], $0xffff  }
0x1a2: {  	v41 =	vor.u32 v25, v37;
	_ =	sdelay $0x2  }
0x1a3: {  	v60 =	vor.u32 v4, v38;
	[tilespmem:v32+s20+$0x0] =	vst.idx.msk $0xffff, v33  }
0x1a4: {  	s17 =	sadd.s32 $0x2, s15;
	v61 =	vor.u32 v4, v39;
	v32 =	vand.u32 v5, v60;
	v34 =	vld.idx.msk [tilespmem:v59+s25+$0x0], $0xffff;
	[tilespmem:v40+s20+$0x0] =	vst.idx.msk $0xffff, v35  }
0x1a5: {  	v63 =	vadd.s32 s17, v0;
	v42 =	vor.u32 v6, v36;
	v62 =	vand.u32 v5, v61;
	v35 =	vld.idx.msk [tilespmem:v41+s25+$0x0], $0xffff  }
0x1a6: {  	v43 =	vor.u32 v26, v37;
	v33 =	vand.u32 $0x3F, v63  }
0x1a7: {  	v44 =	vor.u32 v19, v33  }
0x1a8: {  	v48 =	vor.u32 v7, v38  }
0x1a9: {  	v49 =	vand.u32 v8, v48;
	[tilespmem:v32+s20+$0x0] =	vst.idx.msk $0xffff, v34  }
0x1aa: {  	v50 =	vor.u32 v7, v39;
	v32 =	vshll.u32 v63, $0x7;
	v34 =	vld.idx.msk [tilespmem:v42+s25+$0x0], $0xffff;
	[tilespmem:v62+s20+$0x0] =	vst.idx.msk $0xffff, v35  }
0x1ab: {  	v51 =	vor.u32 v9, v36;
	v35 =	vand.u32 v8, v50;
	v53 =	vor.u32 v0, v32;
	v52 =	vld.idx.msk [tilespmem:v43+s25+$0x0], $0xffff  }
0x1ac: {  	v45 =	vor.u32 v27, v37;
	v44 =	vld.idx.msk [tilespmem:v44+s25+$0x0], $0xffff;
	v43 =	vand.u32 v2, v53  }
0x1ad: {  	v46 =	vor.u32 v25, v33;
	_ =	sdelay $0x1  }
0x1ae: {  	v47 =	vor.u32 v10, v38;
	v55 =	vor.u32 v12, v36;
	[tilespmem:v49+s20+$0x0] =	vst.idx.msk $0xffff, v34  }
0x1af: {  	v54 =	vand.u32 v11, v47;
	v56 =	vor.u32 v10, v39;
	v40 =	vld.idx.msk [tilespmem:v51+s25+$0x0], $0xffff;
	[tilespmem:v35+s20+$0x0] =	vst.idx.msk $0xffff, v52  }
0x1b0: {  	v57 =	vand.u32 v11, v56;
	v58 =	vor.u32 v4, v32;
	[tilespmem:v43+s20+$0x0] =	vst.idx.msk $0xffff, v44;
	v41 =	vld.idx.msk [tilespmem:v45+s25+$0x0], $0xffff  }
0x1b1: {  	s17 =	sadd.s32 $0x3, s15;
	v59 =	vor.u32 v28, v37;
	v60 =	vand.u32 v5, v58;
	v44 =	vld.idx.msk [tilespmem:v46+s25+$0x0], $0xffff  }
0x1b2: {  	v48 =	vadd.s32 s17, v0;
	v61 =	vor.u32 v26, v33  }
0x1b3: {  	v50 =	vor.u32 v15, v36;
	v35 =	vand.u32 $0x3F, v48  }
0x1b4: {  	v49 =	vor.u32 v13, v38;
	v63 =	vor.u32 v19, v35;
	[tilespmem:v54+s20+$0x0] =	vst.idx.msk $0xffff, v40  }
0x1b5: {  	v62 =	vand.u32 v14, v49;
	v54 =	vor.u32 v13, v39;
	v42 =	vld.idx.msk [tilespmem:v55+s25+$0x0], $0xffff;
	[tilespmem:v57+s20+$0x0] =	vst.idx.msk $0xffff, v41  }
0x1b6: {  	v56 =	vor.u32 v7, v32;
	v55 =	vand.u32 v14, v54;
	[tilespmem:v60+s20+$0x0] =	vst.idx.msk $0xffff, v44;
	v41 =	vld.idx.msk [tilespmem:v59+s25+$0x0], $0xffff  }
0x1b7: {  	v34 =	vshll.u32 v48, $0x7;
	v57 =	vor.u32 v29, v37;
	v58 =	vld.idx.msk [tilespmem:v61+s25+$0x0], $0xffff;
	v59 =	vand.u32 v8, v56  }
0x1b8: {  	v48 =	vor.u32 v0, v34;
	v60 =	vor.u32 v27, v33  }
0x1b9: {  	v51 =	vor.u32 v16, v38;
	v48 =	vand.u32 v2, v48;
	v49 =	vld.idx.msk [tilespmem:v63+s25+$0x0], $0xffff  }
0x1ba: {  	v63 =	vor.u32 v18, v36;
	[tilespmem:v62+s20+$0x0] =	vst.idx.msk $0xffff, v42;
	v62 =	vor.u32 v25, v35  }
0x1bb: {  	v54 =	vor.u32 v16, v39;
	v61 =	vand.u32 v17, v51;
	v50 =	vld.idx.msk [tilespmem:v50+s25+$0x0], $0xffff;
	[tilespmem:v55+s20+$0x0] =	vst.idx.msk $0xffff, v41  }
0x1bc: {  	v41 =	vand.u32 v17, v54;
	[tilespmem:v59+s20+$0x0] =	vst.idx.msk $0xffff, v58;
	v55 =	vor.u32 v10, v32;
	v43 =	vld.idx.msk [tilespmem:v57+s25+$0x0], $0xffff  }
0x1bd: {  	v56 =	vor.u32 v30, v37;
	v46 =	vld.idx.msk [tilespmem:v60+s25+$0x0], $0xffff;
	v44 =	vand.u32 v11, v55  }
0x1be: {  	[tilespmem:v48+s20+$0x0] =	vst.idx.msk $0xffff, v49;
	v58 =	vor.u32 v4, v34;
	v57 =	vor.u32 v28, v33  }
0x1bf: {  	v52 =	vor.u32 v29, v33;
	v36 =	vor.u32 v22, v36;
	v48 =	vand.u32 v5, v58;
	v42 =	vld.idx.msk [tilespmem:v62+s25+$0x0], $0xffff  }
0x1c0: {  	v59 =	vor.u32 v20, v38;
	[tilespmem:v61+s20+$0x0] =	vst.idx.msk $0xffff, v50;
	v61 =	vor.u32 v26, v35  }
0x1c1: {  	v60 =	vand.u32 v21, v59;
	v62 =	vor.u32 v20, v39;
	v50 =	vld.idx.msk [tilespmem:v63+s25+$0x0], $0xffff;
	[tilespmem:v41+s20+$0x0] =	vst.idx.msk $0xffff, v43  }
0x1c2: {  	v41 =	vand.u32 v21, v62;
	[tilespmem:v44+s20+$0x0] =	vst.idx.msk $0xffff, v46;
	v63 =	vor.u32 v13, v32;
	v43 =	vld.idx.msk [tilespmem:v56+s25+$0x0], $0xffff  }
0x1c3: {  	v53 =	vor.u32 v7, v34;
	v37 =	vor.u32 v31, v37;
	v51 =	vld.idx.msk [tilespmem:v57+s25+$0x0], $0xffff;
	v44 =	vand.u32 v14, v63  }
0x1c4: {  	s17 =	sadd.s32 $0x4, s15;
	v38 =	vor.u32 v23, v38;
	v55 =	vor.u32 v27, v35;
	[tilespmem:v48+s20+$0x0] =	vst.idx.msk $0xffff, v42  }
0x1c5: {  	v39 =	vor.u32 v23, v39;
	v62 =	vadd.s32 s17, v0;
	s17 =	sadd.s32 $0x5, s15;
	v42 =	vand.u32 v8, v53;
	v54 =	vld.idx.msk [tilespmem:v61+s25+$0x0], $0xffff  }
0x1c6: {  	v38 =	vand.u32 v24, v38;
	v56 =	vand.u32 v24, v39;
	v58 =	vadd.s32 s17, v0;
	[tilespmem:v60+s20+$0x0] =	vst.idx.msk $0xffff, v50  }
0x1c7: {  	v39 =	vand.u32 $0x3F, v58;
	v53 =	vor.u32 v20, v32;
	v36 =	vld.idx.msk [tilespmem:v36+s25+$0x0], $0xffff;
	[tilespmem:v41+s20+$0x0] =	vst.idx.msk $0xffff, v43  }
0x1c8: {  	v61 =	vor.u32 v10, v34;
	v60 =	vor.u32 v16, v32;
	[tilespmem:v44+s20+$0x0] =	vst.idx.msk $0xffff, v51;
	v37 =	vld.idx.msk [tilespmem:v37+s25+$0x0], $0xffff  }
0x1c9: {  	s17 =	sadd.s32 $0x6, s15;
	v53 =	vand.u32 v21, v53;
	v45 =	vand.u32 v17, v60;
	v41 =	vand.u32 $0x3F, v62;
	v44 =	vld.idx.msk [tilespmem:v52+s25+$0x0], $0xffff  }
0x1ca: {  	v57 =	vand.u32 v11, v61;
	v60 =	vadd.s32 s17, v0;
	v59 =	vor.u32 v19, v41;
	[tilespmem:v42+s20+$0x0] =	vst.idx.msk $0xffff, v54  }
0x1cb: {  	v51 =	vor.u32 v30, v33;
	s17 =	sadd.s32 $0x7, s15;
	v52 =	vor.u32 v19, v39;
	v40 =	vand.u32 $0x3F, v60;
	v63 =	vld.idx.msk [tilespmem:v55+s25+$0x0], $0xffff  }
0x1cc: {  	v48 =	vor.u32 v25, v41;
	v54 =	vor.u32 v19, v40;
	v55 =	vadd.s32 s17, v0;
	[tilespmem:v38+s20+$0x0] =	vst.idx.msk $0xffff, v36  }
0x1cd: {  	v36 =	vshll.u32 v62, $0x7;
	v43 =	vand.u32 $0x3F, v55;
	v38 =	vshll.u32 v60, $0x7;
	[tilespmem:v56+s20+$0x0] =	vst.idx.msk $0xffff, v37  }
0x1ce: {  	[tilespmem:v45+s20+$0x0] =	vst.idx.msk $0xffff, v44;
	v61 =	vor.u32 v0, v36;
	v37 =	vshll.u32 v58, $0x7;
	v45 =	vor.u32 v19, v43  }
0x1cf: {  	v44 =	vor.u32 v28, v35;
	v46 =	vld.idx.msk [tilespmem:v59+s25+$0x0], $0xffff;
	v47 =	vand.u32 v2, v61;
	v62 =	vor.u32 v0, v37  }
0x1d0: {  	v49 =	vld.idx.msk [tilespmem:v52+s25+$0x0], $0xffff;
	v60 =	vor.u32 v0, v38;
	[tilespmem:v57+s20+$0x0] =	vst.idx.msk $0xffff, v63;
	v63 =	vand.u32 v2, v62  }
0x1d1: {  	v42 =	vshll.u32 v55, $0x7;
	v61 =	vor.u32 v25, v39;
	v56 =	vand.u32 v2, v60;
	v54 =	vld.idx.msk [tilespmem:v54+s25+$0x0], $0xffff  }
0x1d2: {  	v58 =	vor.u32 v0, v42;
	v59 =	vor.u32 v4, v36;
	v57 =	vor.u32 v25, v40  }
0x1d3: {  	v58 =	vand.u32 v2, v58;
	v60 =	vor.u32 v4, v38;
	v62 =	vor.u32 v13, v34;
	v45 =	vld.idx.msk [tilespmem:v45+s25+$0x0], $0xffff  }
0x1d4: {  	v55 =	vand.u32 v14, v62;
	v44 =	vld.idx.msk [tilespmem:v44+s25+$0x0], $0xffff;
	[tilespmem:v47+s20+$0x0] =	vst.idx.msk $0xffff, v46;
	v47 =	vor.u32 v25, v43  }
0x1d5: {  	v46 =	vand.u32 v5, v59;
	v48 =	vld.idx.msk [tilespmem:v48+s25+$0x0], $0xffff;
	[tilespmem:v63+s20+$0x0] =	vst.idx.msk $0xffff, v49;
	v63 =	vor.u32 v4, v37  }
0x1d6: {  	v59 =	vor.u32 v26, v41;
	[tilespmem:v56+s20+$0x0] =	vst.idx.msk $0xffff, v54;
	v50 =	vld.idx.msk [tilespmem:v61+s25+$0x0], $0xffff;
	v49 =	vand.u32 v5, v63  }
0x1d7: {  	v33 =	vor.u32 v31, v33;
	v52 =	vand.u32 v5, v60;
	v56 =	vld.idx.msk [tilespmem:v57+s25+$0x0], $0xffff;
	v61 =	vor.u32 v26, v39  }
0x1d8: {  	v62 =	vor.u32 v26, v40;
	v63 =	vor.u32 v4, v42;
	[tilespmem:v58+s20+$0x0] =	vst.idx.msk $0xffff, v45  }
0x1d9: {  	v60 =	vor.u32 v7, v37;
	[tilespmem:v55+s20+$0x0] =	vst.idx.msk $0xffff, v44;
	v45 =	vand.u32 v5, v63;
	v47 =	vld.idx.msk [tilespmem:v47+s25+$0x0], $0xffff  }
0x1da: {  	v58 =	vor.u32 v7, v36;
	[tilespmem:v46+s20+$0x0] =	vst.idx.msk $0xffff, v48;
	v46 =	vor.u32 v26, v43  }
0x1db: {  	v55 =	vor.u32 v27, v41;
	v44 =	vand.u32 v8, v58;
	v48 =	vld.idx.msk [tilespmem:v59+s25+$0x0], $0xffff;
	[tilespmem:v49+s20+$0x0] =	vst.idx.msk $0xffff, v50  }
0x1dc: {  	[tilespmem:v52+s20+$0x0] =	vst.idx.msk $0xffff, v56;
	v49 =	vand.u32 v8, v60;
	v50 =	vld.idx.msk [tilespmem:v61+s25+$0x0], $0xffff;
	v61 =	vor.u32 v7, v38  }
0x1dd: {  	v54 =	vor.u32 v29, v35;
	v56 =	vor.u32 v27, v39;
	v57 =	vld.idx.msk [tilespmem:v62+s25+$0x0], $0xffff;
	v52 =	vand.u32 v8, v61  }
0x1de: {  	v58 =	vor.u32 v27, v40;
	v62 =	vor.u32 v7, v42;
	[tilespmem:v45+s20+$0x0] =	vst.idx.msk $0xffff, v47  }
0x1df: {  	v63 =	vor.u32 v16, v34;
	v59 =	vor.u32 v28, v41;
	v45 =	vand.u32 v8, v62;
	v46 =	vld.idx.msk [tilespmem:v46+s25+$0x0], $0xffff  }
0x1e0: {  	v60 =	vor.u32 v10, v36;
	[tilespmem:v44+s20+$0x0] =	vst.idx.msk $0xffff, v48;
	v48 =	vor.u32 v27, v43  }
0x1e1: {  	v61 =	vor.u32 v10, v37;
	v44 =	vand.u32 v11, v60;
	v55 =	vld.idx.msk [tilespmem:v55+s25+$0x0], $0xffff;
	[tilespmem:v49+s20+$0x0] =	vst.idx.msk $0xffff, v50  }
0x1e2: {  	v62 =	vor.u32 v10, v38;
	v49 =	vand.u32 v11, v61;
	v50 =	vld.idx.msk [tilespmem:v56+s25+$0x0], $0xffff;
	[tilespmem:v52+s20+$0x0] =	vst.idx.msk $0xffff, v57  }
0x1e3: {  	v47 =	vand.u32 v17, v63;
	v56 =	vor.u32 v28, v39;
	v52 =	vand.u32 v11, v62;
	v57 =	vld.idx.msk [tilespmem:v58+s25+$0x0], $0xffff  }
0x1e4: {  	v58 =	vor.u32 v28, v40;
	[tilespmem:v45+s20+$0x0] =	vst.idx.msk $0xffff, v46;
	v45 =	vor.u32 v10, v42  }
0x1e5: {  	v63 =	vor.u32 v13, v37;
	v60 =	vor.u32 v13, v36;
	v48 =	vld.idx.msk [tilespmem:v48+s25+$0x0], $0xffff;
	v45 =	vand.u32 v11, v45  }
0x1e6: {  	v54 =	vld.idx.msk [tilespmem:v54+s25+$0x0], $0xffff;
	v61 =	vor.u32 v13, v38;
	[tilespmem:v44+s20+$0x0] =	vst.idx.msk $0xffff, v55;
	v55 =	vor.u32 v28, v43  }
0x1e7: {  	v46 =	vor.u32 v30, v35;
	v44 =	vand.u32 v14, v60;
	v59 =	vld.idx.msk [tilespmem:v59+s25+$0x0], $0xffff;
	[tilespmem:v49+s20+$0x0] =	vst.idx.msk $0xffff, v50  }
0x1e8: {  	v60 =	vor.u32 v29, v41;
	v49 =	vand.u32 v14, v63;
	v50 =	vld.idx.msk [tilespmem:v56+s25+$0x0], $0xffff;
	[tilespmem:v52+s20+$0x0] =	vst.idx.msk $0xffff, v57  }
0x1e9: {  	v62 =	vor.u32 v20, v34;
	v57 =	vor.u32 v29, v39;
	v52 =	vand.u32 v14, v61;
	v58 =	vld.idx.msk [tilespmem:v58+s25+$0x0], $0xffff  }
0x1ea: {  	v51 =	vld.idx.msk [tilespmem:v51+s25+$0x0], $0xffff;
	v63 =	vor.u32 v13, v42;
	[tilespmem:v45+s20+$0x0] =	vst.idx.msk $0xffff, v48;
	v45 =	vor.u32 v29, v40  }
0x1eb: {  	[tilespmem:v47+s20+$0x0] =	vst.idx.msk $0xffff, v54;
	v47 =	vand.u32 v21, v62;
	v48 =	vand.u32 v14, v63;
	v54 =	vld.idx.msk [tilespmem:v55+s25+$0x0], $0xffff  }
0x1ec: {  	v46 =	vld.idx.msk [tilespmem:v46+s25+$0x0], $0xffff;
	v61 =	vor.u32 v16, v36;
	v55 =	vor.u32 v29, v43;
	[tilespmem:v44+s20+$0x0] =	vst.idx.msk $0xffff, v59  }
0x1ed: {  	v62 =	vor.u32 v16, v37;
	v44 =	vand.u32 v17, v61;
	[tilespmem:v49+s20+$0x0] =	vst.idx.msk $0xffff, v50;
	v49 =	vld.idx.msk [tilespmem:v60+s25+$0x0], $0xffff  }
0x1ee: {  	v63 =	vor.u32 v16, v38;
	v50 =	vand.u32 v17, v62;
	[tilespmem:v52+s20+$0x0] =	vst.idx.msk $0xffff, v58;
	v52 =	vld.idx.msk [tilespmem:v57+s25+$0x0], $0xffff  }
0x1ef: {  	[tilespmem:v53+s20+$0x0] =	vst.idx.msk $0xffff, v51;
	v59 =	vand.u32 v17, v63;
	v60 =	vor.u32 v30, v41;
	v45 =	vld.idx.msk [tilespmem:v45+s25+$0x0], $0xffff  }
0x1f0: {  	v61 =	vor.u32 v16, v42;
	v62 =	vor.u32 v30, v39;
	[tilespmem:v48+s20+$0x0] =	vst.idx.msk $0xffff, v54  }
0x1f1: {  	v56 =	vor.u32 v30, v40;
	v53 =	vand.u32 v17, v61;
	[tilespmem:v47+s20+$0x0] =	vst.idx.msk $0xffff, v46;
	v63 =	vld.idx.msk [tilespmem:v55+s25+$0x0], $0xffff  }
0x1f2: {  	v35 =	vor.u32 v31, v35;
	v57 =	vor.u32 v30, v43;
	[tilespmem:v44+s20+$0x0] =	vst.idx.msk $0xffff, v49  }
0x1f3: {  	v61 =	vor.u32 v20, v42;
	v58 =	vor.u32 v20, v36;
	[tilespmem:v50+s20+$0x0] =	vst.idx.msk $0xffff, v52  }
0x1f4: {  	v48 =	vld.idx.msk [tilespmem:v60+s25+$0x0], $0xffff;
	[tilespmem:v59+s20+$0x0] =	vst.idx.msk $0xffff, v45;
	v45 =	vand.u32 v21, v58;
	v59 =	vor.u32 v20, v37  }
0x1f5: {  	v41 =	vor.u32 v31, v41;
	v60 =	vor.u32 v20, v38;
	v46 =	vld.idx.msk [tilespmem:v62+s25+$0x0], $0xffff;
	v50 =	vand.u32 v21, v59  }
0x1f6: {  	v39 =	vor.u32 v31, v39;
	v47 =	vand.u32 v21, v60;
	[tilespmem:v53+s20+$0x0] =	vst.idx.msk $0xffff, v63;
	v44 =	vld.idx.msk [tilespmem:v56+s25+$0x0], $0xffff  }
0x1f7: {  	v32 =	vor.u32 v23, v32;
	v40 =	vor.u32 v31, v40;
	v51 =	vand.u32 v21, v61;
	v49 =	vld.idx.msk [tilespmem:v57+s25+$0x0], $0xffff  }
0x1f8: {  	v32 =	vand.u32 v24, v32;
	v33 =	vld.idx.msk [tilespmem:v33+s25+$0x0], $0xffff;
	v34 =	vor.u32 v23, v34;
	v43 =	vor.u32 v31, v43  }
0x1f9: {  	v34 =	vand.u32 v24, v34;
	v35 =	vld.idx.msk [tilespmem:v35+s25+$0x0], $0xffff;
	v36 =	vor.u32 v23, v36;
	[tilespmem:v45+s20+$0x0] =	vst.idx.msk $0xffff, v48  }
0x1fa: {  	v36 =	vand.u32 v24, v36;
	v37 =	vor.u32 v23, v37;
	[tilespmem:v50+s20+$0x0] =	vst.idx.msk $0xffff, v46;
	v41 =	vld.idx.msk [tilespmem:v41+s25+$0x0], $0xffff  }
0x1fb: {  	v38 =	vor.u32 v23, v38;
	v37 =	vand.u32 v24, v37;
	[tilespmem:v47+s20+$0x0] =	vst.idx.msk $0xffff, v44;
	v39 =	vld.idx.msk [tilespmem:v39+s25+$0x0], $0xffff  }
0x1fc: {  	v42 =	vor.u32 v23, v42;
	v38 =	vand.u32 v24, v38;
	[tilespmem:v51+s20+$0x0] =	vst.idx.msk $0xffff, v49;
	v40 =	vld.idx.msk [tilespmem:v40+s25+$0x0], $0xffff  }
0x1fd: {  	p2 =	slt.u32 s15, $0x38;
	[tilespmem:v32+s20+$0x0] =	vst.idx.msk $0xffff, v33;
	v63 =	vand.u32 v24, v42;
	v62 =	vld.idx.msk [tilespmem:v43+s25+$0x0], $0xffff  }
.Ltmp2:
0x1fe: {  	[tilespmem:v34+s20+$0x0] =	vst.idx.msk $0xffff, v35;
	(pc) =	sbr.rel @p2 .LBB2_7-.Ltmp2, $4  }
0x1ff: {  	[tilespmem:v36+s20+$0x0] =	vst.idx.msk $0xffff, v41  }
0x200: {  	[tilespmem:v37+s20+$0x0] =	vst.idx.msk $0xffff, v39  }
0x201: {  	[tilespmem:v38+s20+$0x0] =	vst.idx.msk $0xffff, v40  }
0x202: {  	s15 =	sadd.s32 $0x8, s15;
	[tilespmem:v63+s20+$0x0] =	vst.idx.msk $0xffff, v62  }
0x203: {  	s15 =	sadd.s32 @!p1 $0x380, s14;
	s16 =	simm.s32 @!p1 $0x80;
	s17 =	simm.s32 @!p1 $0x5900  }
0x204: {  	[tilespmem:s17], [sflag:$0x3] =	stream.indirect.gather @!p1 [hbm4b:s4+s16], $0x40, s15, s16, $0xb8;
	[tilespmem:$0x15900] =	vst v63  }
0x205: {  	s16 =	rddreg [dreg:$0x6]  }
0x206: {  	s15 =	sadd.s32 s16, s6  }
0x207: {  	s15 =	sshrl.u32 s15, $0x3  }
0x208: {  	s17 =	sadd.s32 s2, s15  }
0x209: {  	[hbm4b:s17+s3] =	stream.linear.scatter [tilespmem:s20], [sflag:$0x8], $0x400, $0x38;
	[tilespmem:$0x15900] =	vst v63  }
0x20a: {  	s16 =	sadd.s32 s15, s7;
	s17 =	simm.s32 $0xFD00  }
0x20b: {  	[hbm4b:s16+s3] =	stream.linear.scatter [tilespmem:s17], [sflag:$0x8], $0x400, $0x38;
	[tilespmem:$0x15900] =	vst v63  }
0x20c: {  	s16 =	sadd.s32 s15, s8;
	s17 =	simm.s32 $0x10100  }
0x20d: {  	[hbm4b:s16+s3] =	stream.linear.scatter [tilespmem:s17], [sflag:$0x8], $0x400, $0x38;
	[tilespmem:$0x15900] =	vst v63  }
0x20e: {  	s16 =	sadd.s32 s15, s9;
	s17 =	simm.s32 $0x10500  }
0x20f: {  	[hbm4b:s16+s3] =	stream.linear.scatter [tilespmem:s17], [sflag:$0x8], $0x400, $0x38;
	[tilespmem:$0x15900] =	vst v63  }
0x210: {  	s16 =	sadd.s32 s15, s10;
	s17 =	simm.s32 $0x10900  }
0x211: {  	[hbm4b:s16+s3] =	stream.linear.scatter [tilespmem:s17], [sflag:$0x8], $0x400, $0x38;
	[tilespmem:$0x15900] =	vst v63  }
0x212: {  	s16 =	sadd.s32 s15, s11;
	s17 =	simm.s32 $0x10D00  }
0x213: {  	[hbm4b:s16+s3] =	stream.linear.scatter [tilespmem:s17], [sflag:$0x8], $0x400, $0x38;
	[tilespmem:$0x15900] =	vst v63  }
0x214: {  	s16 =	sadd.s32 s15, s12;
	s17 =	simm.s32 $0x11100  }
0x215: {  	[hbm4b:s16+s3] =	stream.linear.scatter [tilespmem:s17], [sflag:$0x8], $0x400, $0x38;
	[tilespmem:$0x15900] =	vst v63  }
0x216: {  	s15 =	sadd.s32 s15, s13;
	s17 =	simm.s32 $0x11500  }
0x217: {  	[hbm4b:s15+s3] =	stream.linear.scatter [tilespmem:s17], [sflag:$0x8], $0x400, $0x38;
	[tilespmem:$0x15900] =	vst v63  }
0x218: {  	_ =	swait.ge [sflag:s29], $0x2000  }
0x219: {  	[sflag:s29] =	ssyncset.done $0x0  }
0x21a: {  	s15 =	simm.s32 @!p0 $0x9;
	[sflag:s29] =	ssyncadd.s32 $0xFFFFE000  }
0x21b: {  	_ =	swait.ge @!p0 [sflag:s15], $0x400  }
0x21c: {  	[sflag:s15] =	ssyncset.done @!p0 $0x0  }
0x21d: {  	[sflag:s15] =	ssyncadd.s32 @!p0 $0xFFFFFC00  }
0x21e: {  	_ =	swait.ge @!p0 [sflag:s15], $0x400  }
0x21f: {  	[sflag:s15] =	ssyncset.done @!p0 $0x0  }
0x220: {  	[sflag:s15] =	ssyncadd.s32 @!p0 $0xFFFFFC00  }
0x221: {  	_ =	swait.ge @!p0 [sflag:s15], $0x400  }
0x222: {  	[sflag:s15] =	ssyncset.done @!p0 $0x0  }
0x223: {  	[sflag:s15] =	ssyncadd.s32 @!p0 $0xFFFFFC00  }
0x224: {  	_ =	swait.ge @!p0 [sflag:s15], $0x400  }
0x225: {  	[sflag:s15] =	ssyncset.done @!p0 $0x0  }
0x226: {  	[sflag:s15] =	ssyncadd.s32 @!p0 $0xFFFFFC00  }
0x227: {  	_ =	swait.ge @!p0 [sflag:s15], $0x400  }
0x228: {  	[sflag:s15] =	ssyncset.done @!p0 $0x0  }
0x229: {  	[sflag:s15] =	ssyncadd.s32 @!p0 $0xFFFFFC00  }
0x22a: {  	_ =	swait.ge @!p0 [sflag:s15], $0x400  }
0x22b: {  	[sflag:s15] =	ssyncset.done @!p0 $0x0  }
0x22c: {  	[sflag:s15] =	ssyncadd.s32 @!p0 $0xFFFFFC00  }
0x22d: {  	_ =	swait.ge @!p0 [sflag:s15], $0x400  }
0x22e: {  	[sflag:s15] =	ssyncset.done @!p0 $0x0  }
0x22f: {  	[sflag:s15] =	ssyncadd.s32 @!p0 $0xFFFFFC00  }
0x230: {  	_ =	swait.ge @!p0 [sflag:s15], $0x400  }
0x231: {  	[sflag:s15] =	ssyncset.done @!p0 $0x0  }
0x232: {  	[sflag:s15] =	ssyncadd.s32 @!p0 $0xFFFFFC00;
	s15 =	simm.s32 $0x0  }
.LBB2_9:
0x233: {  	v32 =	vadd.s32 s15, v0;
	s16 =	sadd.s32 $0x1, s15  }
0x234: {  	v36 =	vand.u32 $0x38, v32;
	v34 =	vadd.s32 s16, v0  }
0x235: {  	v33 =	vor.u32 v1, v36;
	v37 =	vand.u32 $0x3F, v34  }
0x236: {  	v35 =	vor.u32 v19, v37;
	_ =	sdelay $0x1  }
0x237: {  	v38 =	vshll.u32 v32, $0x7  }
0x238: {  	v32 =	vor.u32 v0, v38;
	v39 =	vshll.u32 v34, $0x7  }
0x239: {  	v32 =	vand.u32 v2, v32;
	v40 =	vor.u32 v0, v39;
	v33 =	vld.idx.msk [tilespmem:v33+s28+$0x0], $0xffff  }
0x23a: {  	v59 =	vor.u32 v3, v36;
	v40 =	vand.u32 v2, v40;
	v35 =	vld.idx.msk [tilespmem:v35+s28+$0x0], $0xffff  }
0x23b: {  	v41 =	vor.u32 v25, v37;
	_ =	sdelay $0x2  }
0x23c: {  	v60 =	vor.u32 v4, v38;
	[tilespmem:v32+s5+$0x0] =	vst.idx.msk $0xffff, v33  }
0x23d: {  	s17 =	sadd.s32 $0x2, s15;
	v61 =	vor.u32 v4, v39;
	v32 =	vand.u32 v5, v60;
	v34 =	vld.idx.msk [tilespmem:v59+s28+$0x0], $0xffff;
	[tilespmem:v40+s5+$0x0] =	vst.idx.msk $0xffff, v35  }
0x23e: {  	v63 =	vadd.s32 s17, v0;
	v42 =	vor.u32 v6, v36;
	v62 =	vand.u32 v5, v61;
	v35 =	vld.idx.msk [tilespmem:v41+s28+$0x0], $0xffff  }
0x23f: {  	v43 =	vor.u32 v26, v37;
	v33 =	vand.u32 $0x3F, v63  }
0x240: {  	v44 =	vor.u32 v19, v33  }
0x241: {  	v48 =	vor.u32 v7, v38  }
0x242: {  	v49 =	vand.u32 v8, v48;
	[tilespmem:v32+s5+$0x0] =	vst.idx.msk $0xffff, v34  }
0x243: {  	v50 =	vor.u32 v7, v39;
	v32 =	vshll.u32 v63, $0x7;
	v34 =	vld.idx.msk [tilespmem:v42+s28+$0x0], $0xffff;
	[tilespmem:v62+s5+$0x0] =	vst.idx.msk $0xffff, v35  }
0x244: {  	v51 =	vor.u32 v9, v36;
	v35 =	vand.u32 v8, v50;
	v53 =	vor.u32 v0, v32;
	v52 =	vld.idx.msk [tilespmem:v43+s28+$0x0], $0xffff  }
0x245: {  	v45 =	vor.u32 v27, v37;
	v44 =	vld.idx.msk [tilespmem:v44+s28+$0x0], $0xffff;
	v43 =	vand.u32 v2, v53  }
0x246: {  	v46 =	vor.u32 v25, v33;
	_ =	sdelay $0x1  }
0x247: {  	v47 =	vor.u32 v10, v38;
	v55 =	vor.u32 v12, v36;
	[tilespmem:v49+s5+$0x0] =	vst.idx.msk $0xffff, v34  }
0x248: {  	v54 =	vand.u32 v11, v47;
	v56 =	vor.u32 v10, v39;
	v40 =	vld.idx.msk [tilespmem:v51+s28+$0x0], $0xffff;
	[tilespmem:v35+s5+$0x0] =	vst.idx.msk $0xffff, v52  }
0x249: {  	v57 =	vand.u32 v11, v56;
	v58 =	vor.u32 v4, v32;
	[tilespmem:v43+s5+$0x0] =	vst.idx.msk $0xffff, v44;
	v41 =	vld.idx.msk [tilespmem:v45+s28+$0x0], $0xffff  }
0x24a: {  	s17 =	sadd.s32 $0x3, s15;
	v59 =	vor.u32 v28, v37;
	v60 =	vand.u32 v5, v58;
	v44 =	vld.idx.msk [tilespmem:v46+s28+$0x0], $0xffff  }
0x24b: {  	v48 =	vadd.s32 s17, v0;
	v61 =	vor.u32 v26, v33  }
0x24c: {  	v50 =	vor.u32 v15, v36;
	v35 =	vand.u32 $0x3F, v48  }
0x24d: {  	v49 =	vor.u32 v13, v38;
	v63 =	vor.u32 v19, v35;
	[tilespmem:v54+s5+$0x0] =	vst.idx.msk $0xffff, v40  }
0x24e: {  	v62 =	vand.u32 v14, v49;
	v54 =	vor.u32 v13, v39;
	v42 =	vld.idx.msk [tilespmem:v55+s28+$0x0], $0xffff;
	[tilespmem:v57+s5+$0x0] =	vst.idx.msk $0xffff, v41  }
0x24f: {  	v56 =	vor.u32 v7, v32;
	v55 =	vand.u32 v14, v54;
	[tilespmem:v60+s5+$0x0] =	vst.idx.msk $0xffff, v44;
	v41 =	vld.idx.msk [tilespmem:v59+s28+$0x0], $0xffff  }
0x250: {  	v34 =	vshll.u32 v48, $0x7;
	v57 =	vor.u32 v29, v37;
	v58 =	vld.idx.msk [tilespmem:v61+s28+$0x0], $0xffff;
	v59 =	vand.u32 v8, v56  }
0x251: {  	v48 =	vor.u32 v0, v34;
	v60 =	vor.u32 v27, v33  }
0x252: {  	v51 =	vor.u32 v16, v38;
	v48 =	vand.u32 v2, v48;
	v49 =	vld.idx.msk [tilespmem:v63+s28+$0x0], $0xffff  }
0x253: {  	v63 =	vor.u32 v18, v36;
	[tilespmem:v62+s5+$0x0] =	vst.idx.msk $0xffff, v42;
	v62 =	vor.u32 v25, v35  }
0x254: {  	v54 =	vor.u32 v16, v39;
	v61 =	vand.u32 v17, v51;
	v50 =	vld.idx.msk [tilespmem:v50+s28+$0x0], $0xffff;
	[tilespmem:v55+s5+$0x0] =	vst.idx.msk $0xffff, v41  }
0x255: {  	v41 =	vand.u32 v17, v54;
	[tilespmem:v59+s5+$0x0] =	vst.idx.msk $0xffff, v58;
	v55 =	vor.u32 v10, v32;
	v43 =	vld.idx.msk [tilespmem:v57+s28+$0x0], $0xffff  }
0x256: {  	v56 =	vor.u32 v30, v37;
	v46 =	vld.idx.msk [tilespmem:v60+s28+$0x0], $0xffff;
	v44 =	vand.u32 v11, v55  }
0x257: {  	[tilespmem:v48+s5+$0x0] =	vst.idx.msk $0xffff, v49;
	v58 =	vor.u32 v4, v34;
	v57 =	vor.u32 v28, v33  }
0x258: {  	v52 =	vor.u32 v29, v33;
	v36 =	vor.u32 v22, v36;
	v48 =	vand.u32 v5, v58;
	v42 =	vld.idx.msk [tilespmem:v62+s28+$0x0], $0xffff  }
0x259: {  	v59 =	vor.u32 v20, v38;
	[tilespmem:v61+s5+$0x0] =	vst.idx.msk $0xffff, v50;
	v61 =	vor.u32 v26, v35  }
0x25a: {  	v60 =	vand.u32 v21, v59;
	v62 =	vor.u32 v20, v39;
	v50 =	vld.idx.msk [tilespmem:v63+s28+$0x0], $0xffff;
	[tilespmem:v41+s5+$0x0] =	vst.idx.msk $0xffff, v43  }
0x25b: {  	v41 =	vand.u32 v21, v62;
	[tilespmem:v44+s5+$0x0] =	vst.idx.msk $0xffff, v46;
	v63 =	vor.u32 v13, v32;
	v43 =	vld.idx.msk [tilespmem:v56+s28+$0x0], $0xffff  }
0x25c: {  	v53 =	vor.u32 v7, v34;
	v37 =	vor.u32 v31, v37;
	v51 =	vld.idx.msk [tilespmem:v57+s28+$0x0], $0xffff;
	v44 =	vand.u32 v14, v63  }
0x25d: {  	s17 =	sadd.s32 $0x4, s15;
	v38 =	vor.u32 v23, v38;
	v55 =	vor.u32 v27, v35;
	[tilespmem:v48+s5+$0x0] =	vst.idx.msk $0xffff, v42  }
0x25e: {  	v39 =	vor.u32 v23, v39;
	v62 =	vadd.s32 s17, v0;
	s17 =	sadd.s32 $0x5, s15;
	v42 =	vand.u32 v8, v53;
	v54 =	vld.idx.msk [tilespmem:v61+s28+$0x0], $0xffff  }
0x25f: {  	v38 =	vand.u32 v24, v38;
	v56 =	vand.u32 v24, v39;
	v58 =	vadd.s32 s17, v0;
	[tilespmem:v60+s5+$0x0] =	vst.idx.msk $0xffff, v50  }
0x260: {  	v39 =	vand.u32 $0x3F, v58;
	v53 =	vor.u32 v20, v32;
	v36 =	vld.idx.msk [tilespmem:v36+s28+$0x0], $0xffff;
	[tilespmem:v41+s5+$0x0] =	vst.idx.msk $0xffff, v43  }
0x261: {  	v61 =	vor.u32 v10, v34;
	v60 =	vor.u32 v16, v32;
	[tilespmem:v44+s5+$0x0] =	vst.idx.msk $0xffff, v51;
	v37 =	vld.idx.msk [tilespmem:v37+s28+$0x0], $0xffff  }
0x262: {  	s17 =	sadd.s32 $0x6, s15;
	v53 =	vand.u32 v21, v53;
	v45 =	vand.u32 v17, v60;
	v41 =	vand.u32 $0x3F, v62;
	v44 =	vld.idx.msk [tilespmem:v52+s28+$0x0], $0xffff  }
0x263: {  	v57 =	vand.u32 v11, v61;
	v60 =	vadd.s32 s17, v0;
	v59 =	vor.u32 v19, v41;
	[tilespmem:v42+s5+$0x0] =	vst.idx.msk $0xffff, v54  }
0x264: {  	v51 =	vor.u32 v30, v33;
	s17 =	sadd.s32 $0x7, s15;
	v52 =	vor.u32 v19, v39;
	v40 =	vand.u32 $0x3F, v60;
	v63 =	vld.idx.msk [tilespmem:v55+s28+$0x0], $0xffff  }
0x265: {  	v48 =	vor.u32 v25, v41;
	v54 =	vor.u32 v19, v40;
	v55 =	vadd.s32 s17, v0;
	[tilespmem:v38+s5+$0x0] =	vst.idx.msk $0xffff, v36  }
0x266: {  	v36 =	vshll.u32 v62, $0x7;
	v43 =	vand.u32 $0x3F, v55;
	v38 =	vshll.u32 v60, $0x7;
	[tilespmem:v56+s5+$0x0] =	vst.idx.msk $0xffff, v37  }
0x267: {  	[tilespmem:v45+s5+$0x0] =	vst.idx.msk $0xffff, v44;
	v61 =	vor.u32 v0, v36;
	v37 =	vshll.u32 v58, $0x7;
	v45 =	vor.u32 v19, v43  }
0x268: {  	v44 =	vor.u32 v28, v35;
	v46 =	vld.idx.msk [tilespmem:v59+s28+$0x0], $0xffff;
	v47 =	vand.u32 v2, v61;
	v62 =	vor.u32 v0, v37  }
0x269: {  	v49 =	vld.idx.msk [tilespmem:v52+s28+$0x0], $0xffff;
	v60 =	vor.u32 v0, v38;
	[tilespmem:v57+s5+$0x0] =	vst.idx.msk $0xffff, v63;
	v63 =	vand.u32 v2, v62  }
0x26a: {  	v42 =	vshll.u32 v55, $0x7;
	v61 =	vor.u32 v25, v39;
	v56 =	vand.u32 v2, v60;
	v54 =	vld.idx.msk [tilespmem:v54+s28+$0x0], $0xffff  }
0x26b: {  	v58 =	vor.u32 v0, v42;
	v59 =	vor.u32 v4, v36;
	v57 =	vor.u32 v25, v40  }
0x26c: {  	v58 =	vand.u32 v2, v58;
	v60 =	vor.u32 v4, v38;
	v62 =	vor.u32 v13, v34;
	v45 =	vld.idx.msk [tilespmem:v45+s28+$0x0], $0xffff  }
0x26d: {  	v55 =	vand.u32 v14, v62;
	v44 =	vld.idx.msk [tilespmem:v44+s28+$0x0], $0xffff;
	[tilespmem:v47+s5+$0x0] =	vst.idx.msk $0xffff, v46;
	v47 =	vor.u32 v25, v43  }
0x26e: {  	v46 =	vand.u32 v5, v59;
	v48 =	vld.idx.msk [tilespmem:v48+s28+$0x0], $0xffff;
	[tilespmem:v63+s5+$0x0] =	vst.idx.msk $0xffff, v49;
	v63 =	vor.u32 v4, v37  }
0x26f: {  	v59 =	vor.u32 v26, v41;
	[tilespmem:v56+s5+$0x0] =	vst.idx.msk $0xffff, v54;
	v50 =	vld.idx.msk [tilespmem:v61+s28+$0x0], $0xffff;
	v49 =	vand.u32 v5, v63  }
0x270: {  	v33 =	vor.u32 v31, v33;
	v52 =	vand.u32 v5, v60;
	v56 =	vld.idx.msk [tilespmem:v57+s28+$0x0], $0xffff;
	v61 =	vor.u32 v26, v39  }
0x271: {  	v62 =	vor.u32 v26, v40;
	v63 =	vor.u32 v4, v42;
	[tilespmem:v58+s5+$0x0] =	vst.idx.msk $0xffff, v45  }
0x272: {  	v60 =	vor.u32 v7, v37;
	[tilespmem:v55+s5+$0x0] =	vst.idx.msk $0xffff, v44;
	v45 =	vand.u32 v5, v63;
	v47 =	vld.idx.msk [tilespmem:v47+s28+$0x0], $0xffff  }
0x273: {  	v58 =	vor.u32 v7, v36;
	[tilespmem:v46+s5+$0x0] =	vst.idx.msk $0xffff, v48;
	v46 =	vor.u32 v26, v43  }
0x274: {  	v55 =	vor.u32 v27, v41;
	v44 =	vand.u32 v8, v58;
	v48 =	vld.idx.msk [tilespmem:v59+s28+$0x0], $0xffff;
	[tilespmem:v49+s5+$0x0] =	vst.idx.msk $0xffff, v50  }
0x275: {  	[tilespmem:v52+s5+$0x0] =	vst.idx.msk $0xffff, v56;
	v49 =	vand.u32 v8, v60;
	v50 =	vld.idx.msk [tilespmem:v61+s28+$0x0], $0xffff;
	v61 =	vor.u32 v7, v38  }
0x276: {  	v54 =	vor.u32 v29, v35;
	v56 =	vor.u32 v27, v39;
	v57 =	vld.idx.msk [tilespmem:v62+s28+$0x0], $0xffff;
	v52 =	vand.u32 v8, v61  }
0x277: {  	v58 =	vor.u32 v27, v40;
	v62 =	vor.u32 v7, v42;
	[tilespmem:v45+s5+$0x0] =	vst.idx.msk $0xffff, v47  }
0x278: {  	v63 =	vor.u32 v16, v34;
	v59 =	vor.u32 v28, v41;
	v45 =	vand.u32 v8, v62;
	v46 =	vld.idx.msk [tilespmem:v46+s28+$0x0], $0xffff  }
0x279: {  	v60 =	vor.u32 v10, v36;
	[tilespmem:v44+s5+$0x0] =	vst.idx.msk $0xffff, v48;
	v48 =	vor.u32 v27, v43  }
0x27a: {  	v61 =	vor.u32 v10, v37;
	v44 =	vand.u32 v11, v60;
	v55 =	vld.idx.msk [tilespmem:v55+s28+$0x0], $0xffff;
	[tilespmem:v49+s5+$0x0] =	vst.idx.msk $0xffff, v50  }
0x27b: {  	v62 =	vor.u32 v10, v38;
	v49 =	vand.u32 v11, v61;
	v50 =	vld.idx.msk [tilespmem:v56+s28+$0x0], $0xffff;
	[tilespmem:v52+s5+$0x0] =	vst.idx.msk $0xffff, v57  }
0x27c: {  	v47 =	vand.u32 v17, v63;
	v56 =	vor.u32 v28, v39;
	v52 =	vand.u32 v11, v62;
	v57 =	vld.idx.msk [tilespmem:v58+s28+$0x0], $0xffff  }
0x27d: {  	v58 =	vor.u32 v28, v40;
	[tilespmem:v45+s5+$0x0] =	vst.idx.msk $0xffff, v46;
	v45 =	vor.u32 v10, v42  }
0x27e: {  	v63 =	vor.u32 v13, v37;
	v60 =	vor.u32 v13, v36;
	v48 =	vld.idx.msk [tilespmem:v48+s28+$0x0], $0xffff;
	v45 =	vand.u32 v11, v45  }
0x27f: {  	v54 =	vld.idx.msk [tilespmem:v54+s28+$0x0], $0xffff;
	v61 =	vor.u32 v13, v38;
	[tilespmem:v44+s5+$0x0] =	vst.idx.msk $0xffff, v55;
	v55 =	vor.u32 v28, v43  }
0x280: {  	v46 =	vor.u32 v30, v35;
	v44 =	vand.u32 v14, v60;
	v59 =	vld.idx.msk [tilespmem:v59+s28+$0x0], $0xffff;
	[tilespmem:v49+s5+$0x0] =	vst.idx.msk $0xffff, v50  }
0x281: {  	v60 =	vor.u32 v29, v41;
	v49 =	vand.u32 v14, v63;
	v50 =	vld.idx.msk [tilespmem:v56+s28+$0x0], $0xffff;
	[tilespmem:v52+s5+$0x0] =	vst.idx.msk $0xffff, v57  }
0x282: {  	v62 =	vor.u32 v20, v34;
	v57 =	vor.u32 v29, v39;
	v52 =	vand.u32 v14, v61;
	v58 =	vld.idx.msk [tilespmem:v58+s28+$0x0], $0xffff  }
0x283: {  	v51 =	vld.idx.msk [tilespmem:v51+s28+$0x0], $0xffff;
	v63 =	vor.u32 v13, v42;
	[tilespmem:v45+s5+$0x0] =	vst.idx.msk $0xffff, v48;
	v45 =	vor.u32 v29, v40  }
0x284: {  	[tilespmem:v47+s5+$0x0] =	vst.idx.msk $0xffff, v54;
	v47 =	vand.u32 v21, v62;
	v48 =	vand.u32 v14, v63;
	v54 =	vld.idx.msk [tilespmem:v55+s28+$0x0], $0xffff  }
0x285: {  	v46 =	vld.idx.msk [tilespmem:v46+s28+$0x0], $0xffff;
	v61 =	vor.u32 v16, v36;
	v55 =	vor.u32 v29, v43;
	[tilespmem:v44+s5+$0x0] =	vst.idx.msk $0xffff, v59  }
0x286: {  	v62 =	vor.u32 v16, v37;
	v44 =	vand.u32 v17, v61;
	[tilespmem:v49+s5+$0x0] =	vst.idx.msk $0xffff, v50;
	v49 =	vld.idx.msk [tilespmem:v60+s28+$0x0], $0xffff  }
0x287: {  	v63 =	vor.u32 v16, v38;
	v50 =	vand.u32 v17, v62;
	[tilespmem:v52+s5+$0x0] =	vst.idx.msk $0xffff, v58;
	v52 =	vld.idx.msk [tilespmem:v57+s28+$0x0], $0xffff  }
0x288: {  	[tilespmem:v53+s5+$0x0] =	vst.idx.msk $0xffff, v51;
	v59 =	vand.u32 v17, v63;
	v60 =	vor.u32 v30, v41;
	v45 =	vld.idx.msk [tilespmem:v45+s28+$0x0], $0xffff  }
0x289: {  	v61 =	vor.u32 v16, v42;
	v62 =	vor.u32 v30, v39;
	[tilespmem:v48+s5+$0x0] =	vst.idx.msk $0xffff, v54  }
0x28a: {  	v56 =	vor.u32 v30, v40;
	v53 =	vand.u32 v17, v61;
	[tilespmem:v47+s5+$0x0] =	vst.idx.msk $0xffff, v46;
	v63 =	vld.idx.msk [tilespmem:v55+s28+$0x0], $0xffff  }
0x28b: {  	v35 =	vor.u32 v31, v35;
	v57 =	vor.u32 v30, v43;
	[tilespmem:v44+s5+$0x0] =	vst.idx.msk $0xffff, v49  }
0x28c: {  	v61 =	vor.u32 v20, v42;
	v58 =	vor.u32 v20, v36;
	[tilespmem:v50+s5+$0x0] =	vst.idx.msk $0xffff, v52  }
0x28d: {  	v48 =	vld.idx.msk [tilespmem:v60+s28+$0x0], $0xffff;
	[tilespmem:v59+s5+$0x0] =	vst.idx.msk $0xffff, v45;
	v45 =	vand.u32 v21, v58;
	v59 =	vor.u32 v20, v37  }
0x28e: {  	v41 =	vor.u32 v31, v41;
	v60 =	vor.u32 v20, v38;
	v46 =	vld.idx.msk [tilespmem:v62+s28+$0x0], $0xffff;
	v50 =	vand.u32 v21, v59  }
0x28f: {  	v39 =	vor.u32 v31, v39;
	v47 =	vand.u32 v21, v60;
	[tilespmem:v53+s5+$0x0] =	vst.idx.msk $0xffff, v63;
	v44 =	vld.idx.msk [tilespmem:v56+s28+$0x0], $0xffff  }
0x290: {  	v32 =	vor.u32 v23, v32;
	v40 =	vor.u32 v31, v40;
	v51 =	vand.u32 v21, v61;
	v49 =	vld.idx.msk [tilespmem:v57+s28+$0x0], $0xffff  }
0x291: {  	v32 =	vand.u32 v24, v32;
	v33 =	vld.idx.msk [tilespmem:v33+s28+$0x0], $0xffff;
	v34 =	vor.u32 v23, v34;
	v43 =	vor.u32 v31, v43  }
0x292: {  	v34 =	vand.u32 v24, v34;
	v35 =	vld.idx.msk [tilespmem:v35+s28+$0x0], $0xffff;
	v36 =	vor.u32 v23, v36;
	[tilespmem:v45+s5+$0x0] =	vst.idx.msk $0xffff, v48  }
0x293: {  	v36 =	vand.u32 v24, v36;
	v37 =	vor.u32 v23, v37;
	[tilespmem:v50+s5+$0x0] =	vst.idx.msk $0xffff, v46;
	v41 =	vld.idx.msk [tilespmem:v41+s28+$0x0], $0xffff  }
0x294: {  	v38 =	vor.u32 v23, v38;
	v37 =	vand.u32 v24, v37;
	[tilespmem:v47+s5+$0x0] =	vst.idx.msk $0xffff, v44;
	v39 =	vld.idx.msk [tilespmem:v39+s28+$0x0], $0xffff  }
0x295: {  	v42 =	vor.u32 v23, v42;
	v38 =	vand.u32 v24, v38;
	[tilespmem:v51+s5+$0x0] =	vst.idx.msk $0xffff, v49;
	v40 =	vld.idx.msk [tilespmem:v40+s28+$0x0], $0xffff  }
0x296: {  	p2 =	slt.u32 s15, $0x38;
	[tilespmem:v32+s5+$0x0] =	vst.idx.msk $0xffff, v33;
	v63 =	vand.u32 v24, v42;
	v62 =	vld.idx.msk [tilespmem:v43+s28+$0x0], $0xffff  }
.Ltmp3:
0x297: {  	[tilespmem:v34+s5+$0x0] =	vst.idx.msk $0xffff, v35;
	(pc) =	sbr.rel @p2 .LBB2_9-.Ltmp3, $4  }
0x298: {  	[tilespmem:v36+s5+$0x0] =	vst.idx.msk $0xffff, v41  }
0x299: {  	[tilespmem:v37+s5+$0x0] =	vst.idx.msk $0xffff, v39  }
0x29a: {  	[tilespmem:v38+s5+$0x0] =	vst.idx.msk $0xffff, v40  }
0x29b: {  	s15 =	sadd.s32 $0x8, s15;
	[tilespmem:v63+s5+$0x0] =	vst.idx.msk $0xffff, v62  }
0x29c: {  	s15 =	sadd.s32 @!p1 $0x400, s14;
	s16 =	simm.s32 @!p1 $0x80;
	s17 =	simm.s32 @!p1 $0x7900  }
0x29d: {  	[tilespmem:s17], [sflag:$0x4] =	stream.indirect.gather @!p1 [hbm4b:s4+s16], $0x40, s15, s16, $0xb8;
	[tilespmem:$0x15900] =	vst v63  }
0x29e: {  	s16 =	rddreg [dreg:$0x7]  }
0x29f: {  	s15 =	sadd.s32 s16, s6  }
0x2a0: {  	s15 =	sshrl.u32 s15, $0x3  }
0x2a1: {  	s17 =	sadd.s32 s2, s15  }
0x2a2: {  	[hbm4b:s17+s3] =	stream.linear.scatter [tilespmem:s5], [sflag:$0x9], $0x400, $0x38;
	[tilespmem:$0x15900] =	vst v63  }
0x2a3: {  	s16 =	sadd.s32 s15, s7;
	s17 =	simm.s32 $0x11D00  }
0x2a4: {  	[hbm4b:s16+s3] =	stream.linear.scatter [tilespmem:s17], [sflag:$0x9], $0x400, $0x38;
	[tilespmem:$0x15900] =	vst v63  }
0x2a5: {  	s16 =	sadd.s32 s15, s8;
	s17 =	simm.s32 $0x12100  }
0x2a6: {  	[hbm4b:s16+s3] =	stream.linear.scatter [tilespmem:s17], [sflag:$0x9], $0x400, $0x38;
	[tilespmem:$0x15900] =	vst v63  }
0x2a7: {  	s16 =	sadd.s32 s15, s9;
	s17 =	simm.s32 $0x12500  }
0x2a8: {  	[hbm4b:s16+s3] =	stream.linear.scatter [tilespmem:s17], [sflag:$0x9], $0x400, $0x38;
	[tilespmem:$0x15900] =	vst v63  }
0x2a9: {  	s16 =	sadd.s32 s15, s10;
	s17 =	simm.s32 $0x12900  }
0x2aa: {  	[hbm4b:s16+s3] =	stream.linear.scatter [tilespmem:s17], [sflag:$0x9], $0x400, $0x38;
	[tilespmem:$0x15900] =	vst v63  }
0x2ab: {  	s16 =	sadd.s32 s15, s11;
	s17 =	simm.s32 $0x12D00  }
0x2ac: {  	[hbm4b:s16+s3] =	stream.linear.scatter [tilespmem:s17], [sflag:$0x9], $0x400, $0x38;
	[tilespmem:$0x15900] =	vst v63  }
0x2ad: {  	s16 =	sadd.s32 s15, s12;
	s17 =	simm.s32 $0x13100  }
0x2ae: {  	[hbm4b:s16+s3] =	stream.linear.scatter [tilespmem:s17], [sflag:$0x9], $0x400, $0x38;
	[tilespmem:$0x15900] =	vst v63  }
0x2af: {  	s15 =	sadd.s32 s15, s13;
	s17 =	simm.s32 $0x13500  }
0x2b0: {  	[hbm4b:s15+s3] =	stream.linear.scatter [tilespmem:s17], [sflag:$0x9], $0x400, $0x38;
	[tilespmem:$0x15900] =	vst v63  }
0x2b1: {  	_ =	swait.ge [sflag:s24], $0x2000  }
0x2b2: {  	[sflag:s24] =	ssyncset.done $0x0  }
0x2b3: {  	s15 =	simm.s32 @!p0 $0xA;
	[sflag:s24] =	ssyncadd.s32 $0xFFFFE000  }
0x2b4: {  	_ =	swait.ge @!p0 [sflag:s15], $0x400  }
0x2b5: {  	[sflag:s15] =	ssyncset.done @!p0 $0x0  }
0x2b6: {  	[sflag:s15] =	ssyncadd.s32 @!p0 $0xFFFFFC00  }
0x2b7: {  	_ =	swait.ge @!p0 [sflag:s15], $0x400  }
0x2b8: {  	[sflag:s15] =	ssyncset.done @!p0 $0x0  }
0x2b9: {  	[sflag:s15] =	ssyncadd.s32 @!p0 $0xFFFFFC00  }
0x2ba: {  	_ =	swait.ge @!p0 [sflag:s15], $0x400  }
0x2bb: {  	[sflag:s15] =	ssyncset.done @!p0 $0x0  }
0x2bc: {  	[sflag:s15] =	ssyncadd.s32 @!p0 $0xFFFFFC00  }
0x2bd: {  	_ =	swait.ge @!p0 [sflag:s15], $0x400  }
0x2be: {  	[sflag:s15] =	ssyncset.done @!p0 $0x0  }
0x2bf: {  	[sflag:s15] =	ssyncadd.s32 @!p0 $0xFFFFFC00  }
0x2c0: {  	_ =	swait.ge @!p0 [sflag:s15], $0x400  }
0x2c1: {  	[sflag:s15] =	ssyncset.done @!p0 $0x0  }
0x2c2: {  	[sflag:s15] =	ssyncadd.s32 @!p0 $0xFFFFFC00  }
0x2c3: {  	_ =	swait.ge @!p0 [sflag:s15], $0x400  }
0x2c4: {  	[sflag:s15] =	ssyncset.done @!p0 $0x0  }
0x2c5: {  	[sflag:s15] =	ssyncadd.s32 @!p0 $0xFFFFFC00  }
0x2c6: {  	_ =	swait.ge @!p0 [sflag:s15], $0x400  }
0x2c7: {  	[sflag:s15] =	ssyncset.done @!p0 $0x0  }
0x2c8: {  	[sflag:s15] =	ssyncadd.s32 @!p0 $0xFFFFFC00  }
0x2c9: {  	_ =	swait.ge @!p0 [sflag:s15], $0x400  }
0x2ca: {  	[sflag:s15] =	ssyncset.done @!p0 $0x0  }
0x2cb: {  	[sflag:s15] =	ssyncadd.s32 @!p0 $0xFFFFFC00;
	s15 =	simm.s32 $0x0  }
.LBB2_11:
0x2cc: {  	v32 =	vadd.s32 s15, v0;
	s16 =	sadd.s32 $0x1, s15  }
0x2cd: {  	v36 =	vand.u32 $0x38, v32;
	v34 =	vadd.s32 s16, v0  }
0x2ce: {  	v33 =	vor.u32 v1, v36;
	v37 =	vand.u32 $0x3F, v34  }
0x2cf: {  	v35 =	vor.u32 v19, v37;
	_ =	sdelay $0x1  }
0x2d0: {  	v38 =	vshll.u32 v32, $0x7  }
0x2d1: {  	v32 =	vor.u32 v0, v38;
	v39 =	vshll.u32 v34, $0x7  }
0x2d2: {  	v32 =	vand.u32 v2, v32;
	v40 =	vor.u32 v0, v39;
	v33 =	vld.idx.msk [tilespmem:v33+s30+$0x0], $0xffff  }
0x2d3: {  	v59 =	vor.u32 v3, v36;
	v40 =	vand.u32 v2, v40;
	v35 =	vld.idx.msk [tilespmem:v35+s30+$0x0], $0xffff  }
0x2d4: {  	v41 =	vor.u32 v25, v37;
	_ =	sdelay $0x2  }
0x2d5: {  	v60 =	vor.u32 v4, v38;
	[tilespmem:v32+s26+$0x0] =	vst.idx.msk $0xffff, v33  }
0x2d6: {  	s17 =	sadd.s32 $0x2, s15;
	v61 =	vor.u32 v4, v39;
	v32 =	vand.u32 v5, v60;
	v34 =	vld.idx.msk [tilespmem:v59+s30+$0x0], $0xffff;
	[tilespmem:v40+s26+$0x0] =	vst.idx.msk $0xffff, v35  }
0x2d7: {  	v63 =	vadd.s32 s17, v0;
	v42 =	vor.u32 v6, v36;
	v62 =	vand.u32 v5, v61;
	v35 =	vld.idx.msk [tilespmem:v41+s30+$0x0], $0xffff  }
0x2d8: {  	v43 =	vor.u32 v26, v37;
	v33 =	vand.u32 $0x3F, v63  }
0x2d9: {  	v44 =	vor.u32 v19, v33  }
0x2da: {  	v48 =	vor.u32 v7, v38  }
0x2db: {  	v49 =	vand.u32 v8, v48;
	[tilespmem:v32+s26+$0x0] =	vst.idx.msk $0xffff, v34  }
0x2dc: {  	v50 =	vor.u32 v7, v39;
	v32 =	vshll.u32 v63, $0x7;
	v34 =	vld.idx.msk [tilespmem:v42+s30+$0x0], $0xffff;
	[tilespmem:v62+s26+$0x0] =	vst.idx.msk $0xffff, v35  }
0x2dd: {  	v51 =	vor.u32 v9, v36;
	v35 =	vand.u32 v8, v50;
	v53 =	vor.u32 v0, v32;
	v52 =	vld.idx.msk [tilespmem:v43+s30+$0x0], $0xffff  }
0x2de: {  	v45 =	vor.u32 v27, v37;
	v44 =	vld.idx.msk [tilespmem:v44+s30+$0x0], $0xffff;
	v43 =	vand.u32 v2, v53  }
0x2df: {  	v46 =	vor.u32 v25, v33;
	_ =	sdelay $0x1  }
0x2e0: {  	v47 =	vor.u32 v10, v38;
	v55 =	vor.u32 v12, v36;
	[tilespmem:v49+s26+$0x0] =	vst.idx.msk $0xffff, v34  }
0x2e1: {  	v54 =	vand.u32 v11, v47;
	v56 =	vor.u32 v10, v39;
	v40 =	vld.idx.msk [tilespmem:v51+s30+$0x0], $0xffff;
	[tilespmem:v35+s26+$0x0] =	vst.idx.msk $0xffff, v52  }
0x2e2: {  	v57 =	vand.u32 v11, v56;
	v58 =	vor.u32 v4, v32;
	[tilespmem:v43+s26+$0x0] =	vst.idx.msk $0xffff, v44;
	v41 =	vld.idx.msk [tilespmem:v45+s30+$0x0], $0xffff  }
0x2e3: {  	s17 =	sadd.s32 $0x3, s15;
	v59 =	vor.u32 v28, v37;
	v60 =	vand.u32 v5, v58;
	v44 =	vld.idx.msk [tilespmem:v46+s30+$0x0], $0xffff  }
0x2e4: {  	v48 =	vadd.s32 s17, v0;
	v61 =	vor.u32 v26, v33  }
0x2e5: {  	v50 =	vor.u32 v15, v36;
	v35 =	vand.u32 $0x3F, v48  }
0x2e6: {  	v49 =	vor.u32 v13, v38;
	v63 =	vor.u32 v19, v35;
	[tilespmem:v54+s26+$0x0] =	vst.idx.msk $0xffff, v40  }
0x2e7: {  	v62 =	vand.u32 v14, v49;
	v54 =	vor.u32 v13, v39;
	v42 =	vld.idx.msk [tilespmem:v55+s30+$0x0], $0xffff;
	[tilespmem:v57+s26+$0x0] =	vst.idx.msk $0xffff, v41  }
0x2e8: {  	v56 =	vor.u32 v7, v32;
	v55 =	vand.u32 v14, v54;
	[tilespmem:v60+s26+$0x0] =	vst.idx.msk $0xffff, v44;
	v41 =	vld.idx.msk [tilespmem:v59+s30+$0x0], $0xffff  }
0x2e9: {  	v34 =	vshll.u32 v48, $0x7;
	v57 =	vor.u32 v29, v37;
	v58 =	vld.idx.msk [tilespmem:v61+s30+$0x0], $0xffff;
	v59 =	vand.u32 v8, v56  }
0x2ea: {  	v48 =	vor.u32 v0, v34;
	v60 =	vor.u32 v27, v33  }
0x2eb: {  	v51 =	vor.u32 v16, v38;
	v48 =	vand.u32 v2, v48;
	v49 =	vld.idx.msk [tilespmem:v63+s30+$0x0], $0xffff  }
0x2ec: {  	v63 =	vor.u32 v18, v36;
	[tilespmem:v62+s26+$0x0] =	vst.idx.msk $0xffff, v42;
	v62 =	vor.u32 v25, v35  }
0x2ed: {  	v54 =	vor.u32 v16, v39;
	v61 =	vand.u32 v17, v51;
	v50 =	vld.idx.msk [tilespmem:v50+s30+$0x0], $0xffff;
	[tilespmem:v55+s26+$0x0] =	vst.idx.msk $0xffff, v41  }
0x2ee: {  	v41 =	vand.u32 v17, v54;
	[tilespmem:v59+s26+$0x0] =	vst.idx.msk $0xffff, v58;
	v55 =	vor.u32 v10, v32;
	v43 =	vld.idx.msk [tilespmem:v57+s30+$0x0], $0xffff  }
0x2ef: {  	v56 =	vor.u32 v30, v37;
	v46 =	vld.idx.msk [tilespmem:v60+s30+$0x0], $0xffff;
	v44 =	vand.u32 v11, v55  }
0x2f0: {  	[tilespmem:v48+s26+$0x0] =	vst.idx.msk $0xffff, v49;
	v58 =	vor.u32 v4, v34;
	v57 =	vor.u32 v28, v33  }
0x2f1: {  	v52 =	vor.u32 v29, v33;
	v36 =	vor.u32 v22, v36;
	v48 =	vand.u32 v5, v58;
	v42 =	vld.idx.msk [tilespmem:v62+s30+$0x0], $0xffff  }
0x2f2: {  	v59 =	vor.u32 v20, v38;
	[tilespmem:v61+s26+$0x0] =	vst.idx.msk $0xffff, v50;
	v61 =	vor.u32 v26, v35  }
0x2f3: {  	v60 =	vand.u32 v21, v59;
	v62 =	vor.u32 v20, v39;
	v50 =	vld.idx.msk [tilespmem:v63+s30+$0x0], $0xffff;
	[tilespmem:v41+s26+$0x0] =	vst.idx.msk $0xffff, v43  }
0x2f4: {  	v41 =	vand.u32 v21, v62;
	[tilespmem:v44+s26+$0x0] =	vst.idx.msk $0xffff, v46;
	v63 =	vor.u32 v13, v32;
	v43 =	vld.idx.msk [tilespmem:v56+s30+$0x0], $0xffff  }
0x2f5: {  	v53 =	vor.u32 v7, v34;
	v37 =	vor.u32 v31, v37;
	v51 =	vld.idx.msk [tilespmem:v57+s30+$0x0], $0xffff;
	v44 =	vand.u32 v14, v63  }
0x2f6: {  	s17 =	sadd.s32 $0x4, s15;
	v38 =	vor.u32 v23, v38;
	v55 =	vor.u32 v27, v35;
	[tilespmem:v48+s26+$0x0] =	vst.idx.msk $0xffff, v42  }
0x2f7: {  	v39 =	vor.u32 v23, v39;
	v62 =	vadd.s32 s17, v0;
	s17 =	sadd.s32 $0x5, s15;
	v42 =	vand.u32 v8, v53;
	v54 =	vld.idx.msk [tilespmem:v61+s30+$0x0], $0xffff  }
0x2f8: {  	v38 =	vand.u32 v24, v38;
	v56 =	vand.u32 v24, v39;
	v58 =	vadd.s32 s17, v0;
	[tilespmem:v60+s26+$0x0] =	vst.idx.msk $0xffff, v50  }
0x2f9: {  	v39 =	vand.u32 $0x3F, v58;
	v53 =	vor.u32 v20, v32;
	v36 =	vld.idx.msk [tilespmem:v36+s30+$0x0], $0xffff;
	[tilespmem:v41+s26+$0x0] =	vst.idx.msk $0xffff, v43  }
0x2fa: {  	v61 =	vor.u32 v10, v34;
	v60 =	vor.u32 v16, v32;
	[tilespmem:v44+s26+$0x0] =	vst.idx.msk $0xffff, v51;
	v37 =	vld.idx.msk [tilespmem:v37+s30+$0x0], $0xffff  }
0x2fb: {  	s17 =	sadd.s32 $0x6, s15;
	v53 =	vand.u32 v21, v53;
	v45 =	vand.u32 v17, v60;
	v41 =	vand.u32 $0x3F, v62;
	v44 =	vld.idx.msk [tilespmem:v52+s30+$0x0], $0xffff  }
0x2fc: {  	v57 =	vand.u32 v11, v61;
	v60 =	vadd.s32 s17, v0;
	v59 =	vor.u32 v19, v41;
	[tilespmem:v42+s26+$0x0] =	vst.idx.msk $0xffff, v54  }
0x2fd: {  	v51 =	vor.u32 v30, v33;
	s17 =	sadd.s32 $0x7, s15;
	v52 =	vor.u32 v19, v39;
	v40 =	vand.u32 $0x3F, v60;
	v63 =	vld.idx.msk [tilespmem:v55+s30+$0x0], $0xffff  }
0x2fe: {  	v48 =	vor.u32 v25, v41;
	v54 =	vor.u32 v19, v40;
	v55 =	vadd.s32 s17, v0;
	[tilespmem:v38+s26+$0x0] =	vst.idx.msk $0xffff, v36  }
0x2ff: {  	v36 =	vshll.u32 v62, $0x7;
	v43 =	vand.u32 $0x3F, v55;
	v38 =	vshll.u32 v60, $0x7;
	[tilespmem:v56+s26+$0x0] =	vst.idx.msk $0xffff, v37  }
0x300: {  	[tilespmem:v45+s26+$0x0] =	vst.idx.msk $0xffff, v44;
	v61 =	vor.u32 v0, v36;
	v37 =	vshll.u32 v58, $0x7;
	v45 =	vor.u32 v19, v43  }
0x301: {  	v44 =	vor.u32 v28, v35;
	v46 =	vld.idx.msk [tilespmem:v59+s30+$0x0], $0xffff;
	v47 =	vand.u32 v2, v61;
	v62 =	vor.u32 v0, v37  }
0x302: {  	v49 =	vld.idx.msk [tilespmem:v52+s30+$0x0], $0xffff;
	v60 =	vor.u32 v0, v38;
	[tilespmem:v57+s26+$0x0] =	vst.idx.msk $0xffff, v63;
	v63 =	vand.u32 v2, v62  }
0x303: {  	v42 =	vshll.u32 v55, $0x7;
	v61 =	vor.u32 v25, v39;
	v56 =	vand.u32 v2, v60;
	v54 =	vld.idx.msk [tilespmem:v54+s30+$0x0], $0xffff  }
0x304: {  	v58 =	vor.u32 v0, v42;
	v59 =	vor.u32 v4, v36;
	v57 =	vor.u32 v25, v40  }
0x305: {  	v58 =	vand.u32 v2, v58;
	v60 =	vor.u32 v4, v38;
	v62 =	vor.u32 v13, v34;
	v45 =	vld.idx.msk [tilespmem:v45+s30+$0x0], $0xffff  }
0x306: {  	v55 =	vand.u32 v14, v62;
	v44 =	vld.idx.msk [tilespmem:v44+s30+$0x0], $0xffff;
	[tilespmem:v47+s26+$0x0] =	vst.idx.msk $0xffff, v46;
	v47 =	vor.u32 v25, v43  }
0x307: {  	v46 =	vand.u32 v5, v59;
	v48 =	vld.idx.msk [tilespmem:v48+s30+$0x0], $0xffff;
	[tilespmem:v63+s26+$0x0] =	vst.idx.msk $0xffff, v49;
	v63 =	vor.u32 v4, v37  }
0x308: {  	v59 =	vor.u32 v26, v41;
	[tilespmem:v56+s26+$0x0] =	vst.idx.msk $0xffff, v54;
	v50 =	vld.idx.msk [tilespmem:v61+s30+$0x0], $0xffff;
	v49 =	vand.u32 v5, v63  }
0x309: {  	v33 =	vor.u32 v31, v33;
	v52 =	vand.u32 v5, v60;
	v56 =	vld.idx.msk [tilespmem:v57+s30+$0x0], $0xffff;
	v61 =	vor.u32 v26, v39  }
0x30a: {  	v62 =	vor.u32 v26, v40;
	v63 =	vor.u32 v4, v42;
	[tilespmem:v58+s26+$0x0] =	vst.idx.msk $0xffff, v45  }
0x30b: {  	v60 =	vor.u32 v7, v37;
	[tilespmem:v55+s26+$0x0] =	vst.idx.msk $0xffff, v44;
	v45 =	vand.u32 v5, v63;
	v47 =	vld.idx.msk [tilespmem:v47+s30+$0x0], $0xffff  }
0x30c: {  	v58 =	vor.u32 v7, v36;
	[tilespmem:v46+s26+$0x0] =	vst.idx.msk $0xffff, v48;
	v46 =	vor.u32 v26, v43  }
0x30d: {  	v55 =	vor.u32 v27, v41;
	v44 =	vand.u32 v8, v58;
	v48 =	vld.idx.msk [tilespmem:v59+s30+$0x0], $0xffff;
	[tilespmem:v49+s26+$0x0] =	vst.idx.msk $0xffff, v50  }
0x30e: {  	[tilespmem:v52+s26+$0x0] =	vst.idx.msk $0xffff, v56;
	v49 =	vand.u32 v8, v60;
	v50 =	vld.idx.msk [tilespmem:v61+s30+$0x0], $0xffff;
	v61 =	vor.u32 v7, v38  }
0x30f: {  	v54 =	vor.u32 v29, v35;
	v56 =	vor.u32 v27, v39;
	v57 =	vld.idx.msk [tilespmem:v62+s30+$0x0], $0xffff;
	v52 =	vand.u32 v8, v61  }
0x310: {  	v58 =	vor.u32 v27, v40;
	v62 =	vor.u32 v7, v42;
	[tilespmem:v45+s26+$0x0] =	vst.idx.msk $0xffff, v47  }
0x311: {  	v63 =	vor.u32 v16, v34;
	v59 =	vor.u32 v28, v41;
	v45 =	vand.u32 v8, v62;
	v46 =	vld.idx.msk [tilespmem:v46+s30+$0x0], $0xffff  }
0x312: {  	v60 =	vor.u32 v10, v36;
	[tilespmem:v44+s26+$0x0] =	vst.idx.msk $0xffff, v48;
	v48 =	vor.u32 v27, v43  }
0x313: {  	v61 =	vor.u32 v10, v37;
	v44 =	vand.u32 v11, v60;
	v55 =	vld.idx.msk [tilespmem:v55+s30+$0x0], $0xffff;
	[tilespmem:v49+s26+$0x0] =	vst.idx.msk $0xffff, v50  }
0x314: {  	v62 =	vor.u32 v10, v38;
	v49 =	vand.u32 v11, v61;
	v50 =	vld.idx.msk [tilespmem:v56+s30+$0x0], $0xffff;
	[tilespmem:v52+s26+$0x0] =	vst.idx.msk $0xffff, v57  }
0x315: {  	v47 =	vand.u32 v17, v63;
	v56 =	vor.u32 v28, v39;
	v52 =	vand.u32 v11, v62;
	v57 =	vld.idx.msk [tilespmem:v58+s30+$0x0], $0xffff  }
0x316: {  	v58 =	vor.u32 v28, v40;
	[tilespmem:v45+s26+$0x0] =	vst.idx.msk $0xffff, v46;
	v45 =	vor.u32 v10, v42  }
0x317: {  	v63 =	vor.u32 v13, v37;
	v60 =	vor.u32 v13, v36;
	v48 =	vld.idx.msk [tilespmem:v48+s30+$0x0], $0xffff;
	v45 =	vand.u32 v11, v45  }
0x318: {  	v54 =	vld.idx.msk [tilespmem:v54+s30+$0x0], $0xffff;
	v61 =	vor.u32 v13, v38;
	[tilespmem:v44+s26+$0x0] =	vst.idx.msk $0xffff, v55;
	v55 =	vor.u32 v28, v43  }
0x319: {  	v46 =	vor.u32 v30, v35;
	v44 =	vand.u32 v14, v60;
	v59 =	vld.idx.msk [tilespmem:v59+s30+$0x0], $0xffff;
	[tilespmem:v49+s26+$0x0] =	vst.idx.msk $0xffff, v50  }
0x31a: {  	v60 =	vor.u32 v29, v41;
	v49 =	vand.u32 v14, v63;
	v50 =	vld.idx.msk [tilespmem:v56+s30+$0x0], $0xffff;
	[tilespmem:v52+s26+$0x0] =	vst.idx.msk $0xffff, v57  }
0x31b: {  	v62 =	vor.u32 v20, v34;
	v57 =	vor.u32 v29, v39;
	v52 =	vand.u32 v14, v61;
	v58 =	vld.idx.msk [tilespmem:v58+s30+$0x0], $0xffff  }
0x31c: {  	v51 =	vld.idx.msk [tilespmem:v51+s30+$0x0], $0xffff;
	v63 =	vor.u32 v13, v42;
	[tilespmem:v45+s26+$0x0] =	vst.idx.msk $0xffff, v48;
	v45 =	vor.u32 v29, v40  }
0x31d: {  	[tilespmem:v47+s26+$0x0] =	vst.idx.msk $0xffff, v54;
	v47 =	vand.u32 v21, v62;
	v48 =	vand.u32 v14, v63;
	v54 =	vld.idx.msk [tilespmem:v55+s30+$0x0], $0xffff  }
0x31e: {  	v46 =	vld.idx.msk [tilespmem:v46+s30+$0x0], $0xffff;
	v61 =	vor.u32 v16, v36;
	v55 =	vor.u32 v29, v43;
	[tilespmem:v44+s26+$0x0] =	vst.idx.msk $0xffff, v59  }
0x31f: {  	v62 =	vor.u32 v16, v37;
	v44 =	vand.u32 v17, v61;
	[tilespmem:v49+s26+$0x0] =	vst.idx.msk $0xffff, v50;
	v49 =	vld.idx.msk [tilespmem:v60+s30+$0x0], $0xffff  }
0x320: {  	v63 =	vor.u32 v16, v38;
	v50 =	vand.u32 v17, v62;
	[tilespmem:v52+s26+$0x0] =	vst.idx.msk $0xffff, v58;
	v52 =	vld.idx.msk [tilespmem:v57+s30+$0x0], $0xffff  }
0x321: {  	[tilespmem:v53+s26+$0x0] =	vst.idx.msk $0xffff, v51;
	v59 =	vand.u32 v17, v63;
	v60 =	vor.u32 v30, v41;
	v45 =	vld.idx.msk [tilespmem:v45+s30+$0x0], $0xffff  }
0x322: {  	v61 =	vor.u32 v16, v42;
	v62 =	vor.u32 v30, v39;
	[tilespmem:v48+s26+$0x0] =	vst.idx.msk $0xffff, v54  }
0x323: {  	v56 =	vor.u32 v30, v40;
	v53 =	vand.u32 v17, v61;
	[tilespmem:v47+s26+$0x0] =	vst.idx.msk $0xffff, v46;
	v63 =	vld.idx.msk [tilespmem:v55+s30+$0x0], $0xffff  }
0x324: {  	v35 =	vor.u32 v31, v35;
	v57 =	vor.u32 v30, v43;
	[tilespmem:v44+s26+$0x0] =	vst.idx.msk $0xffff, v49  }
0x325: {  	v61 =	vor.u32 v20, v42;
	v58 =	vor.u32 v20, v36;
	[tilespmem:v50+s26+$0x0] =	vst.idx.msk $0xffff, v52  }
0x326: {  	v48 =	vld.idx.msk [tilespmem:v60+s30+$0x0], $0xffff;
	[tilespmem:v59+s26+$0x0] =	vst.idx.msk $0xffff, v45;
	v45 =	vand.u32 v21, v58;
	v59 =	vor.u32 v20, v37  }
0x327: {  	v41 =	vor.u32 v31, v41;
	v60 =	vor.u32 v20, v38;
	v46 =	vld.idx.msk [tilespmem:v62+s30+$0x0], $0xffff;
	v50 =	vand.u32 v21, v59  }
0x328: {  	v39 =	vor.u32 v31, v39;
	v47 =	vand.u32 v21, v60;
	[tilespmem:v53+s26+$0x0] =	vst.idx.msk $0xffff, v63;
	v44 =	vld.idx.msk [tilespmem:v56+s30+$0x0], $0xffff  }
0x329: {  	v32 =	vor.u32 v23, v32;
	v40 =	vor.u32 v31, v40;
	v51 =	vand.u32 v21, v61;
	v49 =	vld.idx.msk [tilespmem:v57+s30+$0x0], $0xffff  }
0x32a: {  	v32 =	vand.u32 v24, v32;
	v33 =	vld.idx.msk [tilespmem:v33+s30+$0x0], $0xffff;
	v34 =	vor.u32 v23, v34;
	v43 =	vor.u32 v31, v43  }
0x32b: {  	v34 =	vand.u32 v24, v34;
	v35 =	vld.idx.msk [tilespmem:v35+s30+$0x0], $0xffff;
	v36 =	vor.u32 v23, v36;
	[tilespmem:v45+s26+$0x0] =	vst.idx.msk $0xffff, v48  }
0x32c: {  	v36 =	vand.u32 v24, v36;
	v37 =	vor.u32 v23, v37;
	[tilespmem:v50+s26+$0x0] =	vst.idx.msk $0xffff, v46;
	v41 =	vld.idx.msk [tilespmem:v41+s30+$0x0], $0xffff  }
0x32d: {  	v38 =	vor.u32 v23, v38;
	v37 =	vand.u32 v24, v37;
	[tilespmem:v47+s26+$0x0] =	vst.idx.msk $0xffff, v44;
	v39 =	vld.idx.msk [tilespmem:v39+s30+$0x0], $0xffff  }
0x32e: {  	v42 =	vor.u32 v23, v42;
	v38 =	vand.u32 v24, v38;
	[tilespmem:v51+s26+$0x0] =	vst.idx.msk $0xffff, v49;
	v40 =	vld.idx.msk [tilespmem:v40+s30+$0x0], $0xffff  }
0x32f: {  	p0 =	slt.u32 s15, $0x38;
	[tilespmem:v32+s26+$0x0] =	vst.idx.msk $0xffff, v33;
	v63 =	vand.u32 v24, v42;
	v62 =	vld.idx.msk [tilespmem:v43+s30+$0x0], $0xffff  }
.Ltmp4:
0x330: {  	[tilespmem:v34+s26+$0x0] =	vst.idx.msk $0xffff, v35;
	(pc) =	sbr.rel @p0 .LBB2_11-.Ltmp4, $4  }
0x331: {  	[tilespmem:v36+s26+$0x0] =	vst.idx.msk $0xffff, v41  }
0x332: {  	[tilespmem:v37+s26+$0x0] =	vst.idx.msk $0xffff, v39  }
0x333: {  	[tilespmem:v38+s26+$0x0] =	vst.idx.msk $0xffff, v40  }
0x334: {  	s15 =	sadd.s32 $0x8, s15;
	[tilespmem:v63+s26+$0x0] =	vst.idx.msk $0xffff, v62  }
0x335: {  	s14 =	sadd.s32 @!p1 $0x480, s14  }
0x336: {  	s15 =	simm.s32 @!p1 $0x80;
	s16 =	simm.s32 @!p1 $0x9900;
	s17 =	rddreg [dreg:$0x8]  }
0x337: {  	[tilespmem:s16], [sflag:$0x5] =	stream.indirect.gather @!p1 [hbm4b:s4+s15], $0x40, s14, s15, $0xb8;
	[tilespmem:$0x15900] =	vst v63  }
0x338: {  	s6 =	sadd.s32 s17, s6  }
0x339: {  	s6 =	sshrl.u32 s6, $0x3  }
0x33a: {  	s15 =	sadd.s32 s2, s6  }
0x33b: {  	[hbm4b:s15+s3] =	stream.linear.scatter [tilespmem:s26], [sflag:$0xA], $0x400, $0x38;
	[tilespmem:$0x15900] =	vst v63  }
0x33c: {  	s17 =	simm.s32 $0x13D00;
	s16 =	sadd.s32 s6, s7  }
0x33d: {  	[hbm4b:s16+s3] =	stream.linear.scatter [tilespmem:s17], [sflag:$0xA], $0x400, $0x38;
	[tilespmem:$0x15900] =	vst v63  }
0x33e: {  	s16 =	sadd.s32 s6, s8;
	s17 =	simm.s32 $0x14100  }
0x33f: {  	[hbm4b:s16+s3] =	stream.linear.scatter [tilespmem:s17], [sflag:$0xA], $0x400, $0x38;
	[tilespmem:$0x15900] =	vst v63  }
0x340: {  	s16 =	sadd.s32 s6, s9;
	s17 =	simm.s32 $0x14500  }
0x341: {  	[hbm4b:s16+s3] =	stream.linear.scatter [tilespmem:s17], [sflag:$0xA], $0x400, $0x38;
	[tilespmem:$0x15900] =	vst v63  }
0x342: {  	s18 =	sadd.s32 $0x1, s18;
	s16 =	sadd.s32 s6, s10;
	s17 =	simm.s32 $0x14900  }
0x343: {  	[hbm4b:s16+s3] =	stream.linear.scatter [tilespmem:s17], [sflag:$0xA], $0x400, $0x38;
	[tilespmem:$0x15900] =	vst v63  }
0x344: {  	p0 =	sne.s32 s18, $0xA;
	s16 =	sadd.s32 s6, s11;
	s17 =	simm.s32 $0x14D00  }
0x345: {  	[hbm4b:s16+s3] =	stream.linear.scatter [tilespmem:s17], [sflag:$0xA], $0x400, $0x38;
	[tilespmem:$0x15900] =	vst v63  }
.Ltmp5:
0x346: {  	_ = 	snop;
	(pc) =	sbr.rel @p0 .LBB2_2-.Ltmp5, $4  }
0x347: {  	s15 =	sadd.s32 s6, s12;
	s16 =	simm.s32 $0x15100  }
0x348: {  	[hbm4b:s15+s3] =	stream.linear.scatter [tilespmem:s16], [sflag:$0xA], $0x400, $0x38;
	[tilespmem:$0x15900] =	vst v63  }
0x349: {  	s6 =	sadd.s32 s6, s13;
	s17 =	simm.s32 $0x15500  }
0x34a: {  	[hbm4b:s6+s3] =	stream.linear.scatter [tilespmem:s17], [sflag:$0xA], $0x400, $0x38;
	[tilespmem:$0x15900] =	vst v63  }
0x34b: {  	s6 =	simm.s32 $0x6  }
0x34c: {  	_ =	swait.ge [sflag:s6], $0x400  }
0x34d: {  	[sflag:s6] =	ssyncset.done $0x0  }
0x34e: {  	[sflag:s6] =	ssyncadd.s32 $0xFFFFFC00  }
0x34f: {  	_ =	swait.ge [sflag:s6], $0x400  }
0x350: {  	[sflag:s6] =	ssyncset.done $0x0  }
0x351: {  	[sflag:s6] =	ssyncadd.s32 $0xFFFFFC00  }
0x352: {  	_ =	swait.ge [sflag:s6], $0x400  }
0x353: {  	[sflag:s6] =	ssyncset.done $0x0  }
0x354: {  	[sflag:s6] =	ssyncadd.s32 $0xFFFFFC00  }
0x355: {  	_ =	swait.ge [sflag:s6], $0x400  }
0x356: {  	[sflag:s6] =	ssyncset.done $0x0  }
0x357: {  	[sflag:s6] =	ssyncadd.s32 $0xFFFFFC00  }
0x358: {  	_ =	swait.ge [sflag:s6], $0x400  }
0x359: {  	[sflag:s6] =	ssyncset.done $0x0  }
0x35a: {  	[sflag:s6] =	ssyncadd.s32 $0xFFFFFC00  }
0x35b: {  	_ =	swait.ge [sflag:s6], $0x400  }
0x35c: {  	[sflag:s6] =	ssyncset.done $0x0  }
0x35d: {  	[sflag:s6] =	ssyncadd.s32 $0xFFFFFC00  }
0x35e: {  	_ =	swait.ge [sflag:s6], $0x400  }
0x35f: {  	[sflag:s6] =	ssyncset.done $0x0  }
0x360: {  	[sflag:s6] =	ssyncadd.s32 $0xFFFFFC00  }
0x361: {  	_ =	swait.ge [sflag:s6], $0x400  }
0x362: {  	[sflag:s6] =	ssyncset.done $0x0  }
0x363: {  	s15 =	simm.s32 $0x7;
	[sflag:s6] =	ssyncadd.s32 $0xFFFFFC00  }
0x364: {  	_ =	swait.ge [sflag:s15], $0x400  }
0x365: {  	[sflag:s15] =	ssyncset.done $0x0  }
0x366: {  	[sflag:s15] =	ssyncadd.s32 $0xFFFFFC00  }
0x367: {  	_ =	swait.ge [sflag:s15], $0x400  }
0x368: {  	[sflag:s15] =	ssyncset.done $0x0  }
0x369: {  	[sflag:s15] =	ssyncadd.s32 $0xFFFFFC00  }
0x36a: {  	_ =	swait.ge [sflag:s15], $0x400  }
0x36b: {  	[sflag:s15] =	ssyncset.done $0x0  }
0x36c: {  	[sflag:s15] =	ssyncadd.s32 $0xFFFFFC00  }
0x36d: {  	_ =	swait.ge [sflag:s15], $0x400  }
0x36e: {  	[sflag:s15] =	ssyncset.done $0x0  }
0x36f: {  	[sflag:s15] =	ssyncadd.s32 $0xFFFFFC00  }
0x370: {  	_ =	swait.ge [sflag:s15], $0x400  }
0x371: {  	[sflag:s15] =	ssyncset.done $0x0  }
0x372: {  	[sflag:s15] =	ssyncadd.s32 $0xFFFFFC00  }
0x373: {  	_ =	swait.ge [sflag:s15], $0x400  }
0x374: {  	[sflag:s15] =	ssyncset.done $0x0  }
0x375: {  	[sflag:s15] =	ssyncadd.s32 $0xFFFFFC00  }
0x376: {  	_ =	swait.ge [sflag:s15], $0x400  }
0x377: {  	[sflag:s15] =	ssyncset.done $0x0  }
0x378: {  	[sflag:s15] =	ssyncadd.s32 $0xFFFFFC00  }
0x379: {  	_ =	swait.ge [sflag:s15], $0x400  }
0x37a: {  	[sflag:s15] =	ssyncset.done $0x0  }
0x37b: {  	s16 =	simm.s32 $0x8;
	[sflag:s15] =	ssyncadd.s32 $0xFFFFFC00  }
0x37c: {  	_ =	swait.ge [sflag:s16], $0x400  }
0x37d: {  	[sflag:s16] =	ssyncset.done $0x0  }
0x37e: {  	[sflag:s16] =	ssyncadd.s32 $0xFFFFFC00  }
0x37f: {  	_ =	swait.ge [sflag:s16], $0x400  }
0x380: {  	[sflag:s16] =	ssyncset.done $0x0  }
0x381: {  	[sflag:s16] =	ssyncadd.s32 $0xFFFFFC00  }
0x382: {  	_ =	swait.ge [sflag:s16], $0x400  }
0x383: {  	[sflag:s16] =	ssyncset.done $0x0  }
0x384: {  	[sflag:s16] =	ssyncadd.s32 $0xFFFFFC00  }
0x385: {  	_ =	swait.ge [sflag:s16], $0x400  }
0x386: {  	[sflag:s16] =	ssyncset.done $0x0  }
0x387: {  	[sflag:s16] =	ssyncadd.s32 $0xFFFFFC00  }
0x388: {  	_ =	swait.ge [sflag:s16], $0x400  }
0x389: {  	[sflag:s16] =	ssyncset.done $0x0  }
0x38a: {  	[sflag:s16] =	ssyncadd.s32 $0xFFFFFC00  }
0x38b: {  	_ =	swait.ge [sflag:s16], $0x400  }
0x38c: {  	[sflag:s16] =	ssyncset.done $0x0  }
0x38d: {  	[sflag:s16] =	ssyncadd.s32 $0xFFFFFC00  }
0x38e: {  	_ =	swait.ge [sflag:s16], $0x400  }
0x38f: {  	[sflag:s16] =	ssyncset.done $0x0  }
0x390: {  	[sflag:s16] =	ssyncadd.s32 $0xFFFFFC00  }
0x391: {  	_ =	swait.ge [sflag:s16], $0x400  }
0x392: {  	[sflag:s16] =	ssyncset.done $0x0  }
0x393: {  	s17 =	simm.s32 $0x9;
	[sflag:s16] =	ssyncadd.s32 $0xFFFFFC00  }
0x394: {  	_ =	swait.ge [sflag:s17], $0x400  }
0x395: {  	[sflag:s17] =	ssyncset.done $0x0  }
0x396: {  	[sflag:s17] =	ssyncadd.s32 $0xFFFFFC00  }
0x397: {  	_ =	swait.ge [sflag:s17], $0x400  }
0x398: {  	[sflag:s17] =	ssyncset.done $0x0  }
0x399: {  	[sflag:s17] =	ssyncadd.s32 $0xFFFFFC00  }
0x39a: {  	_ =	swait.ge [sflag:s17], $0x400  }
0x39b: {  	[sflag:s17] =	ssyncset.done $0x0  }
0x39c: {  	[sflag:s17] =	ssyncadd.s32 $0xFFFFFC00  }
0x39d: {  	_ =	swait.ge [sflag:s17], $0x400  }
0x39e: {  	[sflag:s17] =	ssyncset.done $0x0  }
0x39f: {  	[sflag:s17] =	ssyncadd.s32 $0xFFFFFC00  }
0x3a0: {  	_ =	swait.ge [sflag:s17], $0x400  }
0x3a1: {  	[sflag:s17] =	ssyncset.done $0x0  }
0x3a2: {  	[sflag:s17] =	ssyncadd.s32 $0xFFFFFC00  }
0x3a3: {  	_ =	swait.ge [sflag:s17], $0x400  }
0x3a4: {  	[sflag:s17] =	ssyncset.done $0x0  }
0x3a5: {  	[sflag:s17] =	ssyncadd.s32 $0xFFFFFC00  }
0x3a6: {  	_ =	swait.ge [sflag:s17], $0x400  }
0x3a7: {  	[sflag:s17] =	ssyncset.done $0x0  }
0x3a8: {  	[sflag:s17] =	ssyncadd.s32 $0xFFFFFC00  }
0x3a9: {  	_ =	swait.ge [sflag:s17], $0x400  }
0x3aa: {  	[sflag:s17] =	ssyncset.done $0x0  }
0x3ab: {  	s14 =	simm.s32 $0xA;
	[sflag:s17] =	ssyncadd.s32 $0xFFFFFC00  }
0x3ac: {  	_ =	swait.ge [sflag:s14], $0x400  }
0x3ad: {  	[sflag:s14] =	ssyncset.done $0x0  }
0x3ae: {  	[sflag:s14] =	ssyncadd.s32 $0xFFFFFC00  }
0x3af: {  	_ =	swait.ge [sflag:s14], $0x400  }
0x3b0: {  	[sflag:s14] =	ssyncset.done $0x0  }
0x3b1: {  	[sflag:s14] =	ssyncadd.s32 $0xFFFFFC00  }
0x3b2: {  	_ =	swait.ge [sflag:s14], $0x400  }
0x3b3: {  	[sflag:s14] =	ssyncset.done $0x0  }
0x3b4: {  	[sflag:s14] =	ssyncadd.s32 $0xFFFFFC00  }
0x3b5: {  	_ =	swait.ge [sflag:s14], $0x400  }
0x3b6: {  	[sflag:s14] =	ssyncset.done $0x0  }
0x3b7: {  	[sflag:s14] =	ssyncadd.s32 $0xFFFFFC00  }
0x3b8: {  	_ =	swait.ge [sflag:s14], $0x400  }
0x3b9: {  	[sflag:s14] =	ssyncset.done $0x0  }
0x3ba: {  	[sflag:s14] =	ssyncadd.s32 $0xFFFFFC00  }
0x3bb: {  	_ =	swait.ge [sflag:s14], $0x400  }
0x3bc: {  	[sflag:s14] =	ssyncset.done $0x0  }
0x3bd: {  	[sflag:s14] =	ssyncadd.s32 $0xFFFFFC00  }
0x3be: {  	_ =	swait.ge [sflag:s14], $0x400  }
0x3bf: {  	[sflag:s14] =	ssyncset.done $0x0  }
0x3c0: {  	[sflag:s14] =	ssyncadd.s32 $0xFFFFFC00  }
0x3c1: {  	_ =	swait.ge [sflag:s14], $0x400  }
0x3c2: {  	s15 =	rddreg [dreg:$0xa]  }
0x3c3: {  	s18 =	rddreg [dreg:$0x9];
	s15 =	sadd.s32 $0x1, s15  }
0x3c4: {  	p0 =	sne.s32 s15, s18  }
.Ltmp6:
0x3c5: {  	_ = 	snop;
	(pc) =	sbr.rel @p0 .LBB2_1-.Ltmp6, $3  }
0x3c6: {  	_ =	sdelay $0x1  }
0x3c7: {  	[sflag:s14] =	ssyncset.done $0x0  }
0x3c8: {  	[sflag:s14] =	ssyncadd.s32 $0xFFFFFC00  }
0x3c9: {  	_ =	sfence.sel $0x180000  }
0x3ca: {  	[bflag:$0x0] =	sbarrier.arrive $0xFFFF  }
0x3cb: {  	_ =	strace $0x90000047  }
0x3cc: {  	s0 =	stileid.u32;
	[bflag:$0x2] =	sbarrier.arrive $0xFFFF  }
0x3cd: {  	p0 =	sne.s32 s0, $0x0;
	s0 =	rddreg [dreg:$0x2]  }
0x3ce: {  	s0 =	sadd.s32 @!p0 $0x100000, s0  }
0x3cf: {  	[sflag:s0] =	ssyncadd.tile.s32 @!p0 $0x1;
	_ =	shalt  }
.Lfunc_end2:
_tile_overlayer_lowered:
.L_overlay_start_2:
0x3d0: {  	(tag) =	ssettag $0x2  }
0x3d1: {  	s0 =	rddreg [dreg:$0x0];
	s2 =	stileid.u32  }
0x3d2: {  	s1 =	rddreg [dreg:$0x1];
	p0 =	sne.s32 s2, $0x0  }
0x3d3: {  	s3 =	rddreg [dreg:$0x2];
	[bflag:$0x3] =	sbarrier.arrive $0xFFFF;
	s2 =	simm.s32 @!p0 $0x1C0B  }
0x3d4: {  	[timem:s3], [sflag:s2] =	dma.local @!p0 [hbm:s0], s1  }
0x3d5: {  	s0 =	simm.s32 @!p0 $0xB  }
0x3d6: {  	_ =	swait.ge @!p0 [sflag:s0], s1  }
0x3d7: {  	s1 =	ssub.s32 @!p0 $0x0, s1;
	[sflag:s0] =	ssyncset.done @!p0 $0x0  }
0x3d8: {  	[sflag:s0] =	ssyncadd.s32 @!p0 s1  }
0x3d9: {  	[bflag:$0x3] =	sbarrier.arrive $0xFFFF  }
0x3da: {  	_ =	shalt  }

</sc_bundles>
